<compile_context>
chip_gen: v7x
topology: tpu7x:2x2x1
jax: 0.10.2.dev20260603
libtpu: 0.0.44.dev20260713+nightly
codegen_flags: <defaults>
</compile_context>

<pallas_src>
import functools

import jax
import jax.numpy as jnp
from jax import lax
from jax.experimental import pallas as pl
from jax.experimental.pallas import tpu as pltpu
from jax.experimental.pallas import tpu_sc as plsc

_K = 10000
_NC, _NS, _L = 2, 16, 16
_NW = _NC * _NS
_N = 128 * 32768
_PER_W = _N // _NW


_B1, _B2, _B3 = 10, 11, 11


def _iota16():
    return lax.broadcasted_iota(jnp.int32, (_L,), 0)


def _sc_pick(read_vec, nvec, k):

    def body(i, st):
        found, bstar, carry, snext = st
        idx = nvec - 1 - i
        v = read_vec(idx)
        svec = lax.rev(plsc.cumsum(lax.rev(v, (0,))), (0,)) + carry
        mask = svec >= k
        m = jnp.max(jnp.where(mask, _iota16(), -1))
        sn_v = jnp.max(jnp.where(mask, 0, svec))
        sn_v = jnp.where(m == _L - 1, carry, sn_v)
        hit = jnp.logical_and(m >= 0, found == 0)
        bstar = jnp.where(hit, idx * _L + m, bstar)
        snext = jnp.where(hit, sn_v, snext)
        found = jnp.where(m >= 0, 1, found)
        carry = svec[0]
        return found, bstar, carry, snext

    _, bstar, _, snext = lax.fori_loop(
        0, nvec, body, (jnp.int32(0), jnp.int32(0), jnp.int32(0), jnp.int32(0))
    )
    return bstar, k - snext


def _make_sc_pass(prior_bits, shift, bits, emit_keys=False):
    nbins = 1 << bits
    rows = nbins // _L
    nprior = len(prior_bits)
    _CHUNK = 16384
    _NCHUNK = _PER_W // _CHUNK
    pshift = shift + bits
    pwidth = 32 - pshift
    binflip = (nbins >> 1) if shift + bits == 32 else 0
    mesh = plsc.VectorSubcoreMesh(core_axis_name="c", subcore_axis_name="s")

    scratch = [
        pltpu.VMEM((_NC, 1 << pb), jnp.int32) for pb in prior_bits
    ]
    scratch += [
        pltpu.VMEM((nbins,), jnp.int32),
        pltpu.VMEM((nbins,), jnp.int32),
        pltpu.VMEM((_CHUNK,), jnp.float32 if emit_keys else jnp.int32),
        pltpu.VMEM((_CHUNK,), jnp.float32 if emit_keys else jnp.int32),
        pltpu.VMEM_SHARED((_NS, nbins), jnp.int32),
        pltpu.SemaphoreType.DMA,
        pltpu.SemaphoreType.DMA,
    ]
    if emit_keys:
        scratch += [
            pltpu.VMEM((_CHUNK,), jnp.int32),
            pltpu.VMEM((_CHUNK,), jnp.int32),
            pltpu.SemaphoreType.DMA,
            pltpu.SemaphoreType.DMA,
        ]
        out_type = (
            jax.ShapeDtypeStruct((_NC, nbins), jnp.int32),
            jax.ShapeDtypeStruct((_N,), jnp.int32),
        )
    else:
        out_type = jax.ShapeDtypeStruct((_NC, nbins), jnp.int32)

    @functools.partial(
        pl.kernel,
        out_type=out_type,
        mesh=mesh,
        scratch_types=scratch,
        compiler_params=pltpu.CompilerParams(needs_layout_passes=False),
    )
    def sc_pass(*refs):
        keys_hbm = refs[0]
        prior_hbm = refs[1 : 1 + nprior]
        out_hbm = refs[1 + nprior]
        nout = 2 if emit_keys else 1
        keys_out = refs[2 + nprior] if emit_keys else None
        base_i = 1 + nprior + nout
        prior_v = refs[base_i : base_i + nprior]
        hist, tmp, buf0, buf1, shared = refs[base_i + nprior : base_i + nprior + 5]
        rest = refs[base_i + nprior + 5 :]
        sem0, sem1 = rest[0], rest[1]
        if emit_keys:
            kbufs, ksems = (rest[2], rest[3]), (rest[4], rest[5])
        bufs, sems = (buf0, buf1), (sem0, sem1)

        c = lax.axis_index("c")
        s = lax.axis_index("s")
        zeros = jnp.zeros((_L,), jnp.int32)
        wid = c * _NS + s
        base = wid * _PER_W
        cpr = 32768 // _CHUNK
        rpw = 128 // _NW

        def mk(j, buf, sem):
            if emit_keys:
                row = wid * rpw + j // cpr
                col = (j % cpr) * _CHUNK
                src = keys_hbm.at[row].at[pl.ds(col, _CHUNK)]
            else:
                src = keys_hbm.at[pl.ds(base + j * _CHUNK, _CHUNK)]
            return pltpu.make_async_copy(src, buf, sem)

        bufs, sems = (buf0, buf1), (sem0, sem1)
        mk(0, bufs[0], sems[0]).start()
        mk(1, bufs[1], sems[1]).start()

        def zbody(i, _):
            hist[pl.ds(i * _L, _L)] = zeros
            return 0

        lax.fori_loop(0, rows, zbody, 0)

        k = jnp.int32(_K)
        pfx = jnp.int32(0)
        for p in range(nprior):
            prows = (1 << prior_bits[p]) // _L
            pltpu.sync_copy(prior_hbm[p], prior_v[p])
            pv = prior_v[p]

            def rd(idx, pv=pv):
                return pv[0, pl.ds(idx * _L, _L)] + pv[1, pl.ds(idx * _L, _L)]

            b, k = _sc_pick(rd, prows, k)
            pfx = (pfx << prior_bits[p]) | b

        if nprior:
            ext = 32 - pwidth
            pfx_se = ((pfx ^ (1 << (pwidth - 1))) << ext) >> ext

        ones = zeros + 1
        kcps = [None, None]
        for j in range(_NCHUNK):
            cur = j % 2
            mk(j, bufs[cur], sems[cur]).wait()
            buf = bufs[cur]

            if emit_keys:
                if kcps[cur] is not None:
                    kcps[cur].wait()
                kbuf = kbufs[cur]

                @plsc.parallel_loop(0, _CHUNK, _L, unroll=4)
                def vbody(v, buf=buf, kbuf=kbuf):
                    b = plsc.bitcast(buf[pl.ds(v, _L)], jnp.int32)
                    skey = b ^ ((b >> 31) & jnp.int32(0x7FFFFFFF))
                    kbuf[pl.ds(v, _L)] = skey
                    bin_i = ((skey >> shift) & (nbins - 1)) ^ binflip
                    plsc.addupdate_scatter(hist, [bin_i], ones)

                kcps[cur] = pltpu.make_async_copy(
                    kbuf, keys_out.at[pl.ds(base + j * _CHUNK, _CHUNK)], ksems[cur]
                )
                kcps[cur].start()
            else:

                @plsc.parallel_loop(0, _CHUNK, _L, unroll=4)
                def vbody(v, buf=buf):
                    skey = buf[pl.ds(v, _L)]
                    bin_i = ((skey >> shift) & (nbins - 1)) ^ binflip
                    if nprior:
                        keep = (skey >> pshift) == pfx_se
                        plsc.addupdate_scatter(hist, [bin_i], ones, mask=keep)
                    else:
                        plsc.addupdate_scatter(hist, [bin_i], ones)

            if j + 2 < _NCHUNK:
                mk(j + 2, bufs[cur], sems[cur]).start()

        if emit_keys:
            for kcp in kcps:
                if kcp is not None:
                    kcp.wait()

        pltpu.sync_copy(hist, shared.at[s])
        plsc.subcore_barrier()
        for step in (8, 4, 2, 1):

            @pl.when(s < step)
            def _(step=step):
                pltpu.sync_copy(shared.at[s + step], tmp)

                @plsc.parallel_loop(0, nbins, _L, unroll=4)
                def abody(i):
                    hist[pl.ds(i, _L)] = hist[pl.ds(i, _L)] + tmp[pl.ds(i, _L)]

                pltpu.sync_copy(hist, shared.at[s])

            plsc.subcore_barrier()

        @pl.when(s == 0)
        def _():
            pltpu.sync_copy(hist, out_hbm.at[c])

    return sc_pass


_pass1 = _make_sc_pass([], 22, _B1, emit_keys=True)
_pass2 = _make_sc_pass([_B1], 11, _B2)
_pass3 = _make_sc_pass([_B1, _B2], 0, _B3)


def _tc_pick(h, k):
    nbins = h.shape[1]
    tot = jnp.sum(h, axis=0, keepdims=True)
    iot = lax.broadcasted_iota(jnp.int32, tot.shape, 1)
    zero = jnp.zeros_like(tot)

    def suffix(b):
        return jnp.sum(jnp.where(iot >= b, tot, zero))

    b = jnp.int32(0)
    bit = nbins >> 1
    while bit:
        cand = b + bit
        b = jnp.where(suffix(cand) >= k, cand, b)
        bit >>= 1
    return b, k - suffix(b + 1)


def _mask_kernel(x_ref, h1_ref, h2_ref, h3_ref, o_ref):
    b1, k1 = _tc_pick(h1_ref[...], jnp.int32(_K))
    b2, k2 = _tc_pick(h2_ref[...], k1)
    b3, _ = _tc_pick(h3_ref[...], k2)
    t = (
        (b1.astype(jnp.uint32) << (_B2 + _B3))
        | (b2.astype(jnp.uint32) << _B3)
        | b3.astype(jnp.uint32)
    )
    bits = jnp.where(t >= jnp.uint32(0x80000000), t ^ jnp.uint32(0x80000000), ~t)
    thresh = lax.bitcast_convert_type(bits, jnp.float32)
    o_ref[...] = (x_ref[...] >= thresh).astype(jnp.float32)


def kernel(x):
    h1, keys = _pass1(x)
    h2 = _pass2(keys, h1)
    h3 = _pass3(keys, h1, h2)
    return pl.pallas_call(
        _mask_kernel,
        out_shape=jax.ShapeDtypeStruct(x.shape, jnp.float32),
    )(x, h1, h2, h3)

# --- scband reference (transcript-rebuilt; emitter-appended) ---
"""Pipeline reference for scband-kwtamask-11940009083437 (READ-ONLY COPY).

The authoritative reference and input builder live on the scoring server;
editing this copy changes nothing except your own understanding.
"""

import jax, jax.numpy as jnp
import numpy as np

K = 10000

def setup_inputs(seed: int = 0) -> dict:
    key = jax.random.key(seed)
    x = jax.random.normal(key, (128, 32768), dtype=jnp.float32)
    return {"x": x}

def reference(x):
    x_shape = x.shape
    xf = x.reshape(1, -1)
    topvals, _ = jax.lax.top_k(xf, K)
    thresh = topvals[:, -1]  # kth largest value, shape (1,)
    # broadcast threshold across all elements (matches torch expand/permute)
    comp = (xf >= thresh[:, None]).astype(x.dtype).reshape(x_shape)
    return comp

if __name__ == "__main__":
    import jax
    _d = setup_inputs()
    print(jax.jit(kernel)(*tuple(_d.values())))

</pallas_src>

<mosaic_0001>
#map = affine_map<(d0, d1) -> (0)>
#map1 = affine_map<(d0, d1) -> (0, 0)>
module attributes {stable_mosaic.version = 14 : i64} {
  func.func @sc_pass(%arg0: i32, %arg1: i32, %arg2: memref<4194304xi32, #tpu.memory_space<hbm>>, %arg3: memref<2x1024xi32, #tpu.memory_space<hbm>>, %arg4: memref<2x2048xi32, #tpu.memory_space<hbm>>, %arg5: memref<2x1024xi32, #tpu.memory_space<vmem>>, %arg6: memref<2048xi32, #tpu.memory_space<vmem>>, %arg7: memref<2048xi32, #tpu.memory_space<vmem>>, %arg8: memref<16384xi32, #tpu.memory_space<vmem>>, %arg9: memref<16384xi32, #tpu.memory_space<vmem>>, %arg10: memref<16x2048xi32, #tpu.memory_space<vmem_shared>>, %arg11: memref<!tpu.dma_semaphore, #tpu.memory_space<semaphore_mem>>, %arg12: memref<!tpu.dma_semaphore, #tpu.memory_space<semaphore_mem>>) attributes {dimension_semantics = [#tpu.dimension_semantics<core_parallel>, #tpu.dimension_semantics<subcore_parallel>], iteration_bounds = array<i64: 2, 16>, scalar_prefetch = 0 : i64, scratch_operands = 8 : i64, tpu.core_type = #tpu.core_type<sc_vector_subcore>, window_params = [{transform_indices = #map}, {transform_indices = #map1}, {transform_indices = #map1}]} {
    %broadcast_in_dim3A = arith.constant 0 : i32
    %broadcast_in_dim3A_0 = vector.broadcast %broadcast_in_dim3A : i32 to vector<16xi32>
    %mul3A = arith.constant 16 : i32
    %mul3A_1 = arith.muli %arg0, %mul3A : i32
    %add3A = arith.addi %mul3A_1, %arg1 : i32
    %mul3A_2 = arith.constant 131072 : i32
    %mul3A_3 = arith.muli %add3A, %mul3A_2 : i32
    %add3A_4 = arith.constant 0 : i32
    %add3A_5 = arith.addi %mul3A_3, %add3A_4 : i32
    %dma_start3A = tpu.memref_slice %arg2[%add3A_5] : memref<4194304xi32, #tpu.memory_space<hbm>> -> memref<16384xi32, #tpu.memory_space<hbm>>
    %dma_start3A_6 = tpu.memref_slice %arg2[%add3A_5] : memref<4194304xi32, #tpu.memory_space<hbm>> -> memref<16384xi32, #tpu.memory_space<hbm>>
    tpu.enqueue_dma source(%dma_start3A_6 : memref<16384xi32, #tpu.memory_space<hbm>>) target(%arg8 : memref<16384xi32, #tpu.memory_space<vmem>>) target_semaphore(%arg11 : memref<!tpu.dma_semaphore, #tpu.memory_space<semaphore_mem>>)
    %add3A_7 = arith.constant 16384 : i32
    %add3A_8 = arith.addi %mul3A_3, %add3A_7 : i32
    %dma_start3A_9 = tpu.memref_slice %arg2[%add3A_8] : memref<4194304xi32, #tpu.memory_space<hbm>> -> memref<16384xi32, #tpu.memory_space<hbm>>
    %dma_start3A_10 = tpu.memref_slice %arg2[%add3A_8] : memref<4194304xi32, #tpu.memory_space<hbm>> -> memref<16384xi32, #tpu.memory_space<hbm>>
    tpu.enqueue_dma source(%dma_start3A_10 : memref<16384xi32, #tpu.memory_space<hbm>>) target(%arg9 : memref<16384xi32, #tpu.memory_space<vmem>>) target_semaphore(%arg12 : memref<!tpu.dma_semaphore, #tpu.memory_space<semaphore_mem>>)
    %scan3A = arith.constant 0 : i32
    %scan3A_11 = arith.constant 0 : i32
    %scan3A_12 = arith.constant 128 : i32
    %scan3A_13 = arith.addi %scan3A_11, %scan3A_12 : i32
    %scan3A_14 = arith.constant 1 : i32
    %scan3A_15 = scf.for %scan3A_141 = %scan3A_11 to %scan3A_13 step %scan3A_14 iter_args(%scan3A_142 = %scan3A) -> (i32)  : i32 {
      %mul3A_143 = arith.constant 16 : i32
      %mul3A_144 = arith.muli %scan3A_141, %mul3A_143 : i32
      %swap3A = arith.index_cast %mul3A_144 : i32 to index
      %swap3A_145 = tpu.vector_load %arg6[%swap3A] {strides = array<i32>} : memref<2048xi32, #tpu.memory_space<vmem>>, vector<16xi32>,
      tpu.vector_store %arg6[%swap3A], %broadcast_in_dim3A_0 {strides = array<i32>} : memref<2048xi32, #tpu.memory_space<vmem>>, vector<16xi32>,
      %scan3A_146 = arith.constant 0 : i32
      scf.yield %scan3A_146 : i32
    }
    %scan3A_16 = arith.constant 128 : i32
    "tpu.region"() ({
      %run_scoped3A = tpu.sem_alloc : memref<!tpu.dma_semaphore, #tpu.memory_space<semaphore_mem>>
      tpu.enqueue_dma source(%arg3 : memref<2x1024xi32, #tpu.memory_space<hbm>>) target(%arg5 : memref<2x1024xi32, #tpu.memory_space<vmem>>) target_semaphore(%run_scoped3A : memref<!tpu.dma_semaphore, #tpu.memory_space<semaphore_mem>>)
      tpu.wait_dma2 semaphore(%run_scoped3A : memref<!tpu.dma_semaphore, #tpu.memory_space<semaphore_mem>>) src(%arg3 : memref<2x1024xi32, #tpu.memory_space<hbm>>) dst(%arg5 : memref<2x1024xi32, #tpu.memory_space<vmem>>)
      tpu.yield
    }) : () -> ()
    %scan3A_17 = arith.constant 10000 : i32
    %scan3A_18 = arith.constant 0 : i32
    %scan3A_19 = arith.constant 0 : i32
    %scan3A_20 = arith.constant 0 : i32
    %scan3A_21 = arith.constant 0 : i32
    %scan3A_22 = arith.constant 0 : i32
    %scan3A_23 = arith.constant 64 : i32
    %scan3A_24 = arith.addi %scan3A_22, %scan3A_23 : i32
    %scan3A_25 = arith.constant 1 : i32
    %scan3A_26:4 = scf.for %scan3A_141 = %scan3A_22 to %scan3A_24 step %scan3A_25 iter_args(%scan3A_142 = %scan3A_18, %scan3A_143 = %scan3A_19, %scan3A_144 = %scan3A_20, %scan3A_145 = %scan3A_21) -> (i32, i32, i32, i32)  : i32 {
      %sub3A_146 = arith.constant 63 : i32
      %sub3A_147 = arith.subi %sub3A_146, %scan3A_141 : i32
      %mul3A_148 = arith.constant 16 : i32
      %mul3A_149 = arith.muli %sub3A_147, %mul3A_148 : i32
      %get3A = arith.constant 0 : i32
      %get3A_150 = arith.index_cast %get3A : i32 to index
      %get3A_151 = arith.index_cast %mul3A_149 : i32 to index
      %get3A_152 = tpu.vector_load %arg5[%get3A_150, %get3A_151] {strides = array<i32>} : memref<2x1024xi32, #tpu.memory_space<vmem>>, vector<16xi32>,
      %mul3A_153 = arith.constant 16 : i32
      %mul3A_154 = arith.muli %sub3A_147, %mul3A_153 : i32
      %get3A_155 = arith.constant 1 : i32
      %get3A_156 = arith.index_cast %get3A_155 : i32 to index
      %get3A_157 = arith.index_cast %mul3A_154 : i32 to index
      %get3A_158 = tpu.vector_load %arg5[%get3A_156, %get3A_157] {strides = array<i32>} : memref<2x1024xi32, #tpu.memory_space<vmem>>, vector<16xi32>,
      %add3A_159 = arith.addi %get3A_152, %get3A_158 : vector<16xi32>
      %rev3A = arith.constant 15 : i32
      %rev3A_160 = vector.broadcast %rev3A : i32 to vector<16xi32>
      %rev3A_161 = tpu.iota {dimensions = array<i32: 0>} : vector<16xi32>
      %rev3A_162 = arith.subi %rev3A_160, %rev3A_161 : vector<16xi32>
      %rev3A_163 = tpu.dynamic_gather %add3A_159[%rev3A_162] in [0] : vector<16xi32>, vector<16xi32> -> vector<16xi32>
      %broadcast_in_dim3A_164 = arith.constant true
      %broadcast_in_dim3A_165 = vector.broadcast %broadcast_in_dim3A_164 : i1 to vector<16xi1>
      %masked_cumsum3A = tpu.scan <sum>, %rev3A_163 masked %broadcast_in_dim3A_165 : vector<16xi32>, vector<16xi1> -> vector<16xi32>
      %rev3A_166 = arith.constant 15 : i32
      %rev3A_167 = vector.broadcast %rev3A_166 : i32 to vector<16xi32>
      %rev3A_168 = tpu.iota {dimensions = array<i32: 0>} : vector<16xi32>
      %rev3A_169 = arith.subi %rev3A_167, %rev3A_168 : vector<16xi32>
      %rev3A_170 = tpu.dynamic_gather %masked_cumsum3A[%rev3A_169] in [0] : vector<16xi32>, vector<16xi32> -> vector<16xi32>
      %add3A_171 = vector.broadcast %scan3A_144 : i32 to vector<16xi32>
      %add3A_172 = arith.addi %rev3A_170, %add3A_171 : vector<16xi32>
      %ge3A = vector.broadcast %scan3A_17 : i32 to vector<16xi32>
      %ge3A_173 = arith.cmpi sge, %add3A_172, %ge3A : vector<16xi32>
      %iota3A = tpu.iota {dimensions = array<i32: 0>} : vector<16xi32>
      %jit3A = arith.constant -1 : i32
      %broadcast_in_dim3A_174 = vector.broadcast %jit3A : i32 to vector<16xi32>
      %select_n3A = arith.select %ge3A_173, %iota3A, %broadcast_in_dim3A_174 : vector<16xi1>, vector<16xi32>
      %reduce_max3A = arith.constant true
      %reduce_max3A_175 = vector.broadcast %reduce_max3A : i1 to vector<16xi1>
      %reduce_max3A_176 = arith.constant -2147483648 : i32
      %reduce_max3A_177 = vector.broadcast %reduce_max3A_176 : i32 to vector<16xi32>
      %reduce_max3A_178 = arith.xori %select_n3A, %reduce_max3A_177 : vector<16xi32>
      %reduce_max3A_179 = tpu.scan <max>, %reduce_max3A_178 masked %reduce_max3A_175 : vector<16xi32>, vector<16xi1> -> vector<16xi32>
      %reduce_max3A_180 = arith.xori %reduce_max3A_179, %reduce_max3A_177 : vector<16xi32>
      %reduce_max3A_181 = vector.extract %reduce_max3A_180[15] : i32 from vector<16xi32>
      %jit3A_182 = arith.constant 0 : i32
      %broadcast_in_dim3A_183 = vector.broadcast %jit3A_182 : i32 to vector<16xi32>
      %select_n3A_184 = arith.select %ge3A_173, %broadcast_in_dim3A_183, %add3A_172 : vector<16xi1>, vector<16xi32>
      %reduce_max3A_185 = arith.constant true
      %reduce_max3A_186 = vector.broadcast %reduce_max3A_185 : i1 to vector<16xi1>
      %reduce_max3A_187 = arith.constant -2147483648 : i32
      %reduce_max3A_188 = vector.broadcast %reduce_max3A_187 : i32 to vector<16xi32>
      %reduce_max3A_189 = arith.xori %select_n3A_184, %reduce_max3A_188 : vector<16xi32>
      %reduce_max3A_190 = tpu.scan <max>, %reduce_max3A_189 masked %reduce_max3A_186 : vector<16xi32>, vector<16xi1> -> vector<16xi32>
      %reduce_max3A_191 = arith.xori %reduce_max3A_190, %reduce_max3A_188 : vector<16xi32>
      %reduce_max3A_192 = vector.extract %reduce_max3A_191[15] : i32 from vector<16xi32>
      %eq3A_193 = arith.constant 15 : i32
      %eq3A_194 = arith.cmpi eq, %reduce_max3A_181, %eq3A_193 : i32
      %select_n3A_195 = arith.select %eq3A_194, %scan3A_144, %reduce_max3A_192 : i32
      %ge3A_196 = arith.constant 0 : i32
      %ge3A_197 = arith.cmpi sge, %reduce_max3A_181, %ge3A_196 : i32
      %eq3A_198 = arith.constant 0 : i32
      %eq3A_199 = arith.cmpi eq, %scan3A_142, %eq3A_198 : i32
      %and3A = arith.andi %ge3A_197, %eq3A_199 : i1
      %mul3A_200 = arith.constant 16 : i32
      %mul3A_201 = arith.muli %sub3A_147, %mul3A_200 : i32
      %add3A_202 = arith.addi %mul3A_201, %reduce_max3A_181 : i32
      %select_n3A_203 = arith.select %and3A, %add3A_202, %scan3A_143 : i32
      %select_n3A_204 = arith.select %and3A, %select_n3A_195, %scan3A_145 : i32
      %ge3A_205 = arith.constant 0 : i32
      %ge3A_206 = arith.cmpi sge, %reduce_max3A_181, %ge3A_205 : i32
      %jit3A_207 = arith.constant 1 : i32
      %select_n3A_208 = arith.select %ge3A_206, %jit3A_207, %scan3A_142 : i32
      %slice3A = vector.extract_strided_slice %add3A_172 {offsets = [0], sizes = [1], strides = [1]} : vector<16xi32> to vector<1xi32>
      %squeeze3A = vector.extract %slice3A[0] : i32 from vector<1xi32>
      scf.yield %select_n3A_208, %select_n3A_203, %squeeze3A, %select_n3A_204 : i32, i32, i32, i32
    }
    %scan3A_27 = arith.constant 64 : i32
    %sub3A = arith.constant 10000 : i32
    %sub3A_28 = arith.subi %sub3A, %scan3A_26#3 : i32
    %shift_left3A = arith.constant 0 : i32
    %shift_left3A_29 = arith.constant 10 : i32
    %shift_left3A_30 = arith.shli %shift_left3A, %shift_left3A_29 : i32
    %or3A = arith.ori %shift_left3A_30, %scan3A_26#1 : i32
    %xor3A = arith.constant 512 : i32
    %xor3A_31 = arith.xori %or3A, %xor3A : i32
    %shift_left3A_32 = arith.constant 22 : i32
    %shift_left3A_33 = arith.shli %xor3A_31, %shift_left3A_32 : i32
    %shift_right_arithmetic3A = arith.constant 22 : i32
    %shift_right_arithmetic3A_34 = arith.shrsi %shift_left3A_33, %shift_right_arithmetic3A : i32
    %add3A_35 = arith.constant 1 : i32
    %add3A_36 = vector.broadcast %add3A_35 : i32 to vector<16xi32>
    %add3A_37 = arith.addi %broadcast_in_dim3A_0, %add3A_36 : vector<16xi32>
    %add3A_38 = arith.constant 0 : i32
    %add3A_39 = arith.addi %mul3A_3, %add3A_38 : i32
    %dma_wait3A = tpu.memref_slice %arg2[%add3A_39] : memref<4194304xi32, #tpu.memory_space<hbm>> -> memref<16384xi32, #tpu.memory_space<hbm>>
    %dma_wait3A_40 = tpu.memref_slice %arg2[%add3A_39] : memref<4194304xi32, #tpu.memory_space<hbm>> -> memref<16384xi32, #tpu.memory_space<hbm>>
    tpu.wait_dma2 semaphore(%arg11 : memref<!tpu.dma_semaphore, #tpu.memory_space<semaphore_mem>>) src(%dma_wait3A_40 : memref<16384xi32, #tpu.memory_space<hbm>>) dst(%arg8 : memref<16384xi32, #tpu.memory_space<vmem>>)
    %parallel_loop3A = arith.constant 0 : i32
    %parallel_loop3A_41 = arith.constant 16384 : i32
    %parallel_loop3A_42 = arith.constant 16 : i32
    scf.for %parallel_loop3A_141 = %parallel_loop3A to %parallel_loop3A_41 step %parallel_loop3A_42  : i32 {
      %parallel_loop3A_142 = arith.index_cast %parallel_loop3A_141 : i32 to index
      %parallel_loop3A_143 = tpu.vector_load %arg8[%parallel_loop3A_142] {strides = array<i32>} : memref<16384xi32, #tpu.memory_space<vmem>>, vector<16xi32>,
      %parallel_loop3A_144 = arith.constant 11 : i32
      %parallel_loop3A_145 = vector.broadcast %parallel_loop3A_144 : i32 to vector<16xi32>
      %parallel_loop3A_146 = arith.shrsi %parallel_loop3A_143, %parallel_loop3A_145 : vector<16xi32>
      %parallel_loop3A_147 = arith.constant 2047 : i32
      %parallel_loop3A_148 = vector.broadcast %parallel_loop3A_147 : i32 to vector<16xi32>
      %parallel_loop3A_149 = arith.andi %parallel_loop3A_146, %parallel_loop3A_148 : vector<16xi32>
      %parallel_loop3A_150 = arith.constant 0 : i32
      %parallel_loop3A_151 = vector.broadcast %parallel_loop3A_150 : i32 to vector<16xi32>
      %parallel_loop3A_152 = arith.xori %parallel_loop3A_149, %parallel_loop3A_151 : vector<16xi32>
      %parallel_loop3A_153 = arith.constant 22 : i32
      %parallel_loop3A_154 = vector.broadcast %parallel_loop3A_153 : i32 to vector<16xi32>
      %parallel_loop3A_155 = arith.shrsi %parallel_loop3A_143, %parallel_loop3A_154 : vector<16xi32>
      %parallel_loop3A_156 = vector.broadcast %shift_right_arithmetic3A_34 : i32 to vector<16xi32>
      %parallel_loop3A_157 = arith.cmpi eq, %parallel_loop3A_155, %parallel_loop3A_156 : vector<16xi32>
      tpu.vector_store_idx %arg6[%parallel_loop3A_152], %add3A_37 masked %parallel_loop3A_157 {add = true} : memref<2048xi32, #tpu.memory_space<vmem>>[vector<16xi32>], vector<16xi32>, vector<16xi1>
    } {sc.loop_unroll_factor = 4 : i64, sc.parallel_access}
    %add3A_43 = arith.constant 32768 : i32
    %add3A_44 = arith.addi %mul3A_3, %add3A_43 : i32
    %dma_start3A_45 = tpu.memref_slice %arg2[%add3A_44] : memref<4194304xi32, #tpu.memory_space<hbm>> -> memref<16384xi32, #tpu.memory_space<hbm>>
    %dma_start3A_46 = tpu.memref_slice %arg2[%add3A_44] : memref<4194304xi32, #tpu.memory_space<hbm>> -> memref<16384xi32, #tpu.memory_space<hbm>>
    tpu.enqueue_dma source(%dma_start3A_46 : memref<16384xi32, #tpu.memory_space<hbm>>) target(%arg8 : memref<16384xi32, #tpu.memory_space<vmem>>) target_semaphore(%arg11 : memref<!tpu.dma_semaphore, #tpu.memory_space<semaphore_mem>>)
    %add3A_47 = arith.constant 16384 : i32
    %add3A_48 = arith.addi %mul3A_3, %add3A_47 : i32
    %dma_wait3A_49 = tpu.memref_slice %arg2[%add3A_48] : memref<4194304xi32, #tpu.memory_space<hbm>> -> memref<16384xi32, #tpu.memory_space<hbm>>
    %dma_wait3A_50 = tpu.memref_slice %arg2[%add3A_48] : memref<4194304xi32, #tpu.memory_space<hbm>> -> memref<16384xi32, #tpu.memory_space<hbm>>
    tpu.wait_dma2 semaphore(%arg12 : memref<!tpu.dma_semaphore, #tpu.memory_space<semaphore_mem>>) src(%dma_wait3A_50 : memref<16384xi32, #tpu.memory_space<hbm>>) dst(%arg9 : memref<16384xi32, #tpu.memory_space<vmem>>)
    %parallel_loop3A_51 = arith.constant 0 : i32
    %parallel_loop3A_52 = arith.constant 16384 : i32
    %parallel_loop3A_53 = arith.constant 16 : i32
    scf.for %parallel_loop3A_141 = %parallel_loop3A_51 to %parallel_loop3A_52 step %parallel_loop3A_53  : i32 {
      %parallel_loop3A_142 = arith.index_cast %parallel_loop3A_141 : i32 to index
      %parallel_loop3A_143 = tpu.vector_load %arg9[%parallel_loop3A_142] {strides = array<i32>} : memref<16384xi32, #tpu.memory_space<vmem>>, vector<16xi32>,
      %parallel_loop3A_144 = arith.constant 11 : i32
      %parallel_loop3A_145 = vector.broadcast %parallel_loop3A_144 : i32 to vector<16xi32>
      %parallel_loop3A_146 = arith.shrsi %parallel_loop3A_143, %parallel_loop3A_145 : vector<16xi32>
      %parallel_loop3A_147 = arith.constant 2047 : i32
      %parallel_loop3A_148 = vector.broadcast %parallel_loop3A_147 : i32 to vector<16xi32>
      %parallel_loop3A_149 = arith.andi %parallel_loop3A_146, %parallel_loop3A_148 : vector<16xi32>
      %parallel_loop3A_150 = arith.constant 0 : i32
      %parallel_loop3A_151 = vector.broadcast %parallel_loop3A_150 : i32 to vector<16xi32>
      %parallel_loop3A_152 = arith.xori %parallel_loop3A_149, %parallel_loop3A_151 : vector<16xi32>
      %parallel_loop3A_153 = arith.constant 22 : i32
      %parallel_loop3A_154 = vector.broadcast %parallel_loop3A_153 : i32 to vector<16xi32>
      %parallel_loop3A_155 = arith.shrsi %parallel_loop3A_143, %parallel_loop3A_154 : vector<16xi32>
      %parallel_loop3A_156 = vector.broadcast %shift_right_arithmetic3A_34 : i32 to vector<16xi32>
      %parallel_loop3A_157 = arith.cmpi eq, %parallel_loop3A_155, %parallel_loop3A_156 : vector<16xi32>
      tpu.vector_store_idx %arg6[%parallel_loop3A_152], %add3A_37 masked %parallel_loop3A_157 {add = true} : memref<2048xi32, #tpu.memory_space<vmem>>[vector<16xi32>], vector<16xi32>, vector<16xi1>
    } {sc.loop_unroll_factor = 4 : i64, sc.parallel_access}
    %add3A_54 = arith.constant 49152 : i32
    %add3A_55 = arith.addi %mul3A_3, %add3A_54 : i32
    %dma_start3A_56 = tpu.memref_slice %arg2[%add3A_55] : memref<4194304xi32, #tpu.memory_space<hbm>> -> memref<16384xi32, #tpu.memory_space<hbm>>
    %dma_start3A_57 = tpu.memref_slice %arg2[%add3A_55] : memref<4194304xi32, #tpu.memory_space<hbm>> -> memref<16384xi32, #tpu.memory_space<hbm>>
    tpu.enqueue_dma source(%dma_start3A_57 : memref<16384xi32, #tpu.memory_space<hbm>>) target(%arg9 : memref<16384xi32, #tpu.memory_space<vmem>>) target_semaphore(%arg12 : memref<!tpu.dma_semaphore, #tpu.memory_space<semaphore_mem>>)
    %add3A_58 = arith.constant 32768 : i32
    %add3A_59 = arith.addi %mul3A_3, %add3A_58 : i32
    %dma_wait3A_60 = tpu.memref_slice %arg2[%add3A_59] : memref<4194304xi32, #tpu.memory_space<hbm>> -> memref<16384xi32, #tpu.memory_space<hbm>>
    %dma_wait3A_61 = tpu.memref_slice %arg2[%add3A_59] : memref<4194304xi32, #tpu.memory_space<hbm>> -> memref<16384xi32, #tpu.memory_space<hbm>>
    tpu.wait_dma2 semaphore(%arg11 : memref<!tpu.dma_semaphore, #tpu.memory_space<semaphore_mem>>) src(%dma_wait3A_61 : memref<16384xi32, #tpu.memory_space<hbm>>) dst(%arg8 : memref<16384xi32, #tpu.memory_space<vmem>>)
    %parallel_loop3A_62 = arith.constant 0 : i32
    %parallel_loop3A_63 = arith.constant 16384 : i32
    %parallel_loop3A_64 = arith.constant 16 : i32
    scf.for %parallel_loop3A_141 = %parallel_loop3A_62 to %parallel_loop3A_63 step %parallel_loop3A_64  : i32 {
      %parallel_loop3A_142 = arith.index_cast %parallel_loop3A_141 : i32 to index
      %parallel_loop3A_143 = tpu.vector_load %arg8[%parallel_loop3A_142] {strides = array<i32>} : memref<16384xi32, #tpu.memory_space<vmem>>, vector<16xi32>,
      %parallel_loop3A_144 = arith.constant 11 : i32
      %parallel_loop3A_145 = vector.broadcast %parallel_loop3A_144 : i32 to vector<16xi32>
      %parallel_loop3A_146 = arith.shrsi %parallel_loop3A_143, %parallel_loop3A_145 : vector<16xi32>
      %parallel_loop3A_147 = arith.constant 2047 : i32
      %parallel_loop3A_148 = vector.broadcast %parallel_loop3A_147 : i32 to vector<16xi32>
      %parallel_loop3A_149 = arith.andi %parallel_loop3A_146, %parallel_loop3A_148 : vector<16xi32>
      %parallel_loop3A_150 = arith.constant 0 : i32
      %parallel_loop3A_151 = vector.broadcast %parallel_loop3A_150 : i32 to vector<16xi32>
      %parallel_loop3A_152 = arith.xori %parallel_loop3A_149, %parallel_loop3A_151 : vector<16xi32>
      %parallel_loop3A_153 = arith.constant 22 : i32
      %parallel_loop3A_154 = vector.broadcast %parallel_loop3A_153 : i32 to vector<16xi32>
      %parallel_loop3A_155 = arith.shrsi %parallel_loop3A_143, %parallel_loop3A_154 : vector<16xi32>
      %parallel_loop3A_156 = vector.broadcast %shift_right_arithmetic3A_34 : i32 to vector<16xi32>
      %parallel_loop3A_157 = arith.cmpi eq, %parallel_loop3A_155, %parallel_loop3A_156 : vector<16xi32>
      tpu.vector_store_idx %arg6[%parallel_loop3A_152], %add3A_37 masked %parallel_loop3A_157 {add = true} : memref<2048xi32, #tpu.memory_space<vmem>>[vector<16xi32>], vector<16xi32>, vector<16xi1>
    } {sc.loop_unroll_factor = 4 : i64, sc.parallel_access}
    %add3A_65 = arith.constant 65536 : i32
    %add3A_66 = arith.addi %mul3A_3, %add3A_65 : i32
    %dma_start3A_67 = tpu.memref_slice %arg2[%add3A_66] : memref<4194304xi32, #tpu.memory_space<hbm>> -> memref<16384xi32, #tpu.memory_space<hbm>>
    %dma_start3A_68 = tpu.memref_slice %arg2[%add3A_66] : memref<4194304xi32, #tpu.memory_space<hbm>> -> memref<16384xi32, #tpu.memory_space<hbm>>
    tpu.enqueue_dma source(%dma_start3A_68 : memref<16384xi32, #tpu.memory_space<hbm>>) target(%arg8 : memref<16384xi32, #tpu.memory_space<vmem>>) target_semaphore(%arg11 : memref<!tpu.dma_semaphore, #tpu.memory_space<semaphore_mem>>)
    %add3A_69 = arith.constant 49152 : i32
    %add3A_70 = arith.addi %mul3A_3, %add3A_69 : i32
    %dma_wait3A_71 = tpu.memref_slice %arg2[%add3A_70] : memref<4194304xi32, #tpu.memory_space<hbm>> -> memref<16384xi32, #tpu.memory_space<hbm>>
    %dma_wait3A_72 = tpu.memref_slice %arg2[%add3A_70] : memref<4194304xi32, #tpu.memory_space<hbm>> -> memref<16384xi32, #tpu.memory_space<hbm>>
    tpu.wait_dma2 semaphore(%arg12 : memref<!tpu.dma_semaphore, #tpu.memory_space<semaphore_mem>>) src(%dma_wait3A_72 : memref<16384xi32, #tpu.memory_space<hbm>>) dst(%arg9 : memref<16384xi32, #tpu.memory_space<vmem>>)
    %parallel_loop3A_73 = arith.constant 0 : i32
    %parallel_loop3A_74 = arith.constant 16384 : i32
    %parallel_loop3A_75 = arith.constant 16 : i32
    scf.for %parallel_loop3A_141 = %parallel_loop3A_73 to %parallel_loop3A_74 step %parallel_loop3A_75  : i32 {
      %parallel_loop3A_142 = arith.index_cast %parallel_loop3A_141 : i32 to index
      %parallel_loop3A_143 = tpu.vector_load %arg9[%parallel_loop3A_142] {strides = array<i32>} : memref<16384xi32, #tpu.memory_space<vmem>>, vector<16xi32>,
      %parallel_loop3A_144 = arith.constant 11 : i32
      %parallel_loop3A_145 = vector.broadcast %parallel_loop3A_144 : i32 to vector<16xi32>
      %parallel_loop3A_146 = arith.shrsi %parallel_loop3A_143, %parallel_loop3A_145 : vector<16xi32>
      %parallel_loop3A_147 = arith.constant 2047 : i32
      %parallel_loop3A_148 = vector.broadcast %parallel_loop3A_147 : i32 to vector<16xi32>
      %parallel_loop3A_149 = arith.andi %parallel_loop3A_146, %parallel_loop3A_148 : vector<16xi32>
      %parallel_loop3A_150 = arith.constant 0 : i32
      %parallel_loop3A_151 = vector.broadcast %parallel_loop3A_150 : i32 to vector<16xi32>
      %parallel_loop3A_152 = arith.xori %parallel_loop3A_149, %parallel_loop3A_151 : vector<16xi32>
      %parallel_loop3A_153 = arith.constant 22 : i32
      %parallel_loop3A_154 = vector.broadcast %parallel_loop3A_153 : i32 to vector<16xi32>
      %parallel_loop3A_155 = arith.shrsi %parallel_loop3A_143, %parallel_loop3A_154 : vector<16xi32>
      %parallel_loop3A_156 = vector.broadcast %shift_right_arithmetic3A_34 : i32 to vector<16xi32>
      %parallel_loop3A_157 = arith.cmpi eq, %parallel_loop3A_155, %parallel_loop3A_156 : vector<16xi32>
      tpu.vector_store_idx %arg6[%parallel_loop3A_152], %add3A_37 masked %parallel_loop3A_157 {add = true} : memref<2048xi32, #tpu.memory_space<vmem>>[vector<16xi32>], vector<16xi32>, vector<16xi1>
    } {sc.loop_unroll_factor = 4 : i64, sc.parallel_access}
    %add3A_76 = arith.constant 81920 : i32
    %add3A_77 = arith.addi %mul3A_3, %add3A_76 : i32
    %dma_start3A_78 = tpu.memref_slice %arg2[%add3A_77] : memref<4194304xi32, #tpu.memory_space<hbm>> -> memref<16384xi32, #tpu.memory_space<hbm>>
    %dma_start3A_79 = tpu.memref_slice %arg2[%add3A_77] : memref<4194304xi32, #tpu.memory_space<hbm>> -> memref<16384xi32, #tpu.memory_space<hbm>>
    tpu.enqueue_dma source(%dma_start3A_79 : memref<16384xi32, #tpu.memory_space<hbm>>) target(%arg9 : memref<16384xi32, #tpu.memory_space<vmem>>) target_semaphore(%arg12 : memref<!tpu.dma_semaphore, #tpu.memory_space<semaphore_mem>>)
    %add3A_80 = arith.constant 65536 : i32
    %add3A_81 = arith.addi %mul3A_3, %add3A_80 : i32
    %dma_wait3A_82 = tpu.memref_slice %arg2[%add3A_81] : memref<4194304xi32, #tpu.memory_space<hbm>> -> memref<16384xi32, #tpu.memory_space<hbm>>
    %dma_wait3A_83 = tpu.memref_slice %arg2[%add3A_81] : memref<4194304xi32, #tpu.memory_space<hbm>> -> memref<16384xi32, #tpu.memory_space<hbm>>
    tpu.wait_dma2 semaphore(%arg11 : memref<!tpu.dma_semaphore, #tpu.memory_space<semaphore_mem>>) src(%dma_wait3A_83 : memref<16384xi32, #tpu.memory_space<hbm>>) dst(%arg8 : memref<16384xi32, #tpu.memory_space<vmem>>)
    %parallel_loop3A_84 = arith.constant 0 : i32
    %parallel_loop3A_85 = arith.constant 16384 : i32
    %parallel_loop3A_86 = arith.constant 16 : i32
    scf.for %parallel_loop3A_141 = %parallel_loop3A_84 to %parallel_loop3A_85 step %parallel_loop3A_86  : i32 {
      %parallel_loop3A_142 = arith.index_cast %parallel_loop3A_141 : i32 to index
      %parallel_loop3A_143 = tpu.vector_load %arg8[%parallel_loop3A_142] {strides = array<i32>} : memref<16384xi32, #tpu.memory_space<vmem>>, vector<16xi32>,
      %parallel_loop3A_144 = arith.constant 11 : i32
      %parallel_loop3A_145 = vector.broadcast %parallel_loop3A_144 : i32 to vector<16xi32>
      %parallel_loop3A_146 = arith.shrsi %parallel_loop3A_143, %parallel_loop3A_145 : vector<16xi32>
      %parallel_loop3A_147 = arith.constant 2047 : i32
      %parallel_loop3A_148 = vector.broadcast %parallel_loop3A_147 : i32 to vector<16xi32>
      %parallel_loop3A_149 = arith.andi %parallel_loop3A_146, %parallel_loop3A_148 : vector<16xi32>
      %parallel_loop3A_150 = arith.constant 0 : i32
      %parallel_loop3A_151 = vector.broadcast %parallel_loop3A_150 : i32 to vector<16xi32>
      %parallel_loop3A_152 = arith.xori %parallel_loop3A_149, %parallel_loop3A_151 : vector<16xi32>
      %parallel_loop3A_153 = arith.constant 22 : i32
      %parallel_loop3A_154 = vector.broadcast %parallel_loop3A_153 : i32 to vector<16xi32>
      %parallel_loop3A_155 = arith.shrsi %parallel_loop3A_143, %parallel_loop3A_154 : vector<16xi32>
      %parallel_loop3A_156 = vector.broadcast %shift_right_arithmetic3A_34 : i32 to vector<16xi32>
      %parallel_loop3A_157 = arith.cmpi eq, %parallel_loop3A_155, %parallel_loop3A_156 : vector<16xi32>
      tpu.vector_store_idx %arg6[%parallel_loop3A_152], %add3A_37 masked %parallel_loop3A_157 {add = true} : memref<2048xi32, #tpu.memory_space<vmem>>[vector<16xi32>], vector<16xi32>, vector<16xi1>
    } {sc.loop_unroll_factor = 4 : i64, sc.parallel_access}
    %add3A_87 = arith.constant 98304 : i32
    %add3A_88 = arith.addi %mul3A_3, %add3A_87 : i32
    %dma_start3A_89 = tpu.memref_slice %arg2[%add3A_88] : memref<4194304xi32, #tpu.memory_space<hbm>> -> memref<16384xi32, #tpu.memory_space<hbm>>
    %dma_start3A_90 = tpu.memref_slice %arg2[%add3A_88] : memref<4194304xi32, #tpu.memory_space<hbm>> -> memref<16384xi32, #tpu.memory_space<hbm>>
    tpu.enqueue_dma source(%dma_start3A_90 : memref<16384xi32, #tpu.memory_space<hbm>>) target(%arg8 : memref<16384xi32, #tpu.memory_space<vmem>>) target_semaphore(%arg11 : memref<!tpu.dma_semaphore, #tpu.memory_space<semaphore_mem>>)
    %add3A_91 = arith.constant 81920 : i32
    %add3A_92 = arith.addi %mul3A_3, %add3A_91 : i32
    %dma_wait3A_93 = tpu.memref_slice %arg2[%add3A_92] : memref<4194304xi32, #tpu.memory_space<hbm>> -> memref<16384xi32, #tpu.memory_space<hbm>>
    %dma_wait3A_94 = tpu.memref_slice %arg2[%add3A_92] : memref<4194304xi32, #tpu.memory_space<hbm>> -> memref<16384xi32, #tpu.memory_space<hbm>>
    tpu.wait_dma2 semaphore(%arg12 : memref<!tpu.dma_semaphore, #tpu.memory_space<semaphore_mem>>) src(%dma_wait3A_94 : memref<16384xi32, #tpu.memory_space<hbm>>) dst(%arg9 : memref<16384xi32, #tpu.memory_space<vmem>>)
    %parallel_loop3A_95 = arith.constant 0 : i32
    %parallel_loop3A_96 = arith.constant 16384 : i32
    %parallel_loop3A_97 = arith.constant 16 : i32
    scf.for %parallel_loop3A_141 = %parallel_loop3A_95 to %parallel_loop3A_96 step %parallel_loop3A_97  : i32 {
      %parallel_loop3A_142 = arith.index_cast %parallel_loop3A_141 : i32 to index
      %parallel_loop3A_143 = tpu.vector_load %arg9[%parallel_loop3A_142] {strides = array<i32>} : memref<16384xi32, #tpu.memory_space<vmem>>, vector<16xi32>,
      %parallel_loop3A_144 = arith.constant 11 : i32
      %parallel_loop3A_145 = vector.broadcast %parallel_loop3A_144 : i32 to vector<16xi32>
      %parallel_loop3A_146 = arith.shrsi %parallel_loop3A_143, %parallel_loop3A_145 : vector<16xi32>
      %parallel_loop3A_147 = arith.constant 2047 : i32
      %parallel_loop3A_148 = vector.broadcast %parallel_loop3A_147 : i32 to vector<16xi32>
      %parallel_loop3A_149 = arith.andi %parallel_loop3A_146, %parallel_loop3A_148 : vector<16xi32>
      %parallel_loop3A_150 = arith.constant 0 : i32
      %parallel_loop3A_151 = vector.broadcast %parallel_loop3A_150 : i32 to vector<16xi32>
      %parallel_loop3A_152 = arith.xori %parallel_loop3A_149, %parallel_loop3A_151 : vector<16xi32>
      %parallel_loop3A_153 = arith.constant 22 : i32
      %parallel_loop3A_154 = vector.broadcast %parallel_loop3A_153 : i32 to vector<16xi32>
      %parallel_loop3A_155 = arith.shrsi %parallel_loop3A_143, %parallel_loop3A_154 : vector<16xi32>
      %parallel_loop3A_156 = vector.broadcast %shift_right_arithmetic3A_34 : i32 to vector<16xi32>
      %parallel_loop3A_157 = arith.cmpi eq, %parallel_loop3A_155, %parallel_loop3A_156 : vector<16xi32>
      tpu.vector_store_idx %arg6[%parallel_loop3A_152], %add3A_37 masked %parallel_loop3A_157 {add = true} : memref<2048xi32, #tpu.memory_space<vmem>>[vector<16xi32>], vector<16xi32>, vector<16xi1>
    } {sc.loop_unroll_factor = 4 : i64, sc.parallel_access}
    %add3A_98 = arith.constant 114688 : i32
    %add3A_99 = arith.addi %mul3A_3, %add3A_98 : i32
    %dma_start3A_100 = tpu.memref_slice %arg2[%add3A_99] : memref<4194304xi32, #tpu.memory_space<hbm>> -> memref<16384xi32, #tpu.memory_space<hbm>>
    %dma_start3A_101 = tpu.memref_slice %arg2[%add3A_99] : memref<4194304xi32, #tpu.memory_space<hbm>> -> memref<16384xi32, #tpu.memory_space<hbm>>
    tpu.enqueue_dma source(%dma_start3A_101 : memref<16384xi32, #tpu.memory_space<hbm>>) target(%arg9 : memref<16384xi32, #tpu.memory_space<vmem>>) target_semaphore(%arg12 : memref<!tpu.dma_semaphore, #tpu.memory_space<semaphore_mem>>)
    %add3A_102 = arith.constant 98304 : i32
    %add3A_103 = arith.addi %mul3A_3, %add3A_102 : i32
    %dma_wait3A_104 = tpu.memref_slice %arg2[%add3A_103] : memref<4194304xi32, #tpu.memory_space<hbm>> -> memref<16384xi32, #tpu.memory_space<hbm>>
    %dma_wait3A_105 = tpu.memref_slice %arg2[%add3A_103] : memref<4194304xi32, #tpu.memory_space<hbm>> -> memref<16384xi32, #tpu.memory_space<hbm>>
    tpu.wait_dma2 semaphore(%arg11 : memref<!tpu.dma_semaphore, #tpu.memory_space<semaphore_mem>>) src(%dma_wait3A_105 : memref<16384xi32, #tpu.memory_space<hbm>>) dst(%arg8 : memref<16384xi32, #tpu.memory_space<vmem>>)
    %parallel_loop3A_106 = arith.constant 0 : i32
    %parallel_loop3A_107 = arith.constant 16384 : i32
    %parallel_loop3A_108 = arith.constant 16 : i32
    scf.for %parallel_loop3A_141 = %parallel_loop3A_106 to %parallel_loop3A_107 step %parallel_loop3A_108  : i32 {
      %parallel_loop3A_142 = arith.index_cast %parallel_loop3A_141 : i32 to index
      %parallel_loop3A_143 = tpu.vector_load %arg8[%parallel_loop3A_142] {strides = array<i32>} : memref<16384xi32, #tpu.memory_space<vmem>>, vector<16xi32>,
      %parallel_loop3A_144 = arith.constant 11 : i32
      %parallel_loop3A_145 = vector.broadcast %parallel_loop3A_144 : i32 to vector<16xi32>
      %parallel_loop3A_146 = arith.shrsi %parallel_loop3A_143, %parallel_loop3A_145 : vector<16xi32>
      %parallel_loop3A_147 = arith.constant 2047 : i32
      %parallel_loop3A_148 = vector.broadcast %parallel_loop3A_147 : i32 to vector<16xi32>
      %parallel_loop3A_149 = arith.andi %parallel_loop3A_146, %parallel_loop3A_148 : vector<16xi32>
      %parallel_loop3A_150 = arith.constant 0 : i32
      %parallel_loop3A_151 = vector.broadcast %parallel_loop3A_150 : i32 to vector<16xi32>
      %parallel_loop3A_152 = arith.xori %parallel_loop3A_149, %parallel_loop3A_151 : vector<16xi32>
      %parallel_loop3A_153 = arith.constant 22 : i32
      %parallel_loop3A_154 = vector.broadcast %parallel_loop3A_153 : i32 to vector<16xi32>
      %parallel_loop3A_155 = arith.shrsi %parallel_loop3A_143, %parallel_loop3A_154 : vector<16xi32>
      %parallel_loop3A_156 = vector.broadcast %shift_right_arithmetic3A_34 : i32 to vector<16xi32>
      %parallel_loop3A_157 = arith.cmpi eq, %parallel_loop3A_155, %parallel_loop3A_156 : vector<16xi32>
      tpu.vector_store_idx %arg6[%parallel_loop3A_152], %add3A_37 masked %parallel_loop3A_157 {add = true} : memref<2048xi32, #tpu.memory_space<vmem>>[vector<16xi32>], vector<16xi32>, vector<16xi1>
    } {sc.loop_unroll_factor = 4 : i64, sc.parallel_access}
    %add3A_109 = arith.constant 114688 : i32
    %add3A_110 = arith.addi %mul3A_3, %add3A_109 : i32
    %dma_wait3A_111 = tpu.memref_slice %arg2[%add3A_110] : memref<4194304xi32, #tpu.memory_space<hbm>> -> memref<16384xi32, #tpu.memory_space<hbm>>
    %dma_wait3A_112 = tpu.memref_slice %arg2[%add3A_110] : memref<4194304xi32, #tpu.memory_space<hbm>> -> memref<16384xi32, #tpu.memory_space<hbm>>
    tpu.wait_dma2 semaphore(%arg12 : memref<!tpu.dma_semaphore, #tpu.memory_space<semaphore_mem>>) src(%dma_wait3A_112 : memref<16384xi32, #tpu.memory_space<hbm>>) dst(%arg9 : memref<16384xi32, #tpu.memory_space<vmem>>)
    %parallel_loop3A_113 = arith.constant 0 : i32
    %parallel_loop3A_114 = arith.constant 16384 : i32
    %parallel_loop3A_115 = arith.constant 16 : i32
    scf.for %parallel_loop3A_141 = %parallel_loop3A_113 to %parallel_loop3A_114 step %parallel_loop3A_115  : i32 {
      %parallel_loop3A_142 = arith.index_cast %parallel_loop3A_141 : i32 to index
      %parallel_loop3A_143 = tpu.vector_load %arg9[%parallel_loop3A_142] {strides = array<i32>} : memref<16384xi32, #tpu.memory_space<vmem>>, vector<16xi32>,
      %parallel_loop3A_144 = arith.constant 11 : i32
      %parallel_loop3A_145 = vector.broadcast %parallel_loop3A_144 : i32 to vector<16xi32>
      %parallel_loop3A_146 = arith.shrsi %parallel_loop3A_143, %parallel_loop3A_145 : vector<16xi32>
      %parallel_loop3A_147 = arith.constant 2047 : i32
      %parallel_loop3A_148 = vector.broadcast %parallel_loop3A_147 : i32 to vector<16xi32>
      %parallel_loop3A_149 = arith.andi %parallel_loop3A_146, %parallel_loop3A_148 : vector<16xi32>
      %parallel_loop3A_150 = arith.constant 0 : i32
      %parallel_loop3A_151 = vector.broadcast %parallel_loop3A_150 : i32 to vector<16xi32>
      %parallel_loop3A_152 = arith.xori %parallel_loop3A_149, %parallel_loop3A_151 : vector<16xi32>
      %parallel_loop3A_153 = arith.constant 22 : i32
      %parallel_loop3A_154 = vector.broadcast %parallel_loop3A_153 : i32 to vector<16xi32>
      %parallel_loop3A_155 = arith.shrsi %parallel_loop3A_143, %parallel_loop3A_154 : vector<16xi32>
      %parallel_loop3A_156 = vector.broadcast %shift_right_arithmetic3A_34 : i32 to vector<16xi32>
      %parallel_loop3A_157 = arith.cmpi eq, %parallel_loop3A_155, %parallel_loop3A_156 : vector<16xi32>
      tpu.vector_store_idx %arg6[%parallel_loop3A_152], %add3A_37 masked %parallel_loop3A_157 {add = true} : memref<2048xi32, #tpu.memory_space<vmem>>[vector<16xi32>], vector<16xi32>, vector<16xi1>
    } {sc.loop_unroll_factor = 4 : i64, sc.parallel_access}
    "tpu.region"() ({
      %run_scoped3A = tpu.sem_alloc : memref<!tpu.dma_semaphore, #tpu.memory_space<semaphore_mem>>
      %dma_start3A_141 = arith.constant 0 : i32
      %dma_start3A_142 = tpu.memref_slice %arg10[%arg1, %dma_start3A_141] : memref<16x2048xi32, #tpu.memory_space<vmem_shared>> -> memref<1x2048xi32, #tpu.memory_space<vmem_shared>>
      %dma_start3A_143 = tpu.memref_squeeze %dma_start3A_142 : memref<1x2048xi32, #tpu.memory_space<vmem_shared>> -> memref<2048xi32, #tpu.memory_space<vmem_shared>>
      %dma_start3A_144 = arith.constant 0 : i32
      %dma_start3A_145 = tpu.memref_slice %arg10[%arg1, %dma_start3A_144] : memref<16x2048xi32, #tpu.memory_space<vmem_shared>> -> memref<1x2048xi32, #tpu.memory_space<vmem_shared>>
      %dma_start3A_146 = tpu.memref_squeeze %dma_start3A_145 : memref<1x2048xi32, #tpu.memory_space<vmem_shared>> -> memref<2048xi32, #tpu.memory_space<vmem_shared>>
      tpu.enqueue_dma source(%arg6 : memref<2048xi32, #tpu.memory_space<vmem>>) target(%dma_start3A_146 : memref<2048xi32, #tpu.memory_space<vmem_shared>>) target_semaphore(%run_scoped3A : memref<!tpu.dma_semaphore, #tpu.memory_space<semaphore_mem>>)
      %dma_wait3A_147 = arith.constant 0 : i32
      %dma_wait3A_148 = tpu.memref_slice %arg10[%arg1, %dma_wait3A_147] : memref<16x2048xi32, #tpu.memory_space<vmem_shared>> -> memref<1x2048xi32, #tpu.memory_space<vmem_shared>>
      %dma_wait3A_149 = tpu.memref_squeeze %dma_wait3A_148 : memref<1x2048xi32, #tpu.memory_space<vmem_shared>> -> memref<2048xi32, #tpu.memory_space<vmem_shared>>
      %dma_wait3A_150 = arith.constant 0 : i32
      %dma_wait3A_151 = tpu.memref_slice %arg10[%arg1, %dma_wait3A_150] : memref<16x2048xi32, #tpu.memory_space<vmem_shared>> -> memref<1x2048xi32, #tpu.memory_space<vmem_shared>>
      %dma_wait3A_152 = tpu.memref_squeeze %dma_wait3A_151 : memref<1x2048xi32, #tpu.memory_space<vmem_shared>> -> memref<2048xi32, #tpu.memory_space<vmem_shared>>
      tpu.wait_dma2 semaphore(%run_scoped3A : memref<!tpu.dma_semaphore, #tpu.memory_space<semaphore_mem>>) src(%arg6 : memref<2048xi32, #tpu.memory_space<vmem>>) dst(%dma_wait3A_152 : memref<2048xi32, #tpu.memory_space<vmem_shared>>)
      tpu.yield
    }) : () -> ()
    %barrier3A = arith.constant 0 : index
    tpu.barrier barrier_id(%barrier3A)
    %lt3A = arith.constant 8 : i32
    %lt3A_116 = arith.cmpi slt, %arg1, %lt3A : i32
    %convert_element_type3A = arith.extui %lt3A_116 : i1 to i32
    %cond3A = arith.constant 0 : i32
    %cond3A_117 = arith.cmpi ne, %convert_element_type3A, %cond3A : i32
    scf.if %cond3A_117 {
      %add3A_141 = arith.constant 8 : i32
      %add3A_142 = arith.addi %arg1, %add3A_141 : i32
      "tpu.region"() ({
        %run_scoped3A = tpu.sem_alloc : memref<!tpu.dma_semaphore, #tpu.memory_space<semaphore_mem>>
        %dma_start3A_146 = arith.constant 0 : i32
        %dma_start3A_147 = tpu.memref_slice %arg10[%add3A_142, %dma_start3A_146] : memref<16x2048xi32, #tpu.memory_space<vmem_shared>> -> memref<1x2048xi32, #tpu.memory_space<vmem_shared>>
        %dma_start3A_148 = tpu.memref_squeeze %dma_start3A_147 : memref<1x2048xi32, #tpu.memory_space<vmem_shared>> -> memref<2048xi32, #tpu.memory_space<vmem_shared>>
        %dma_start3A_149 = arith.constant 0 : i32
        %dma_start3A_150 = tpu.memref_slice %arg10[%add3A_142, %dma_start3A_149] : memref<16x2048xi32, #tpu.memory_space<vmem_shared>> -> memref<1x2048xi32, #tpu.memory_space<vmem_shared>>
        %dma_start3A_151 = tpu.memref_squeeze %dma_start3A_150 : memref<1x2048xi32, #tpu.memory_space<vmem_shared>> -> memref<2048xi32, #tpu.memory_space<vmem_shared>>
        tpu.enqueue_dma source(%dma_start3A_151 : memref<2048xi32, #tpu.memory_space<vmem_shared>>) target(%arg7 : memref<2048xi32, #tpu.memory_space<vmem>>) target_semaphore(%run_scoped3A : memref<!tpu.dma_semaphore, #tpu.memory_space<semaphore_mem>>)
        %dma_wait3A_152 = arith.constant 0 : i32
        %dma_wait3A_153 = tpu.memref_slice %arg10[%add3A_142, %dma_wait3A_152] : memref<16x2048xi32, #tpu.memory_space<vmem_shared>> -> memref<1x2048xi32, #tpu.memory_space<vmem_shared>>
        %dma_wait3A_154 = tpu.memref_squeeze %dma_wait3A_153 : memref<1x2048xi32, #tpu.memory_space<vmem_shared>> -> memref<2048xi32, #tpu.memory_space<vmem_shared>>
        %dma_wait3A_155 = arith.constant 0 : i32
        %dma_wait3A_156 = tpu.memref_slice %arg10[%add3A_142, %dma_wait3A_155] : memref<16x2048xi32, #tpu.memory_space<vmem_shared>> -> memref<1x2048xi32, #tpu.memory_space<vmem_shared>>
        %dma_wait3A_157 = tpu.memref_squeeze %dma_wait3A_156 : memref<1x2048xi32, #tpu.memory_space<vmem_shared>> -> memref<2048xi32, #tpu.memory_space<vmem_shared>>
        tpu.wait_dma2 semaphore(%run_scoped3A : memref<!tpu.dma_semaphore, #tpu.memory_space<semaphore_mem>>) src(%dma_wait3A_157 : memref<2048xi32, #tpu.memory_space<vmem_shared>>) dst(%arg7 : memref<2048xi32, #tpu.memory_space<vmem>>)
        tpu.yield
      }) : () -> ()
      %parallel_loop3A_143 = arith.constant 0 : i32
      %parallel_loop3A_144 = arith.constant 2048 : i32
      %parallel_loop3A_145 = arith.constant 16 : i32
      scf.for %parallel_loop3A_146 = %parallel_loop3A_143 to %parallel_loop3A_144 step %parallel_loop3A_145  : i32 {
        %parallel_loop3A_147 = arith.index_cast %parallel_loop3A_146 : i32 to index
        %parallel_loop3A_148 = tpu.vector_load %arg6[%parallel_loop3A_147] {strides = array<i32>} : memref<2048xi32, #tpu.memory_space<vmem>>, vector<16xi32>,
        %parallel_loop3A_149 = arith.index_cast %parallel_loop3A_146 : i32 to index
        %parallel_loop3A_150 = tpu.vector_load %arg7[%parallel_loop3A_149] {strides = array<i32>} : memref<2048xi32, #tpu.memory_space<vmem>>, vector<16xi32>,
        %parallel_loop3A_151 = arith.addi %parallel_loop3A_148, %parallel_loop3A_150 : vector<16xi32>
        %parallel_loop3A_152 = arith.index_cast %parallel_loop3A_146 : i32 to index
        %parallel_loop3A_153 = tpu.vector_load %arg6[%parallel_loop3A_152] {strides = array<i32>} : memref<2048xi32, #tpu.memory_space<vmem>>, vector<16xi32>,
        tpu.vector_store %arg6[%parallel_loop3A_152], %parallel_loop3A_151 {strides = array<i32>} : memref<2048xi32, #tpu.memory_space<vmem>>, vector<16xi32>,
      } {sc.loop_unroll_factor = 4 : i64, sc.parallel_access}
      "tpu.region"() ({
        %run_scoped3A = tpu.sem_alloc : memref<!tpu.dma_semaphore, #tpu.memory_space<semaphore_mem>>
        %dma_start3A_146 = arith.constant 0 : i32
        %dma_start3A_147 = tpu.memref_slice %arg10[%arg1, %dma_start3A_146] : memref<16x2048xi32, #tpu.memory_space<vmem_shared>> -> memref<1x2048xi32, #tpu.memory_space<vmem_shared>>
        %dma_start3A_148 = tpu.memref_squeeze %dma_start3A_147 : memref<1x2048xi32, #tpu.memory_space<vmem_shared>> -> memref<2048xi32, #tpu.memory_space<vmem_shared>>
        %dma_start3A_149 = arith.constant 0 : i32
        %dma_start3A_150 = tpu.memref_slice %arg10[%arg1, %dma_start3A_149] : memref<16x2048xi32, #tpu.memory_space<vmem_shared>> -> memref<1x2048xi32, #tpu.memory_space<vmem_shared>>
        %dma_start3A_151 = tpu.memref_squeeze %dma_start3A_150 : memref<1x2048xi32, #tpu.memory_space<vmem_shared>> -> memref<2048xi32, #tpu.memory_space<vmem_shared>>
        tpu.enqueue_dma source(%arg6 : memref<2048xi32, #tpu.memory_space<vmem>>) target(%dma_start3A_151 : memref<2048xi32, #tpu.memory_space<vmem_shared>>) target_semaphore(%run_scoped3A : memref<!tpu.dma_semaphore, #tpu.memory_space<semaphore_mem>>)
        %dma_wait3A_152 = arith.constant 0 : i32
        %dma_wait3A_153 = tpu.memref_slice %arg10[%arg1, %dma_wait3A_152] : memref<16x2048xi32, #tpu.memory_space<vmem_shared>> -> memref<1x2048xi32, #tpu.memory_space<vmem_shared>>
        %dma_wait3A_154 = tpu.memref_squeeze %dma_wait3A_153 : memref<1x2048xi32, #tpu.memory_space<vmem_shared>> -> memref<2048xi32, #tpu.memory_space<vmem_shared>>
        %dma_wait3A_155 = arith.constant 0 : i32
        %dma_wait3A_156 = tpu.memref_slice %arg10[%arg1, %dma_wait3A_155] : memref<16x2048xi32, #tpu.memory_space<vmem_shared>> -> memref<1x2048xi32, #tpu.memory_space<vmem_shared>>
        %dma_wait3A_157 = tpu.memref_squeeze %dma_wait3A_156 : memref<1x2048xi32, #tpu.memory_space<vmem_shared>> -> memref<2048xi32, #tpu.memory_space<vmem_shared>>
        tpu.wait_dma2 semaphore(%run_scoped3A : memref<!tpu.dma_semaphore, #tpu.memory_space<semaphore_mem>>) src(%arg6 : memref<2048xi32, #tpu.memory_space<vmem>>) dst(%dma_wait3A_157 : memref<2048xi32, #tpu.memory_space<vmem_shared>>)
        tpu.yield
      }) : () -> ()
    } else {
    }
    %barrier3A_118 = arith.constant 0 : index
    tpu.barrier barrier_id(%barrier3A_118)
    %lt3A_119 = arith.constant 4 : i32
    %lt3A_120 = arith.cmpi slt, %arg1, %lt3A_119 : i32
    %convert_element_type3A_121 = arith.extui %lt3A_120 : i1 to i32
    %cond3A_122 = arith.constant 0 : i32
    %cond3A_123 = arith.cmpi ne, %convert_element_type3A_121, %cond3A_122 : i32
    scf.if %cond3A_123 {
      %add3A_141 = arith.constant 4 : i32
      %add3A_142 = arith.addi %arg1, %add3A_141 : i32
      "tpu.region"() ({
        %run_scoped3A = tpu.sem_alloc : memref<!tpu.dma_semaphore, #tpu.memory_space<semaphore_mem>>
        %dma_start3A_146 = arith.constant 0 : i32
        %dma_start3A_147 = tpu.memref_slice %arg10[%add3A_142, %dma_start3A_146] : memref<16x2048xi32, #tpu.memory_space<vmem_shared>> -> memref<1x2048xi32, #tpu.memory_space<vmem_shared>>
        %dma_start3A_148 = tpu.memref_squeeze %dma_start3A_147 : memref<1x2048xi32, #tpu.memory_space<vmem_shared>> -> memref<2048xi32, #tpu.memory_space<vmem_shared>>
        %dma_start3A_149 = arith.constant 0 : i32
        %dma_start3A_150 = tpu.memref_slice %arg10[%add3A_142, %dma_start3A_149] : memref<16x2048xi32, #tpu.memory_space<vmem_shared>> -> memref<1x2048xi32, #tpu.memory_space<vmem_shared>>
        %dma_start3A_151 = tpu.memref_squeeze %dma_start3A_150 : memref<1x2048xi32, #tpu.memory_space<vmem_shared>> -> memref<2048xi32, #tpu.memory_space<vmem_shared>>
        tpu.enqueue_dma source(%dma_start3A_151 : memref<2048xi32, #tpu.memory_space<vmem_shared>>) target(%arg7 : memref<2048xi32, #tpu.memory_space<vmem>>) target_semaphore(%run_scoped3A : memref<!tpu.dma_semaphore, #tpu.memory_space<semaphore_mem>>)
        %dma_wait3A_152 = arith.constant 0 : i32
        %dma_wait3A_153 = tpu.memref_slice %arg10[%add3A_142, %dma_wait3A_152] : memref<16x2048xi32, #tpu.memory_space<vmem_shared>> -> memref<1x2048xi32, #tpu.memory_space<vmem_shared>>
        %dma_wait3A_154 = tpu.memref_squeeze %dma_wait3A_153 : memref<1x2048xi32, #tpu.memory_space<vmem_shared>> -> memref<2048xi32, #tpu.memory_space<vmem_shared>>
        %dma_wait3A_155 = arith.constant 0 : i32
        %dma_wait3A_156 = tpu.memref_slice %arg10[%add3A_142, %dma_wait3A_155] : memref<16x2048xi32, #tpu.memory_space<vmem_shared>> -> memref<1x2048xi32, #tpu.memory_space<vmem_shared>>
        %dma_wait3A_157 = tpu.memref_squeeze %dma_wait3A_156 : memref<1x2048xi32, #tpu.memory_space<vmem_shared>> -> memref<2048xi32, #tpu.memory_space<vmem_shared>>
        tpu.wait_dma2 semaphore(%run_scoped3A : memref<!tpu.dma_semaphore, #tpu.memory_space<semaphore_mem>>) src(%dma_wait3A_157 : memref<2048xi32, #tpu.memory_space<vmem_shared>>) dst(%arg7 : memref<2048xi32, #tpu.memory_space<vmem>>)
        tpu.yield
      }) : () -> ()
      %parallel_loop3A_143 = arith.constant 0 : i32
      %parallel_loop3A_144 = arith.constant 2048 : i32
      %parallel_loop3A_145 = arith.constant 16 : i32
      scf.for %parallel_loop3A_146 = %parallel_loop3A_143 to %parallel_loop3A_144 step %parallel_loop3A_145  : i32 {
        %parallel_loop3A_147 = arith.index_cast %parallel_loop3A_146 : i32 to index
        %parallel_loop3A_148 = tpu.vector_load %arg6[%parallel_loop3A_147] {strides = array<i32>} : memref<2048xi32, #tpu.memory_space<vmem>>, vector<16xi32>,
        %parallel_loop3A_149 = arith.index_cast %parallel_loop3A_146 : i32 to index
        %parallel_loop3A_150 = tpu.vector_load %arg7[%parallel_loop3A_149] {strides = array<i32>} : memref<2048xi32, #tpu.memory_space<vmem>>, vector<16xi32>,
        %parallel_loop3A_151 = arith.addi %parallel_loop3A_148, %parallel_loop3A_150 : vector<16xi32>
        %parallel_loop3A_152 = arith.index_cast %parallel_loop3A_146 : i32 to index
        %parallel_loop3A_153 = tpu.vector_load %arg6[%parallel_loop3A_152] {strides = array<i32>} : memref<2048xi32, #tpu.memory_space<vmem>>, vector<16xi32>,
        tpu.vector_store %arg6[%parallel_loop3A_152], %parallel_loop3A_151 {strides = array<i32>} : memref<2048xi32, #tpu.memory_space<vmem>>, vector<16xi32>,
      } {sc.loop_unroll_factor = 4 : i64, sc.parallel_access}
      "tpu.region"() ({
        %run_scoped3A = tpu.sem_alloc : memref<!tpu.dma_semaphore, #tpu.memory_space<semaphore_mem>>
        %dma_start3A_146 = arith.constant 0 : i32
        %dma_start3A_147 = tpu.memref_slice %arg10[%arg1, %dma_start3A_146] : memref<16x2048xi32, #tpu.memory_space<vmem_shared>> -> memref<1x2048xi32, #tpu.memory_space<vmem_shared>>
        %dma_start3A_148 = tpu.memref_squeeze %dma_start3A_147 : memref<1x2048xi32, #tpu.memory_space<vmem_shared>> -> memref<2048xi32, #tpu.memory_space<vmem_shared>>
        %dma_start3A_149 = arith.constant 0 : i32
        %dma_start3A_150 = tpu.memref_slice %arg10[%arg1, %dma_start3A_149] : memref<16x2048xi32, #tpu.memory_space<vmem_shared>> -> memref<1x2048xi32, #tpu.memory_space<vmem_shared>>
        %dma_start3A_151 = tpu.memref_squeeze %dma_start3A_150 : memref<1x2048xi32, #tpu.memory_space<vmem_shared>> -> memref<2048xi32, #tpu.memory_space<vmem_shared>>
        tpu.enqueue_dma source(%arg6 : memref<2048xi32, #tpu.memory_space<vmem>>) target(%dma_start3A_151 : memref<2048xi32, #tpu.memory_space<vmem_shared>>) target_semaphore(%run_scoped3A : memref<!tpu.dma_semaphore, #tpu.memory_space<semaphore_mem>>)
        %dma_wait3A_152 = arith.constant 0 : i32
        %dma_wait3A_153 = tpu.memref_slice %arg10[%arg1, %dma_wait3A_152] : memref<16x2048xi32, #tpu.memory_space<vmem_shared>> -> memref<1x2048xi32, #tpu.memory_space<vmem_shared>>
        %dma_wait3A_154 = tpu.memref_squeeze %dma_wait3A_153 : memref<1x2048xi32, #tpu.memory_space<vmem_shared>> -> memref<2048xi32, #tpu.memory_space<vmem_shared>>
        %dma_wait3A_155 = arith.constant 0 : i32
        %dma_wait3A_156 = tpu.memref_slice %arg10[%arg1, %dma_wait3A_155] : memref<16x2048xi32, #tpu.memory_space<vmem_shared>> -> memref<1x2048xi32, #tpu.memory_space<vmem_shared>>
        %dma_wait3A_157 = tpu.memref_squeeze %dma_wait3A_156 : memref<1x2048xi32, #tpu.memory_space<vmem_shared>> -> memref<2048xi32, #tpu.memory_space<vmem_shared>>
        tpu.wait_dma2 semaphore(%run_scoped3A : memref<!tpu.dma_semaphore, #tpu.memory_space<semaphore_mem>>) src(%arg6 : memref<2048xi32, #tpu.memory_space<vmem>>) dst(%dma_wait3A_157 : memref<2048xi32, #tpu.memory_space<vmem_shared>>)
        tpu.yield
      }) : () -> ()
    } else {
    }
    %barrier3A_124 = arith.constant 0 : index
    tpu.barrier barrier_id(%barrier3A_124)
    %lt3A_125 = arith.constant 2 : i32
    %lt3A_126 = arith.cmpi slt, %arg1, %lt3A_125 : i32
    %convert_element_type3A_127 = arith.extui %lt3A_126 : i1 to i32
    %cond3A_128 = arith.constant 0 : i32
    %cond3A_129 = arith.cmpi ne, %convert_element_type3A_127, %cond3A_128 : i32
    scf.if %cond3A_129 {
      %add3A_141 = arith.constant 2 : i32
      %add3A_142 = arith.addi %arg1, %add3A_141 : i32
      "tpu.region"() ({
        %run_scoped3A = tpu.sem_alloc : memref<!tpu.dma_semaphore, #tpu.memory_space<semaphore_mem>>
        %dma_start3A_146 = arith.constant 0 : i32
        %dma_start3A_147 = tpu.memref_slice %arg10[%add3A_142, %dma_start3A_146] : memref<16x2048xi32, #tpu.memory_space<vmem_shared>> -> memref<1x2048xi32, #tpu.memory_space<vmem_shared>>
        %dma_start3A_148 = tpu.memref_squeeze %dma_start3A_147 : memref<1x2048xi32, #tpu.memory_space<vmem_shared>> -> memref<2048xi32, #tpu.memory_space<vmem_shared>>
        %dma_start3A_149 = arith.constant 0 : i32
        %dma_start3A_150 = tpu.memref_slice %arg10[%add3A_142, %dma_start3A_149] : memref<16x2048xi32, #tpu.memory_space<vmem_shared>> -> memref<1x2048xi32, #tpu.memory_space<vmem_shared>>
        %dma_start3A_151 = tpu.memref_squeeze %dma_start3A_150 : memref<1x2048xi32, #tpu.memory_space<vmem_shared>> -> memref<2048xi32, #tpu.memory_space<vmem_shared>>
        tpu.enqueue_dma source(%dma_start3A_151 : memref<2048xi32, #tpu.memory_space<vmem_shared>>) target(%arg7 : memref<2048xi32, #tpu.memory_space<vmem>>) target_semaphore(%run_scoped3A : memref<!tpu.dma_semaphore, #tpu.memory_space<semaphore_mem>>)
        %dma_wait3A_152 = arith.constant 0 : i32
        %dma_wait3A_153 = tpu.memref_slice %arg10[%add3A_142, %dma_wait3A_152] : memref<16x2048xi32, #tpu.memory_space<vmem_shared>> -> memref<1x2048xi32, #tpu.memory_space<vmem_shared>>
        %dma_wait3A_154 = tpu.memref_squeeze %dma_wait3A_153 : memref<1x2048xi32, #tpu.memory_space<vmem_shared>> -> memref<2048xi32, #tpu.memory_space<vmem_shared>>
        %dma_wait3A_155 = arith.constant 0 : i32
        %dma_wait3A_156 = tpu.memref_slice %arg10[%add3A_142, %dma_wait3A_155] : memref<16x2048xi32, #tpu.memory_space<vmem_shared>> -> memref<1x2048xi32, #tpu.memory_space<vmem_shared>>
        %dma_wait3A_157 = tpu.memref_squeeze %dma_wait3A_156 : memref<1x2048xi32, #tpu.memory_space<vmem_shared>> -> memref<2048xi32, #tpu.memory_space<vmem_shared>>
        tpu.wait_dma2 semaphore(%run_scoped3A : memref<!tpu.dma_semaphore, #tpu.memory_space<semaphore_mem>>) src(%dma_wait3A_157 : memref<2048xi32, #tpu.memory_space<vmem_shared>>) dst(%arg7 : memref<2048xi32, #tpu.memory_space<vmem>>)
        tpu.yield
      }) : () -> ()
      %parallel_loop3A_143 = arith.constant 0 : i32
      %parallel_loop3A_144 = arith.constant 2048 : i32
      %parallel_loop3A_145 = arith.constant 16 : i32
      scf.for %parallel_loop3A_146 = %parallel_loop3A_143 to %parallel_loop3A_144 step %parallel_loop3A_145  : i32 {
        %parallel_loop3A_147 = arith.index_cast %parallel_loop3A_146 : i32 to index
        %parallel_loop3A_148 = tpu.vector_load %arg6[%parallel_loop3A_147] {strides = array<i32>} : memref<2048xi32, #tpu.memory_space<vmem>>, vector<16xi32>,
        %parallel_loop3A_149 = arith.index_cast %parallel_loop3A_146 : i32 to index
        %parallel_loop3A_150 = tpu.vector_load %arg7[%parallel_loop3A_149] {strides = array<i32>} : memref<2048xi32, #tpu.memory_space<vmem>>, vector<16xi32>,
        %parallel_loop3A_151 = arith.addi %parallel_loop3A_148, %parallel_loop3A_150 : vector<16xi32>
        %parallel_loop3A_152 = arith.index_cast %parallel_loop3A_146 : i32 to index
        %parallel_loop3A_153 = tpu.vector_load %arg6[%parallel_loop3A_152] {strides = array<i32>} : memref<2048xi32, #tpu.memory_space<vmem>>, vector<16xi32>,
        tpu.vector_store %arg6[%parallel_loop3A_152], %parallel_loop3A_151 {strides = array<i32>} : memref<2048xi32, #tpu.memory_space<vmem>>, vector<16xi32>,
      } {sc.loop_unroll_factor = 4 : i64, sc.parallel_access}
      "tpu.region"() ({
        %run_scoped3A = tpu.sem_alloc : memref<!tpu.dma_semaphore, #tpu.memory_space<semaphore_mem>>
        %dma_start3A_146 = arith.constant 0 : i32
        %dma_start3A_147 = tpu.memref_slice %arg10[%arg1, %dma_start3A_146] : memref<16x2048xi32, #tpu.memory_space<vmem_shared>> -> memref<1x2048xi32, #tpu.memory_space<vmem_shared>>
        %dma_start3A_148 = tpu.memref_squeeze %dma_start3A_147 : memref<1x2048xi32, #tpu.memory_space<vmem_shared>> -> memref<2048xi32, #tpu.memory_space<vmem_shared>>
        %dma_start3A_149 = arith.constant 0 : i32
        %dma_start3A_150 = tpu.memref_slice %arg10[%arg1, %dma_start3A_149] : memref<16x2048xi32, #tpu.memory_space<vmem_shared>> -> memref<1x2048xi32, #tpu.memory_space<vmem_shared>>
        %dma_start3A_151 = tpu.memref_squeeze %dma_start3A_150 : memref<1x2048xi32, #tpu.memory_space<vmem_shared>> -> memref<2048xi32, #tpu.memory_space<vmem_shared>>
        tpu.enqueue_dma source(%arg6 : memref<2048xi32, #tpu.memory_space<vmem>>) target(%dma_start3A_151 : memref<2048xi32, #tpu.memory_space<vmem_shared>>) target_semaphore(%run_scoped3A : memref<!tpu.dma_semaphore, #tpu.memory_space<semaphore_mem>>)
        %dma_wait3A_152 = arith.constant 0 : i32
        %dma_wait3A_153 = tpu.memref_slice %arg10[%arg1, %dma_wait3A_152] : memref<16x2048xi32, #tpu.memory_space<vmem_shared>> -> memref<1x2048xi32, #tpu.memory_space<vmem_shared>>
        %dma_wait3A_154 = tpu.memref_squeeze %dma_wait3A_153 : memref<1x2048xi32, #tpu.memory_space<vmem_shared>> -> memref<2048xi32, #tpu.memory_space<vmem_shared>>
        %dma_wait3A_155 = arith.constant 0 : i32
        %dma_wait3A_156 = tpu.memref_slice %arg10[%arg1, %dma_wait3A_155] : memref<16x2048xi32, #tpu.memory_space<vmem_shared>> -> memref<1x2048xi32, #tpu.memory_space<vmem_shared>>
        %dma_wait3A_157 = tpu.memref_squeeze %dma_wait3A_156 : memref<1x2048xi32, #tpu.memory_space<vmem_shared>> -> memref<2048xi32, #tpu.memory_space<vmem_shared>>
        tpu.wait_dma2 semaphore(%run_scoped3A : memref<!tpu.dma_semaphore, #tpu.memory_space<semaphore_mem>>) src(%arg6 : memref<2048xi32, #tpu.memory_space<vmem>>) dst(%dma_wait3A_157 : memref<2048xi32, #tpu.memory_space<vmem_shared>>)
        tpu.yield
      }) : () -> ()
    } else {
    }
    %barrier3A_130 = arith.constant 0 : index
    tpu.barrier barrier_id(%barrier3A_130)
    %lt3A_131 = arith.constant 1 : i32
    %lt3A_132 = arith.cmpi slt, %arg1, %lt3A_131 : i32
    %convert_element_type3A_133 = arith.extui %lt3A_132 : i1 to i32
    %cond3A_134 = arith.constant 0 : i32
    %cond3A_135 = arith.cmpi ne, %convert_element_type3A_133, %cond3A_134 : i32
    scf.if %cond3A_135 {
      %add3A_141 = arith.constant 1 : i32
      %add3A_142 = arith.addi %arg1, %add3A_141 : i32
      "tpu.region"() ({
        %run_scoped3A = tpu.sem_alloc : memref<!tpu.dma_semaphore, #tpu.memory_space<semaphore_mem>>
        %dma_start3A_146 = arith.constant 0 : i32
        %dma_start3A_147 = tpu.memref_slice %arg10[%add3A_142, %dma_start3A_146] : memref<16x2048xi32, #tpu.memory_space<vmem_shared>> -> memref<1x2048xi32, #tpu.memory_space<vmem_shared>>
        %dma_start3A_148 = tpu.memref_squeeze %dma_start3A_147 : memref<1x2048xi32, #tpu.memory_space<vmem_shared>> -> memref<2048xi32, #tpu.memory_space<vmem_shared>>
        %dma_start3A_149 = arith.constant 0 : i32
        %dma_start3A_150 = tpu.memref_slice %arg10[%add3A_142, %dma_start3A_149] : memref<16x2048xi32, #tpu.memory_space<vmem_shared>> -> memref<1x2048xi32, #tpu.memory_space<vmem_shared>>
        %dma_start3A_151 = tpu.memref_squeeze %dma_start3A_150 : memref<1x2048xi32, #tpu.memory_space<vmem_shared>> -> memref<2048xi32, #tpu.memory_space<vmem_shared>>
        tpu.enqueue_dma source(%dma_start3A_151 : memref<2048xi32, #tpu.memory_space<vmem_shared>>) target(%arg7 : memref<2048xi32, #tpu.memory_space<vmem>>) target_semaphore(%run_scoped3A : memref<!tpu.dma_semaphore, #tpu.memory_space<semaphore_mem>>)
        %dma_wait3A_152 = arith.constant 0 : i32
        %dma_wait3A_153 = tpu.memref_slice %arg10[%add3A_142, %dma_wait3A_152] : memref<16x2048xi32, #tpu.memory_space<vmem_shared>> -> memref<1x2048xi32, #tpu.memory_space<vmem_shared>>
        %dma_wait3A_154 = tpu.memref_squeeze %dma_wait3A_153 : memref<1x2048xi32, #tpu.memory_space<vmem_shared>> -> memref<2048xi32, #tpu.memory_space<vmem_shared>>
        %dma_wait3A_155 = arith.constant 0 : i32
        %dma_wait3A_156 = tpu.memref_slice %arg10[%add3A_142, %dma_wait3A_155] : memref<16x2048xi32, #tpu.memory_space<vmem_shared>> -> memref<1x2048xi32, #tpu.memory_space<vmem_shared>>
        %dma_wait3A_157 = tpu.memref_squeeze %dma_wait3A_156 : memref<1x2048xi32, #tpu.memory_space<vmem_shared>> -> memref<2048xi32, #tpu.memory_space<vmem_shared>>
        tpu.wait_dma2 semaphore(%run_scoped3A : memref<!tpu.dma_semaphore, #tpu.memory_space<semaphore_mem>>) src(%dma_wait3A_157 : memref<2048xi32, #tpu.memory_space<vmem_shared>>) dst(%arg7 : memref<2048xi32, #tpu.memory_space<vmem>>)
        tpu.yield
      }) : () -> ()
      %parallel_loop3A_143 = arith.constant 0 : i32
      %parallel_loop3A_144 = arith.constant 2048 : i32
      %parallel_loop3A_145 = arith.constant 16 : i32
      scf.for %parallel_loop3A_146 = %parallel_loop3A_143 to %parallel_loop3A_144 step %parallel_loop3A_145  : i32 {
        %parallel_loop3A_147 = arith.index_cast %parallel_loop3A_146 : i32 to index
        %parallel_loop3A_148 = tpu.vector_load %arg6[%parallel_loop3A_147] {strides = array<i32>} : memref<2048xi32, #tpu.memory_space<vmem>>, vector<16xi32>,
        %parallel_loop3A_149 = arith.index_cast %parallel_loop3A_146 : i32 to index
        %parallel_loop3A_150 = tpu.vector_load %arg7[%parallel_loop3A_149] {strides = array<i32>} : memref<2048xi32, #tpu.memory_space<vmem>>, vector<16xi32>,
        %parallel_loop3A_151 = arith.addi %parallel_loop3A_148, %parallel_loop3A_150 : vector<16xi32>
        %parallel_loop3A_152 = arith.index_cast %parallel_loop3A_146 : i32 to index
        %parallel_loop3A_153 = tpu.vector_load %arg6[%parallel_loop3A_152] {strides = array<i32>} : memref<2048xi32, #tpu.memory_space<vmem>>, vector<16xi32>,
        tpu.vector_store %arg6[%parallel_loop3A_152], %parallel_loop3A_151 {strides = array<i32>} : memref<2048xi32, #tpu.memory_space<vmem>>, vector<16xi32>,
      } {sc.loop_unroll_factor = 4 : i64, sc.parallel_access}
      "tpu.region"() ({
        %run_scoped3A = tpu.sem_alloc : memref<!tpu.dma_semaphore, #tpu.memory_space<semaphore_mem>>
        %dma_start3A_146 = arith.constant 0 : i32
        %dma_start3A_147 = tpu.memref_slice %arg10[%arg1, %dma_start3A_146] : memref<16x2048xi32, #tpu.memory_space<vmem_shared>> -> memref<1x2048xi32, #tpu.memory_space<vmem_shared>>
        %dma_start3A_148 = tpu.memref_squeeze %dma_start3A_147 : memref<1x2048xi32, #tpu.memory_space<vmem_shared>> -> memref<2048xi32, #tpu.memory_space<vmem_shared>>
        %dma_start3A_149 = arith.constant 0 : i32
        %dma_start3A_150 = tpu.memref_slice %arg10[%arg1, %dma_start3A_149] : memref<16x2048xi32, #tpu.memory_space<vmem_shared>> -> memref<1x2048xi32, #tpu.memory_space<vmem_shared>>
        %dma_start3A_151 = tpu.memref_squeeze %dma_start3A_150 : memref<1x2048xi32, #tpu.memory_space<vmem_shared>> -> memref<2048xi32, #tpu.memory_space<vmem_shared>>
        tpu.enqueue_dma source(%arg6 : memref<2048xi32, #tpu.memory_space<vmem>>) target(%dma_start3A_151 : memref<2048xi32, #tpu.memory_space<vmem_shared>>) target_semaphore(%run_scoped3A : memref<!tpu.dma_semaphore, #tpu.memory_space<semaphore_mem>>)
        %dma_wait3A_152 = arith.constant 0 : i32
        %dma_wait3A_153 = tpu.memref_slice %arg10[%arg1, %dma_wait3A_152] : memref<16x2048xi32, #tpu.memory_space<vmem_shared>> -> memref<1x2048xi32, #tpu.memory_space<vmem_shared>>
        %dma_wait3A_154 = tpu.memref_squeeze %dma_wait3A_153 : memref<1x2048xi32, #tpu.memory_space<vmem_shared>> -> memref<2048xi32, #tpu.memory_space<vmem_shared>>
        %dma_wait3A_155 = arith.constant 0 : i32
        %dma_wait3A_156 = tpu.memref_slice %arg10[%arg1, %dma_wait3A_155] : memref<16x2048xi32, #tpu.memory_space<vmem_shared>> -> memref<1x2048xi32, #tpu.memory_space<vmem_shared>>
        %dma_wait3A_157 = tpu.memref_squeeze %dma_wait3A_156 : memref<1x2048xi32, #tpu.memory_space<vmem_shared>> -> memref<2048xi32, #tpu.memory_space<vmem_shared>>
        tpu.wait_dma2 semaphore(%run_scoped3A : memref<!tpu.dma_semaphore, #tpu.memory_space<semaphore_mem>>) src(%arg6 : memref<2048xi32, #tpu.memory_space<vmem>>) dst(%dma_wait3A_157 : memref<2048xi32, #tpu.memory_space<vmem_shared>>)
        tpu.yield
      }) : () -> ()
    } else {
    }
    %barrier3A_136 = arith.constant 0 : index
    tpu.barrier barrier_id(%barrier3A_136)
    %eq3A = arith.constant 0 : i32
    %eq3A_137 = arith.cmpi eq, %arg1, %eq3A : i32
    %convert_element_type3A_138 = arith.extui %eq3A_137 : i1 to i32
    %cond3A_139 = arith.constant 0 : i32
    %cond3A_140 = arith.cmpi ne, %convert_element_type3A_138, %cond3A_139 : i32
    scf.if %cond3A_140 {
      "tpu.region"() ({
        %run_scoped3A = tpu.sem_alloc : memref<!tpu.dma_semaphore, #tpu.memory_space<semaphore_mem>>
        %dma_start3A_141 = arith.constant 0 : i32
        %dma_start3A_142 = tpu.memref_slice %arg4[%arg0, %dma_start3A_141] : memref<2x2048xi32, #tpu.memory_space<hbm>> -> memref<1x2048xi32, #tpu.memory_space<hbm>>
        %dma_start3A_143 = tpu.memref_squeeze %dma_start3A_142 : memref<1x2048xi32, #tpu.memory_space<hbm>> -> memref<2048xi32, #tpu.memory_space<hbm>>
        %dma_start3A_144 = arith.constant 0 : i32
        %dma_start3A_145 = tpu.memref_slice %arg4[%arg0, %dma_start3A_144] : memref<2x2048xi32, #tpu.memory_space<hbm>> -> memref<1x2048xi32, #tpu.memory_space<hbm>>
        %dma_start3A_146 = tpu.memref_squeeze %dma_start3A_145 : memref<1x2048xi32, #tpu.memory_space<hbm>> -> memref<2048xi32, #tpu.memory_space<hbm>>
        tpu.enqueue_dma source(%arg6 : memref<2048xi32, #tpu.memory_space<vmem>>) target(%dma_start3A_146 : memref<2048xi32, #tpu.memory_space<hbm>>) target_semaphore(%run_scoped3A : memref<!tpu.dma_semaphore, #tpu.memory_space<semaphore_mem>>)
        %dma_wait3A_147 = arith.constant 0 : i32
        %dma_wait3A_148 = tpu.memref_slice %arg4[%arg0, %dma_wait3A_147] : memref<2x2048xi32, #tpu.memory_space<hbm>> -> memref<1x2048xi32, #tpu.memory_space<hbm>>
        %dma_wait3A_149 = tpu.memref_squeeze %dma_wait3A_148 : memref<1x2048xi32, #tpu.memory_space<hbm>> -> memref<2048xi32, #tpu.memory_space<hbm>>
        %dma_wait3A_150 = arith.constant 0 : i32
        %dma_wait3A_151 = tpu.memref_slice %arg4[%arg0, %dma_wait3A_150] : memref<2x2048xi32, #tpu.memory_space<hbm>> -> memref<1x2048xi32, #tpu.memory_space<hbm>>
        %dma_wait3A_152 = tpu.memref_squeeze %dma_wait3A_151 : memref<1x2048xi32, #tpu.memory_space<hbm>> -> memref<2048xi32, #tpu.memory_space<hbm>>
        tpu.wait_dma2 semaphore(%run_scoped3A : memref<!tpu.dma_semaphore, #tpu.memory_space<semaphore_mem>>) src(%arg6 : memref<2048xi32, #tpu.memory_space<vmem>>) dst(%dma_wait3A_152 : memref<2048xi32, #tpu.memory_space<hbm>>)
        tpu.yield
      }) : () -> ()
    } else {
    }
    return
  }
}

#map = affine_map<(d0, d1) -> (0, 0)>
#map1 = affine_map<(d0, d1) -> (0)>
module attributes {stable_mosaic.version = 14 : i64} {
  func.func @sc_pass(%arg0: i32, %arg1: i32, %arg2: memref<128x32768xf32, #tpu.memory_space<hbm>>, %arg3: memref<2x1024xi32, #tpu.memory_space<hbm>>, %arg4: memref<4194304xi32, #tpu.memory_space<hbm>>, %arg5: memref<1024xi32, #tpu.memory_space<vmem>>, %arg6: memref<1024xi32, #tpu.memory_space<vmem>>, %arg7: memref<16384xf32, #tpu.memory_space<vmem>>, %arg8: memref<16384xf32, #tpu.memory_space<vmem>>, %arg9: memref<16x1024xi32, #tpu.memory_space<vmem_shared>>, %arg10: memref<!tpu.dma_semaphore, #tpu.memory_space<semaphore_mem>>, %arg11: memref<!tpu.dma_semaphore, #tpu.memory_space<semaphore_mem>>, %arg12: memref<16384xi32, #tpu.memory_space<vmem>>, %arg13: memref<16384xi32, #tpu.memory_space<vmem>>, %arg14: memref<!tpu.dma_semaphore, #tpu.memory_space<semaphore_mem>>, %arg15: memref<!tpu.dma_semaphore, #tpu.memory_space<semaphore_mem>>) attributes {dimension_semantics = [#tpu.dimension_semantics<core_parallel>, #tpu.dimension_semantics<subcore_parallel>], iteration_bounds = array<i64: 2, 16>, scalar_prefetch = 0 : i64, scratch_operands = 11 : i64, tpu.core_type = #tpu.core_type<sc_vector_subcore>, window_params = [{transform_indices = #map}, {transform_indices = #map}, {transform_indices = #map1}]} {
    %broadcast_in_dim3A = arith.constant 0 : i32
    %broadcast_in_dim3A_0 = vector.broadcast %broadcast_in_dim3A : i32 to vector<16xi32>
    %mul3A = arith.constant 16 : i32
    %mul3A_1 = arith.muli %arg0, %mul3A : i32
    %add3A = arith.addi %mul3A_1, %arg1 : i32
    %mul3A_2 = arith.constant 131072 : i32
    %mul3A_3 = arith.muli %add3A, %mul3A_2 : i32
    %mul3A_4 = arith.constant 4 : i32
    %mul3A_5 = arith.muli %add3A, %mul3A_4 : i32
    %add3A_6 = arith.constant 0 : i32
    %add3A_7 = arith.addi %mul3A_5, %add3A_6 : i32
    %dma_start3A = arith.constant 0 : i32
    %dma_start3A_8 = tpu.memref_slice %arg2[%add3A_7, %dma_start3A] : memref<128x32768xf32, #tpu.memory_space<hbm>> -> memref<1x32768xf32, #tpu.memory_space<hbm>>
    %dma_start3A_9 = tpu.memref_squeeze %dma_start3A_8 : memref<1x32768xf32, #tpu.memory_space<hbm>> -> memref<32768xf32, #tpu.memory_space<hbm>>
    %dma_start3A_10 = arith.constant 0 : i32
    %dma_start3A_11 = tpu.memref_slice %dma_start3A_9[%dma_start3A_10] : memref<32768xf32, #tpu.memory_space<hbm>> -> memref<16384xf32, #tpu.memory_space<hbm>>
    %dma_start3A_12 = arith.constant 0 : i32
    %dma_start3A_13 = tpu.memref_slice %arg2[%add3A_7, %dma_start3A_12] : memref<128x32768xf32, #tpu.memory_space<hbm>> -> memref<1x32768xf32, #tpu.memory_space<hbm>>
    %dma_start3A_14 = tpu.memref_squeeze %dma_start3A_13 : memref<1x32768xf32, #tpu.memory_space<hbm>> -> memref<32768xf32, #tpu.memory_space<hbm>>
    %dma_start3A_15 = arith.constant 0 : i32
    %dma_start3A_16 = tpu.memref_slice %dma_start3A_14[%dma_start3A_15] : memref<32768xf32, #tpu.memory_space<hbm>> -> memref<16384xf32, #tpu.memory_space<hbm>>
    tpu.enqueue_dma source(%dma_start3A_16 : memref<16384xf32, #tpu.memory_space<hbm>>) target(%arg7 : memref<16384xf32, #tpu.memory_space<vmem>>) target_semaphore(%arg10 : memref<!tpu.dma_semaphore, #tpu.memory_space<semaphore_mem>>)
    %mul3A_17 = arith.constant 4 : i32
    %mul3A_18 = arith.muli %add3A, %mul3A_17 : i32
    %add3A_19 = arith.constant 0 : i32
    %add3A_20 = arith.addi %mul3A_18, %add3A_19 : i32
    %dma_start3A_21 = arith.constant 0 : i32
    %dma_start3A_22 = tpu.memref_slice %arg2[%add3A_20, %dma_start3A_21] : memref<128x32768xf32, #tpu.memory_space<hbm>> -> memref<1x32768xf32, #tpu.memory_space<hbm>>
    %dma_start3A_23 = tpu.memref_squeeze %dma_start3A_22 : memref<1x32768xf32, #tpu.memory_space<hbm>> -> memref<32768xf32, #tpu.memory_space<hbm>>
    %dma_start3A_24 = arith.constant 16384 : i32
    %dma_start3A_25 = tpu.memref_slice %dma_start3A_23[%dma_start3A_24] : memref<32768xf32, #tpu.memory_space<hbm>> -> memref<16384xf32, #tpu.memory_space<hbm>>
    %dma_start3A_26 = arith.constant 0 : i32
    %dma_start3A_27 = tpu.memref_slice %arg2[%add3A_20, %dma_start3A_26] : memref<128x32768xf32, #tpu.memory_space<hbm>> -> memref<1x32768xf32, #tpu.memory_space<hbm>>
    %dma_start3A_28 = tpu.memref_squeeze %dma_start3A_27 : memref<1x32768xf32, #tpu.memory_space<hbm>> -> memref<32768xf32, #tpu.memory_space<hbm>>
    %dma_start3A_29 = arith.constant 16384 : i32
    %dma_start3A_30 = tpu.memref_slice %dma_start3A_28[%dma_start3A_29] : memref<32768xf32, #tpu.memory_space<hbm>> -> memref<16384xf32, #tpu.memory_space<hbm>>
    tpu.enqueue_dma source(%dma_start3A_30 : memref<16384xf32, #tpu.memory_space<hbm>>) target(%arg8 : memref<16384xf32, #tpu.memory_space<vmem>>) target_semaphore(%arg11 : memref<!tpu.dma_semaphore, #tpu.memory_space<semaphore_mem>>)
    %scan3A = arith.constant 0 : i32
    %scan3A_31 = arith.constant 0 : i32
    %scan3A_32 = arith.constant 64 : i32
    %scan3A_33 = arith.addi %scan3A_31, %scan3A_32 : i32
    %scan3A_34 = arith.constant 1 : i32
    %scan3A_35 = scf.for %scan3A_331 = %scan3A_31 to %scan3A_33 step %scan3A_34 iter_args(%scan3A_332 = %scan3A) -> (i32)  : i32 {
      %mul3A_333 = arith.constant 16 : i32
      %mul3A_334 = arith.muli %scan3A_331, %mul3A_333 : i32
      %swap3A = arith.index_cast %mul3A_334 : i32 to index
      %swap3A_335 = tpu.vector_load %arg5[%swap3A] {strides = array<i32>} : memref<1024xi32, #tpu.memory_space<vmem>>, vector<16xi32>,
      tpu.vector_store %arg5[%swap3A], %broadcast_in_dim3A_0 {strides = array<i32>} : memref<1024xi32, #tpu.memory_space<vmem>>, vector<16xi32>,
      %scan3A_336 = arith.constant 0 : i32
      scf.yield %scan3A_336 : i32
    }
    %scan3A_36 = arith.constant 64 : i32
    %add3A_37 = arith.constant 1 : i32
    %add3A_38 = vector.broadcast %add3A_37 : i32 to vector<16xi32>
    %add3A_39 = arith.addi %broadcast_in_dim3A_0, %add3A_38 : vector<16xi32>
    %mul3A_40 = arith.constant 4 : i32
    %mul3A_41 = arith.muli %add3A, %mul3A_40 : i32
    %add3A_42 = arith.constant 0 : i32
    %add3A_43 = arith.addi %mul3A_41, %add3A_42 : i32
    %dma_wait3A = arith.constant 0 : i32
    %dma_wait3A_44 = tpu.memref_slice %arg2[%add3A_43, %dma_wait3A] : memref<128x32768xf32, #tpu.memory_space<hbm>> -> memref<1x32768xf32, #tpu.memory_space<hbm>>
    %dma_wait3A_45 = tpu.memref_squeeze %dma_wait3A_44 : memref<1x32768xf32, #tpu.memory_space<hbm>> -> memref<32768xf32, #tpu.memory_space<hbm>>
    %dma_wait3A_46 = arith.constant 0 : i32
    %dma_wait3A_47 = tpu.memref_slice %dma_wait3A_45[%dma_wait3A_46] : memref<32768xf32, #tpu.memory_space<hbm>> -> memref<16384xf32, #tpu.memory_space<hbm>>
    %dma_wait3A_48 = arith.constant 0 : i32
    %dma_wait3A_49 = tpu.memref_slice %arg2[%add3A_43, %dma_wait3A_48] : memref<128x32768xf32, #tpu.memory_space<hbm>> -> memref<1x32768xf32, #tpu.memory_space<hbm>>
    %dma_wait3A_50 = tpu.memref_squeeze %dma_wait3A_49 : memref<1x32768xf32, #tpu.memory_space<hbm>> -> memref<32768xf32, #tpu.memory_space<hbm>>
    %dma_wait3A_51 = arith.constant 0 : i32
    %dma_wait3A_52 = tpu.memref_slice %dma_wait3A_50[%dma_wait3A_51] : memref<32768xf32, #tpu.memory_space<hbm>> -> memref<16384xf32, #tpu.memory_space<hbm>>
    tpu.wait_dma2 semaphore(%arg10 : memref<!tpu.dma_semaphore, #tpu.memory_space<semaphore_mem>>) src(%dma_wait3A_52 : memref<16384xf32, #tpu.memory_space<hbm>>) dst(%arg7 : memref<16384xf32, #tpu.memory_space<vmem>>)
    %parallel_loop3A = arith.constant 0 : i32
    %parallel_loop3A_53 = arith.constant 16384 : i32
    %parallel_loop3A_54 = arith.constant 16 : i32
    scf.for %parallel_loop3A_331 = %parallel_loop3A to %parallel_loop3A_53 step %parallel_loop3A_54  : i32 {
      %parallel_loop3A_332 = arith.index_cast %parallel_loop3A_331 : i32 to index
      %parallel_loop3A_333 = tpu.vector_load %arg7[%parallel_loop3A_332] {strides = array<i32>} : memref<16384xf32, #tpu.memory_space<vmem>>, vector<16xf32>,
      %parallel_loop3A_334 = vector.bitcast %parallel_loop3A_333 : vector<16xf32> to vector<16xi32>
      %parallel_loop3A_335 = arith.constant 31 : i32
      %parallel_loop3A_336 = vector.broadcast %parallel_loop3A_335 : i32 to vector<16xi32>
      %parallel_loop3A_337 = arith.shrsi %parallel_loop3A_334, %parallel_loop3A_336 : vector<16xi32>
      %parallel_loop3A_338 = arith.constant 2147483647 : i32
      %parallel_loop3A_339 = vector.broadcast %parallel_loop3A_338 : i32 to vector<16xi32>
      %parallel_loop3A_340 = arith.andi %parallel_loop3A_337, %parallel_loop3A_339 : vector<16xi32>
      %parallel_loop3A_341 = arith.xori %parallel_loop3A_334, %parallel_loop3A_340 : vector<16xi32>
      %parallel_loop3A_342 = arith.index_cast %parallel_loop3A_331 : i32 to index
      %parallel_loop3A_343 = tpu.vector_load %arg12[%parallel_loop3A_342] {strides = array<i32>} : memref<16384xi32, #tpu.memory_space<vmem>>, vector<16xi32>,
      tpu.vector_store %arg12[%parallel_loop3A_342], %parallel_loop3A_341 {strides = array<i32>} : memref<16384xi32, #tpu.memory_space<vmem>>, vector<16xi32>,
      %parallel_loop3A_344 = arith.constant 22 : i32
      %parallel_loop3A_345 = vector.broadcast %parallel_loop3A_344 : i32 to vector<16xi32>
      %parallel_loop3A_346 = arith.shrsi %parallel_loop3A_341, %parallel_loop3A_345 : vector<16xi32>
      %parallel_loop3A_347 = arith.constant 1023 : i32
      %parallel_loop3A_348 = vector.broadcast %parallel_loop3A_347 : i32 to vector<16xi32>
      %parallel_loop3A_349 = arith.andi %parallel_loop3A_346, %parallel_loop3A_348 : vector<16xi32>
      %parallel_loop3A_350 = arith.constant 512 : i32
      %parallel_loop3A_351 = vector.broadcast %parallel_loop3A_350 : i32 to vector<16xi32>
      %parallel_loop3A_352 = arith.xori %parallel_loop3A_349, %parallel_loop3A_351 : vector<16xi32>
      tpu.vector_store_idx %arg5[%parallel_loop3A_352], %add3A_39 {add = true} : memref<1024xi32, #tpu.memory_space<vmem>>[vector<16xi32>], vector<16xi32>,
    } {sc.loop_unroll_factor = 4 : i64, sc.parallel_access}
    %add3A_55 = arith.constant 0 : i32
    %add3A_56 = arith.addi %mul3A_3, %add3A_55 : i32
    %dma_start3A_57 = tpu.memref_slice %arg4[%add3A_56] : memref<4194304xi32, #tpu.memory_space<hbm>> -> memref<16384xi32, #tpu.memory_space<hbm>>
    %dma_start3A_58 = tpu.memref_slice %arg4[%add3A_56] : memref<4194304xi32, #tpu.memory_space<hbm>> -> memref<16384xi32, #tpu.memory_space<hbm>>
    tpu.enqueue_dma source(%arg12 : memref<16384xi32, #tpu.memory_space<vmem>>) target(%dma_start3A_58 : memref<16384xi32, #tpu.memory_space<hbm>>) target_semaphore(%arg14 : memref<!tpu.dma_semaphore, #tpu.memory_space<semaphore_mem>>)
    %mul3A_59 = arith.constant 4 : i32
    %mul3A_60 = arith.muli %add3A, %mul3A_59 : i32
    %add3A_61 = arith.constant 1 : i32
    %add3A_62 = arith.addi %mul3A_60, %add3A_61 : i32
    %dma_start3A_63 = arith.constant 0 : i32
    %dma_start3A_64 = tpu.memref_slice %arg2[%add3A_62, %dma_start3A_63] : memref<128x32768xf32, #tpu.memory_space<hbm>> -> memref<1x32768xf32, #tpu.memory_space<hbm>>
    %dma_start3A_65 = tpu.memref_squeeze %dma_start3A_64 : memref<1x32768xf32, #tpu.memory_space<hbm>> -> memref<32768xf32, #tpu.memory_space<hbm>>
    %dma_start3A_66 = arith.constant 0 : i32
    %dma_start3A_67 = tpu.memref_slice %dma_start3A_65[%dma_start3A_66] : memref<32768xf32, #tpu.memory_space<hbm>> -> memref<16384xf32, #tpu.memory_space<hbm>>
    %dma_start3A_68 = arith.constant 0 : i32
    %dma_start3A_69 = tpu.memref_slice %arg2[%add3A_62, %dma_start3A_68] : memref<128x32768xf32, #tpu.memory_space<hbm>> -> memref<1x32768xf32, #tpu.memory_space<hbm>>
    %dma_start3A_70 = tpu.memref_squeeze %dma_start3A_69 : memref<1x32768xf32, #tpu.memory_space<hbm>> -> memref<32768xf32, #tpu.memory_space<hbm>>
    %dma_start3A_71 = arith.constant 0 : i32
    %dma_start3A_72 = tpu.memref_slice %dma_start3A_70[%dma_start3A_71] : memref<32768xf32, #tpu.memory_space<hbm>> -> memref<16384xf32, #tpu.memory_space<hbm>>
    tpu.enqueue_dma source(%dma_start3A_72 : memref<16384xf32, #tpu.memory_space<hbm>>) target(%arg7 : memref<16384xf32, #tpu.memory_space<vmem>>) target_semaphore(%arg10 : memref<!tpu.dma_semaphore, #tpu.memory_space<semaphore_mem>>)
    %mul3A_73 = arith.constant 4 : i32
    %mul3A_74 = arith.muli %add3A, %mul3A_73 : i32
    %add3A_75 = arith.constant 0 : i32
    %add3A_76 = arith.addi %mul3A_74, %add3A_75 : i32
    %dma_wait3A_77 = arith.constant 0 : i32
    %dma_wait3A_78 = tpu.memref_slice %arg2[%add3A_76, %dma_wait3A_77] : memref<128x32768xf32, #tpu.memory_space<hbm>> -> memref<1x32768xf32, #tpu.memory_space<hbm>>
    %dma_wait3A_79 = tpu.memref_squeeze %dma_wait3A_78 : memref<1x32768xf32, #tpu.memory_space<hbm>> -> memref<32768xf32, #tpu.memory_space<hbm>>
    %dma_wait3A_80 = arith.constant 16384 : i32
    %dma_wait3A_81 = tpu.memref_slice %dma_wait3A_79[%dma_wait3A_80] : memref<32768xf32, #tpu.memory_space<hbm>> -> memref<16384xf32, #tpu.memory_space<hbm>>
    %dma_wait3A_82 = arith.constant 0 : i32
    %dma_wait3A_83 = tpu.memref_slice %arg2[%add3A_76, %dma_wait3A_82] : memref<128x32768xf32, #tpu.memory_space<hbm>> -> memref<1x32768xf32, #tpu.memory_space<hbm>>
    %dma_wait3A_84 = tpu.memref_squeeze %dma_wait3A_83 : memref<1x32768xf32, #tpu.memory_space<hbm>> -> memref<32768xf32, #tpu.memory_space<hbm>>
    %dma_wait3A_85 = arith.constant 16384 : i32
    %dma_wait3A_86 = tpu.memref_slice %dma_wait3A_84[%dma_wait3A_85] : memref<32768xf32, #tpu.memory_space<hbm>> -> memref<16384xf32, #tpu.memory_space<hbm>>
    tpu.wait_dma2 semaphore(%arg11 : memref<!tpu.dma_semaphore, #tpu.memory_space<semaphore_mem>>) src(%dma_wait3A_86 : memref<16384xf32, #tpu.memory_space<hbm>>) dst(%arg8 : memref<16384xf32, #tpu.memory_space<vmem>>)
    %parallel_loop3A_87 = arith.constant 0 : i32
    %parallel_loop3A_88 = arith.constant 16384 : i32
    %parallel_loop3A_89 = arith.constant 16 : i32
    scf.for %parallel_loop3A_331 = %parallel_loop3A_87 to %parallel_loop3A_88 step %parallel_loop3A_89  : i32 {
      %parallel_loop3A_332 = arith.index_cast %parallel_loop3A_331 : i32 to index
      %parallel_loop3A_333 = tpu.vector_load %arg8[%parallel_loop3A_332] {strides = array<i32>} : memref<16384xf32, #tpu.memory_space<vmem>>, vector<16xf32>,
      %parallel_loop3A_334 = vector.bitcast %parallel_loop3A_333 : vector<16xf32> to vector<16xi32>
      %parallel_loop3A_335 = arith.constant 31 : i32
      %parallel_loop3A_336 = vector.broadcast %parallel_loop3A_335 : i32 to vector<16xi32>
      %parallel_loop3A_337 = arith.shrsi %parallel_loop3A_334, %parallel_loop3A_336 : vector<16xi32>
      %parallel_loop3A_338 = arith.constant 2147483647 : i32
      %parallel_loop3A_339 = vector.broadcast %parallel_loop3A_338 : i32 to vector<16xi32>
      %parallel_loop3A_340 = arith.andi %parallel_loop3A_337, %parallel_loop3A_339 : vector<16xi32>
      %parallel_loop3A_341 = arith.xori %parallel_loop3A_334, %parallel_loop3A_340 : vector<16xi32>
      %parallel_loop3A_342 = arith.index_cast %parallel_loop3A_331 : i32 to index
      %parallel_loop3A_343 = tpu.vector_load %arg13[%parallel_loop3A_342] {strides = array<i32>} : memref<16384xi32, #tpu.memory_space<vmem>>, vector<16xi32>,
      tpu.vector_store %arg13[%parallel_loop3A_342], %parallel_loop3A_341 {strides = array<i32>} : memref<16384xi32, #tpu.memory_space<vmem>>, vector<16xi32>,
      %parallel_loop3A_344 = arith.constant 22 : i32
      %parallel_loop3A_345 = vector.broadcast %parallel_loop3A_344 : i32 to vector<16xi32>
      %parallel_loop3A_346 = arith.shrsi %parallel_loop3A_341, %parallel_loop3A_345 : vector<16xi32>
      %parallel_loop3A_347 = arith.constant 1023 : i32
      %parallel_loop3A_348 = vector.broadcast %parallel_loop3A_347 : i32 to vector<16xi32>
      %parallel_loop3A_349 = arith.andi %parallel_loop3A_346, %parallel_loop3A_348 : vector<16xi32>
      %parallel_loop3A_350 = arith.constant 512 : i32
      %parallel_loop3A_351 = vector.broadcast %parallel_loop3A_350 : i32 to vector<16xi32>
      %parallel_loop3A_352 = arith.xori %parallel_loop3A_349, %parallel_loop3A_351 : vector<16xi32>
      tpu.vector_store_idx %arg5[%parallel_loop3A_352], %add3A_39 {add = true} : memref<1024xi32, #tpu.memory_space<vmem>>[vector<16xi32>], vector<16xi32>,
    } {sc.loop_unroll_factor = 4 : i64, sc.parallel_access}
    %add3A_90 = arith.constant 16384 : i32
    %add3A_91 = arith.addi %mul3A_3, %add3A_90 : i32
    %dma_start3A_92 = tpu.memref_slice %arg4[%add3A_91] : memref<4194304xi32, #tpu.memory_space<hbm>> -> memref<16384xi32, #tpu.memory_space<hbm>>
    %dma_start3A_93 = tpu.memref_slice %arg4[%add3A_91] : memref<4194304xi32, #tpu.memory_space<hbm>> -> memref<16384xi32, #tpu.memory_space<hbm>>
    tpu.enqueue_dma source(%arg13 : memref<16384xi32, #tpu.memory_space<vmem>>) target(%dma_start3A_93 : memref<16384xi32, #tpu.memory_space<hbm>>) target_semaphore(%arg15 : memref<!tpu.dma_semaphore, #tpu.memory_space<semaphore_mem>>)
    %mul3A_94 = arith.constant 4 : i32
    %mul3A_95 = arith.muli %add3A, %mul3A_94 : i32
    %add3A_96 = arith.constant 1 : i32
    %add3A_97 = arith.addi %mul3A_95, %add3A_96 : i32
    %dma_start3A_98 = arith.constant 0 : i32
    %dma_start3A_99 = tpu.memref_slice %arg2[%add3A_97, %dma_start3A_98] : memref<128x32768xf32, #tpu.memory_space<hbm>> -> memref<1x32768xf32, #tpu.memory_space<hbm>>
    %dma_start3A_100 = tpu.memref_squeeze %dma_start3A_99 : memref<1x32768xf32, #tpu.memory_space<hbm>> -> memref<32768xf32, #tpu.memory_space<hbm>>
    %dma_start3A_101 = arith.constant 16384 : i32
    %dma_start3A_102 = tpu.memref_slice %dma_start3A_100[%dma_start3A_101] : memref<32768xf32, #tpu.memory_space<hbm>> -> memref<16384xf32, #tpu.memory_space<hbm>>
    %dma_start3A_103 = arith.constant 0 : i32
    %dma_start3A_104 = tpu.memref_slice %arg2[%add3A_97, %dma_start3A_103] : memref<128x32768xf32, #tpu.memory_space<hbm>> -> memref<1x32768xf32, #tpu.memory_space<hbm>>
    %dma_start3A_105 = tpu.memref_squeeze %dma_start3A_104 : memref<1x32768xf32, #tpu.memory_space<hbm>> -> memref<32768xf32, #tpu.memory_space<hbm>>
    %dma_start3A_106 = arith.constant 16384 : i32
    %dma_start3A_107 = tpu.memref_slice %dma_start3A_105[%dma_start3A_106] : memref<32768xf32, #tpu.memory_space<hbm>> -> memref<16384xf32, #tpu.memory_space<hbm>>
    tpu.enqueue_dma source(%dma_start3A_107 : memref<16384xf32, #tpu.memory_space<hbm>>) target(%arg8 : memref<16384xf32, #tpu.memory_space<vmem>>) target_semaphore(%arg11 : memref<!tpu.dma_semaphore, #tpu.memory_space<semaphore_mem>>)
    %mul3A_108 = arith.constant 4 : i32
    %mul3A_109 = arith.muli %add3A, %mul3A_108 : i32
    %add3A_110 = arith.constant 1 : i32
    %add3A_111 = arith.addi %mul3A_109, %add3A_110 : i32
    %dma_wait3A_112 = arith.constant 0 : i32
    %dma_wait3A_113 = tpu.memref_slice %arg2[%add3A_111, %dma_wait3A_112] : memref<128x32768xf32, #tpu.memory_space<hbm>> -> memref<1x32768xf32, #tpu.memory_space<hbm>>
    %dma_wait3A_114 = tpu.memref_squeeze %dma_wait3A_113 : memref<1x32768xf32, #tpu.memory_space<hbm>> -> memref<32768xf32, #tpu.memory_space<hbm>>
    %dma_wait3A_115 = arith.constant 0 : i32
    %dma_wait3A_116 = tpu.memref_slice %dma_wait3A_114[%dma_wait3A_115] : memref<32768xf32, #tpu.memory_space<hbm>> -> memref<16384xf32, #tpu.memory_space<hbm>>
    %dma_wait3A_117 = arith.constant 0 : i32
    %dma_wait3A_118 = tpu.memref_slice %arg2[%add3A_111, %dma_wait3A_117] : memref<128x32768xf32, #tpu.memory_space<hbm>> -> memref<1x32768xf32, #tpu.memory_space<hbm>>
    %dma_wait3A_119 = tpu.memref_squeeze %dma_wait3A_118 : memref<1x32768xf32, #tpu.memory_space<hbm>> -> memref<32768xf32, #tpu.memory_space<hbm>>
    %dma_wait3A_120 = arith.constant 0 : i32
    %dma_wait3A_121 = tpu.memref_slice %dma_wait3A_119[%dma_wait3A_120] : memref<32768xf32, #tpu.memory_space<hbm>> -> memref<16384xf32, #tpu.memory_space<hbm>>
    tpu.wait_dma2 semaphore(%arg10 : memref<!tpu.dma_semaphore, #tpu.memory_space<semaphore_mem>>) src(%dma_wait3A_121 : memref<16384xf32, #tpu.memory_space<hbm>>) dst(%arg7 : memref<16384xf32, #tpu.memory_space<vmem>>)
    %dma_wait3A_122 = tpu.memref_slice %arg4[%add3A_56] : memref<4194304xi32, #tpu.memory_space<hbm>> -> memref<16384xi32, #tpu.memory_space<hbm>>
    %dma_wait3A_123 = tpu.memref_slice %arg4[%add3A_56] : memref<4194304xi32, #tpu.memory_space<hbm>> -> memref<16384xi32, #tpu.memory_space<hbm>>
    tpu.wait_dma2 semaphore(%arg14 : memref<!tpu.dma_semaphore, #tpu.memory_space<semaphore_mem>>) src(%arg12 : memref<16384xi32, #tpu.memory_space<vmem>>) dst(%dma_wait3A_123 : memref<16384xi32, #tpu.memory_space<hbm>>)
    %parallel_loop3A_124 = arith.constant 0 : i32
    %parallel_loop3A_125 = arith.constant 16384 : i32
    %parallel_loop3A_126 = arith.constant 16 : i32
    scf.for %parallel_loop3A_331 = %parallel_loop3A_124 to %parallel_loop3A_125 step %parallel_loop3A_126  : i32 {
      %parallel_loop3A_332 = arith.index_cast %parallel_loop3A_331 : i32 to index
      %parallel_loop3A_333 = tpu.vector_load %arg7[%parallel_loop3A_332] {strides = array<i32>} : memref<16384xf32, #tpu.memory_space<vmem>>, vector<16xf32>,
      %parallel_loop3A_334 = vector.bitcast %parallel_loop3A_333 : vector<16xf32> to vector<16xi32>
      %parallel_loop3A_335 = arith.constant 31 : i32
      %parallel_loop3A_336 = vector.broadcast %parallel_loop3A_335 : i32 to vector<16xi32>
      %parallel_loop3A_337 = arith.shrsi %parallel_loop3A_334, %parallel_loop3A_336 : vector<16xi32>
      %parallel_loop3A_338 = arith.constant 2147483647 : i32
      %parallel_loop3A_339 = vector.broadcast %parallel_loop3A_338 : i32 to vector<16xi32>
      %parallel_loop3A_340 = arith.andi %parallel_loop3A_337, %parallel_loop3A_339 : vector<16xi32>
      %parallel_loop3A_341 = arith.xori %parallel_loop3A_334, %parallel_loop3A_340 : vector<16xi32>
      %parallel_loop3A_342 = arith.index_cast %parallel_loop3A_331 : i32 to index
      %parallel_loop3A_343 = tpu.vector_load %arg12[%parallel_loop3A_342] {strides = array<i32>} : memref<16384xi32, #tpu.memory_space<vmem>>, vector<16xi32>,
      tpu.vector_store %arg12[%parallel_loop3A_342], %parallel_loop3A_341 {strides = array<i32>} : memref<16384xi32, #tpu.memory_space<vmem>>, vector<16xi32>,
      %parallel_loop3A_344 = arith.constant 22 : i32
      %parallel_loop3A_345 = vector.broadcast %parallel_loop3A_344 : i32 to vector<16xi32>
      %parallel_loop3A_346 = arith.shrsi %parallel_loop3A_341, %parallel_loop3A_345 : vector<16xi32>
      %parallel_loop3A_347 = arith.constant 1023 : i32
      %parallel_loop3A_348 = vector.broadcast %parallel_loop3A_347 : i32 to vector<16xi32>
      %parallel_loop3A_349 = arith.andi %parallel_loop3A_346, %parallel_loop3A_348 : vector<16xi32>
      %parallel_loop3A_350 = arith.constant 512 : i32
      %parallel_loop3A_351 = vector.broadcast %parallel_loop3A_350 : i32 to vector<16xi32>
      %parallel_loop3A_352 = arith.xori %parallel_loop3A_349, %parallel_loop3A_351 : vector<16xi32>
      tpu.vector_store_idx %arg5[%parallel_loop3A_352], %add3A_39 {add = true} : memref<1024xi32, #tpu.memory_space<vmem>>[vector<16xi32>], vector<16xi32>,
    } {sc.loop_unroll_factor = 4 : i64, sc.parallel_access}
    %add3A_127 = arith.constant 32768 : i32
    %add3A_128 = arith.addi %mul3A_3, %add3A_127 : i32
    %dma_start3A_129 = tpu.memref_slice %arg4[%add3A_128] : memref<4194304xi32, #tpu.memory_space<hbm>> -> memref<16384xi32, #tpu.memory_space<hbm>>
    %dma_start3A_130 = tpu.memref_slice %arg4[%add3A_128] : memref<4194304xi32, #tpu.memory_space<hbm>> -> memref<16384xi32, #tpu.memory_space<hbm>>
    tpu.enqueue_dma source(%arg12 : memref<16384xi32, #tpu.memory_space<vmem>>) target(%dma_start3A_130 : memref<16384xi32, #tpu.memory_space<hbm>>) target_semaphore(%arg14 : memref<!tpu.dma_semaphore, #tpu.memory_space<semaphore_mem>>)
    %mul3A_131 = arith.constant 4 : i32
    %mul3A_132 = arith.muli %add3A, %mul3A_131 : i32
    %add3A_133 = arith.constant 2 : i32
    %add3A_134 = arith.addi %mul3A_132, %add3A_133 : i32
    %dma_start3A_135 = arith.constant 0 : i32
    %dma_start3A_136 = tpu.memref_slice %arg2[%add3A_134, %dma_start3A_135] : memref<128x32768xf32, #tpu.memory_space<hbm>> -> memref<1x32768xf32, #tpu.memory_space<hbm>>
    %dma_start3A_137 = tpu.memref_squeeze %dma_start3A_136 : memref<1x32768xf32, #tpu.memory_space<hbm>> -> memref<32768xf32, #tpu.memory_space<hbm>>
    %dma_start3A_138 = arith.constant 0 : i32
    %dma_start3A_139 = tpu.memref_slice %dma_start3A_137[%dma_start3A_138] : memref<32768xf32, #tpu.memory_space<hbm>> -> memref<16384xf32, #tpu.memory_space<hbm>>
    %dma_start3A_140 = arith.constant 0 : i32
    %dma_start3A_141 = tpu.memref_slice %arg2[%add3A_134, %dma_start3A_140] : memref<128x32768xf32, #tpu.memory_space<hbm>> -> memref<1x32768xf32, #tpu.memory_space<hbm>>
    %dma_start3A_142 = tpu.memref_squeeze %dma_start3A_141 : memref<1x32768xf32, #tpu.memory_space<hbm>> -> memref<32768xf32, #tpu.memory_space<hbm>>
    %dma_start3A_143 = arith.constant 0 : i32
    %dma_start3A_144 = tpu.memref_slice %dma_start3A_142[%dma_start3A_143] : memref<32768xf32, #tpu.memory_space<hbm>> -> memref<16384xf32, #tpu.memory_space<hbm>>
    tpu.enqueue_dma source(%dma_start3A_144 : memref<16384xf32, #tpu.memory_space<hbm>>) target(%arg7 : memref<16384xf32, #tpu.memory_space<vmem>>) target_semaphore(%arg10 : memref<!tpu.dma_semaphore, #tpu.memory_space<semaphore_mem>>)
    %mul3A_145 = arith.constant 4 : i32
    %mul3A_146 = arith.muli %add3A, %mul3A_145 : i32
    %add3A_147 = arith.constant 1 : i32
    %add3A_148 = arith.addi %mul3A_146, %add3A_147 : i32
    %dma_wait3A_149 = arith.constant 0 : i32
    %dma_wait3A_150 = tpu.memref_slice %arg2[%add3A_148, %dma_wait3A_149] : memref<128x32768xf32, #tpu.memory_space<hbm>> -> memref<1x32768xf32, #tpu.memory_space<hbm>>
    %dma_wait3A_151 = tpu.memref_squeeze %dma_wait3A_150 : memref<1x32768xf32, #tpu.memory_space<hbm>> -> memref<32768xf32, #tpu.memory_space<hbm>>
    %dma_wait3A_152 = arith.constant 16384 : i32
    %dma_wait3A_153 = tpu.memref_slice %dma_wait3A_151[%dma_wait3A_152] : memref<32768xf32, #tpu.memory_space<hbm>> -> memref<16384xf32, #tpu.memory_space<hbm>>
    %dma_wait3A_154 = arith.constant 0 : i32
    %dma_wait3A_155 = tpu.memref_slice %arg2[%add3A_148, %dma_wait3A_154] : memref<128x32768xf32, #tpu.memory_space<hbm>> -> memref<1x32768xf32, #tpu.memory_space<hbm>>
    %dma_wait3A_156 = tpu.memref_squeeze %dma_wait3A_155 : memref<1x32768xf32, #tpu.memory_space<hbm>> -> memref<32768xf32, #tpu.memory_space<hbm>>
    %dma_wait3A_157 = arith.constant 16384 : i32
    %dma_wait3A_158 = tpu.memref_slice %dma_wait3A_156[%dma_wait3A_157] : memref<32768xf32, #tpu.memory_space<hbm>> -> memref<16384xf32, #tpu.memory_space<hbm>>
    tpu.wait_dma2 semaphore(%arg11 : memref<!tpu.dma_semaphore, #tpu.memory_space<semaphore_mem>>) src(%dma_wait3A_158 : memref<16384xf32, #tpu.memory_space<hbm>>) dst(%arg8 : memref<16384xf32, #tpu.memory_space<vmem>>)
    %dma_wait3A_159 = tpu.memref_slice %arg4[%add3A_91] : memref<4194304xi32, #tpu.memory_space<hbm>> -> memref<16384xi32, #tpu.memory_space<hbm>>
    %dma_wait3A_160 = tpu.memref_slice %arg4[%add3A_91] : memref<4194304xi32, #tpu.memory_space<hbm>> -> memref<16384xi32, #tpu.memory_space<hbm>>
    tpu.wait_dma2 semaphore(%arg15 : memref<!tpu.dma_semaphore, #tpu.memory_space<semaphore_mem>>) src(%arg13 : memref<16384xi32, #tpu.memory_space<vmem>>) dst(%dma_wait3A_160 : memref<16384xi32, #tpu.memory_space<hbm>>)
    %parallel_loop3A_161 = arith.constant 0 : i32
    %parallel_loop3A_162 = arith.constant 16384 : i32
    %parallel_loop3A_163 = arith.constant 16 : i32
    scf.for %parallel_loop3A_331 = %parallel_loop3A_161 to %parallel_loop3A_162 step %parallel_loop3A_163  : i32 {
      %parallel_loop3A_332 = arith.index_cast %parallel_loop3A_331 : i32 to index
      %parallel_loop3A_333 = tpu.vector_load %arg8[%parallel_loop3A_332] {strides = array<i32>} : memref<16384xf32, #tpu.memory_space<vmem>>, vector<16xf32>,
      %parallel_loop3A_334 = vector.bitcast %parallel_loop3A_333 : vector<16xf32> to vector<16xi32>
      %parallel_loop3A_335 = arith.constant 31 : i32
      %parallel_loop3A_336 = vector.broadcast %parallel_loop3A_335 : i32 to vector<16xi32>
      %parallel_loop3A_337 = arith.shrsi %parallel_loop3A_334, %parallel_loop3A_336 : vector<16xi32>
      %parallel_loop3A_338 = arith.constant 2147483647 : i32
      %parallel_loop3A_339 = vector.broadcast %parallel_loop3A_338 : i32 to vector<16xi32>
      %parallel_loop3A_340 = arith.andi %parallel_loop3A_337, %parallel_loop3A_339 : vector<16xi32>
      %parallel_loop3A_341 = arith.xori %parallel_loop3A_334, %parallel_loop3A_340 : vector<16xi32>
      %parallel_loop3A_342 = arith.index_cast %parallel_loop3A_331 : i32 to index
      %parallel_loop3A_343 = tpu.vector_load %arg13[%parallel_loop3A_342] {strides = array<i32>} : memref<16384xi32, #tpu.memory_space<vmem>>, vector<16xi32>,
      tpu.vector_store %arg13[%parallel_loop3A_342], %parallel_loop3A_341 {strides = array<i32>} : memref<16384xi32, #tpu.memory_space<vmem>>, vector<16xi32>,
      %parallel_loop3A_344 = arith.constant 22 : i32
      %parallel_loop3A_345 = vector.broadcast %parallel_loop3A_344 : i32 to vector<16xi32>
      %parallel_loop3A_346 = arith.shrsi %parallel_loop3A_341, %parallel_loop3A_345 : vector<16xi32>
      %parallel_loop3A_347 = arith.constant 1023 : i32
      %parallel_loop3A_348 = vector.broadcast %parallel_loop3A_347 : i32 to vector<16xi32>
      %parallel_loop3A_349 = arith.andi %parallel_loop3A_346, %parallel_loop3A_348 : vector<16xi32>
      %parallel_loop3A_350 = arith.constant 512 : i32
      %parallel_loop3A_351 = vector.broadcast %parallel_loop3A_350 : i32 to vector<16xi32>
      %parallel_loop3A_352 = arith.xori %parallel_loop3A_349, %parallel_loop3A_351 : vector<16xi32>
      tpu.vector_store_idx %arg5[%parallel_loop3A_352], %add3A_39 {add = true} : memref<1024xi32, #tpu.memory_space<vmem>>[vector<16xi32>], vector<16xi32>,
    } {sc.loop_unroll_factor = 4 : i64, sc.parallel_access}
    %add3A_164 = arith.constant 49152 : i32
    %add3A_165 = arith.addi %mul3A_3, %add3A_164 : i32
    %dma_start3A_166 = tpu.memref_slice %arg4[%add3A_165] : memref<4194304xi32, #tpu.memory_space<hbm>> -> memref<16384xi32, #tpu.memory_space<hbm>>
    %dma_start3A_167 = tpu.memref_slice %arg4[%add3A_165] : memref<4194304xi32, #tpu.memory_space<hbm>> -> memref<16384xi32, #tpu.memory_space<hbm>>
    tpu.enqueue_dma source(%arg13 : memref<16384xi32, #tpu.memory_space<vmem>>) target(%dma_start3A_167 : memref<16384xi32, #tpu.memory_space<hbm>>) target_semaphore(%arg15 : memref<!tpu.dma_semaphore, #tpu.memory_space<semaphore_mem>>)
    %mul3A_168 = arith.constant 4 : i32
    %mul3A_169 = arith.muli %add3A, %mul3A_168 : i32
    %add3A_170 = arith.constant 2 : i32
    %add3A_171 = arith.addi %mul3A_169, %add3A_170 : i32
    %dma_start3A_172 = arith.constant 0 : i32
    %dma_start3A_173 = tpu.memref_slice %arg2[%add3A_171, %dma_start3A_172] : memref<128x32768xf32, #tpu.memory_space<hbm>> -> memref<1x32768xf32, #tpu.memory_space<hbm>>
    %dma_start3A_174 = tpu.memref_squeeze %dma_start3A_173 : memref<1x32768xf32, #tpu.memory_space<hbm>> -> memref<32768xf32, #tpu.memory_space<hbm>>
    %dma_start3A_175 = arith.constant 16384 : i32
    %dma_start3A_176 = tpu.memref_slice %dma_start3A_174[%dma_start3A_175] : memref<32768xf32, #tpu.memory_space<hbm>> -> memref<16384xf32, #tpu.memory_space<hbm>>
    %dma_start3A_177 = arith.constant 0 : i32
    %dma_start3A_178 = tpu.memref_slice %arg2[%add3A_171, %dma_start3A_177] : memref<128x32768xf32, #tpu.memory_space<hbm>> -> memref<1x32768xf32, #tpu.memory_space<hbm>>
    %dma_start3A_179 = tpu.memref_squeeze %dma_start3A_178 : memref<1x32768xf32, #tpu.memory_space<hbm>> -> memref<32768xf32, #tpu.memory_space<hbm>>
    %dma_start3A_180 = arith.constant 16384 : i32
    %dma_start3A_181 = tpu.memref_slice %dma_start3A_179[%dma_start3A_180] : memref<32768xf32, #tpu.memory_space<hbm>> -> memref<16384xf32, #tpu.memory_space<hbm>>
    tpu.enqueue_dma source(%dma_start3A_181 : memref<16384xf32, #tpu.memory_space<hbm>>) target(%arg8 : memref<16384xf32, #tpu.memory_space<vmem>>) target_semaphore(%arg11 : memref<!tpu.dma_semaphore, #tpu.memory_space<semaphore_mem>>)
    %mul3A_182 = arith.constant 4 : i32
    %mul3A_183 = arith.muli %add3A, %mul3A_182 : i32
    %add3A_184 = arith.constant 2 : i32
    %add3A_185 = arith.addi %mul3A_183, %add3A_184 : i32
    %dma_wait3A_186 = arith.constant 0 : i32
    %dma_wait3A_187 = tpu.memref_slice %arg2[%add3A_185, %dma_wait3A_186] : memref<128x32768xf32, #tpu.memory_space<hbm>> -> memref<1x32768xf32, #tpu.memory_space<hbm>>
    %dma_wait3A_188 = tpu.memref_squeeze %dma_wait3A_187 : memref<1x32768xf32, #tpu.memory_space<hbm>> -> memref<32768xf32, #tpu.memory_space<hbm>>
    %dma_wait3A_189 = arith.constant 0 : i32
    %dma_wait3A_190 = tpu.memref_slice %dma_wait3A_188[%dma_wait3A_189] : memref<32768xf32, #tpu.memory_space<hbm>> -> memref<16384xf32, #tpu.memory_space<hbm>>
    %dma_wait3A_191 = arith.constant 0 : i32
    %dma_wait3A_192 = tpu.memref_slice %arg2[%add3A_185, %dma_wait3A_191] : memref<128x32768xf32, #tpu.memory_space<hbm>> -> memref<1x32768xf32, #tpu.memory_space<hbm>>
    %dma_wait3A_193 = tpu.memref_squeeze %dma_wait3A_192 : memref<1x32768xf32, #tpu.memory_space<hbm>> -> memref<32768xf32, #tpu.memory_space<hbm>>
    %dma_wait3A_194 = arith.constant 0 : i32
    %dma_wait3A_195 = tpu.memref_slice %dma_wait3A_193[%dma_wait3A_194] : memref<32768xf32, #tpu.memory_space<hbm>> -> memref<16384xf32, #tpu.memory_space<hbm>>
    tpu.wait_dma2 semaphore(%arg10 : memref<!tpu.dma_semaphore, #tpu.memory_space<semaphore_mem>>) src(%dma_wait3A_195 : memref<16384xf32, #tpu.memory_space<hbm>>) dst(%arg7 : memref<16384xf32, #tpu.memory_space<vmem>>)
    %dma_wait3A_196 = tpu.memref_slice %arg4[%add3A_128] : memref<4194304xi32, #tpu.memory_space<hbm>> -> memref<16384xi32, #tpu.memory_space<hbm>>
    %dma_wait3A_197 = tpu.memref_slice %arg4[%add3A_128] : memref<4194304xi32, #tpu.memory_space<hbm>> -> memref<16384xi32, #tpu.memory_space<hbm>>
    tpu.wait_dma2 semaphore(%arg14 : memref<!tpu.dma_semaphore, #tpu.memory_space<semaphore_mem>>) src(%arg12 : memref<16384xi32, #tpu.memory_space<vmem>>) dst(%dma_wait3A_197 : memref<16384xi32, #tpu.memory_space<hbm>>)
    %parallel_loop3A_198 = arith.constant 0 : i32
    %parallel_loop3A_199 = arith.constant 16384 : i32
    %parallel_loop3A_200 = arith.constant 16 : i32
    scf.for %parallel_loop3A_331 = %parallel_loop3A_198 to %parallel_loop3A_199 step %parallel_loop3A_200  : i32 {
      %parallel_loop3A_332 = arith.index_cast %parallel_loop3A_331 : i32 to index
      %parallel_loop3A_333 = tpu.vector_load %arg7[%parallel_loop3A_332] {strides = array<i32>} : memref<16384xf32, #tpu.memory_space<vmem>>, vector<16xf32>,
      %parallel_loop3A_334 = vector.bitcast %parallel_loop3A_333 : vector<16xf32> to vector<16xi32>
      %parallel_loop3A_335 = arith.constant 31 : i32
      %parallel_loop3A_336 = vector.broadcast %parallel_loop3A_335 : i32 to vector<16xi32>
      %parallel_loop3A_337 = arith.shrsi %parallel_loop3A_334, %parallel_loop3A_336 : vector<16xi32>
      %parallel_loop3A_338 = arith.constant 2147483647 : i32
      %parallel_loop3A_339 = vector.broadcast %parallel_loop3A_338 : i32 to vector<16xi32>
      %parallel_loop3A_340 = arith.andi %parallel_loop3A_337, %parallel_loop3A_339 : vector<16xi32>
      %parallel_loop3A_341 = arith.xori %parallel_loop3A_334, %parallel_loop3A_340 : vector<16xi32>
      %parallel_loop3A_342 = arith.index_cast %parallel_loop3A_331 : i32 to index
      %parallel_loop3A_343 = tpu.vector_load %arg12[%parallel_loop3A_342] {strides = array<i32>} : memref<16384xi32, #tpu.memory_space<vmem>>, vector<16xi32>,
      tpu.vector_store %arg12[%parallel_loop3A_342], %parallel_loop3A_341 {strides = array<i32>} : memref<16384xi32, #tpu.memory_space<vmem>>, vector<16xi32>,
      %parallel_loop3A_344 = arith.constant 22 : i32
      %parallel_loop3A_345 = vector.broadcast %parallel_loop3A_344 : i32 to vector<16xi32>
      %parallel_loop3A_346 = arith.shrsi %parallel_loop3A_341, %parallel_loop3A_345 : vector<16xi32>
      %parallel_loop3A_347 = arith.constant 1023 : i32
      %parallel_loop3A_348 = vector.broadcast %parallel_loop3A_347 : i32 to vector<16xi32>
      %parallel_loop3A_349 = arith.andi %parallel_loop3A_346, %parallel_loop3A_348 : vector<16xi32>
      %parallel_loop3A_350 = arith.constant 512 : i32
      %parallel_loop3A_351 = vector.broadcast %parallel_loop3A_350 : i32 to vector<16xi32>
      %parallel_loop3A_352 = arith.xori %parallel_loop3A_349, %parallel_loop3A_351 : vector<16xi32>
      tpu.vector_store_idx %arg5[%parallel_loop3A_352], %add3A_39 {add = true} : memref<1024xi32, #tpu.memory_space<vmem>>[vector<16xi32>], vector<16xi32>,
    } {sc.loop_unroll_factor = 4 : i64, sc.parallel_access}
    %add3A_201 = arith.constant 65536 : i32
    %add3A_202 = arith.addi %mul3A_3, %add3A_201 : i32
    %dma_start3A_203 = tpu.memref_slice %arg4[%add3A_202] : memref<4194304xi32, #tpu.memory_space<hbm>> -> memref<16384xi32, #tpu.memory_space<hbm>>
    %dma_start3A_204 = tpu.memref_slice %arg4[%add3A_202] : memref<4194304xi32, #tpu.memory_space<hbm>> -> memref<16384xi32, #tpu.memory_space<hbm>>
    tpu.enqueue_dma source(%arg12 : memref<16384xi32, #tpu.memory_space<vmem>>) target(%dma_start3A_204 : memref<16384xi32, #tpu.memory_space<hbm>>) target_semaphore(%arg14 : memref<!tpu.dma_semaphore, #tpu.memory_space<semaphore_mem>>)
    %mul3A_205 = arith.constant 4 : i32
    %mul3A_206 = arith.muli %add3A, %mul3A_205 : i32
    %add3A_207 = arith.constant 3 : i32
    %add3A_208 = arith.addi %mul3A_206, %add3A_207 : i32
    %dma_start3A_209 = arith.constant 0 : i32
    %dma_start3A_210 = tpu.memref_slice %arg2[%add3A_208, %dma_start3A_209] : memref<128x32768xf32, #tpu.memory_space<hbm>> -> memref<1x32768xf32, #tpu.memory_space<hbm>>
    %dma_start3A_211 = tpu.memref_squeeze %dma_start3A_210 : memref<1x32768xf32, #tpu.memory_space<hbm>> -> memref<32768xf32, #tpu.memory_space<hbm>>
    %dma_start3A_212 = arith.constant 0 : i32
    %dma_start3A_213 = tpu.memref_slice %dma_start3A_211[%dma_start3A_212] : memref<32768xf32, #tpu.memory_space<hbm>> -> memref<16384xf32, #tpu.memory_space<hbm>>
    %dma_start3A_214 = arith.constant 0 : i32
    %dma_start3A_215 = tpu.memref_slice %arg2[%add3A_208, %dma_start3A_214] : memref<128x32768xf32, #tpu.memory_space<hbm>> -> memref<1x32768xf32, #tpu.memory_space<hbm>>
    %dma_start3A_216 = tpu.memref_squeeze %dma_start3A_215 : memref<1x32768xf32, #tpu.memory_space<hbm>> -> memref<32768xf32, #tpu.memory_space<hbm>>
    %dma_start3A_217 = arith.constant 0 : i32
    %dma_start3A_218 = tpu.memref_slice %dma_start3A_216[%dma_start3A_217] : memref<32768xf32, #tpu.memory_space<hbm>> -> memref<16384xf32, #tpu.memory_space<hbm>>
    tpu.enqueue_dma source(%dma_start3A_218 : memref<16384xf32, #tpu.memory_space<hbm>>) target(%arg7 : memref<16384xf32, #tpu.memory_space<vmem>>) target_semaphore(%arg10 : memref<!tpu.dma_semaphore, #tpu.memory_space<semaphore_mem>>)
    %mul3A_219 = arith.constant 4 : i32
    %mul3A_220 = arith.muli %add3A, %mul3A_219 : i32
    %add3A_221 = arith.constant 2 : i32
    %add3A_222 = arith.addi %mul3A_220, %add3A_221 : i32
    %dma_wait3A_223 = arith.constant 0 : i32
    %dma_wait3A_224 = tpu.memref_slice %arg2[%add3A_222, %dma_wait3A_223] : memref<128x32768xf32, #tpu.memory_space<hbm>> -> memref<1x32768xf32, #tpu.memory_space<hbm>>
    %dma_wait3A_225 = tpu.memref_squeeze %dma_wait3A_224 : memref<1x32768xf32, #tpu.memory_space<hbm>> -> memref<32768xf32, #tpu.memory_space<hbm>>
    %dma_wait3A_226 = arith.constant 16384 : i32
    %dma_wait3A_227 = tpu.memref_slice %dma_wait3A_225[%dma_wait3A_226] : memref<32768xf32, #tpu.memory_space<hbm>> -> memref<16384xf32, #tpu.memory_space<hbm>>
    %dma_wait3A_228 = arith.constant 0 : i32
    %dma_wait3A_229 = tpu.memref_slice %arg2[%add3A_222, %dma_wait3A_228] : memref<128x32768xf32, #tpu.memory_space<hbm>> -> memref<1x32768xf32, #tpu.memory_space<hbm>>
    %dma_wait3A_230 = tpu.memref_squeeze %dma_wait3A_229 : memref<1x32768xf32, #tpu.memory_space<hbm>> -> memref<32768xf32, #tpu.memory_space<hbm>>
    %dma_wait3A_231 = arith.constant 16384 : i32
    %dma_wait3A_232 = tpu.memref_slice %dma_wait3A_230[%dma_wait3A_231] : memref<32768xf32, #tpu.memory_space<hbm>> -> memref<16384xf32, #tpu.memory_space<hbm>>
    tpu.wait_dma2 semaphore(%arg11 : memref<!tpu.dma_semaphore, #tpu.memory_space<semaphore_mem>>) src(%dma_wait3A_232 : memref<16384xf32, #tpu.memory_space<hbm>>) dst(%arg8 : memref<16384xf32, #tpu.memory_space<vmem>>)
    %dma_wait3A_233 = tpu.memref_slice %arg4[%add3A_165] : memref<4194304xi32, #tpu.memory_space<hbm>> -> memref<16384xi32, #tpu.memory_space<hbm>>
    %dma_wait3A_234 = tpu.memref_slice %arg4[%add3A_165] : memref<4194304xi32, #tpu.memory_space<hbm>> -> memref<16384xi32, #tpu.memory_space<hbm>>
    tpu.wait_dma2 semaphore(%arg15 : memref<!tpu.dma_semaphore, #tpu.memory_space<semaphore_mem>>) src(%arg13 : memref<16384xi32, #tpu.memory_space<vmem>>) dst(%dma_wait3A_234 : memref<16384xi32, #tpu.memory_space<hbm>>)
    %parallel_loop3A_235 = arith.constant 0 : i32
    %parallel_loop3A_236 = arith.constant 16384 : i32
    %parallel_loop3A_237 = arith.constant 16 : i32
    scf.for %parallel_loop3A_331 = %parallel_loop3A_235 to %parallel_loop3A_236 step %parallel_loop3A_237  : i32 {
      %parallel_loop3A_332 = arith.index_cast %parallel_loop3A_331 : i32 to index
      %parallel_loop3A_333 = tpu.vector_load %arg8[%parallel_loop3A_332] {strides = array<i32>} : memref<16384xf32, #tpu.memory_space<vmem>>, vector<16xf32>,
      %parallel_loop3A_334 = vector.bitcast %parallel_loop3A_333 : vector<16xf32> to vector<16xi32>
      %parallel_loop3A_335 = arith.constant 31 : i32
      %parallel_loop3A_336 = vector.broadcast %parallel_loop3A_335 : i32 to vector<16xi32>
      %parallel_loop3A_337 = arith.shrsi %parallel_loop3A_334, %parallel_loop3A_336 : vector<16xi32>
      %parallel_loop3A_338 = arith.constant 2147483647 : i32
      %parallel_loop3A_339 = vector.broadcast %parallel_loop3A_338 : i32 to vector<16xi32>
      %parallel_loop3A_340 = arith.andi %parallel_loop3A_337, %parallel_loop3A_339 : vector<16xi32>
      %parallel_loop3A_341 = arith.xori %parallel_loop3A_334, %parallel_loop3A_340 : vector<16xi32>
      %parallel_loop3A_342 = arith.index_cast %parallel_loop3A_331 : i32 to index
      %parallel_loop3A_343 = tpu.vector_load %arg13[%parallel_loop3A_342] {strides = array<i32>} : memref<16384xi32, #tpu.memory_space<vmem>>, vector<16xi32>,
      tpu.vector_store %arg13[%parallel_loop3A_342], %parallel_loop3A_341 {strides = array<i32>} : memref<16384xi32, #tpu.memory_space<vmem>>, vector<16xi32>,
      %parallel_loop3A_344 = arith.constant 22 : i32
      %parallel_loop3A_345 = vector.broadcast %parallel_loop3A_344 : i32 to vector<16xi32>
      %parallel_loop3A_346 = arith.shrsi %parallel_loop3A_341, %parallel_loop3A_345 : vector<16xi32>
      %parallel_loop3A_347 = arith.constant 1023 : i32
      %parallel_loop3A_348 = vector.broadcast %parallel_loop3A_347 : i32 to vector<16xi32>
      %parallel_loop3A_349 = arith.andi %parallel_loop3A_346, %parallel_loop3A_348 : vector<16xi32>
      %parallel_loop3A_350 = arith.constant 512 : i32
      %parallel_loop3A_351 = vector.broadcast %parallel_loop3A_350 : i32 to vector<16xi32>
      %parallel_loop3A_352 = arith.xori %parallel_loop3A_349, %parallel_loop3A_351 : vector<16xi32>
      tpu.vector_store_idx %arg5[%parallel_loop3A_352], %add3A_39 {add = true} : memref<1024xi32, #tpu.memory_space<vmem>>[vector<16xi32>], vector<16xi32>,
    } {sc.loop_unroll_factor = 4 : i64, sc.parallel_access}
    %add3A_238 = arith.constant 81920 : i32
    %add3A_239 = arith.addi %mul3A_3, %add3A_238 : i32
    %dma_start3A_240 = tpu.memref_slice %arg4[%add3A_239] : memref<4194304xi32, #tpu.memory_space<hbm>> -> memref<16384xi32, #tpu.memory_space<hbm>>
    %dma_start3A_241 = tpu.memref_slice %arg4[%add3A_239] : memref<4194304xi32, #tpu.memory_space<hbm>> -> memref<16384xi32, #tpu.memory_space<hbm>>
    tpu.enqueue_dma source(%arg13 : memref<16384xi32, #tpu.memory_space<vmem>>) target(%dma_start3A_241 : memref<16384xi32, #tpu.memory_space<hbm>>) target_semaphore(%arg15 : memref<!tpu.dma_semaphore, #tpu.memory_space<semaphore_mem>>)
    %mul3A_242 = arith.constant 4 : i32
    %mul3A_243 = arith.muli %add3A, %mul3A_242 : i32
    %add3A_244 = arith.constant 3 : i32
    %add3A_245 = arith.addi %mul3A_243, %add3A_244 : i32
    %dma_start3A_246 = arith.constant 0 : i32
    %dma_start3A_247 = tpu.memref_slice %arg2[%add3A_245, %dma_start3A_246] : memref<128x32768xf32, #tpu.memory_space<hbm>> -> memref<1x32768xf32, #tpu.memory_space<hbm>>
    %dma_start3A_248 = tpu.memref_squeeze %dma_start3A_247 : memref<1x32768xf32, #tpu.memory_space<hbm>> -> memref<32768xf32, #tpu.memory_space<hbm>>
    %dma_start3A_249 = arith.constant 16384 : i32
    %dma_start3A_250 = tpu.memref_slice %dma_start3A_248[%dma_start3A_249] : memref<32768xf32, #tpu.memory_space<hbm>> -> memref<16384xf32, #tpu.memory_space<hbm>>
    %dma_start3A_251 = arith.constant 0 : i32
    %dma_start3A_252 = tpu.memref_slice %arg2[%add3A_245, %dma_start3A_251] : memref<128x32768xf32, #tpu.memory_space<hbm>> -> memref<1x32768xf32, #tpu.memory_space<hbm>>
    %dma_start3A_253 = tpu.memref_squeeze %dma_start3A_252 : memref<1x32768xf32, #tpu.memory_space<hbm>> -> memref<32768xf32, #tpu.memory_space<hbm>>
    %dma_start3A_254 = arith.constant 16384 : i32
    %dma_start3A_255 = tpu.memref_slice %dma_start3A_253[%dma_start3A_254] : memref<32768xf32, #tpu.memory_space<hbm>> -> memref<16384xf32, #tpu.memory_space<hbm>>
    tpu.enqueue_dma source(%dma_start3A_255 : memref<16384xf32, #tpu.memory_space<hbm>>) target(%arg8 : memref<16384xf32, #tpu.memory_space<vmem>>) target_semaphore(%arg11 : memref<!tpu.dma_semaphore, #tpu.memory_space<semaphore_mem>>)
    %mul3A_256 = arith.constant 4 : i32
    %mul3A_257 = arith.muli %add3A, %mul3A_256 : i32
    %add3A_258 = arith.constant 3 : i32
    %add3A_259 = arith.addi %mul3A_257, %add3A_258 : i32
    %dma_wait3A_260 = arith.constant 0 : i32
    %dma_wait3A_261 = tpu.memref_slice %arg2[%add3A_259, %dma_wait3A_260] : memref<128x32768xf32, #tpu.memory_space<hbm>> -> memref<1x32768xf32, #tpu.memory_space<hbm>>
    %dma_wait3A_262 = tpu.memref_squeeze %dma_wait3A_261 : memref<1x32768xf32, #tpu.memory_space<hbm>> -> memref<32768xf32, #tpu.memory_space<hbm>>
    %dma_wait3A_263 = arith.constant 0 : i32
    %dma_wait3A_264 = tpu.memref_slice %dma_wait3A_262[%dma_wait3A_263] : memref<32768xf32, #tpu.memory_space<hbm>> -> memref<16384xf32, #tpu.memory_space<hbm>>
    %dma_wait3A_265 = arith.constant 0 : i32
    %dma_wait3A_266 = tpu.memref_slice %arg2[%add3A_259, %dma_wait3A_265] : memref<128x32768xf32, #tpu.memory_space<hbm>> -> memref<1x32768xf32, #tpu.memory_space<hbm>>
    %dma_wait3A_267 = tpu.memref_squeeze %dma_wait3A_266 : memref<1x32768xf32, #tpu.memory_space<hbm>> -> memref<32768xf32, #tpu.memory_space<hbm>>
    %dma_wait3A_268 = arith.constant 0 : i32
    %dma_wait3A_269 = tpu.memref_slice %dma_wait3A_267[%dma_wait3A_268] : memref<32768xf32, #tpu.memory_space<hbm>> -> memref<16384xf32, #tpu.memory_space<hbm>>
    tpu.wait_dma2 semaphore(%arg10 : memref<!tpu.dma_semaphore, #tpu.memory_space<semaphore_mem>>) src(%dma_wait3A_269 : memref<16384xf32, #tpu.memory_space<hbm>>) dst(%arg7 : memref<16384xf32, #tpu.memory_space<vmem>>)
    %dma_wait3A_270 = tpu.memref_slice %arg4[%add3A_202] : memref<4194304xi32, #tpu.memory_space<hbm>> -> memref<16384xi32, #tpu.memory_space<hbm>>
    %dma_wait3A_271 = tpu.memref_slice %arg4[%add3A_202] : memref<4194304xi32, #tpu.memory_space<hbm>> -> memref<16384xi32, #tpu.memory_space<hbm>>
    tpu.wait_dma2 semaphore(%arg14 : memref<!tpu.dma_semaphore, #tpu.memory_space<semaphore_mem>>) src(%arg12 : memref<16384xi32, #tpu.memory_space<vmem>>) dst(%dma_wait3A_271 : memref<16384xi32, #tpu.memory_space<hbm>>)
    %parallel_loop3A_272 = arith.constant 0 : i32
    %parallel_loop3A_273 = arith.constant 16384 : i32
    %parallel_loop3A_274 = arith.constant 16 : i32
    scf.for %parallel_loop3A_331 = %parallel_loop3A_272 to %parallel_loop3A_273 step %parallel_loop3A_274  : i32 {
      %parallel_loop3A_332 = arith.index_cast %parallel_loop3A_331 : i32 to index
      %parallel_loop3A_333 = tpu.vector_load %arg7[%parallel_loop3A_332] {strides = array<i32>} : memref<16384xf32, #tpu.memory_space<vmem>>, vector<16xf32>,
      %parallel_loop3A_334 = vector.bitcast %parallel_loop3A_333 : vector<16xf32> to vector<16xi32>
      %parallel_loop3A_335 = arith.constant 31 : i32
      %parallel_loop3A_336 = vector.broadcast %parallel_loop3A_335 : i32 to vector<16xi32>
      %parallel_loop3A_337 = arith.shrsi %parallel_loop3A_334, %parallel_loop3A_336 : vector<16xi32>
      %parallel_loop3A_338 = arith.constant 2147483647 : i32
      %parallel_loop3A_339 = vector.broadcast %parallel_loop3A_338 : i32 to vector<16xi32>
      %parallel_loop3A_340 = arith.andi %parallel_loop3A_337, %parallel_loop3A_339 : vector<16xi32>
      %parallel_loop3A_341 = arith.xori %parallel_loop3A_334, %parallel_loop3A_340 : vector<16xi32>
      %parallel_loop3A_342 = arith.index_cast %parallel_loop3A_331 : i32 to index
      %parallel_loop3A_343 = tpu.vector_load %arg12[%parallel_loop3A_342] {strides = array<i32>} : memref<16384xi32, #tpu.memory_space<vmem>>, vector<16xi32>,
      tpu.vector_store %arg12[%parallel_loop3A_342], %parallel_loop3A_341 {strides = array<i32>} : memref<16384xi32, #tpu.memory_space<vmem>>, vector<16xi32>,
      %parallel_loop3A_344 = arith.constant 22 : i32
      %parallel_loop3A_345 = vector.broadcast %parallel_loop3A_344 : i32 to vector<16xi32>
      %parallel_loop3A_346 = arith.shrsi %parallel_loop3A_341, %parallel_loop3A_345 : vector<16xi32>
      %parallel_loop3A_347 = arith.constant 1023 : i32
      %parallel_loop3A_348 = vector.broadcast %parallel_loop3A_347 : i32 to vector<16xi32>
      %parallel_loop3A_349 = arith.andi %parallel_loop3A_346, %parallel_loop3A_348 : vector<16xi32>
      %parallel_loop3A_350 = arith.constant 512 : i32
      %parallel_loop3A_351 = vector.broadcast %parallel_loop3A_350 : i32 to vector<16xi32>
      %parallel_loop3A_352 = arith.xori %parallel_loop3A_349, %parallel_loop3A_351 : vector<16xi32>
      tpu.vector_store_idx %arg5[%parallel_loop3A_352], %add3A_39 {add = true} : memref<1024xi32, #tpu.memory_space<vmem>>[vector<16xi32>], vector<16xi32>,
    } {sc.loop_unroll_factor = 4 : i64, sc.parallel_access}
    %add3A_275 = arith.constant 98304 : i32
    %add3A_276 = arith.addi %mul3A_3, %add3A_275 : i32
    %dma_start3A_277 = tpu.memref_slice %arg4[%add3A_276] : memref<4194304xi32, #tpu.memory_space<hbm>> -> memref<16384xi32, #tpu.memory_space<hbm>>
    %dma_start3A_278 = tpu.memref_slice %arg4[%add3A_276] : memref<4194304xi32, #tpu.memory_space<hbm>> -> memref<16384xi32, #tpu.memory_space<hbm>>
    tpu.enqueue_dma source(%arg12 : memref<16384xi32, #tpu.memory_space<vmem>>) target(%dma_start3A_278 : memref<16384xi32, #tpu.memory_space<hbm>>) target_semaphore(%arg14 : memref<!tpu.dma_semaphore, #tpu.memory_space<semaphore_mem>>)
    %mul3A_279 = arith.constant 4 : i32
    %mul3A_280 = arith.muli %add3A, %mul3A_279 : i32
    %add3A_281 = arith.constant 3 : i32
    %add3A_282 = arith.addi %mul3A_280, %add3A_281 : i32
    %dma_wait3A_283 = arith.constant 0 : i32
    %dma_wait3A_284 = tpu.memref_slice %arg2[%add3A_282, %dma_wait3A_283] : memref<128x32768xf32, #tpu.memory_space<hbm>> -> memref<1x32768xf32, #tpu.memory_space<hbm>>
    %dma_wait3A_285 = tpu.memref_squeeze %dma_wait3A_284 : memref<1x32768xf32, #tpu.memory_space<hbm>> -> memref<32768xf32, #tpu.memory_space<hbm>>
    %dma_wait3A_286 = arith.constant 16384 : i32
    %dma_wait3A_287 = tpu.memref_slice %dma_wait3A_285[%dma_wait3A_286] : memref<32768xf32, #tpu.memory_space<hbm>> -> memref<16384xf32, #tpu.memory_space<hbm>>
    %dma_wait3A_288 = arith.constant 0 : i32
    %dma_wait3A_289 = tpu.memref_slice %arg2[%add3A_282, %dma_wait3A_288] : memref<128x32768xf32, #tpu.memory_space<hbm>> -> memref<1x32768xf32, #tpu.memory_space<hbm>>
    %dma_wait3A_290 = tpu.memref_squeeze %dma_wait3A_289 : memref<1x32768xf32, #tpu.memory_space<hbm>> -> memref<32768xf32, #tpu.memory_space<hbm>>
    %dma_wait3A_291 = arith.constant 16384 : i32
    %dma_wait3A_292 = tpu.memref_slice %dma_wait3A_290[%dma_wait3A_291] : memref<32768xf32, #tpu.memory_space<hbm>> -> memref<16384xf32, #tpu.memory_space<hbm>>
    tpu.wait_dma2 semaphore(%arg11 : memref<!tpu.dma_semaphore, #tpu.memory_space<semaphore_mem>>) src(%dma_wait3A_292 : memref<16384xf32, #tpu.memory_space<hbm>>) dst(%arg8 : memref<16384xf32, #tpu.memory_space<vmem>>)
    %dma_wait3A_293 = tpu.memref_slice %arg4[%add3A_239] : memref<4194304xi32, #tpu.memory_space<hbm>> -> memref<16384xi32, #tpu.memory_space<hbm>>
    %dma_wait3A_294 = tpu.memref_slice %arg4[%add3A_239] : memref<4194304xi32, #tpu.memory_space<hbm>> -> memref<16384xi32, #tpu.memory_space<hbm>>
    tpu.wait_dma2 semaphore(%arg15 : memref<!tpu.dma_semaphore, #tpu.memory_space<semaphore_mem>>) src(%arg13 : memref<16384xi32, #tpu.memory_space<vmem>>) dst(%dma_wait3A_294 : memref<16384xi32, #tpu.memory_space<hbm>>)
    %parallel_loop3A_295 = arith.constant 0 : i32
    %parallel_loop3A_296 = arith.constant 16384 : i32
    %parallel_loop3A_297 = arith.constant 16 : i32
    scf.for %parallel_loop3A_331 = %parallel_loop3A_295 to %parallel_loop3A_296 step %parallel_loop3A_297  : i32 {
      %parallel_loop3A_332 = arith.index_cast %parallel_loop3A_331 : i32 to index
      %parallel_loop3A_333 = tpu.vector_load %arg8[%parallel_loop3A_332] {strides = array<i32>} : memref<16384xf32, #tpu.memory_space<vmem>>, vector<16xf32>,
      %parallel_loop3A_334 = vector.bitcast %parallel_loop3A_333 : vector<16xf32> to vector<16xi32>
      %parallel_loop3A_335 = arith.constant 31 : i32
      %parallel_loop3A_336 = vector.broadcast %parallel_loop3A_335 : i32 to vector<16xi32>
      %parallel_loop3A_337 = arith.shrsi %parallel_loop3A_334, %parallel_loop3A_336 : vector<16xi32>
      %parallel_loop3A_338 = arith.constant 2147483647 : i32
      %parallel_loop3A_339 = vector.broadcast %parallel_loop3A_338 : i32 to vector<16xi32>
      %parallel_loop3A_340 = arith.andi %parallel_loop3A_337, %parallel_loop3A_339 : vector<16xi32>
      %parallel_loop3A_341 = arith.xori %parallel_loop3A_334, %parallel_loop3A_340 : vector<16xi32>
      %parallel_loop3A_342 = arith.index_cast %parallel_loop3A_331 : i32 to index
      %parallel_loop3A_343 = tpu.vector_load %arg13[%parallel_loop3A_342] {strides = array<i32>} : memref<16384xi32, #tpu.memory_space<vmem>>, vector<16xi32>,
      tpu.vector_store %arg13[%parallel_loop3A_342], %parallel_loop3A_341 {strides = array<i32>} : memref<16384xi32, #tpu.memory_space<vmem>>, vector<16xi32>,
      %parallel_loop3A_344 = arith.constant 22 : i32
      %parallel_loop3A_345 = vector.broadcast %parallel_loop3A_344 : i32 to vector<16xi32>
      %parallel_loop3A_346 = arith.shrsi %parallel_loop3A_341, %parallel_loop3A_345 : vector<16xi32>
      %parallel_loop3A_347 = arith.constant 1023 : i32
      %parallel_loop3A_348 = vector.broadcast %parallel_loop3A_347 : i32 to vector<16xi32>
      %parallel_loop3A_349 = arith.andi %parallel_loop3A_346, %parallel_loop3A_348 : vector<16xi32>
      %parallel_loop3A_350 = arith.constant 512 : i32
      %parallel_loop3A_351 = vector.broadcast %parallel_loop3A_350 : i32 to vector<16xi32>
      %parallel_loop3A_352 = arith.xori %parallel_loop3A_349, %parallel_loop3A_351 : vector<16xi32>
      tpu.vector_store_idx %arg5[%parallel_loop3A_352], %add3A_39 {add = true} : memref<1024xi32, #tpu.memory_space<vmem>>[vector<16xi32>], vector<16xi32>,
    } {sc.loop_unroll_factor = 4 : i64, sc.parallel_access}
    %add3A_298 = arith.constant 114688 : i32
    %add3A_299 = arith.addi %mul3A_3, %add3A_298 : i32
    %dma_start3A_300 = tpu.memref_slice %arg4[%add3A_299] : memref<4194304xi32, #tpu.memory_space<hbm>> -> memref<16384xi32, #tpu.memory_space<hbm>>
    %dma_start3A_301 = tpu.memref_slice %arg4[%add3A_299] : memref<4194304xi32, #tpu.memory_space<hbm>> -> memref<16384xi32, #tpu.memory_space<hbm>>
    tpu.enqueue_dma source(%arg13 : memref<16384xi32, #tpu.memory_space<vmem>>) target(%dma_start3A_301 : memref<16384xi32, #tpu.memory_space<hbm>>) target_semaphore(%arg15 : memref<!tpu.dma_semaphore, #tpu.memory_space<semaphore_mem>>)
    %dma_wait3A_302 = tpu.memref_slice %arg4[%add3A_276] : memref<4194304xi32, #tpu.memory_space<hbm>> -> memref<16384xi32, #tpu.memory_space<hbm>>
    %dma_wait3A_303 = tpu.memref_slice %arg4[%add3A_276] : memref<4194304xi32, #tpu.memory_space<hbm>> -> memref<16384xi32, #tpu.memory_space<hbm>>
    tpu.wait_dma2 semaphore(%arg14 : memref<!tpu.dma_semaphore, #tpu.memory_space<semaphore_mem>>) src(%arg12 : memref<16384xi32, #tpu.memory_space<vmem>>) dst(%dma_wait3A_303 : memref<16384xi32, #tpu.memory_space<hbm>>)
    %dma_wait3A_304 = tpu.memref_slice %arg4[%add3A_299] : memref<4194304xi32, #tpu.memory_space<hbm>> -> memref<16384xi32, #tpu.memory_space<hbm>>
    %dma_wait3A_305 = tpu.memref_slice %arg4[%add3A_299] : memref<4194304xi32, #tpu.memory_space<hbm>> -> memref<16384xi32, #tpu.memory_space<hbm>>
    tpu.wait_dma2 semaphore(%arg15 : memref<!tpu.dma_semaphore, #tpu.memory_space<semaphore_mem>>) src(%arg13 : memref<16384xi32, #tpu.memory_space<vmem>>) dst(%dma_wait3A_305 : memref<16384xi32, #tpu.memory_space<hbm>>)
    "tpu.region"() ({
      %run_scoped3A = tpu.sem_alloc : memref<!tpu.dma_semaphore, #tpu.memory_space<semaphore_mem>>
      %dma_start3A_331 = arith.constant 0 : i32
      %dma_start3A_332 = tpu.memref_slice %arg9[%arg1, %dma_start3A_331] : memref<16x1024xi32, #tpu.memory_space<vmem_shared>> -> memref<1x1024xi32, #tpu.memory_space<vmem_shared>>
      %dma_start3A_333 = tpu.memref_squeeze %dma_start3A_332 : memref<1x1024xi32, #tpu.memory_space<vmem_shared>> -> memref<1024xi32, #tpu.memory_space<vmem_shared>>
      %dma_start3A_334 = arith.constant 0 : i32
      %dma_start3A_335 = tpu.memref_slice %arg9[%arg1, %dma_start3A_334] : memref<16x1024xi32, #tpu.memory_space<vmem_shared>> -> memref<1x1024xi32, #tpu.memory_space<vmem_shared>>
      %dma_start3A_336 = tpu.memref_squeeze %dma_start3A_335 : memref<1x1024xi32, #tpu.memory_space<vmem_shared>> -> memref<1024xi32, #tpu.memory_space<vmem_shared>>
      tpu.enqueue_dma source(%arg5 : memref<1024xi32, #tpu.memory_space<vmem>>) target(%dma_start3A_336 : memref<1024xi32, #tpu.memory_space<vmem_shared>>) target_semaphore(%run_scoped3A : memref<!tpu.dma_semaphore, #tpu.memory_space<semaphore_mem>>)
      %dma_wait3A_337 = arith.constant 0 : i32
      %dma_wait3A_338 = tpu.memref_slice %arg9[%arg1, %dma_wait3A_337] : memref<16x1024xi32, #tpu.memory_space<vmem_shared>> -> memref<1x1024xi32, #tpu.memory_space<vmem_shared>>
      %dma_wait3A_339 = tpu.memref_squeeze %dma_wait3A_338 : memref<1x1024xi32, #tpu.memory_space<vmem_shared>> -> memref<1024xi32, #tpu.memory_space<vmem_shared>>
      %dma_wait3A_340 = arith.constant 0 : i32
      %dma_wait3A_341 = tpu.memref_slice %arg9[%arg1, %dma_wait3A_340] : memref<16x1024xi32, #tpu.memory_space<vmem_shared>> -> memref<1x1024xi32, #tpu.memory_space<vmem_shared>>
      %dma_wait3A_342 = tpu.memref_squeeze %dma_wait3A_341 : memref<1x1024xi32, #tpu.memory_space<vmem_shared>> -> memref<1024xi32, #tpu.memory_space<vmem_shared>>
      tpu.wait_dma2 semaphore(%run_scoped3A : memref<!tpu.dma_semaphore, #tpu.memory_space<semaphore_mem>>) src(%arg5 : memref<1024xi32, #tpu.memory_space<vmem>>) dst(%dma_wait3A_342 : memref<1024xi32, #tpu.memory_space<vmem_shared>>)
      tpu.yield
    }) : () -> ()
    %barrier3A = arith.constant 0 : index
    tpu.barrier barrier_id(%barrier3A)
    %lt3A = arith.constant 8 : i32
    %lt3A_306 = arith.cmpi slt, %arg1, %lt3A : i32
    %convert_element_type3A = arith.extui %lt3A_306 : i1 to i32
    %cond3A = arith.constant 0 : i32
    %cond3A_307 = arith.cmpi ne, %convert_element_type3A, %cond3A : i32
    scf.if %cond3A_307 {
      %add3A_331 = arith.constant 8 : i32
      %add3A_332 = arith.addi %arg1, %add3A_331 : i32
      "tpu.region"() ({
        %run_scoped3A = tpu.sem_alloc : memref<!tpu.dma_semaphore, #tpu.memory_space<semaphore_mem>>
        %dma_start3A_336 = arith.constant 0 : i32
        %dma_start3A_337 = tpu.memref_slice %arg9[%add3A_332, %dma_start3A_336] : memref<16x1024xi32, #tpu.memory_space<vmem_shared>> -> memref<1x1024xi32, #tpu.memory_space<vmem_shared>>
        %dma_start3A_338 = tpu.memref_squeeze %dma_start3A_337 : memref<1x1024xi32, #tpu.memory_space<vmem_shared>> -> memref<1024xi32, #tpu.memory_space<vmem_shared>>
        %dma_start3A_339 = arith.constant 0 : i32
        %dma_start3A_340 = tpu.memref_slice %arg9[%add3A_332, %dma_start3A_339] : memref<16x1024xi32, #tpu.memory_space<vmem_shared>> -> memref<1x1024xi32, #tpu.memory_space<vmem_shared>>
        %dma_start3A_341 = tpu.memref_squeeze %dma_start3A_340 : memref<1x1024xi32, #tpu.memory_space<vmem_shared>> -> memref<1024xi32, #tpu.memory_space<vmem_shared>>
        tpu.enqueue_dma source(%dma_start3A_341 : memref<1024xi32, #tpu.memory_space<vmem_shared>>) target(%arg6 : memref<1024xi32, #tpu.memory_space<vmem>>) target_semaphore(%run_scoped3A : memref<!tpu.dma_semaphore, #tpu.memory_space<semaphore_mem>>)
        %dma_wait3A_342 = arith.constant 0 : i32
        %dma_wait3A_343 = tpu.memref_slice %arg9[%add3A_332, %dma_wait3A_342] : memref<16x1024xi32, #tpu.memory_space<vmem_shared>> -> memref<1x1024xi32, #tpu.memory_space<vmem_shared>>
        %dma_wait3A_344 = tpu.memref_squeeze %dma_wait3A_343 : memref<1x1024xi32, #tpu.memory_space<vmem_shared>> -> memref<1024xi32, #tpu.memory_space<vmem_shared>>
        %dma_wait3A_345 = arith.constant 0 : i32
        %dma_wait3A_346 = tpu.memref_slice %arg9[%add3A_332, %dma_wait3A_345] : memref<16x1024xi32, #tpu.memory_space<vmem_shared>> -> memref<1x1024xi32, #tpu.memory_space<vmem_shared>>
        %dma_wait3A_347 = tpu.memref_squeeze %dma_wait3A_346 : memref<1x1024xi32, #tpu.memory_space<vmem_shared>> -> memref<1024xi32, #tpu.memory_space<vmem_shared>>
        tpu.wait_dma2 semaphore(%run_scoped3A : memref<!tpu.dma_semaphore, #tpu.memory_space<semaphore_mem>>) src(%dma_wait3A_347 : memref<1024xi32, #tpu.memory_space<vmem_shared>>) dst(%arg6 : memref<1024xi32, #tpu.memory_space<vmem>>)
        tpu.yield
      }) : () -> ()
      %parallel_loop3A_333 = arith.constant 0 : i32
      %parallel_loop3A_334 = arith.constant 1024 : i32
      %parallel_loop3A_335 = arith.constant 16 : i32
      scf.for %parallel_loop3A_336 = %parallel_loop3A_333 to %parallel_loop3A_334 step %parallel_loop3A_335  : i32 {
        %parallel_loop3A_337 = arith.index_cast %parallel_loop3A_336 : i32 to index
        %parallel_loop3A_338 = tpu.vector_load %arg5[%parallel_loop3A_337] {strides = array<i32>} : memref<1024xi32, #tpu.memory_space<vmem>>, vector<16xi32>,
        %parallel_loop3A_339 = arith.index_cast %parallel_loop3A_336 : i32 to index
        %parallel_loop3A_340 = tpu.vector_load %arg6[%parallel_loop3A_339] {strides = array<i32>} : memref<1024xi32, #tpu.memory_space<vmem>>, vector<16xi32>,
        %parallel_loop3A_341 = arith.addi %parallel_loop3A_338, %parallel_loop3A_340 : vector<16xi32>
        %parallel_loop3A_342 = arith.index_cast %parallel_loop3A_336 : i32 to index
        %parallel_loop3A_343 = tpu.vector_load %arg5[%parallel_loop3A_342] {strides = array<i32>} : memref<1024xi32, #tpu.memory_space<vmem>>, vector<16xi32>,
        tpu.vector_store %arg5[%parallel_loop3A_342], %parallel_loop3A_341 {strides = array<i32>} : memref<1024xi32, #tpu.memory_space<vmem>>, vector<16xi32>,
      } {sc.loop_unroll_factor = 4 : i64, sc.parallel_access}
      "tpu.region"() ({
        %run_scoped3A = tpu.sem_alloc : memref<!tpu.dma_semaphore, #tpu.memory_space<semaphore_mem>>
        %dma_start3A_336 = arith.constant 0 : i32
        %dma_start3A_337 = tpu.memref_slice %arg9[%arg1, %dma_start3A_336] : memref<16x1024xi32, #tpu.memory_space<vmem_shared>> -> memref<1x1024xi32, #tpu.memory_space<vmem_shared>>
        %dma_start3A_338 = tpu.memref_squeeze %dma_start3A_337 : memref<1x1024xi32, #tpu.memory_space<vmem_shared>> -> memref<1024xi32, #tpu.memory_space<vmem_shared>>
        %dma_start3A_339 = arith.constant 0 : i32
        %dma_start3A_340 = tpu.memref_slice %arg9[%arg1, %dma_start3A_339] : memref<16x1024xi32, #tpu.memory_space<vmem_shared>> -> memref<1x1024xi32, #tpu.memory_space<vmem_shared>>
        %dma_start3A_341 = tpu.memref_squeeze %dma_start3A_340 : memref<1x1024xi32, #tpu.memory_space<vmem_shared>> -> memref<1024xi32, #tpu.memory_space<vmem_shared>>
        tpu.enqueue_dma source(%arg5 : memref<1024xi32, #tpu.memory_space<vmem>>) target(%dma_start3A_341 : memref<1024xi32, #tpu.memory_space<vmem_shared>>) target_semaphore(%run_scoped3A : memref<!tpu.dma_semaphore, #tpu.memory_space<semaphore_mem>>)
        %dma_wait3A_342 = arith.constant 0 : i32
        %dma_wait3A_343 = tpu.memref_slice %arg9[%arg1, %dma_wait3A_342] : memref<16x1024xi32, #tpu.memory_space<vmem_shared>> -> memref<1x1024xi32, #tpu.memory_space<vmem_shared>>
        %dma_wait3A_344 = tpu.memref_squeeze %dma_wait3A_343 : memref<1x1024xi32, #tpu.memory_space<vmem_shared>> -> memref<1024xi32, #tpu.memory_space<vmem_shared>>
        %dma_wait3A_345 = arith.constant 0 : i32
        %dma_wait3A_346 = tpu.memref_slice %arg9[%arg1, %dma_wait3A_345] : memref<16x1024xi32, #tpu.memory_space<vmem_shared>> -> memref<1x1024xi32, #tpu.memory_space<vmem_shared>>
        %dma_wait3A_347 = tpu.memref_squeeze %dma_wait3A_346 : memref<1x1024xi32, #tpu.memory_space<vmem_shared>> -> memref<1024xi32, #tpu.memory_space<vmem_shared>>
        tpu.wait_dma2 semaphore(%run_scoped3A : memref<!tpu.dma_semaphore, #tpu.memory_space<semaphore_mem>>) src(%arg5 : memref<1024xi32, #tpu.memory_space<vmem>>) dst(%dma_wait3A_347 : memref<1024xi32, #tpu.memory_space<vmem_shared>>)
        tpu.yield
      }) : () -> ()
    } else {
    }
    %barrier3A_308 = arith.constant 0 : index
    tpu.barrier barrier_id(%barrier3A_308)
    %lt3A_309 = arith.constant 4 : i32
    %lt3A_310 = arith.cmpi slt, %arg1, %lt3A_309 : i32
    %convert_element_type3A_311 = arith.extui %lt3A_310 : i1 to i32
    %cond3A_312 = arith.constant 0 : i32
    %cond3A_313 = arith.cmpi ne, %convert_element_type3A_311, %cond3A_312 : i32
    scf.if %cond3A_313 {
      %add3A_331 = arith.constant 4 : i32
      %add3A_332 = arith.addi %arg1, %add3A_331 : i32
      "tpu.region"() ({
        %run_scoped3A = tpu.sem_alloc : memref<!tpu.dma_semaphore, #tpu.memory_space<semaphore_mem>>
        %dma_start3A_336 = arith.constant 0 : i32
        %dma_start3A_337 = tpu.memref_slice %arg9[%add3A_332, %dma_start3A_336] : memref<16x1024xi32, #tpu.memory_space<vmem_shared>> -> memref<1x1024xi32, #tpu.memory_space<vmem_shared>>
        %dma_start3A_338 = tpu.memref_squeeze %dma_start3A_337 : memref<1x1024xi32, #tpu.memory_space<vmem_shared>> -> memref<1024xi32, #tpu.memory_space<vmem_shared>>
        %dma_start3A_339 = arith.constant 0 : i32
        %dma_start3A_340 = tpu.memref_slice %arg9[%add3A_332, %dma_start3A_339] : memref<16x1024xi32, #tpu.memory_space<vmem_shared>> -> memref<1x1024xi32, #tpu.memory_space<vmem_shared>>
        %dma_start3A_341 = tpu.memref_squeeze %dma_start3A_340 : memref<1x1024xi32, #tpu.memory_space<vmem_shared>> -> memref<1024xi32, #tpu.memory_space<vmem_shared>>
        tpu.enqueue_dma source(%dma_start3A_341 : memref<1024xi32, #tpu.memory_space<vmem_shared>>) target(%arg6 : memref<1024xi32, #tpu.memory_space<vmem>>) target_semaphore(%run_scoped3A : memref<!tpu.dma_semaphore, #tpu.memory_space<semaphore_mem>>)
        %dma_wait3A_342 = arith.constant 0 : i32
        %dma_wait3A_343 = tpu.memref_slice %arg9[%add3A_332, %dma_wait3A_342] : memref<16x1024xi32, #tpu.memory_space<vmem_shared>> -> memref<1x1024xi32, #tpu.memory_space<vmem_shared>>
        %dma_wait3A_344 = tpu.memref_squeeze %dma_wait3A_343 : memref<1x1024xi32, #tpu.memory_space<vmem_shared>> -> memref<1024xi32, #tpu.memory_space<vmem_shared>>
        %dma_wait3A_345 = arith.constant 0 : i32
        %dma_wait3A_346 = tpu.memref_slice %arg9[%add3A_332, %dma_wait3A_345] : memref<16x1024xi32, #tpu.memory_space<vmem_shared>> -> memref<1x1024xi32, #tpu.memory_space<vmem_shared>>
        %dma_wait3A_347 = tpu.memref_squeeze %dma_wait3A_346 : memref<1x1024xi32, #tpu.memory_space<vmem_shared>> -> memref<1024xi32, #tpu.memory_space<vmem_shared>>
        tpu.wait_dma2 semaphore(%run_scoped3A : memref<!tpu.dma_semaphore, #tpu.memory_space<semaphore_mem>>) src(%dma_wait3A_347 : memref<1024xi32, #tpu.memory_space<vmem_shared>>) dst(%arg6 : memref<1024xi32, #tpu.memory_space<vmem>>)
        tpu.yield
      }) : () -> ()
      %parallel_loop3A_333 = arith.constant 0 : i32
      %parallel_loop3A_334 = arith.constant 1024 : i32
      %parallel_loop3A_335 = arith.constant 16 : i32
      scf.for %parallel_loop3A_336 = %parallel_loop3A_333 to %parallel_loop3A_334 step %parallel_loop3A_335  : i32 {
        %parallel_loop3A_337 = arith.index_cast %parallel_loop3A_336 : i32 to index
        %parallel_loop3A_338 = tpu.vector_load %arg5[%parallel_loop3A_337] {strides = array<i32>} : memref<1024xi32, #tpu.memory_space<vmem>>, vector<16xi32>,
        %parallel_loop3A_339 = arith.index_cast %parallel_loop3A_336 : i32 to index
        %parallel_loop3A_340 = tpu.vector_load %arg6[%parallel_loop3A_339] {strides = array<i32>} : memref<1024xi32, #tpu.memory_space<vmem>>, vector<16xi32>,
        %parallel_loop3A_341 = arith.addi %parallel_loop3A_338, %parallel_loop3A_340 : vector<16xi32>
        %parallel_loop3A_342 = arith.index_cast %parallel_loop3A_336 : i32 to index
        %parallel_loop3A_343 = tpu.vector_load %arg5[%parallel_loop3A_342] {strides = array<i32>} : memref<1024xi32, #tpu.memory_space<vmem>>, vector<16xi32>,
        tpu.vector_store %arg5[%parallel_loop3A_342], %parallel_loop3A_341 {strides = array<i32>} : memref<1024xi32, #tpu.memory_space<vmem>>, vector<16xi32>,
      } {sc.loop_unroll_factor = 4 : i64, sc.parallel_access}
      "tpu.region"() ({
        %run_scoped3A = tpu.sem_alloc : memref<!tpu.dma_semaphore, #tpu.memory_space<semaphore_mem>>
        %dma_start3A_336 = arith.constant 0 : i32
        %dma_start3A_337 = tpu.memref_slice %arg9[%arg1, %dma_start3A_336] : memref<16x1024xi32, #tpu.memory_space<vmem_shared>> -> memref<1x1024xi32, #tpu.memory_space<vmem_shared>>
        %dma_start3A_338 = tpu.memref_squeeze %dma_start3A_337 : memref<1x1024xi32, #tpu.memory_space<vmem_shared>> -> memref<1024xi32, #tpu.memory_space<vmem_shared>>
        %dma_start3A_339 = arith.constant 0 : i32
        %dma_start3A_340 = tpu.memref_slice %arg9[%arg1, %dma_start3A_339] : memref<16x1024xi32, #tpu.memory_space<vmem_shared>> -> memref<1x1024xi32, #tpu.memory_space<vmem_shared>>
        %dma_start3A_341 = tpu.memref_squeeze %dma_start3A_340 : memref<1x1024xi32, #tpu.memory_space<vmem_shared>> -> memref<1024xi32, #tpu.memory_space<vmem_shared>>
        tpu.enqueue_dma source(%arg5 : memref<1024xi32, #tpu.memory_space<vmem>>) target(%dma_start3A_341 : memref<1024xi32, #tpu.memory_space<vmem_shared>>) target_semaphore(%run_scoped3A : memref<!tpu.dma_semaphore, #tpu.memory_space<semaphore_mem>>)
        %dma_wait3A_342 = arith.constant 0 : i32
        %dma_wait3A_343 = tpu.memref_slice %arg9[%arg1, %dma_wait3A_342] : memref<16x1024xi32, #tpu.memory_space<vmem_shared>> -> memref<1x1024xi32, #tpu.memory_space<vmem_shared>>
        %dma_wait3A_344 = tpu.memref_squeeze %dma_wait3A_343 : memref<1x1024xi32, #tpu.memory_space<vmem_shared>> -> memref<1024xi32, #tpu.memory_space<vmem_shared>>
        %dma_wait3A_345 = arith.constant 0 : i32
        %dma_wait3A_346 = tpu.memref_slice %arg9[%arg1, %dma_wait3A_345] : memref<16x1024xi32, #tpu.memory_space<vmem_shared>> -> memref<1x1024xi32, #tpu.memory_space<vmem_shared>>
        %dma_wait3A_347 = tpu.memref_squeeze %dma_wait3A_346 : memref<1x1024xi32, #tpu.memory_space<vmem_shared>> -> memref<1024xi32, #tpu.memory_space<vmem_shared>>
        tpu.wait_dma2 semaphore(%run_scoped3A : memref<!tpu.dma_semaphore, #tpu.memory_space<semaphore_mem>>) src(%arg5 : memref<1024xi32, #tpu.memory_space<vmem>>) dst(%dma_wait3A_347 : memref<1024xi32, #tpu.memory_space<vmem_shared>>)
        tpu.yield
      }) : () -> ()
    } else {
    }
    %barrier3A_314 = arith.constant 0 : index
    tpu.barrier barrier_id(%barrier3A_314)
    %lt3A_315 = arith.constant 2 : i32
    %lt3A_316 = arith.cmpi slt, %arg1, %lt3A_315 : i32
    %convert_element_type3A_317 = arith.extui %lt3A_316 : i1 to i32
    %cond3A_318 = arith.constant 0 : i32
    %cond3A_319 = arith.cmpi ne, %convert_element_type3A_317, %cond3A_318 : i32
    scf.if %cond3A_319 {
      %add3A_331 = arith.constant 2 : i32
      %add3A_332 = arith.addi %arg1, %add3A_331 : i32
      "tpu.region"() ({
        %run_scoped3A = tpu.sem_alloc : memref<!tpu.dma_semaphore, #tpu.memory_space<semaphore_mem>>
        %dma_start3A_336 = arith.constant 0 : i32
        %dma_start3A_337 = tpu.memref_slice %arg9[%add3A_332, %dma_start3A_336] : memref<16x1024xi32, #tpu.memory_space<vmem_shared>> -> memref<1x1024xi32, #tpu.memory_space<vmem_shared>>
        %dma_start3A_338 = tpu.memref_squeeze %dma_start3A_337 : memref<1x1024xi32, #tpu.memory_space<vmem_shared>> -> memref<1024xi32, #tpu.memory_space<vmem_shared>>
        %dma_start3A_339 = arith.constant 0 : i32
        %dma_start3A_340 = tpu.memref_slice %arg9[%add3A_332, %dma_start3A_339] : memref<16x1024xi32, #tpu.memory_space<vmem_shared>> -> memref<1x1024xi32, #tpu.memory_space<vmem_shared>>
        %dma_start3A_341 = tpu.memref_squeeze %dma_start3A_340 : memref<1x1024xi32, #tpu.memory_space<vmem_shared>> -> memref<1024xi32, #tpu.memory_space<vmem_shared>>
        tpu.enqueue_dma source(%dma_start3A_341 : memref<1024xi32, #tpu.memory_space<vmem_shared>>) target(%arg6 : memref<1024xi32, #tpu.memory_space<vmem>>) target_semaphore(%run_scoped3A : memref<!tpu.dma_semaphore, #tpu.memory_space<semaphore_mem>>)
        %dma_wait3A_342 = arith.constant 0 : i32
        %dma_wait3A_343 = tpu.memref_slice %arg9[%add3A_332, %dma_wait3A_342] : memref<16x1024xi32, #tpu.memory_space<vmem_shared>> -> memref<1x1024xi32, #tpu.memory_space<vmem_shared>>
        %dma_wait3A_344 = tpu.memref_squeeze %dma_wait3A_343 : memref<1x1024xi32, #tpu.memory_space<vmem_shared>> -> memref<1024xi32, #tpu.memory_space<vmem_shared>>
        %dma_wait3A_345 = arith.constant 0 : i32
        %dma_wait3A_346 = tpu.memref_slice %arg9[%add3A_332, %dma_wait3A_345] : memref<16x1024xi32, #tpu.memory_space<vmem_shared>> -> memref<1x1024xi32, #tpu.memory_space<vmem_shared>>
        %dma_wait3A_347 = tpu.memref_squeeze %dma_wait3A_346 : memref<1x1024xi32, #tpu.memory_space<vmem_shared>> -> memref<1024xi32, #tpu.memory_space<vmem_shared>>
        tpu.wait_dma2 semaphore(%run_scoped3A : memref<!tpu.dma_semaphore, #tpu.memory_space<semaphore_mem>>) src(%dma_wait3A_347 : memref<1024xi32, #tpu.memory_space<vmem_shared>>) dst(%arg6 : memref<1024xi32, #tpu.memory_space<vmem>>)
        tpu.yield
      }) : () -> ()
      %parallel_loop3A_333 = arith.constant 0 : i32
      %parallel_loop3A_334 = arith.constant 1024 : i32
      %parallel_loop3A_335 = arith.constant 16 : i32
      scf.for %parallel_loop3A_336 = %parallel_loop3A_333 to %parallel_loop3A_334 step %parallel_loop3A_335  : i32 {
        %parallel_loop3A_337 = arith.index_cast %parallel_loop3A_336 : i32 to index
        %parallel_loop3A_338 = tpu.vector_load %arg5[%parallel_loop3A_337] {strides = array<i32>} : memref<1024xi32, #tpu.memory_space<vmem>>, vector<16xi32>,
        %parallel_loop3A_339 = arith.index_cast %parallel_loop3A_336 : i32 to index
        %parallel_loop3A_340 = tpu.vector_load %arg6[%parallel_loop3A_339] {strides = array<i32>} : memref<1024xi32, #tpu.memory_space<vmem>>, vector<16xi32>,
        %parallel_loop3A_341 = arith.addi %parallel_loop3A_338, %parallel_loop3A_340 : vector<16xi32>
        %parallel_loop3A_342 = arith.index_cast %parallel_loop3A_336 : i32 to index
        %parallel_loop3A_343 = tpu.vector_load %arg5[%parallel_loop3A_342] {strides = array<i32>} : memref<1024xi32, #tpu.memory_space<vmem>>, vector<16xi32>,
        tpu.vector_store %arg5[%parallel_loop3A_342], %parallel_loop3A_341 {strides = array<i32>} : memref<1024xi32, #tpu.memory_space<vmem>>, vector<16xi32>,
      } {sc.loop_unroll_factor = 4 : i64, sc.parallel_access}
      "tpu.region"() ({
        %run_scoped3A = tpu.sem_alloc : memref<!tpu.dma_semaphore, #tpu.memory_space<semaphore_mem>>
        %dma_start3A_336 = arith.constant 0 : i32
        %dma_start3A_337 = tpu.memref_slice %arg9[%arg1, %dma_start3A_336] : memref<16x1024xi32, #tpu.memory_space<vmem_shared>> -> memref<1x1024xi32, #tpu.memory_space<vmem_shared>>
        %dma_start3A_338 = tpu.memref_squeeze %dma_start3A_337 : memref<1x1024xi32, #tpu.memory_space<vmem_shared>> -> memref<1024xi32, #tpu.memory_space<vmem_shared>>
        %dma_start3A_339 = arith.constant 0 : i32
        %dma_start3A_340 = tpu.memref_slice %arg9[%arg1, %dma_start3A_339] : memref<16x1024xi32, #tpu.memory_space<vmem_shared>> -> memref<1x1024xi32, #tpu.memory_space<vmem_shared>>
        %dma_start3A_341 = tpu.memref_squeeze %dma_start3A_340 : memref<1x1024xi32, #tpu.memory_space<vmem_shared>> -> memref<1024xi32, #tpu.memory_space<vmem_shared>>
        tpu.enqueue_dma source(%arg5 : memref<1024xi32, #tpu.memory_space<vmem>>) target(%dma_start3A_341 : memref<1024xi32, #tpu.memory_space<vmem_shared>>) target_semaphore(%run_scoped3A : memref<!tpu.dma_semaphore, #tpu.memory_space<semaphore_mem>>)
        %dma_wait3A_342 = arith.constant 0 : i32
        %dma_wait3A_343 = tpu.memref_slice %arg9[%arg1, %dma_wait3A_342] : memref<16x1024xi32, #tpu.memory_space<vmem_shared>> -> memref<1x1024xi32, #tpu.memory_space<vmem_shared>>
        %dma_wait3A_344 = tpu.memref_squeeze %dma_wait3A_343 : memref<1x1024xi32, #tpu.memory_space<vmem_shared>> -> memref<1024xi32, #tpu.memory_space<vmem_shared>>
        %dma_wait3A_345 = arith.constant 0 : i32
        %dma_wait3A_346 = tpu.memref_slice %arg9[%arg1, %dma_wait3A_345] : memref<16x1024xi32, #tpu.memory_space<vmem_shared>> -> memref<1x1024xi32, #tpu.memory_space<vmem_shared>>
        %dma_wait3A_347 = tpu.memref_squeeze %dma_wait3A_346 : memref<1x1024xi32, #tpu.memory_space<vmem_shared>> -> memref<1024xi32, #tpu.memory_space<vmem_shared>>
        tpu.wait_dma2 semaphore(%run_scoped3A : memref<!tpu.dma_semaphore, #tpu.memory_space<semaphore_mem>>) src(%arg5 : memref<1024xi32, #tpu.memory_space<vmem>>) dst(%dma_wait3A_347 : memref<1024xi32, #tpu.memory_space<vmem_shared>>)
        tpu.yield
      }) : () -> ()
    } else {
    }
    %barrier3A_320 = arith.constant 0 : index
    tpu.barrier barrier_id(%barrier3A_320)
    %lt3A_321 = arith.constant 1 : i32
    %lt3A_322 = arith.cmpi slt, %arg1, %lt3A_321 : i32
    %convert_element_type3A_323 = arith.extui %lt3A_322 : i1 to i32
    %cond3A_324 = arith.constant 0 : i32
    %cond3A_325 = arith.cmpi ne, %convert_element_type3A_323, %cond3A_324 : i32
    scf.if %cond3A_325 {
      %add3A_331 = arith.constant 1 : i32
      %add3A_332 = arith.addi %arg1, %add3A_331 : i32
      "tpu.region"() ({
        %run_scoped3A = tpu.sem_alloc : memref<!tpu.dma_semaphore, #tpu.memory_space<semaphore_mem>>
        %dma_start3A_336 = arith.constant 0 : i32
        %dma_start3A_337 = tpu.memref_slice %arg9[%add3A_332, %dma_start3A_336] : memref<16x1024xi32, #tpu.memory_space<vmem_shared>> -> memref<1x1024xi32, #tpu.memory_space<vmem_shared>>
        %dma_start3A_338 = tpu.memref_squeeze %dma_start3A_337 : memref<1x1024xi32, #tpu.memory_space<vmem_shared>> -> memref<1024xi32, #tpu.memory_space<vmem_shared>>
        %dma_start3A_339 = arith.constant 0 : i32
        %dma_start3A_340 = tpu.memref_slice %arg9[%add3A_332, %dma_start3A_339] : memref<16x1024xi32, #tpu.memory_space<vmem_shared>> -> memref<1x1024xi32, #tpu.memory_space<vmem_shared>>
        %dma_start3A_341 = tpu.memref_squeeze %dma_start3A_340 : memref<1x1024xi32, #tpu.memory_space<vmem_shared>> -> memref<1024xi32, #tpu.memory_space<vmem_shared>>
        tpu.enqueue_dma source(%dma_start3A_341 : memref<1024xi32, #tpu.memory_space<vmem_shared>>) target(%arg6 : memref<1024xi32, #tpu.memory_space<vmem>>) target_semaphore(%run_scoped3A : memref<!tpu.dma_semaphore, #tpu.memory_space<semaphore_mem>>)
        %dma_wait3A_342 = arith.constant 0 : i32
        %dma_wait3A_343 = tpu.memref_slice %arg9[%add3A_332, %dma_wait3A_342] : memref<16x1024xi32, #tpu.memory_space<vmem_shared>> -> memref<1x1024xi32, #tpu.memory_space<vmem_shared>>
        %dma_wait3A_344 = tpu.memref_squeeze %dma_wait3A_343 : memref<1x1024xi32, #tpu.memory_space<vmem_shared>> -> memref<1024xi32, #tpu.memory_space<vmem_shared>>
        %dma_wait3A_345 = arith.constant 0 : i32
        %dma_wait3A_346 = tpu.memref_slice %arg9[%add3A_332, %dma_wait3A_345] : memref<16x1024xi32, #tpu.memory_space<vmem_shared>> -> memref<1x1024xi32, #tpu.memory_space<vmem_shared>>
        %dma_wait3A_347 = tpu.memref_squeeze %dma_wait3A_346 : memref<1x1024xi32, #tpu.memory_space<vmem_shared>> -> memref<1024xi32, #tpu.memory_space<vmem_shared>>
        tpu.wait_dma2 semaphore(%run_scoped3A : memref<!tpu.dma_semaphore, #tpu.memory_space<semaphore_mem>>) src(%dma_wait3A_347 : memref<1024xi32, #tpu.memory_space<vmem_shared>>) dst(%arg6 : memref<1024xi32, #tpu.memory_space<vmem>>)
        tpu.yield
      }) : () -> ()
      %parallel_loop3A_333 = arith.constant 0 : i32
      %parallel_loop3A_334 = arith.constant 1024 : i32
      %parallel_loop3A_335 = arith.constant 16 : i32
      scf.for %parallel_loop3A_336 = %parallel_loop3A_333 to %parallel_loop3A_334 step %parallel_loop3A_335  : i32 {
        %parallel_loop3A_337 = arith.index_cast %parallel_loop3A_336 : i32 to index
        %parallel_loop3A_338 = tpu.vector_load %arg5[%parallel_loop3A_337] {strides = array<i32>} : memref<1024xi32, #tpu.memory_space<vmem>>, vector<16xi32>,
        %parallel_loop3A_339 = arith.index_cast %parallel_loop3A_336 : i32 to index
        %parallel_loop3A_340 = tpu.vector_load %arg6[%parallel_loop3A_339] {strides = array<i32>} : memref<1024xi32, #tpu.memory_space<vmem>>, vector<16xi32>,
        %parallel_loop3A_341 = arith.addi %parallel_loop3A_338, %parallel_loop3A_340 : vector<16xi32>
        %parallel_loop3A_342 = arith.index_cast %parallel_loop3A_336 : i32 to index
        %parallel_loop3A_343 = tpu.vector_load %arg5[%parallel_loop3A_342] {strides = array<i32>} : memref<1024xi32, #tpu.memory_space<vmem>>, vector<16xi32>,
        tpu.vector_store %arg5[%parallel_loop3A_342], %parallel_loop3A_341 {strides = array<i32>} : memref<1024xi32, #tpu.memory_space<vmem>>, vector<16xi32>,
      } {sc.loop_unroll_factor = 4 : i64, sc.parallel_access}
      "tpu.region"() ({
        %run_scoped3A = tpu.sem_alloc : memref<!tpu.dma_semaphore, #tpu.memory_space<semaphore_mem>>
        %dma_start3A_336 = arith.constant 0 : i32
        %dma_start3A_337 = tpu.memref_slice %arg9[%arg1, %dma_start3A_336] : memref<16x1024xi32, #tpu.memory_space<vmem_shared>> -> memref<1x1024xi32, #tpu.memory_space<vmem_shared>>
        %dma_start3A_338 = tpu.memref_squeeze %dma_start3A_337 : memref<1x1024xi32, #tpu.memory_space<vmem_shared>> -> memref<1024xi32, #tpu.memory_space<vmem_shared>>
        %dma_start3A_339 = arith.constant 0 : i32
        %dma_start3A_340 = tpu.memref_slice %arg9[%arg1, %dma_start3A_339] : memref<16x1024xi32, #tpu.memory_space<vmem_shared>> -> memref<1x1024xi32, #tpu.memory_space<vmem_shared>>
        %dma_start3A_341 = tpu.memref_squeeze %dma_start3A_340 : memref<1x1024xi32, #tpu.memory_space<vmem_shared>> -> memref<1024xi32, #tpu.memory_space<vmem_shared>>
        tpu.enqueue_dma source(%arg5 : memref<1024xi32, #tpu.memory_space<vmem>>) target(%dma_start3A_341 : memref<1024xi32, #tpu.memory_space<vmem_shared>>) target_semaphore(%run_scoped3A : memref<!tpu.dma_semaphore, #tpu.memory_space<semaphore_mem>>)
        %dma_wait3A_342 = arith.constant 0 : i32
        %dma_wait3A_343 = tpu.memref_slice %arg9[%arg1, %dma_wait3A_342] : memref<16x1024xi32, #tpu.memory_space<vmem_shared>> -> memref<1x1024xi32, #tpu.memory_space<vmem_shared>>
        %dma_wait3A_344 = tpu.memref_squeeze %dma_wait3A_343 : memref<1x1024xi32, #tpu.memory_space<vmem_shared>> -> memref<1024xi32, #tpu.memory_space<vmem_shared>>
        %dma_wait3A_345 = arith.constant 0 : i32
        %dma_wait3A_346 = tpu.memref_slice %arg9[%arg1, %dma_wait3A_345] : memref<16x1024xi32, #tpu.memory_space<vmem_shared>> -> memref<1x1024xi32, #tpu.memory_space<vmem_shared>>
        %dma_wait3A_347 = tpu.memref_squeeze %dma_wait3A_346 : memref<1x1024xi32, #tpu.memory_space<vmem_shared>> -> memref<1024xi32, #tpu.memory_space<vmem_shared>>
        tpu.wait_dma2 semaphore(%run_scoped3A : memref<!tpu.dma_semaphore, #tpu.memory_space<semaphore_mem>>) src(%arg5 : memref<1024xi32, #tpu.memory_space<vmem>>) dst(%dma_wait3A_347 : memref<1024xi32, #tpu.memory_space<vmem_shared>>)
        tpu.yield
      }) : () -> ()
    } else {
    }
    %barrier3A_326 = arith.constant 0 : index
    tpu.barrier barrier_id(%barrier3A_326)
    %eq3A = arith.constant 0 : i32
    %eq3A_327 = arith.cmpi eq, %arg1, %eq3A : i32
    %convert_element_type3A_328 = arith.extui %eq3A_327 : i1 to i32
    %cond3A_329 = arith.constant 0 : i32
    %cond3A_330 = arith.cmpi ne, %convert_element_type3A_328, %cond3A_329 : i32
    scf.if %cond3A_330 {
      "tpu.region"() ({
        %run_scoped3A = tpu.sem_alloc : memref<!tpu.dma_semaphore, #tpu.memory_space<semaphore_mem>>
        %dma_start3A_331 = arith.constant 0 : i32
        %dma_start3A_332 = tpu.memref_slice %arg3[%arg0, %dma_start3A_331] : memref<2x1024xi32, #tpu.memory_space<hbm>> -> memref<1x1024xi32, #tpu.memory_space<hbm>>
        %dma_start3A_333 = tpu.memref_squeeze %dma_start3A_332 : memref<1x1024xi32, #tpu.memory_space<hbm>> -> memref<1024xi32, #tpu.memory_space<hbm>>
        %dma_start3A_334 = arith.constant 0 : i32
        %dma_start3A_335 = tpu.memref_slice %arg3[%arg0, %dma_start3A_334] : memref<2x1024xi32, #tpu.memory_space<hbm>> -> memref<1x1024xi32, #tpu.memory_space<hbm>>
        %dma_start3A_336 = tpu.memref_squeeze %dma_start3A_335 : memref<1x1024xi32, #tpu.memory_space<hbm>> -> memref<1024xi32, #tpu.memory_space<hbm>>
        tpu.enqueue_dma source(%arg5 : memref<1024xi32, #tpu.memory_space<vmem>>) target(%dma_start3A_336 : memref<1024xi32, #tpu.memory_space<hbm>>) target_semaphore(%run_scoped3A : memref<!tpu.dma_semaphore, #tpu.memory_space<semaphore_mem>>)
        %dma_wait3A_337 = arith.constant 0 : i32
        %dma_wait3A_338 = tpu.memref_slice %arg3[%arg0, %dma_wait3A_337] : memref<2x1024xi32, #tpu.memory_space<hbm>> -> memref<1x1024xi32, #tpu.memory_space<hbm>>
        %dma_wait3A_339 = tpu.memref_squeeze %dma_wait3A_338 : memref<1x1024xi32, #tpu.memory_space<hbm>> -> memref<1024xi32, #tpu.memory_space<hbm>>
        %dma_wait3A_340 = arith.constant 0 : i32
        %dma_wait3A_341 = tpu.memref_slice %arg3[%arg0, %dma_wait3A_340] : memref<2x1024xi32, #tpu.memory_space<hbm>> -> memref<1x1024xi32, #tpu.memory_space<hbm>>
        %dma_wait3A_342 = tpu.memref_squeeze %dma_wait3A_341 : memref<1x1024xi32, #tpu.memory_space<hbm>> -> memref<1024xi32, #tpu.memory_space<hbm>>
        tpu.wait_dma2 semaphore(%run_scoped3A : memref<!tpu.dma_semaphore, #tpu.memory_space<semaphore_mem>>) src(%arg5 : memref<1024xi32, #tpu.memory_space<vmem>>) dst(%dma_wait3A_342 : memref<1024xi32, #tpu.memory_space<hbm>>)
        tpu.yield
      }) : () -> ()
    } else {
    }
    return
  }
}

#map = affine_map<(d0, d1) -> (0)>
#map1 = affine_map<(d0, d1) -> (0, 0)>
module attributes {stable_mosaic.version = 14 : i64} {
  func.func @sc_pass(%arg0: i32, %arg1: i32, %arg2: memref<4194304xi32, #tpu.memory_space<hbm>>, %arg3: memref<2x1024xi32, #tpu.memory_space<hbm>>, %arg4: memref<2x2048xi32, #tpu.memory_space<hbm>>, %arg5: memref<2x2048xi32, #tpu.memory_space<hbm>>, %arg6: memref<2x1024xi32, #tpu.memory_space<vmem>>, %arg7: memref<2x2048xi32, #tpu.memory_space<vmem>>, %arg8: memref<2048xi32, #tpu.memory_space<vmem>>, %arg9: memref<2048xi32, #tpu.memory_space<vmem>>, %arg10: memref<16384xi32, #tpu.memory_space<vmem>>, %arg11: memref<16384xi32, #tpu.memory_space<vmem>>, %arg12: memref<16x2048xi32, #tpu.memory_space<vmem_shared>>, %arg13: memref<!tpu.dma_semaphore, #tpu.memory_space<semaphore_mem>>, %arg14: memref<!tpu.dma_semaphore, #tpu.memory_space<semaphore_mem>>) attributes {dimension_semantics = [#tpu.dimension_semantics<core_parallel>, #tpu.dimension_semantics<subcore_parallel>], iteration_bounds = array<i64: 2, 16>, scalar_prefetch = 0 : i64, scratch_operands = 9 : i64, tpu.core_type = #tpu.core_type<sc_vector_subcore>, window_params = [{transform_indices = #map}, {transform_indices = #map1}, {transform_indices = #map1}, {transform_indices = #map1}]} {
    %broadcast_in_dim3A = arith.constant 0 : i32
    %broadcast_in_dim3A_0 = vector.broadcast %broadcast_in_dim3A : i32 to vector<16xi32>
    %mul3A = arith.constant 16 : i32
    %mul3A_1 = arith.muli %arg0, %mul3A : i32
    %add3A = arith.addi %mul3A_1, %arg1 : i32
    %mul3A_2 = arith.constant 131072 : i32
    %mul3A_3 = arith.muli %add3A, %mul3A_2 : i32
    %add3A_4 = arith.constant 0 : i32
    %add3A_5 = arith.addi %mul3A_3, %add3A_4 : i32
    %dma_start3A = tpu.memref_slice %arg2[%add3A_5] : memref<4194304xi32, #tpu.memory_space<hbm>> -> memref<16384xi32, #tpu.memory_space<hbm>>
    %dma_start3A_6 = tpu.memref_slice %arg2[%add3A_5] : memref<4194304xi32, #tpu.memory_space<hbm>> -> memref<16384xi32, #tpu.memory_space<hbm>>
    tpu.enqueue_dma source(%dma_start3A_6 : memref<16384xi32, #tpu.memory_space<hbm>>) target(%arg10 : memref<16384xi32, #tpu.memory_space<vmem>>) target_semaphore(%arg13 : memref<!tpu.dma_semaphore, #tpu.memory_space<semaphore_mem>>)
    %add3A_7 = arith.constant 16384 : i32
    %add3A_8 = arith.addi %mul3A_3, %add3A_7 : i32
    %dma_start3A_9 = tpu.memref_slice %arg2[%add3A_8] : memref<4194304xi32, #tpu.memory_space<hbm>> -> memref<16384xi32, #tpu.memory_space<hbm>>
    %dma_start3A_10 = tpu.memref_slice %arg2[%add3A_8] : memref<4194304xi32, #tpu.memory_space<hbm>> -> memref<16384xi32, #tpu.memory_space<hbm>>
    tpu.enqueue_dma source(%dma_start3A_10 : memref<16384xi32, #tpu.memory_space<hbm>>) target(%arg11 : memref<16384xi32, #tpu.memory_space<vmem>>) target_semaphore(%arg14 : memref<!tpu.dma_semaphore, #tpu.memory_space<semaphore_mem>>)
    %scan3A = arith.constant 0 : i32
    %scan3A_11 = arith.constant 0 : i32
    %scan3A_12 = arith.constant 128 : i32
    %scan3A_13 = arith.addi %scan3A_11, %scan3A_12 : i32
    %scan3A_14 = arith.constant 1 : i32
    %scan3A_15 = scf.for %scan3A_155 = %scan3A_11 to %scan3A_13 step %scan3A_14 iter_args(%scan3A_156 = %scan3A) -> (i32)  : i32 {
      %mul3A_157 = arith.constant 16 : i32
      %mul3A_158 = arith.muli %scan3A_155, %mul3A_157 : i32
      %swap3A = arith.index_cast %mul3A_158 : i32 to index
      %swap3A_159 = tpu.vector_load %arg8[%swap3A] {strides = array<i32>} : memref<2048xi32, #tpu.memory_space<vmem>>, vector<16xi32>,
      tpu.vector_store %arg8[%swap3A], %broadcast_in_dim3A_0 {strides = array<i32>} : memref<2048xi32, #tpu.memory_space<vmem>>, vector<16xi32>,
      %scan3A_160 = arith.constant 0 : i32
      scf.yield %scan3A_160 : i32
    }
    %scan3A_16 = arith.constant 128 : i32
    "tpu.region"() ({
      %run_scoped3A = tpu.sem_alloc : memref<!tpu.dma_semaphore, #tpu.memory_space<semaphore_mem>>
      tpu.enqueue_dma source(%arg3 : memref<2x1024xi32, #tpu.memory_space<hbm>>) target(%arg6 : memref<2x1024xi32, #tpu.memory_space<vmem>>) target_semaphore(%run_scoped3A : memref<!tpu.dma_semaphore, #tpu.memory_space<semaphore_mem>>)
      tpu.wait_dma2 semaphore(%run_scoped3A : memref<!tpu.dma_semaphore, #tpu.memory_space<semaphore_mem>>) src(%arg3 : memref<2x1024xi32, #tpu.memory_space<hbm>>) dst(%arg6 : memref<2x1024xi32, #tpu.memory_space<vmem>>)
      tpu.yield
    }) : () -> ()
    %scan3A_17 = arith.constant 10000 : i32
    %scan3A_18 = arith.constant 0 : i32
    %scan3A_19 = arith.constant 0 : i32
    %scan3A_20 = arith.constant 0 : i32
    %scan3A_21 = arith.constant 0 : i32
    %scan3A_22 = arith.constant 0 : i32
    %scan3A_23 = arith.constant 64 : i32
    %scan3A_24 = arith.addi %scan3A_22, %scan3A_23 : i32
    %scan3A_25 = arith.constant 1 : i32
    %scan3A_26:4 = scf.for %scan3A_155 = %scan3A_22 to %scan3A_24 step %scan3A_25 iter_args(%scan3A_156 = %scan3A_18, %scan3A_157 = %scan3A_19, %scan3A_158 = %scan3A_20, %scan3A_159 = %scan3A_21) -> (i32, i32, i32, i32)  : i32 {
      %sub3A_160 = arith.constant 63 : i32
      %sub3A_161 = arith.subi %sub3A_160, %scan3A_155 : i32
      %mul3A_162 = arith.constant 16 : i32
      %mul3A_163 = arith.muli %sub3A_161, %mul3A_162 : i32
      %get3A = arith.constant 0 : i32
      %get3A_164 = arith.index_cast %get3A : i32 to index
      %get3A_165 = arith.index_cast %mul3A_163 : i32 to index
      %get3A_166 = tpu.vector_load %arg6[%get3A_164, %get3A_165] {strides = array<i32>} : memref<2x1024xi32, #tpu.memory_space<vmem>>, vector<16xi32>,
      %mul3A_167 = arith.constant 16 : i32
      %mul3A_168 = arith.muli %sub3A_161, %mul3A_167 : i32
      %get3A_169 = arith.constant 1 : i32
      %get3A_170 = arith.index_cast %get3A_169 : i32 to index
      %get3A_171 = arith.index_cast %mul3A_168 : i32 to index
      %get3A_172 = tpu.vector_load %arg6[%get3A_170, %get3A_171] {strides = array<i32>} : memref<2x1024xi32, #tpu.memory_space<vmem>>, vector<16xi32>,
      %add3A_173 = arith.addi %get3A_166, %get3A_172 : vector<16xi32>
      %rev3A = arith.constant 15 : i32
      %rev3A_174 = vector.broadcast %rev3A : i32 to vector<16xi32>
      %rev3A_175 = tpu.iota {dimensions = array<i32: 0>} : vector<16xi32>
      %rev3A_176 = arith.subi %rev3A_174, %rev3A_175 : vector<16xi32>
      %rev3A_177 = tpu.dynamic_gather %add3A_173[%rev3A_176] in [0] : vector<16xi32>, vector<16xi32> -> vector<16xi32>
      %broadcast_in_dim3A_178 = arith.constant true
      %broadcast_in_dim3A_179 = vector.broadcast %broadcast_in_dim3A_178 : i1 to vector<16xi1>
      %masked_cumsum3A = tpu.scan <sum>, %rev3A_177 masked %broadcast_in_dim3A_179 : vector<16xi32>, vector<16xi1> -> vector<16xi32>
      %rev3A_180 = arith.constant 15 : i32
      %rev3A_181 = vector.broadcast %rev3A_180 : i32 to vector<16xi32>
      %rev3A_182 = tpu.iota {dimensions = array<i32: 0>} : vector<16xi32>
      %rev3A_183 = arith.subi %rev3A_181, %rev3A_182 : vector<16xi32>
      %rev3A_184 = tpu.dynamic_gather %masked_cumsum3A[%rev3A_183] in [0] : vector<16xi32>, vector<16xi32> -> vector<16xi32>
      %add3A_185 = vector.broadcast %scan3A_158 : i32 to vector<16xi32>
      %add3A_186 = arith.addi %rev3A_184, %add3A_185 : vector<16xi32>
      %ge3A = vector.broadcast %scan3A_17 : i32 to vector<16xi32>
      %ge3A_187 = arith.cmpi sge, %add3A_186, %ge3A : vector<16xi32>
      %iota3A = tpu.iota {dimensions = array<i32: 0>} : vector<16xi32>
      %jit3A = arith.constant -1 : i32
      %broadcast_in_dim3A_188 = vector.broadcast %jit3A : i32 to vector<16xi32>
      %select_n3A = arith.select %ge3A_187, %iota3A, %broadcast_in_dim3A_188 : vector<16xi1>, vector<16xi32>
      %reduce_max3A = arith.constant true
      %reduce_max3A_189 = vector.broadcast %reduce_max3A : i1 to vector<16xi1>
      %reduce_max3A_190 = arith.constant -2147483648 : i32
      %reduce_max3A_191 = vector.broadcast %reduce_max3A_190 : i32 to vector<16xi32>
      %reduce_max3A_192 = arith.xori %select_n3A, %reduce_max3A_191 : vector<16xi32>
      %reduce_max3A_193 = tpu.scan <max>, %reduce_max3A_192 masked %reduce_max3A_189 : vector<16xi32>, vector<16xi1> -> vector<16xi32>
      %reduce_max3A_194 = arith.xori %reduce_max3A_193, %reduce_max3A_191 : vector<16xi32>
      %reduce_max3A_195 = vector.extract %reduce_max3A_194[15] : i32 from vector<16xi32>
      %jit3A_196 = arith.constant 0 : i32
      %broadcast_in_dim3A_197 = vector.broadcast %jit3A_196 : i32 to vector<16xi32>
      %select_n3A_198 = arith.select %ge3A_187, %broadcast_in_dim3A_197, %add3A_186 : vector<16xi1>, vector<16xi32>
      %reduce_max3A_199 = arith.constant true
      %reduce_max3A_200 = vector.broadcast %reduce_max3A_199 : i1 to vector<16xi1>
      %reduce_max3A_201 = arith.constant -2147483648 : i32
      %reduce_max3A_202 = vector.broadcast %reduce_max3A_201 : i32 to vector<16xi32>
      %reduce_max3A_203 = arith.xori %select_n3A_198, %reduce_max3A_202 : vector<16xi32>
      %reduce_max3A_204 = tpu.scan <max>, %reduce_max3A_203 masked %reduce_max3A_200 : vector<16xi32>, vector<16xi1> -> vector<16xi32>
      %reduce_max3A_205 = arith.xori %reduce_max3A_204, %reduce_max3A_202 : vector<16xi32>
      %reduce_max3A_206 = vector.extract %reduce_max3A_205[15] : i32 from vector<16xi32>
      %eq3A_207 = arith.constant 15 : i32
      %eq3A_208 = arith.cmpi eq, %reduce_max3A_195, %eq3A_207 : i32
      %select_n3A_209 = arith.select %eq3A_208, %scan3A_158, %reduce_max3A_206 : i32
      %ge3A_210 = arith.constant 0 : i32
      %ge3A_211 = arith.cmpi sge, %reduce_max3A_195, %ge3A_210 : i32
      %eq3A_212 = arith.constant 0 : i32
      %eq3A_213 = arith.cmpi eq, %scan3A_156, %eq3A_212 : i32
      %and3A = arith.andi %ge3A_211, %eq3A_213 : i1
      %mul3A_214 = arith.constant 16 : i32
      %mul3A_215 = arith.muli %sub3A_161, %mul3A_214 : i32
      %add3A_216 = arith.addi %mul3A_215, %reduce_max3A_195 : i32
      %select_n3A_217 = arith.select %and3A, %add3A_216, %scan3A_157 : i32
      %select_n3A_218 = arith.select %and3A, %select_n3A_209, %scan3A_159 : i32
      %ge3A_219 = arith.constant 0 : i32
      %ge3A_220 = arith.cmpi sge, %reduce_max3A_195, %ge3A_219 : i32
      %jit3A_221 = arith.constant 1 : i32
      %select_n3A_222 = arith.select %ge3A_220, %jit3A_221, %scan3A_156 : i32
      %slice3A = vector.extract_strided_slice %add3A_186 {offsets = [0], sizes = [1], strides = [1]} : vector<16xi32> to vector<1xi32>
      %squeeze3A = vector.extract %slice3A[0] : i32 from vector<1xi32>
      scf.yield %select_n3A_222, %select_n3A_217, %squeeze3A, %select_n3A_218 : i32, i32, i32, i32
    }
    %scan3A_27 = arith.constant 64 : i32
    %sub3A = arith.constant 10000 : i32
    %sub3A_28 = arith.subi %sub3A, %scan3A_26#3 : i32
    %shift_left3A = arith.constant 0 : i32
    %shift_left3A_29 = arith.constant 10 : i32
    %shift_left3A_30 = arith.shli %shift_left3A, %shift_left3A_29 : i32
    %or3A = arith.ori %shift_left3A_30, %scan3A_26#1 : i32
    "tpu.region"() ({
      %run_scoped3A = tpu.sem_alloc : memref<!tpu.dma_semaphore, #tpu.memory_space<semaphore_mem>>
      tpu.enqueue_dma source(%arg4 : memref<2x2048xi32, #tpu.memory_space<hbm>>) target(%arg7 : memref<2x2048xi32, #tpu.memory_space<vmem>>) target_semaphore(%run_scoped3A : memref<!tpu.dma_semaphore, #tpu.memory_space<semaphore_mem>>)
      tpu.wait_dma2 semaphore(%run_scoped3A : memref<!tpu.dma_semaphore, #tpu.memory_space<semaphore_mem>>) src(%arg4 : memref<2x2048xi32, #tpu.memory_space<hbm>>) dst(%arg7 : memref<2x2048xi32, #tpu.memory_space<vmem>>)
      tpu.yield
    }) : () -> ()
    %scan3A_31 = arith.constant 0 : i32
    %scan3A_32 = arith.constant 0 : i32
    %scan3A_33 = arith.constant 0 : i32
    %scan3A_34 = arith.constant 0 : i32
    %scan3A_35 = arith.constant 0 : i32
    %scan3A_36 = arith.constant 128 : i32
    %scan3A_37 = arith.addi %scan3A_35, %scan3A_36 : i32
    %scan3A_38 = arith.constant 1 : i32
    %scan3A_39:4 = scf.for %scan3A_155 = %scan3A_35 to %scan3A_37 step %scan3A_38 iter_args(%scan3A_156 = %scan3A_31, %scan3A_157 = %scan3A_32, %scan3A_158 = %scan3A_33, %scan3A_159 = %scan3A_34) -> (i32, i32, i32, i32)  : i32 {
      %sub3A_160 = arith.constant 127 : i32
      %sub3A_161 = arith.subi %sub3A_160, %scan3A_155 : i32
      %mul3A_162 = arith.constant 16 : i32
      %mul3A_163 = arith.muli %sub3A_161, %mul3A_162 : i32
      %get3A = arith.constant 0 : i32
      %get3A_164 = arith.index_cast %get3A : i32 to index
      %get3A_165 = arith.index_cast %mul3A_163 : i32 to index
      %get3A_166 = tpu.vector_load %arg7[%get3A_164, %get3A_165] {strides = array<i32>} : memref<2x2048xi32, #tpu.memory_space<vmem>>, vector<16xi32>,
      %mul3A_167 = arith.constant 16 : i32
      %mul3A_168 = arith.muli %sub3A_161, %mul3A_167 : i32
      %get3A_169 = arith.constant 1 : i32
      %get3A_170 = arith.index_cast %get3A_169 : i32 to index
      %get3A_171 = arith.index_cast %mul3A_168 : i32 to index
      %get3A_172 = tpu.vector_load %arg7[%get3A_170, %get3A_171] {strides = array<i32>} : memref<2x2048xi32, #tpu.memory_space<vmem>>, vector<16xi32>,
      %add3A_173 = arith.addi %get3A_166, %get3A_172 : vector<16xi32>
      %rev3A = arith.constant 15 : i32
      %rev3A_174 = vector.broadcast %rev3A : i32 to vector<16xi32>
      %rev3A_175 = tpu.iota {dimensions = array<i32: 0>} : vector<16xi32>
      %rev3A_176 = arith.subi %rev3A_174, %rev3A_175 : vector<16xi32>
      %rev3A_177 = tpu.dynamic_gather %add3A_173[%rev3A_176] in [0] : vector<16xi32>, vector<16xi32> -> vector<16xi32>
      %broadcast_in_dim3A_178 = arith.constant true
      %broadcast_in_dim3A_179 = vector.broadcast %broadcast_in_dim3A_178 : i1 to vector<16xi1>
      %masked_cumsum3A = tpu.scan <sum>, %rev3A_177 masked %broadcast_in_dim3A_179 : vector<16xi32>, vector<16xi1> -> vector<16xi32>
      %rev3A_180 = arith.constant 15 : i32
      %rev3A_181 = vector.broadcast %rev3A_180 : i32 to vector<16xi32>
      %rev3A_182 = tpu.iota {dimensions = array<i32: 0>} : vector<16xi32>
      %rev3A_183 = arith.subi %rev3A_181, %rev3A_182 : vector<16xi32>
      %rev3A_184 = tpu.dynamic_gather %masked_cumsum3A[%rev3A_183] in [0] : vector<16xi32>, vector<16xi32> -> vector<16xi32>
      %add3A_185 = vector.broadcast %scan3A_158 : i32 to vector<16xi32>
      %add3A_186 = arith.addi %rev3A_184, %add3A_185 : vector<16xi32>
      %ge3A = vector.broadcast %sub3A_28 : i32 to vector<16xi32>
      %ge3A_187 = arith.cmpi sge, %add3A_186, %ge3A : vector<16xi32>
      %iota3A = tpu.iota {dimensions = array<i32: 0>} : vector<16xi32>
      %jit3A = arith.constant -1 : i32
      %broadcast_in_dim3A_188 = vector.broadcast %jit3A : i32 to vector<16xi32>
      %select_n3A = arith.select %ge3A_187, %iota3A, %broadcast_in_dim3A_188 : vector<16xi1>, vector<16xi32>
      %reduce_max3A = arith.constant true
      %reduce_max3A_189 = vector.broadcast %reduce_max3A : i1 to vector<16xi1>
      %reduce_max3A_190 = arith.constant -2147483648 : i32
      %reduce_max3A_191 = vector.broadcast %reduce_max3A_190 : i32 to vector<16xi32>
      %reduce_max3A_192 = arith.xori %select_n3A, %reduce_max3A_191 : vector<16xi32>
      %reduce_max3A_193 = tpu.scan <max>, %reduce_max3A_192 masked %reduce_max3A_189 : vector<16xi32>, vector<16xi1> -> vector<16xi32>
      %reduce_max3A_194 = arith.xori %reduce_max3A_193, %reduce_max3A_191 : vector<16xi32>
      %reduce_max3A_195 = vector.extract %reduce_max3A_194[15] : i32 from vector<16xi32>
      %jit3A_196 = arith.constant 0 : i32
      %broadcast_in_dim3A_197 = vector.broadcast %jit3A_196 : i32 to vector<16xi32>
      %select_n3A_198 = arith.select %ge3A_187, %broadcast_in_dim3A_197, %add3A_186 : vector<16xi1>, vector<16xi32>
      %reduce_max3A_199 = arith.constant true
      %reduce_max3A_200 = vector.broadcast %reduce_max3A_199 : i1 to vector<16xi1>
      %reduce_max3A_201 = arith.constant -2147483648 : i32
      %reduce_max3A_202 = vector.broadcast %reduce_max3A_201 : i32 to vector<16xi32>
      %reduce_max3A_203 = arith.xori %select_n3A_198, %reduce_max3A_202 : vector<16xi32>
      %reduce_max3A_204 = tpu.scan <max>, %reduce_max3A_203 masked %reduce_max3A_200 : vector<16xi32>, vector<16xi1> -> vector<16xi32>
      %reduce_max3A_205 = arith.xori %reduce_max3A_204, %reduce_max3A_202 : vector<16xi32>
      %reduce_max3A_206 = vector.extract %reduce_max3A_205[15] : i32 from vector<16xi32>
      %eq3A_207 = arith.constant 15 : i32
      %eq3A_208 = arith.cmpi eq, %reduce_max3A_195, %eq3A_207 : i32
      %select_n3A_209 = arith.select %eq3A_208, %scan3A_158, %reduce_max3A_206 : i32
      %ge3A_210 = arith.constant 0 : i32
      %ge3A_211 = arith.cmpi sge, %reduce_max3A_195, %ge3A_210 : i32
      %eq3A_212 = arith.constant 0 : i32
      %eq3A_213 = arith.cmpi eq, %scan3A_156, %eq3A_212 : i32
      %and3A = arith.andi %ge3A_211, %eq3A_213 : i1
      %mul3A_214 = arith.constant 16 : i32
      %mul3A_215 = arith.muli %sub3A_161, %mul3A_214 : i32
      %add3A_216 = arith.addi %mul3A_215, %reduce_max3A_195 : i32
      %select_n3A_217 = arith.select %and3A, %add3A_216, %scan3A_157 : i32
      %select_n3A_218 = arith.select %and3A, %select_n3A_209, %scan3A_159 : i32
      %ge3A_219 = arith.constant 0 : i32
      %ge3A_220 = arith.cmpi sge, %reduce_max3A_195, %ge3A_219 : i32
      %jit3A_221 = arith.constant 1 : i32
      %select_n3A_222 = arith.select %ge3A_220, %jit3A_221, %scan3A_156 : i32
      %slice3A = vector.extract_strided_slice %add3A_186 {offsets = [0], sizes = [1], strides = [1]} : vector<16xi32> to vector<1xi32>
      %squeeze3A = vector.extract %slice3A[0] : i32 from vector<1xi32>
      scf.yield %select_n3A_222, %select_n3A_217, %squeeze3A, %select_n3A_218 : i32, i32, i32, i32
    }
    %scan3A_40 = arith.constant 128 : i32
    %sub3A_41 = arith.subi %sub3A_28, %scan3A_39#3 : i32
    %shift_left3A_42 = arith.constant 11 : i32
    %shift_left3A_43 = arith.shli %or3A, %shift_left3A_42 : i32
    %or3A_44 = arith.ori %shift_left3A_43, %scan3A_39#1 : i32
    %xor3A = arith.constant 1048576 : i32
    %xor3A_45 = arith.xori %or3A_44, %xor3A : i32
    %shift_left3A_46 = arith.constant 11 : i32
    %shift_left3A_47 = arith.shli %xor3A_45, %shift_left3A_46 : i32
    %shift_right_arithmetic3A = arith.constant 11 : i32
    %shift_right_arithmetic3A_48 = arith.shrsi %shift_left3A_47, %shift_right_arithmetic3A : i32
    %add3A_49 = arith.constant 1 : i32
    %add3A_50 = vector.broadcast %add3A_49 : i32 to vector<16xi32>
    %add3A_51 = arith.addi %broadcast_in_dim3A_0, %add3A_50 : vector<16xi32>
    %add3A_52 = arith.constant 0 : i32
    %add3A_53 = arith.addi %mul3A_3, %add3A_52 : i32
    %dma_wait3A = tpu.memref_slice %arg2[%add3A_53] : memref<4194304xi32, #tpu.memory_space<hbm>> -> memref<16384xi32, #tpu.memory_space<hbm>>
    %dma_wait3A_54 = tpu.memref_slice %arg2[%add3A_53] : memref<4194304xi32, #tpu.memory_space<hbm>> -> memref<16384xi32, #tpu.memory_space<hbm>>
    tpu.wait_dma2 semaphore(%arg13 : memref<!tpu.dma_semaphore, #tpu.memory_space<semaphore_mem>>) src(%dma_wait3A_54 : memref<16384xi32, #tpu.memory_space<hbm>>) dst(%arg10 : memref<16384xi32, #tpu.memory_space<vmem>>)
    %parallel_loop3A = arith.constant 0 : i32
    %parallel_loop3A_55 = arith.constant 16384 : i32
    %parallel_loop3A_56 = arith.constant 16 : i32
    scf.for %parallel_loop3A_155 = %parallel_loop3A to %parallel_loop3A_55 step %parallel_loop3A_56  : i32 {
      %parallel_loop3A_156 = arith.index_cast %parallel_loop3A_155 : i32 to index
      %parallel_loop3A_157 = tpu.vector_load %arg10[%parallel_loop3A_156] {strides = array<i32>} : memref<16384xi32, #tpu.memory_space<vmem>>, vector<16xi32>,
      %parallel_loop3A_158 = arith.constant 0 : i32
      %parallel_loop3A_159 = vector.broadcast %parallel_loop3A_158 : i32 to vector<16xi32>
      %parallel_loop3A_160 = arith.shrsi %parallel_loop3A_157, %parallel_loop3A_159 : vector<16xi32>
      %parallel_loop3A_161 = arith.constant 2047 : i32
      %parallel_loop3A_162 = vector.broadcast %parallel_loop3A_161 : i32 to vector<16xi32>
      %parallel_loop3A_163 = arith.andi %parallel_loop3A_160, %parallel_loop3A_162 : vector<16xi32>
      %parallel_loop3A_164 = arith.constant 0 : i32
      %parallel_loop3A_165 = vector.broadcast %parallel_loop3A_164 : i32 to vector<16xi32>
      %parallel_loop3A_166 = arith.xori %parallel_loop3A_163, %parallel_loop3A_165 : vector<16xi32>
      %parallel_loop3A_167 = arith.constant 11 : i32
      %parallel_loop3A_168 = vector.broadcast %parallel_loop3A_167 : i32 to vector<16xi32>
      %parallel_loop3A_169 = arith.shrsi %parallel_loop3A_157, %parallel_loop3A_168 : vector<16xi32>
      %parallel_loop3A_170 = vector.broadcast %shift_right_arithmetic3A_48 : i32 to vector<16xi32>
      %parallel_loop3A_171 = arith.cmpi eq, %parallel_loop3A_169, %parallel_loop3A_170 : vector<16xi32>
      tpu.vector_store_idx %arg8[%parallel_loop3A_166], %add3A_51 masked %parallel_loop3A_171 {add = true} : memref<2048xi32, #tpu.memory_space<vmem>>[vector<16xi32>], vector<16xi32>, vector<16xi1>
    } {sc.loop_unroll_factor = 4 : i64, sc.parallel_access}
    %add3A_57 = arith.constant 32768 : i32
    %add3A_58 = arith.addi %mul3A_3, %add3A_57 : i32
    %dma_start3A_59 = tpu.memref_slice %arg2[%add3A_58] : memref<4194304xi32, #tpu.memory_space<hbm>> -> memref<16384xi32, #tpu.memory_space<hbm>>
    %dma_start3A_60 = tpu.memref_slice %arg2[%add3A_58] : memref<4194304xi32, #tpu.memory_space<hbm>> -> memref<16384xi32, #tpu.memory_space<hbm>>
    tpu.enqueue_dma source(%dma_start3A_60 : memref<16384xi32, #tpu.memory_space<hbm>>) target(%arg10 : memref<16384xi32, #tpu.memory_space<vmem>>) target_semaphore(%arg13 : memref<!tpu.dma_semaphore, #tpu.memory_space<semaphore_mem>>)
    %add3A_61 = arith.constant 16384 : i32
    %add3A_62 = arith.addi %mul3A_3, %add3A_61 : i32
    %dma_wait3A_63 = tpu.memref_slice %arg2[%add3A_62] : memref<4194304xi32, #tpu.memory_space<hbm>> -> memref<16384xi32, #tpu.memory_space<hbm>>
    %dma_wait3A_64 = tpu.memref_slice %arg2[%add3A_62] : memref<4194304xi32, #tpu.memory_space<hbm>> -> memref<16384xi32, #tpu.memory_space<hbm>>
    tpu.wait_dma2 semaphore(%arg14 : memref<!tpu.dma_semaphore, #tpu.memory_space<semaphore_mem>>) src(%dma_wait3A_64 : memref<16384xi32, #tpu.memory_space<hbm>>) dst(%arg11 : memref<16384xi32, #tpu.memory_space<vmem>>)
    %parallel_loop3A_65 = arith.constant 0 : i32
    %parallel_loop3A_66 = arith.constant 16384 : i32
    %parallel_loop3A_67 = arith.constant 16 : i32
    scf.for %parallel_loop3A_155 = %parallel_loop3A_65 to %parallel_loop3A_66 step %parallel_loop3A_67  : i32 {
      %parallel_loop3A_156 = arith.index_cast %parallel_loop3A_155 : i32 to index
      %parallel_loop3A_157 = tpu.vector_load %arg11[%parallel_loop3A_156] {strides = array<i32>} : memref<16384xi32, #tpu.memory_space<vmem>>, vector<16xi32>,
      %parallel_loop3A_158 = arith.constant 0 : i32
      %parallel_loop3A_159 = vector.broadcast %parallel_loop3A_158 : i32 to vector<16xi32>
      %parallel_loop3A_160 = arith.shrsi %parallel_loop3A_157, %parallel_loop3A_159 : vector<16xi32>
      %parallel_loop3A_161 = arith.constant 2047 : i32
      %parallel_loop3A_162 = vector.broadcast %parallel_loop3A_161 : i32 to vector<16xi32>
      %parallel_loop3A_163 = arith.andi %parallel_loop3A_160, %parallel_loop3A_162 : vector<16xi32>
      %parallel_loop3A_164 = arith.constant 0 : i32
      %parallel_loop3A_165 = vector.broadcast %parallel_loop3A_164 : i32 to vector<16xi32>
      %parallel_loop3A_166 = arith.xori %parallel_loop3A_163, %parallel_loop3A_165 : vector<16xi32>
      %parallel_loop3A_167 = arith.constant 11 : i32
      %parallel_loop3A_168 = vector.broadcast %parallel_loop3A_167 : i32 to vector<16xi32>
      %parallel_loop3A_169 = arith.shrsi %parallel_loop3A_157, %parallel_loop3A_168 : vector<16xi32>
      %parallel_loop3A_170 = vector.broadcast %shift_right_arithmetic3A_48 : i32 to vector<16xi32>
      %parallel_loop3A_171 = arith.cmpi eq, %parallel_loop3A_169, %parallel_loop3A_170 : vector<16xi32>
      tpu.vector_store_idx %arg8[%parallel_loop3A_166], %add3A_51 masked %parallel_loop3A_171 {add = true} : memref<2048xi32, #tpu.memory_space<vmem>>[vector<16xi32>], vector<16xi32>, vector<16xi1>
    } {sc.loop_unroll_factor = 4 : i64, sc.parallel_access}
    %add3A_68 = arith.constant 49152 : i32
    %add3A_69 = arith.addi %mul3A_3, %add3A_68 : i32
    %dma_start3A_70 = tpu.memref_slice %arg2[%add3A_69] : memref<4194304xi32, #tpu.memory_space<hbm>> -> memref<16384xi32, #tpu.memory_space<hbm>>
    %dma_start3A_71 = tpu.memref_slice %arg2[%add3A_69] : memref<4194304xi32, #tpu.memory_space<hbm>> -> memref<16384xi32, #tpu.memory_space<hbm>>
    tpu.enqueue_dma source(%dma_start3A_71 : memref<16384xi32, #tpu.memory_space<hbm>>) target(%arg11 : memref<16384xi32, #tpu.memory_space<vmem>>) target_semaphore(%arg14 : memref<!tpu.dma_semaphore, #tpu.memory_space<semaphore_mem>>)
    %add3A_72 = arith.constant 32768 : i32
    %add3A_73 = arith.addi %mul3A_3, %add3A_72 : i32
    %dma_wait3A_74 = tpu.memref_slice %arg2[%add3A_73] : memref<4194304xi32, #tpu.memory_space<hbm>> -> memref<16384xi32, #tpu.memory_space<hbm>>
    %dma_wait3A_75 = tpu.memref_slice %arg2[%add3A_73] : memref<4194304xi32, #tpu.memory_space<hbm>> -> memref<16384xi32, #tpu.memory_space<hbm>>
    tpu.wait_dma2 semaphore(%arg13 : memref<!tpu.dma_semaphore, #tpu.memory_space<semaphore_mem>>) src(%dma_wait3A_75 : memref<16384xi32, #tpu.memory_space<hbm>>) dst(%arg10 : memref<16384xi32, #tpu.memory_space<vmem>>)
    %parallel_loop3A_76 = arith.constant 0 : i32
    %parallel_loop3A_77 = arith.constant 16384 : i32
    %parallel_loop3A_78 = arith.constant 16 : i32
    scf.for %parallel_loop3A_155 = %parallel_loop3A_76 to %parallel_loop3A_77 step %parallel_loop3A_78  : i32 {
      %parallel_loop3A_156 = arith.index_cast %parallel_loop3A_155 : i32 to index
      %parallel_loop3A_157 = tpu.vector_load %arg10[%parallel_loop3A_156] {strides = array<i32>} : memref<16384xi32, #tpu.memory_space<vmem>>, vector<16xi32>,
      %parallel_loop3A_158 = arith.constant 0 : i32
      %parallel_loop3A_159 = vector.broadcast %parallel_loop3A_158 : i32 to vector<16xi32>
      %parallel_loop3A_160 = arith.shrsi %parallel_loop3A_157, %parallel_loop3A_159 : vector<16xi32>
      %parallel_loop3A_161 = arith.constant 2047 : i32
      %parallel_loop3A_162 = vector.broadcast %parallel_loop3A_161 : i32 to vector<16xi32>
      %parallel_loop3A_163 = arith.andi %parallel_loop3A_160, %parallel_loop3A_162 : vector<16xi32>
      %parallel_loop3A_164 = arith.constant 0 : i32
      %parallel_loop3A_165 = vector.broadcast %parallel_loop3A_164 : i32 to vector<16xi32>
      %parallel_loop3A_166 = arith.xori %parallel_loop3A_163, %parallel_loop3A_165 : vector<16xi32>
      %parallel_loop3A_167 = arith.constant 11 : i32
      %parallel_loop3A_168 = vector.broadcast %parallel_loop3A_167 : i32 to vector<16xi32>
      %parallel_loop3A_169 = arith.shrsi %parallel_loop3A_157, %parallel_loop3A_168 : vector<16xi32>
      %parallel_loop3A_170 = vector.broadcast %shift_right_arithmetic3A_48 : i32 to vector<16xi32>
      %parallel_loop3A_171 = arith.cmpi eq, %parallel_loop3A_169, %parallel_loop3A_170 : vector<16xi32>
      tpu.vector_store_idx %arg8[%parallel_loop3A_166], %add3A_51 masked %parallel_loop3A_171 {add = true} : memref<2048xi32, #tpu.memory_space<vmem>>[vector<16xi32>], vector<16xi32>, vector<16xi1>
    } {sc.loop_unroll_factor = 4 : i64, sc.parallel_access}
    %add3A_79 = arith.constant 65536 : i32
    %add3A_80 = arith.addi %mul3A_3, %add3A_79 : i32
    %dma_start3A_81 = tpu.memref_slice %arg2[%add3A_80] : memref<4194304xi32, #tpu.memory_space<hbm>> -> memref<16384xi32, #tpu.memory_space<hbm>>
    %dma_start3A_82 = tpu.memref_slice %arg2[%add3A_80] : memref<4194304xi32, #tpu.memory_space<hbm>> -> memref<16384xi32, #tpu.memory_space<hbm>>
    tpu.enqueue_dma source(%dma_start3A_82 : memref<16384xi32, #tpu.memory_space<hbm>>) target(%arg10 : memref<16384xi32, #tpu.memory_space<vmem>>) target_semaphore(%arg13 : memref<!tpu.dma_semaphore, #tpu.memory_space<semaphore_mem>>)
    %add3A_83 = arith.constant 49152 : i32
    %add3A_84 = arith.addi %mul3A_3, %add3A_83 : i32
    %dma_wait3A_85 = tpu.memref_slice %arg2[%add3A_84] : memref<4194304xi32, #tpu.memory_space<hbm>> -> memref<16384xi32, #tpu.memory_space<hbm>>
    %dma_wait3A_86 = tpu.memref_slice %arg2[%add3A_84] : memref<4194304xi32, #tpu.memory_space<hbm>> -> memref<16384xi32, #tpu.memory_space<hbm>>
    tpu.wait_dma2 semaphore(%arg14 : memref<!tpu.dma_semaphore, #tpu.memory_space<semaphore_mem>>) src(%dma_wait3A_86 : memref<16384xi32, #tpu.memory_space<hbm>>) dst(%arg11 : memref<16384xi32, #tpu.memory_space<vmem>>)
    %parallel_loop3A_87 = arith.constant 0 : i32
    %parallel_loop3A_88 = arith.constant 16384 : i32
    %parallel_loop3A_89 = arith.constant 16 : i32
    scf.for %parallel_loop3A_155 = %parallel_loop3A_87 to %parallel_loop3A_88 step %parallel_loop3A_89  : i32 {
      %parallel_loop3A_156 = arith.index_cast %parallel_loop3A_155 : i32 to index
      %parallel_loop3A_157 = tpu.vector_load %arg11[%parallel_loop3A_156] {strides = array<i32>} : memref<16384xi32, #tpu.memory_space<vmem>>, vector<16xi32>,
      %parallel_loop3A_158 = arith.constant 0 : i32
      %parallel_loop3A_159 = vector.broadcast %parallel_loop3A_158 : i32 to vector<16xi32>
      %parallel_loop3A_160 = arith.shrsi %parallel_loop3A_157, %parallel_loop3A_159 : vector<16xi32>
      %parallel_loop3A_161 = arith.constant 2047 : i32
      %parallel_loop3A_162 = vector.broadcast %parallel_loop3A_161 : i32 to vector<16xi32>
      %parallel_loop3A_163 = arith.andi %parallel_loop3A_160, %parallel_loop3A_162 : vector<16xi32>
      %parallel_loop3A_164 = arith.constant 0 : i32
      %parallel_loop3A_165 = vector.broadcast %parallel_loop3A_164 : i32 to vector<16xi32>
      %parallel_loop3A_166 = arith.xori %parallel_loop3A_163, %parallel_loop3A_165 : vector<16xi32>
      %parallel_loop3A_167 = arith.constant 11 : i32
      %parallel_loop3A_168 = vector.broadcast %parallel_loop3A_167 : i32 to vector<16xi32>
      %parallel_loop3A_169 = arith.shrsi %parallel_loop3A_157, %parallel_loop3A_168 : vector<16xi32>
      %parallel_loop3A_170 = vector.broadcast %shift_right_arithmetic3A_48 : i32 to vector<16xi32>
      %parallel_loop3A_171 = arith.cmpi eq, %parallel_loop3A_169, %parallel_loop3A_170 : vector<16xi32>
      tpu.vector_store_idx %arg8[%parallel_loop3A_166], %add3A_51 masked %parallel_loop3A_171 {add = true} : memref<2048xi32, #tpu.memory_space<vmem>>[vector<16xi32>], vector<16xi32>, vector<16xi1>
    } {sc.loop_unroll_factor = 4 : i64, sc.parallel_access}
    %add3A_90 = arith.constant 81920 : i32
    %add3A_91 = arith.addi %mul3A_3, %add3A_90 : i32
    %dma_start3A_92 = tpu.memref_slice %arg2[%add3A_91] : memref<4194304xi32, #tpu.memory_space<hbm>> -> memref<16384xi32, #tpu.memory_space<hbm>>
    %dma_start3A_93 = tpu.memref_slice %arg2[%add3A_91] : memref<4194304xi32, #tpu.memory_space<hbm>> -> memref<16384xi32, #tpu.memory_space<hbm>>
    tpu.enqueue_dma source(%dma_start3A_93 : memref<16384xi32, #tpu.memory_space<hbm>>) target(%arg11 : memref<16384xi32, #tpu.memory_space<vmem>>) target_semaphore(%arg14 : memref<!tpu.dma_semaphore, #tpu.memory_space<semaphore_mem>>)
    %add3A_94 = arith.constant 65536 : i32
    %add3A_95 = arith.addi %mul3A_3, %add3A_94 : i32
    %dma_wait3A_96 = tpu.memref_slice %arg2[%add3A_95] : memref<4194304xi32, #tpu.memory_space<hbm>> -> memref<16384xi32, #tpu.memory_space<hbm>>
    %dma_wait3A_97 = tpu.memref_slice %arg2[%add3A_95] : memref<4194304xi32, #tpu.memory_space<hbm>> -> memref<16384xi32, #tpu.memory_space<hbm>>
    tpu.wait_dma2 semaphore(%arg13 : memref<!tpu.dma_semaphore, #tpu.memory_space<semaphore_mem>>) src(%dma_wait3A_97 : memref<16384xi32, #tpu.memory_space<hbm>>) dst(%arg10 : memref<16384xi32, #tpu.memory_space<vmem>>)
    %parallel_loop3A_98 = arith.constant 0 : i32
    %parallel_loop3A_99 = arith.constant 16384 : i32
    %parallel_loop3A_100 = arith.constant 16 : i32
    scf.for %parallel_loop3A_155 = %parallel_loop3A_98 to %parallel_loop3A_99 step %parallel_loop3A_100  : i32 {
      %parallel_loop3A_156 = arith.index_cast %parallel_loop3A_155 : i32 to index
      %parallel_loop3A_157 = tpu.vector_load %arg10[%parallel_loop3A_156] {strides = array<i32>} : memref<16384xi32, #tpu.memory_space<vmem>>, vector<16xi32>,
      %parallel_loop3A_158 = arith.constant 0 : i32
      %parallel_loop3A_159 = vector.broadcast %parallel_loop3A_158 : i32 to vector<16xi32>
      %parallel_loop3A_160 = arith.shrsi %parallel_loop3A_157, %parallel_loop3A_159 : vector<16xi32>
      %parallel_loop3A_161 = arith.constant 2047 : i32
      %parallel_loop3A_162 = vector.broadcast %parallel_loop3A_161 : i32 to vector<16xi32>
      %parallel_loop3A_163 = arith.andi %parallel_loop3A_160, %parallel_loop3A_162 : vector<16xi32>
      %parallel_loop3A_164 = arith.constant 0 : i32
      %parallel_loop3A_165 = vector.broadcast %parallel_loop3A_164 : i32 to vector<16xi32>
      %parallel_loop3A_166 = arith.xori %parallel_loop3A_163, %parallel_loop3A_165 : vector<16xi32>
      %parallel_loop3A_167 = arith.constant 11 : i32
      %parallel_loop3A_168 = vector.broadcast %parallel_loop3A_167 : i32 to vector<16xi32>
      %parallel_loop3A_169 = arith.shrsi %parallel_loop3A_157, %parallel_loop3A_168 : vector<16xi32>
      %parallel_loop3A_170 = vector.broadcast %shift_right_arithmetic3A_48 : i32 to vector<16xi32>
      %parallel_loop3A_171 = arith.cmpi eq, %parallel_loop3A_169, %parallel_loop3A_170 : vector<16xi32>
      tpu.vector_store_idx %arg8[%parallel_loop3A_166], %add3A_51 masked %parallel_loop3A_171 {add = true} : memref<2048xi32, #tpu.memory_space<vmem>>[vector<16xi32>], vector<16xi32>, vector<16xi1>
    } {sc.loop_unroll_factor = 4 : i64, sc.parallel_access}
    %add3A_101 = arith.constant 98304 : i32
    %add3A_102 = arith.addi %mul3A_3, %add3A_101 : i32
    %dma_start3A_103 = tpu.memref_slice %arg2[%add3A_102] : memref<4194304xi32, #tpu.memory_space<hbm>> -> memref<16384xi32, #tpu.memory_space<hbm>>
    %dma_start3A_104 = tpu.memref_slice %arg2[%add3A_102] : memref<4194304xi32, #tpu.memory_space<hbm>> -> memref<16384xi32, #tpu.memory_space<hbm>>
    tpu.enqueue_dma source(%dma_start3A_104 : memref<16384xi32, #tpu.memory_space<hbm>>) target(%arg10 : memref<16384xi32, #tpu.memory_space<vmem>>) target_semaphore(%arg13 : memref<!tpu.dma_semaphore, #tpu.memory_space<semaphore_mem>>)
    %add3A_105 = arith.constant 81920 : i32
    %add3A_106 = arith.addi %mul3A_3, %add3A_105 : i32
    %dma_wait3A_107 = tpu.memref_slice %arg2[%add3A_106] : memref<4194304xi32, #tpu.memory_space<hbm>> -> memref<16384xi32, #tpu.memory_space<hbm>>
    %dma_wait3A_108 = tpu.memref_slice %arg2[%add3A_106] : memref<4194304xi32, #tpu.memory_space<hbm>> -> memref<16384xi32, #tpu.memory_space<hbm>>
    tpu.wait_dma2 semaphore(%arg14 : memref<!tpu.dma_semaphore, #tpu.memory_space<semaphore_mem>>) src(%dma_wait3A_108 : memref<16384xi32, #tpu.memory_space<hbm>>) dst(%arg11 : memref<16384xi32, #tpu.memory_space<vmem>>)
    %parallel_loop3A_109 = arith.constant 0 : i32
    %parallel_loop3A_110 = arith.constant 16384 : i32
    %parallel_loop3A_111 = arith.constant 16 : i32
    scf.for %parallel_loop3A_155 = %parallel_loop3A_109 to %parallel_loop3A_110 step %parallel_loop3A_111  : i32 {
      %parallel_loop3A_156 = arith.index_cast %parallel_loop3A_155 : i32 to index
      %parallel_loop3A_157 = tpu.vector_load %arg11[%parallel_loop3A_156] {strides = array<i32>} : memref<16384xi32, #tpu.memory_space<vmem>>, vector<16xi32>,
      %parallel_loop3A_158 = arith.constant 0 : i32
      %parallel_loop3A_159 = vector.broadcast %parallel_loop3A_158 : i32 to vector<16xi32>
      %parallel_loop3A_160 = arith.shrsi %parallel_loop3A_157, %parallel_loop3A_159 : vector<16xi32>
      %parallel_loop3A_161 = arith.constant 2047 : i32
      %parallel_loop3A_162 = vector.broadcast %parallel_loop3A_161 : i32 to vector<16xi32>
      %parallel_loop3A_163 = arith.andi %parallel_loop3A_160, %parallel_loop3A_162 : vector<16xi32>
      %parallel_loop3A_164 = arith.constant 0 : i32
      %parallel_loop3A_165 = vector.broadcast %parallel_loop3A_164 : i32 to vector<16xi32>
      %parallel_loop3A_166 = arith.xori %parallel_loop3A_163, %parallel_loop3A_165 : vector<16xi32>
      %parallel_loop3A_167 = arith.constant 11 : i32
      %parallel_loop3A_168 = vector.broadcast %parallel_loop3A_167 : i32 to vector<16xi32>
      %parallel_loop3A_169 = arith.shrsi %parallel_loop3A_157, %parallel_loop3A_168 : vector<16xi32>
      %parallel_loop3A_170 = vector.broadcast %shift_right_arithmetic3A_48 : i32 to vector<16xi32>
      %parallel_loop3A_171 = arith.cmpi eq, %parallel_loop3A_169, %parallel_loop3A_170 : vector<16xi32>
      tpu.vector_store_idx %arg8[%parallel_loop3A_166], %add3A_51 masked %parallel_loop3A_171 {add = true} : memref<2048xi32, #tpu.memory_space<vmem>>[vector<16xi32>], vector<16xi32>, vector<16xi1>
    } {sc.loop_unroll_factor = 4 : i64, sc.parallel_access}
    %add3A_112 = arith.constant 114688 : i32
    %add3A_113 = arith.addi %mul3A_3, %add3A_112 : i32
    %dma_start3A_114 = tpu.memref_slice %arg2[%add3A_113] : memref<4194304xi32, #tpu.memory_space<hbm>> -> memref<16384xi32, #tpu.memory_space<hbm>>
    %dma_start3A_115 = tpu.memref_slice %arg2[%add3A_113] : memref<4194304xi32, #tpu.memory_space<hbm>> -> memref<16384xi32, #tpu.memory_space<hbm>>
    tpu.enqueue_dma source(%dma_start3A_115 : memref<16384xi32, #tpu.memory_space<hbm>>) target(%arg11 : memref<16384xi32, #tpu.memory_space<vmem>>) target_semaphore(%arg14 : memref<!tpu.dma_semaphore, #tpu.memory_space<semaphore_mem>>)
    %add3A_116 = arith.constant 98304 : i32
    %add3A_117 = arith.addi %mul3A_3, %add3A_116 : i32
    %dma_wait3A_118 = tpu.memref_slice %arg2[%add3A_117] : memref<4194304xi32, #tpu.memory_space<hbm>> -> memref<16384xi32, #tpu.memory_space<hbm>>
    %dma_wait3A_119 = tpu.memref_slice %arg2[%add3A_117] : memref<4194304xi32, #tpu.memory_space<hbm>> -> memref<16384xi32, #tpu.memory_space<hbm>>
    tpu.wait_dma2 semaphore(%arg13 : memref<!tpu.dma_semaphore, #tpu.memory_space<semaphore_mem>>) src(%dma_wait3A_119 : memref<16384xi32, #tpu.memory_space<hbm>>) dst(%arg10 : memref<16384xi32, #tpu.memory_space<vmem>>)
    %parallel_loop3A_120 = arith.constant 0 : i32
    %parallel_loop3A_121 = arith.constant 16384 : i32
    %parallel_loop3A_122 = arith.constant 16 : i32
    scf.for %parallel_loop3A_155 = %parallel_loop3A_120 to %parallel_loop3A_121 step %parallel_loop3A_122  : i32 {
      %parallel_loop3A_156 = arith.index_cast %parallel_loop3A_155 : i32 to index
      %parallel_loop3A_157 = tpu.vector_load %arg10[%parallel_loop3A_156] {strides = array<i32>} : memref<16384xi32, #tpu.memory_space<vmem>>, vector<16xi32>,
      %parallel_loop3A_158 = arith.constant 0 : i32
      %parallel_loop3A_159 = vector.broadcast %parallel_loop3A_158 : i32 to vector<16xi32>
      %parallel_loop3A_160 = arith.shrsi %parallel_loop3A_157, %parallel_loop3A_159 : vector<16xi32>
      %parallel_loop3A_161 = arith.constant 2047 : i32
      %parallel_loop3A_162 = vector.broadcast %parallel_loop3A_161 : i32 to vector<16xi32>
      %parallel_loop3A_163 = arith.andi %parallel_loop3A_160, %parallel_loop3A_162 : vector<16xi32>
      %parallel_loop3A_164 = arith.constant 0 : i32
      %parallel_loop3A_165 = vector.broadcast %parallel_loop3A_164 : i32 to vector<16xi32>
      %parallel_loop3A_166 = arith.xori %parallel_loop3A_163, %parallel_loop3A_165 : vector<16xi32>
      %parallel_loop3A_167 = arith.constant 11 : i32
      %parallel_loop3A_168 = vector.broadcast %parallel_loop3A_167 : i32 to vector<16xi32>
      %parallel_loop3A_169 = arith.shrsi %parallel_loop3A_157, %parallel_loop3A_168 : vector<16xi32>
      %parallel_loop3A_170 = vector.broadcast %shift_right_arithmetic3A_48 : i32 to vector<16xi32>
      %parallel_loop3A_171 = arith.cmpi eq, %parallel_loop3A_169, %parallel_loop3A_170 : vector<16xi32>
      tpu.vector_store_idx %arg8[%parallel_loop3A_166], %add3A_51 masked %parallel_loop3A_171 {add = true} : memref<2048xi32, #tpu.memory_space<vmem>>[vector<16xi32>], vector<16xi32>, vector<16xi1>
    } {sc.loop_unroll_factor = 4 : i64, sc.parallel_access}
    %add3A_123 = arith.constant 114688 : i32
    %add3A_124 = arith.addi %mul3A_3, %add3A_123 : i32
    %dma_wait3A_125 = tpu.memref_slice %arg2[%add3A_124] : memref<4194304xi32, #tpu.memory_space<hbm>> -> memref<16384xi32, #tpu.memory_space<hbm>>
    %dma_wait3A_126 = tpu.memref_slice %arg2[%add3A_124] : memref<4194304xi32, #tpu.memory_space<hbm>> -> memref<16384xi32, #tpu.memory_space<hbm>>
    tpu.wait_dma2 semaphore(%arg14 : memref<!tpu.dma_semaphore, #tpu.memory_space<semaphore_mem>>) src(%dma_wait3A_126 : memref<16384xi32, #tpu.memory_space<hbm>>) dst(%arg11 : memref<16384xi32, #tpu.memory_space<vmem>>)
    %parallel_loop3A_127 = arith.constant 0 : i32
    %parallel_loop3A_128 = arith.constant 16384 : i32
    %parallel_loop3A_129 = arith.constant 16 : i32
    scf.for %parallel_loop3A_155 = %parallel_loop3A_127 to %parallel_loop3A_128 step %parallel_loop3A_129  : i32 {
      %parallel_loop3A_156 = arith.index_cast %parallel_loop3A_155 : i32 to index
      %parallel_loop3A_157 = tpu.vector_load %arg11[%parallel_loop3A_156] {strides = array<i32>} : memref<16384xi32, #tpu.memory_space<vmem>>, vector<16xi32>,
      %parallel_loop3A_158 = arith.constant 0 : i32
      %parallel_loop3A_159 = vector.broadcast %parallel_loop3A_158 : i32 to vector<16xi32>
      %parallel_loop3A_160 = arith.shrsi %parallel_loop3A_157, %parallel_loop3A_159 : vector<16xi32>
      %parallel_loop3A_161 = arith.constant 2047 : i32
      %parallel_loop3A_162 = vector.broadcast %parallel_loop3A_161 : i32 to vector<16xi32>
      %parallel_loop3A_163 = arith.andi %parallel_loop3A_160, %parallel_loop3A_162 : vector<16xi32>
      %parallel_loop3A_164 = arith.constant 0 : i32
      %parallel_loop3A_165 = vector.broadcast %parallel_loop3A_164 : i32 to vector<16xi32>
      %parallel_loop3A_166 = arith.xori %parallel_loop3A_163, %parallel_loop3A_165 : vector<16xi32>
      %parallel_loop3A_167 = arith.constant 11 : i32
      %parallel_loop3A_168 = vector.broadcast %parallel_loop3A_167 : i32 to vector<16xi32>
      %parallel_loop3A_169 = arith.shrsi %parallel_loop3A_157, %parallel_loop3A_168 : vector<16xi32>
      %parallel_loop3A_170 = vector.broadcast %shift_right_arithmetic3A_48 : i32 to vector<16xi32>
      %parallel_loop3A_171 = arith.cmpi eq, %parallel_loop3A_169, %parallel_loop3A_170 : vector<16xi32>
      tpu.vector_store_idx %arg8[%parallel_loop3A_166], %add3A_51 masked %parallel_loop3A_171 {add = true} : memref<2048xi32, #tpu.memory_space<vmem>>[vector<16xi32>], vector<16xi32>, vector<16xi1>
    } {sc.loop_unroll_factor = 4 : i64, sc.parallel_access}
    "tpu.region"() ({
      %run_scoped3A = tpu.sem_alloc : memref<!tpu.dma_semaphore, #tpu.memory_space<semaphore_mem>>
      %dma_start3A_155 = arith.constant 0 : i32
      %dma_start3A_156 = tpu.memref_slice %arg12[%arg1, %dma_start3A_155] : memref<16x2048xi32, #tpu.memory_space<vmem_shared>> -> memref<1x2048xi32, #tpu.memory_space<vmem_shared>>
      %dma_start3A_157 = tpu.memref_squeeze %dma_start3A_156 : memref<1x2048xi32, #tpu.memory_space<vmem_shared>> -> memref<2048xi32, #tpu.memory_space<vmem_shared>>
      %dma_start3A_158 = arith.constant 0 : i32
      %dma_start3A_159 = tpu.memref_slice %arg12[%arg1, %dma_start3A_158] : memref<16x2048xi32, #tpu.memory_space<vmem_shared>> -> memref<1x2048xi32, #tpu.memory_space<vmem_shared>>
      %dma_start3A_160 = tpu.memref_squeeze %dma_start3A_159 : memref<1x2048xi32, #tpu.memory_space<vmem_shared>> -> memref<2048xi32, #tpu.memory_space<vmem_shared>>
      tpu.enqueue_dma source(%arg8 : memref<2048xi32, #tpu.memory_space<vmem>>) target(%dma_start3A_160 : memref<2048xi32, #tpu.memory_space<vmem_shared>>) target_semaphore(%run_scoped3A : memref<!tpu.dma_semaphore, #tpu.memory_space<semaphore_mem>>)
      %dma_wait3A_161 = arith.constant 0 : i32
      %dma_wait3A_162 = tpu.memref_slice %arg12[%arg1, %dma_wait3A_161] : memref<16x2048xi32, #tpu.memory_space<vmem_shared>> -> memref<1x2048xi32, #tpu.memory_space<vmem_shared>>
      %dma_wait3A_163 = tpu.memref_squeeze %dma_wait3A_162 : memref<1x2048xi32, #tpu.memory_space<vmem_shared>> -> memref<2048xi32, #tpu.memory_space<vmem_shared>>
      %dma_wait3A_164 = arith.constant 0 : i32
      %dma_wait3A_165 = tpu.memref_slice %arg12[%arg1, %dma_wait3A_164] : memref<16x2048xi32, #tpu.memory_space<vmem_shared>> -> memref<1x2048xi32, #tpu.memory_space<vmem_shared>>
      %dma_wait3A_166 = tpu.memref_squeeze %dma_wait3A_165 : memref<1x2048xi32, #tpu.memory_space<vmem_shared>> -> memref<2048xi32, #tpu.memory_space<vmem_shared>>
      tpu.wait_dma2 semaphore(%run_scoped3A : memref<!tpu.dma_semaphore, #tpu.memory_space<semaphore_mem>>) src(%arg8 : memref<2048xi32, #tpu.memory_space<vmem>>) dst(%dma_wait3A_166 : memref<2048xi32, #tpu.memory_space<vmem_shared>>)
      tpu.yield
    }) : () -> ()
    %barrier3A = arith.constant 0 : index
    tpu.barrier barrier_id(%barrier3A)
    %lt3A = arith.constant 8 : i32
    %lt3A_130 = arith.cmpi slt, %arg1, %lt3A : i32
    %convert_element_type3A = arith.extui %lt3A_130 : i1 to i32
    %cond3A = arith.constant 0 : i32
    %cond3A_131 = arith.cmpi ne, %convert_element_type3A, %cond3A : i32
    scf.if %cond3A_131 {
      %add3A_155 = arith.constant 8 : i32
      %add3A_156 = arith.addi %arg1, %add3A_155 : i32
      "tpu.region"() ({
        %run_scoped3A = tpu.sem_alloc : memref<!tpu.dma_semaphore, #tpu.memory_space<semaphore_mem>>
        %dma_start3A_160 = arith.constant 0 : i32
        %dma_start3A_161 = tpu.memref_slice %arg12[%add3A_156, %dma_start3A_160] : memref<16x2048xi32, #tpu.memory_space<vmem_shared>> -> memref<1x2048xi32, #tpu.memory_space<vmem_shared>>
        %dma_start3A_162 = tpu.memref_squeeze %dma_start3A_161 : memref<1x2048xi32, #tpu.memory_space<vmem_shared>> -> memref<2048xi32, #tpu.memory_space<vmem_shared>>
        %dma_start3A_163 = arith.constant 0 : i32
        %dma_start3A_164 = tpu.memref_slice %arg12[%add3A_156, %dma_start3A_163] : memref<16x2048xi32, #tpu.memory_space<vmem_shared>> -> memref<1x2048xi32, #tpu.memory_space<vmem_shared>>
        %dma_start3A_165 = tpu.memref_squeeze %dma_start3A_164 : memref<1x2048xi32, #tpu.memory_space<vmem_shared>> -> memref<2048xi32, #tpu.memory_space<vmem_shared>>
        tpu.enqueue_dma source(%dma_start3A_165 : memref<2048xi32, #tpu.memory_space<vmem_shared>>) target(%arg9 : memref<2048xi32, #tpu.memory_space<vmem>>) target_semaphore(%run_scoped3A : memref<!tpu.dma_semaphore, #tpu.memory_space<semaphore_mem>>)
        %dma_wait3A_166 = arith.constant 0 : i32
        %dma_wait3A_167 = tpu.memref_slice %arg12[%add3A_156, %dma_wait3A_166] : memref<16x2048xi32, #tpu.memory_space<vmem_shared>> -> memref<1x2048xi32, #tpu.memory_space<vmem_shared>>
        %dma_wait3A_168 = tpu.memref_squeeze %dma_wait3A_167 : memref<1x2048xi32, #tpu.memory_space<vmem_shared>> -> memref<2048xi32, #tpu.memory_space<vmem_shared>>
        %dma_wait3A_169 = arith.constant 0 : i32
        %dma_wait3A_170 = tpu.memref_slice %arg12[%add3A_156, %dma_wait3A_169] : memref<16x2048xi32, #tpu.memory_space<vmem_shared>> -> memref<1x2048xi32, #tpu.memory_space<vmem_shared>>
        %dma_wait3A_171 = tpu.memref_squeeze %dma_wait3A_170 : memref<1x2048xi32, #tpu.memory_space<vmem_shared>> -> memref<2048xi32, #tpu.memory_space<vmem_shared>>
        tpu.wait_dma2 semaphore(%run_scoped3A : memref<!tpu.dma_semaphore, #tpu.memory_space<semaphore_mem>>) src(%dma_wait3A_171 : memref<2048xi32, #tpu.memory_space<vmem_shared>>) dst(%arg9 : memref<2048xi32, #tpu.memory_space<vmem>>)
        tpu.yield
      }) : () -> ()
      %parallel_loop3A_157 = arith.constant 0 : i32
      %parallel_loop3A_158 = arith.constant 2048 : i32
      %parallel_loop3A_159 = arith.constant 16 : i32
      scf.for %parallel_loop3A_160 = %parallel_loop3A_157 to %parallel_loop3A_158 step %parallel_loop3A_159  : i32 {
        %parallel_loop3A_161 = arith.index_cast %parallel_loop3A_160 : i32 to index
        %parallel_loop3A_162 = tpu.vector_load %arg8[%parallel_loop3A_161] {strides = array<i32>} : memref<2048xi32, #tpu.memory_space<vmem>>, vector<16xi32>,
        %parallel_loop3A_163 = arith.index_cast %parallel_loop3A_160 : i32 to index
        %parallel_loop3A_164 = tpu.vector_load %arg9[%parallel_loop3A_163] {strides = array<i32>} : memref<2048xi32, #tpu.memory_space<vmem>>, vector<16xi32>,
        %parallel_loop3A_165 = arith.addi %parallel_loop3A_162, %parallel_loop3A_164 : vector<16xi32>
        %parallel_loop3A_166 = arith.index_cast %parallel_loop3A_160 : i32 to index
        %parallel_loop3A_167 = tpu.vector_load %arg8[%parallel_loop3A_166] {strides = array<i32>} : memref<2048xi32, #tpu.memory_space<vmem>>, vector<16xi32>,
        tpu.vector_store %arg8[%parallel_loop3A_166], %parallel_loop3A_165 {strides = array<i32>} : memref<2048xi32, #tpu.memory_space<vmem>>, vector<16xi32>,
      } {sc.loop_unroll_factor = 4 : i64, sc.parallel_access}
      "tpu.region"() ({
        %run_scoped3A = tpu.sem_alloc : memref<!tpu.dma_semaphore, #tpu.memory_space<semaphore_mem>>
        %dma_start3A_160 = arith.constant 0 : i32
        %dma_start3A_161 = tpu.memref_slice %arg12[%arg1, %dma_start3A_160] : memref<16x2048xi32, #tpu.memory_space<vmem_shared>> -> memref<1x2048xi32, #tpu.memory_space<vmem_shared>>
        %dma_start3A_162 = tpu.memref_squeeze %dma_start3A_161 : memref<1x2048xi32, #tpu.memory_space<vmem_shared>> -> memref<2048xi32, #tpu.memory_space<vmem_shared>>
        %dma_start3A_163 = arith.constant 0 : i32
        %dma_start3A_164 = tpu.memref_slice %arg12[%arg1, %dma_start3A_163] : memref<16x2048xi32, #tpu.memory_space<vmem_shared>> -> memref<1x2048xi32, #tpu.memory_space<vmem_shared>>
        %dma_start3A_165 = tpu.memref_squeeze %dma_start3A_164 : memref<1x2048xi32, #tpu.memory_space<vmem_shared>> -> memref<2048xi32, #tpu.memory_space<vmem_shared>>
        tpu.enqueue_dma source(%arg8 : memref<2048xi32, #tpu.memory_space<vmem>>) target(%dma_start3A_165 : memref<2048xi32, #tpu.memory_space<vmem_shared>>) target_semaphore(%run_scoped3A : memref<!tpu.dma_semaphore, #tpu.memory_space<semaphore_mem>>)
        %dma_wait3A_166 = arith.constant 0 : i32
        %dma_wait3A_167 = tpu.memref_slice %arg12[%arg1, %dma_wait3A_166] : memref<16x2048xi32, #tpu.memory_space<vmem_shared>> -> memref<1x2048xi32, #tpu.memory_space<vmem_shared>>
        %dma_wait3A_168 = tpu.memref_squeeze %dma_wait3A_167 : memref<1x2048xi32, #tpu.memory_space<vmem_shared>> -> memref<2048xi32, #tpu.memory_space<vmem_shared>>
        %dma_wait3A_169 = arith.constant 0 : i32
        %dma_wait3A_170 = tpu.memref_slice %arg12[%arg1, %dma_wait3A_169] : memref<16x2048xi32, #tpu.memory_space<vmem_shared>> -> memref<1x2048xi32, #tpu.memory_space<vmem_shared>>
        %dma_wait3A_171 = tpu.memref_squeeze %dma_wait3A_170 : memref<1x2048xi32, #tpu.memory_space<vmem_shared>> -> memref<2048xi32, #tpu.memory_space<vmem_shared>>
        tpu.wait_dma2 semaphore(%run_scoped3A : memref<!tpu.dma_semaphore, #tpu.memory_space<semaphore_mem>>) src(%arg8 : memref<2048xi32, #tpu.memory_space<vmem>>) dst(%dma_wait3A_171 : memref<2048xi32, #tpu.memory_space<vmem_shared>>)
        tpu.yield
      }) : () -> ()
    } else {
    }
    %barrier3A_132 = arith.constant 0 : index
    tpu.barrier barrier_id(%barrier3A_132)
    %lt3A_133 = arith.constant 4 : i32
    %lt3A_134 = arith.cmpi slt, %arg1, %lt3A_133 : i32
    %convert_element_type3A_135 = arith.extui %lt3A_134 : i1 to i32
    %cond3A_136 = arith.constant 0 : i32
    %cond3A_137 = arith.cmpi ne, %convert_element_type3A_135, %cond3A_136 : i32
    scf.if %cond3A_137 {
      %add3A_155 = arith.constant 4 : i32
      %add3A_156 = arith.addi %arg1, %add3A_155 : i32
      "tpu.region"() ({
        %run_scoped3A = tpu.sem_alloc : memref<!tpu.dma_semaphore, #tpu.memory_space<semaphore_mem>>
        %dma_start3A_160 = arith.constant 0 : i32
        %dma_start3A_161 = tpu.memref_slice %arg12[%add3A_156, %dma_start3A_160] : memref<16x2048xi32, #tpu.memory_space<vmem_shared>> -> memref<1x2048xi32, #tpu.memory_space<vmem_shared>>
        %dma_start3A_162 = tpu.memref_squeeze %dma_start3A_161 : memref<1x2048xi32, #tpu.memory_space<vmem_shared>> -> memref<2048xi32, #tpu.memory_space<vmem_shared>>
        %dma_start3A_163 = arith.constant 0 : i32
        %dma_start3A_164 = tpu.memref_slice %arg12[%add3A_156, %dma_start3A_163] : memref<16x2048xi32, #tpu.memory_space<vmem_shared>> -> memref<1x2048xi32, #tpu.memory_space<vmem_shared>>
        %dma_start3A_165 = tpu.memref_squeeze %dma_start3A_164 : memref<1x2048xi32, #tpu.memory_space<vmem_shared>> -> memref<2048xi32, #tpu.memory_space<vmem_shared>>
        tpu.enqueue_dma source(%dma_start3A_165 : memref<2048xi32, #tpu.memory_space<vmem_shared>>) target(%arg9 : memref<2048xi32, #tpu.memory_space<vmem>>) target_semaphore(%run_scoped3A : memref<!tpu.dma_semaphore, #tpu.memory_space<semaphore_mem>>)
        %dma_wait3A_166 = arith.constant 0 : i32
        %dma_wait3A_167 = tpu.memref_slice %arg12[%add3A_156, %dma_wait3A_166] : memref<16x2048xi32, #tpu.memory_space<vmem_shared>> -> memref<1x2048xi32, #tpu.memory_space<vmem_shared>>
        %dma_wait3A_168 = tpu.memref_squeeze %dma_wait3A_167 : memref<1x2048xi32, #tpu.memory_space<vmem_shared>> -> memref<2048xi32, #tpu.memory_space<vmem_shared>>
        %dma_wait3A_169 = arith.constant 0 : i32
        %dma_wait3A_170 = tpu.memref_slice %arg12[%add3A_156, %dma_wait3A_169] : memref<16x2048xi32, #tpu.memory_space<vmem_shared>> -> memref<1x2048xi32, #tpu.memory_space<vmem_shared>>
        %dma_wait3A_171 = tpu.memref_squeeze %dma_wait3A_170 : memref<1x2048xi32, #tpu.memory_space<vmem_shared>> -> memref<2048xi32, #tpu.memory_space<vmem_shared>>
        tpu.wait_dma2 semaphore(%run_scoped3A : memref<!tpu.dma_semaphore, #tpu.memory_space<semaphore_mem>>) src(%dma_wait3A_171 : memref<2048xi32, #tpu.memory_space<vmem_shared>>) dst(%arg9 : memref<2048xi32, #tpu.memory_space<vmem>>)
        tpu.yield
      }) : () -> ()
      %parallel_loop3A_157 = arith.constant 0 : i32
      %parallel_loop3A_158 = arith.constant 2048 : i32
      %parallel_loop3A_159 = arith.constant 16 : i32
      scf.for %parallel_loop3A_160 = %parallel_loop3A_157 to %parallel_loop3A_158 step %parallel_loop3A_159  : i32 {
        %parallel_loop3A_161 = arith.index_cast %parallel_loop3A_160 : i32 to index
        %parallel_loop3A_162 = tpu.vector_load %arg8[%parallel_loop3A_161] {strides = array<i32>} : memref<2048xi32, #tpu.memory_space<vmem>>, vector<16xi32>,
        %parallel_loop3A_163 = arith.index_cast %parallel_loop3A_160 : i32 to index
        %parallel_loop3A_164 = tpu.vector_load %arg9[%parallel_loop3A_163] {strides = array<i32>} : memref<2048xi32, #tpu.memory_space<vmem>>, vector<16xi32>,
        %parallel_loop3A_165 = arith.addi %parallel_loop3A_162, %parallel_loop3A_164 : vector<16xi32>
        %parallel_loop3A_166 = arith.index_cast %parallel_loop3A_160 : i32 to index
        %parallel_loop3A_167 = tpu.vector_load %arg8[%parallel_loop3A_166] {strides = array<i32>} : memref<2048xi32, #tpu.memory_space<vmem>>, vector<16xi32>,
        tpu.vector_store %arg8[%parallel_loop3A_166], %parallel_loop3A_165 {strides = array<i32>} : memref<2048xi32, #tpu.memory_space<vmem>>, vector<16xi32>,
      } {sc.loop_unroll_factor = 4 : i64, sc.parallel_access}
      "tpu.region"() ({
        %run_scoped3A = tpu.sem_alloc : memref<!tpu.dma_semaphore, #tpu.memory_space<semaphore_mem>>
        %dma_start3A_160 = arith.constant 0 : i32
        %dma_start3A_161 = tpu.memref_slice %arg12[%arg1, %dma_start3A_160] : memref<16x2048xi32, #tpu.memory_space<vmem_shared>> -> memref<1x2048xi32, #tpu.memory_space<vmem_shared>>
        %dma_start3A_162 = tpu.memref_squeeze %dma_start3A_161 : memref<1x2048xi32, #tpu.memory_space<vmem_shared>> -> memref<2048xi32, #tpu.memory_space<vmem_shared>>
        %dma_start3A_163 = arith.constant 0 : i32
        %dma_start3A_164 = tpu.memref_slice %arg12[%arg1, %dma_start3A_163] : memref<16x2048xi32, #tpu.memory_space<vmem_shared>> -> memref<1x2048xi32, #tpu.memory_space<vmem_shared>>
        %dma_start3A_165 = tpu.memref_squeeze %dma_start3A_164 : memref<1x2048xi32, #tpu.memory_space<vmem_shared>> -> memref<2048xi32, #tpu.memory_space<vmem_shared>>
        tpu.enqueue_dma source(%arg8 : memref<2048xi32, #tpu.memory_space<vmem>>) target(%dma_start3A_165 : memref<2048xi32, #tpu.memory_space<vmem_shared>>) target_semaphore(%run_scoped3A : memref<!tpu.dma_semaphore, #tpu.memory_space<semaphore_mem>>)
        %dma_wait3A_166 = arith.constant 0 : i32
        %dma_wait3A_167 = tpu.memref_slice %arg12[%arg1, %dma_wait3A_166] : memref<16x2048xi32, #tpu.memory_space<vmem_shared>> -> memref<1x2048xi32, #tpu.memory_space<vmem_shared>>
        %dma_wait3A_168 = tpu.memref_squeeze %dma_wait3A_167 : memref<1x2048xi32, #tpu.memory_space<vmem_shared>> -> memref<2048xi32, #tpu.memory_space<vmem_shared>>
        %dma_wait3A_169 = arith.constant 0 : i32
        %dma_wait3A_170 = tpu.memref_slice %arg12[%arg1, %dma_wait3A_169] : memref<16x2048xi32, #tpu.memory_space<vmem_shared>> -> memref<1x2048xi32, #tpu.memory_space<vmem_shared>>
        %dma_wait3A_171 = tpu.memref_squeeze %dma_wait3A_170 : memref<1x2048xi32, #tpu.memory_space<vmem_shared>> -> memref<2048xi32, #tpu.memory_space<vmem_shared>>
        tpu.wait_dma2 semaphore(%run_scoped3A : memref<!tpu.dma_semaphore, #tpu.memory_space<semaphore_mem>>) src(%arg8 : memref<2048xi32, #tpu.memory_space<vmem>>) dst(%dma_wait3A_171 : memref<2048xi32, #tpu.memory_space<vmem_shared>>)
        tpu.yield
      }) : () -> ()
    } else {
    }
    %barrier3A_138 = arith.constant 0 : index
    tpu.barrier barrier_id(%barrier3A_138)
    %lt3A_139 = arith.constant 2 : i32
    %lt3A_140 = arith.cmpi slt, %arg1, %lt3A_139 : i32
    %convert_element_type3A_141 = arith.extui %lt3A_140 : i1 to i32
    %cond3A_142 = arith.constant 0 : i32
    %cond3A_143 = arith.cmpi ne, %convert_element_type3A_141, %cond3A_142 : i32
    scf.if %cond3A_143 {
      %add3A_155 = arith.constant 2 : i32
      %add3A_156 = arith.addi %arg1, %add3A_155 : i32
      "tpu.region"() ({
        %run_scoped3A = tpu.sem_alloc : memref<!tpu.dma_semaphore, #tpu.memory_space<semaphore_mem>>
        %dma_start3A_160 = arith.constant 0 : i32
        %dma_start3A_161 = tpu.memref_slice %arg12[%add3A_156, %dma_start3A_160] : memref<16x2048xi32, #tpu.memory_space<vmem_shared>> -> memref<1x2048xi32, #tpu.memory_space<vmem_shared>>
        %dma_start3A_162 = tpu.memref_squeeze %dma_start3A_161 : memref<1x2048xi32, #tpu.memory_space<vmem_shared>> -> memref<2048xi32, #tpu.memory_space<vmem_shared>>
        %dma_start3A_163 = arith.constant 0 : i32
        %dma_start3A_164 = tpu.memref_slice %arg12[%add3A_156, %dma_start3A_163] : memref<16x2048xi32, #tpu.memory_space<vmem_shared>> -> memref<1x2048xi32, #tpu.memory_space<vmem_shared>>
        %dma_start3A_165 = tpu.memref_squeeze %dma_start3A_164 : memref<1x2048xi32, #tpu.memory_space<vmem_shared>> -> memref<2048xi32, #tpu.memory_space<vmem_shared>>
        tpu.enqueue_dma source(%dma_start3A_165 : memref<2048xi32, #tpu.memory_space<vmem_shared>>) target(%arg9 : memref<2048xi32, #tpu.memory_space<vmem>>) target_semaphore(%run_scoped3A : memref<!tpu.dma_semaphore, #tpu.memory_space<semaphore_mem>>)
        %dma_wait3A_166 = arith.constant 0 : i32
        %dma_wait3A_167 = tpu.memref_slice %arg12[%add3A_156, %dma_wait3A_166] : memref<16x2048xi32, #tpu.memory_space<vmem_shared>> -> memref<1x2048xi32, #tpu.memory_space<vmem_shared>>
        %dma_wait3A_168 = tpu.memref_squeeze %dma_wait3A_167 : memref<1x2048xi32, #tpu.memory_space<vmem_shared>> -> memref<2048xi32, #tpu.memory_space<vmem_shared>>
        %dma_wait3A_169 = arith.constant 0 : i32
        %dma_wait3A_170 = tpu.memref_slice %arg12[%add3A_156, %dma_wait3A_169] : memref<16x2048xi32, #tpu.memory_space<vmem_shared>> -> memref<1x2048xi32, #tpu.memory_space<vmem_shared>>
        %dma_wait3A_171 = tpu.memref_squeeze %dma_wait3A_170 : memref<1x2048xi32, #tpu.memory_space<vmem_shared>> -> memref<2048xi32, #tpu.memory_space<vmem_shared>>
        tpu.wait_dma2 semaphore(%run_scoped3A : memref<!tpu.dma_semaphore, #tpu.memory_space<semaphore_mem>>) src(%dma_wait3A_171 : memref<2048xi32, #tpu.memory_space<vmem_shared>>) dst(%arg9 : memref<2048xi32, #tpu.memory_space<vmem>>)
        tpu.yield
      }) : () -> ()
      %parallel_loop3A_157 = arith.constant 0 : i32
      %parallel_loop3A_158 = arith.constant 2048 : i32
      %parallel_loop3A_159 = arith.constant 16 : i32
      scf.for %parallel_loop3A_160 = %parallel_loop3A_157 to %parallel_loop3A_158 step %parallel_loop3A_159  : i32 {
        %parallel_loop3A_161 = arith.index_cast %parallel_loop3A_160 : i32 to index
        %parallel_loop3A_162 = tpu.vector_load %arg8[%parallel_loop3A_161] {strides = array<i32>} : memref<2048xi32, #tpu.memory_space<vmem>>, vector<16xi32>,
        %parallel_loop3A_163 = arith.index_cast %parallel_loop3A_160 : i32 to index
        %parallel_loop3A_164 = tpu.vector_load %arg9[%parallel_loop3A_163] {strides = array<i32>} : memref<2048xi32, #tpu.memory_space<vmem>>, vector<16xi32>,
        %parallel_loop3A_165 = arith.addi %parallel_loop3A_162, %parallel_loop3A_164 : vector<16xi32>
        %parallel_loop3A_166 = arith.index_cast %parallel_loop3A_160 : i32 to index
        %parallel_loop3A_167 = tpu.vector_load %arg8[%parallel_loop3A_166] {strides = array<i32>} : memref<2048xi32, #tpu.memory_space<vmem>>, vector<16xi32>,
        tpu.vector_store %arg8[%parallel_loop3A_166], %parallel_loop3A_165 {strides = array<i32>} : memref<2048xi32, #tpu.memory_space<vmem>>, vector<16xi32>,
      } {sc.loop_unroll_factor = 4 : i64, sc.parallel_access}
      "tpu.region"() ({
        %run_scoped3A = tpu.sem_alloc : memref<!tpu.dma_semaphore, #tpu.memory_space<semaphore_mem>>
        %dma_start3A_160 = arith.constant 0 : i32
        %dma_start3A_161 = tpu.memref_slice %arg12[%arg1, %dma_start3A_160] : memref<16x2048xi32, #tpu.memory_space<vmem_shared>> -> memref<1x2048xi32, #tpu.memory_space<vmem_shared>>
        %dma_start3A_162 = tpu.memref_squeeze %dma_start3A_161 : memref<1x2048xi32, #tpu.memory_space<vmem_shared>> -> memref<2048xi32, #tpu.memory_space<vmem_shared>>
        %dma_start3A_163 = arith.constant 0 : i32
        %dma_start3A_164 = tpu.memref_slice %arg12[%arg1, %dma_start3A_163] : memref<16x2048xi32, #tpu.memory_space<vmem_shared>> -> memref<1x2048xi32, #tpu.memory_space<vmem_shared>>
        %dma_start3A_165 = tpu.memref_squeeze %dma_start3A_164 : memref<1x2048xi32, #tpu.memory_space<vmem_shared>> -> memref<2048xi32, #tpu.memory_space<vmem_shared>>
        tpu.enqueue_dma source(%arg8 : memref<2048xi32, #tpu.memory_space<vmem>>) target(%dma_start3A_165 : memref<2048xi32, #tpu.memory_space<vmem_shared>>) target_semaphore(%run_scoped3A : memref<!tpu.dma_semaphore, #tpu.memory_space<semaphore_mem>>)
        %dma_wait3A_166 = arith.constant 0 : i32
        %dma_wait3A_167 = tpu.memref_slice %arg12[%arg1, %dma_wait3A_166] : memref<16x2048xi32, #tpu.memory_space<vmem_shared>> -> memref<1x2048xi32, #tpu.memory_space<vmem_shared>>
        %dma_wait3A_168 = tpu.memref_squeeze %dma_wait3A_167 : memref<1x2048xi32, #tpu.memory_space<vmem_shared>> -> memref<2048xi32, #tpu.memory_space<vmem_shared>>
        %dma_wait3A_169 = arith.constant 0 : i32
        %dma_wait3A_170 = tpu.memref_slice %arg12[%arg1, %dma_wait3A_169] : memref<16x2048xi32, #tpu.memory_space<vmem_shared>> -> memref<1x2048xi32, #tpu.memory_space<vmem_shared>>
        %dma_wait3A_171 = tpu.memref_squeeze %dma_wait3A_170 : memref<1x2048xi32, #tpu.memory_space<vmem_shared>> -> memref<2048xi32, #tpu.memory_space<vmem_shared>>
        tpu.wait_dma2 semaphore(%run_scoped3A : memref<!tpu.dma_semaphore, #tpu.memory_space<semaphore_mem>>) src(%arg8 : memref<2048xi32, #tpu.memory_space<vmem>>) dst(%dma_wait3A_171 : memref<2048xi32, #tpu.memory_space<vmem_shared>>)
        tpu.yield
      }) : () -> ()
    } else {
    }
    %barrier3A_144 = arith.constant 0 : index
    tpu.barrier barrier_id(%barrier3A_144)
    %lt3A_145 = arith.constant 1 : i32
    %lt3A_146 = arith.cmpi slt, %arg1, %lt3A_145 : i32
    %convert_element_type3A_147 = arith.extui %lt3A_146 : i1 to i32
    %cond3A_148 = arith.constant 0 : i32
    %cond3A_149 = arith.cmpi ne, %convert_element_type3A_147, %cond3A_148 : i32
    scf.if %cond3A_149 {
      %add3A_155 = arith.constant 1 : i32
      %add3A_156 = arith.addi %arg1, %add3A_155 : i32
      "tpu.region"() ({
        %run_scoped3A = tpu.sem_alloc : memref<!tpu.dma_semaphore, #tpu.memory_space<semaphore_mem>>
        %dma_start3A_160 = arith.constant 0 : i32
        %dma_start3A_161 = tpu.memref_slice %arg12[%add3A_156, %dma_start3A_160] : memref<16x2048xi32, #tpu.memory_space<vmem_shared>> -> memref<1x2048xi32, #tpu.memory_space<vmem_shared>>
        %dma_start3A_162 = tpu.memref_squeeze %dma_start3A_161 : memref<1x2048xi32, #tpu.memory_space<vmem_shared>> -> memref<2048xi32, #tpu.memory_space<vmem_shared>>
        %dma_start3A_163 = arith.constant 0 : i32
        %dma_start3A_164 = tpu.memref_slice %arg12[%add3A_156, %dma_start3A_163] : memref<16x2048xi32, #tpu.memory_space<vmem_shared>> -> memref<1x2048xi32, #tpu.memory_space<vmem_shared>>
        %dma_start3A_165 = tpu.memref_squeeze %dma_start3A_164 : memref<1x2048xi32, #tpu.memory_space<vmem_shared>> -> memref<2048xi32, #tpu.memory_space<vmem_shared>>
        tpu.enqueue_dma source(%dma_start3A_165 : memref<2048xi32, #tpu.memory_space<vmem_shared>>) target(%arg9 : memref<2048xi32, #tpu.memory_space<vmem>>) target_semaphore(%run_scoped3A : memref<!tpu.dma_semaphore, #tpu.memory_space<semaphore_mem>>)
        %dma_wait3A_166 = arith.constant 0 : i32
        %dma_wait3A_167 = tpu.memref_slice %arg12[%add3A_156, %dma_wait3A_166] : memref<16x2048xi32, #tpu.memory_space<vmem_shared>> -> memref<1x2048xi32, #tpu.memory_space<vmem_shared>>
        %dma_wait3A_168 = tpu.memref_squeeze %dma_wait3A_167 : memref<1x2048xi32, #tpu.memory_space<vmem_shared>> -> memref<2048xi32, #tpu.memory_space<vmem_shared>>
        %dma_wait3A_169 = arith.constant 0 : i32
        %dma_wait3A_170 = tpu.memref_slice %arg12[%add3A_156, %dma_wait3A_169] : memref<16x2048xi32, #tpu.memory_space<vmem_shared>> -> memref<1x2048xi32, #tpu.memory_space<vmem_shared>>
        %dma_wait3A_171 = tpu.memref_squeeze %dma_wait3A_170 : memref<1x2048xi32, #tpu.memory_space<vmem_shared>> -> memref<2048xi32, #tpu.memory_space<vmem_shared>>
        tpu.wait_dma2 semaphore(%run_scoped3A : memref<!tpu.dma_semaphore, #tpu.memory_space<semaphore_mem>>) src(%dma_wait3A_171 : memref<2048xi32, #tpu.memory_space<vmem_shared>>) dst(%arg9 : memref<2048xi32, #tpu.memory_space<vmem>>)
        tpu.yield
      }) : () -> ()
      %parallel_loop3A_157 = arith.constant 0 : i32
      %parallel_loop3A_158 = arith.constant 2048 : i32
      %parallel_loop3A_159 = arith.constant 16 : i32
      scf.for %parallel_loop3A_160 = %parallel_loop3A_157 to %parallel_loop3A_158 step %parallel_loop3A_159  : i32 {
        %parallel_loop3A_161 = arith.index_cast %parallel_loop3A_160 : i32 to index
        %parallel_loop3A_162 = tpu.vector_load %arg8[%parallel_loop3A_161] {strides = array<i32>} : memref<2048xi32, #tpu.memory_space<vmem>>, vector<16xi32>,
        %parallel_loop3A_163 = arith.index_cast %parallel_loop3A_160 : i32 to index
        %parallel_loop3A_164 = tpu.vector_load %arg9[%parallel_loop3A_163] {strides = array<i32>} : memref<2048xi32, #tpu.memory_space<vmem>>, vector<16xi32>,
        %parallel_loop3A_165 = arith.addi %parallel_loop3A_162, %parallel_loop3A_164 : vector<16xi32>
        %parallel_loop3A_166 = arith.index_cast %parallel_loop3A_160 : i32 to index
        %parallel_loop3A_167 = tpu.vector_load %arg8[%parallel_loop3A_166] {strides = array<i32>} : memref<2048xi32, #tpu.memory_space<vmem>>, vector<16xi32>,
        tpu.vector_store %arg8[%parallel_loop3A_166], %parallel_loop3A_165 {strides = array<i32>} : memref<2048xi32, #tpu.memory_space<vmem>>, vector<16xi32>,
      } {sc.loop_unroll_factor = 4 : i64, sc.parallel_access}
      "tpu.region"() ({
        %run_scoped3A = tpu.sem_alloc : memref<!tpu.dma_semaphore, #tpu.memory_space<semaphore_mem>>
        %dma_start3A_160 = arith.constant 0 : i32
        %dma_start3A_161 = tpu.memref_slice %arg12[%arg1, %dma_start3A_160] : memref<16x2048xi32, #tpu.memory_space<vmem_shared>> -> memref<1x2048xi32, #tpu.memory_space<vmem_shared>>
        %dma_start3A_162 = tpu.memref_squeeze %dma_start3A_161 : memref<1x2048xi32, #tpu.memory_space<vmem_shared>> -> memref<2048xi32, #tpu.memory_space<vmem_shared>>
        %dma_start3A_163 = arith.constant 0 : i32
        %dma_start3A_164 = tpu.memref_slice %arg12[%arg1, %dma_start3A_163] : memref<16x2048xi32, #tpu.memory_space<vmem_shared>> -> memref<1x2048xi32, #tpu.memory_space<vmem_shared>>
        %dma_start3A_165 = tpu.memref_squeeze %dma_start3A_164 : memref<1x2048xi32, #tpu.memory_space<vmem_shared>> -> memref<2048xi32, #tpu.memory_space<vmem_shared>>
        tpu.enqueue_dma source(%arg8 : memref<2048xi32, #tpu.memory_space<vmem>>) target(%dma_start3A_165 : memref<2048xi32, #tpu.memory_space<vmem_shared>>) target_semaphore(%run_scoped3A : memref<!tpu.dma_semaphore, #tpu.memory_space<semaphore_mem>>)
        %dma_wait3A_166 = arith.constant 0 : i32
        %dma_wait3A_167 = tpu.memref_slice %arg12[%arg1, %dma_wait3A_166] : memref<16x2048xi32, #tpu.memory_space<vmem_shared>> -> memref<1x2048xi32, #tpu.memory_space<vmem_shared>>
        %dma_wait3A_168 = tpu.memref_squeeze %dma_wait3A_167 : memref<1x2048xi32, #tpu.memory_space<vmem_shared>> -> memref<2048xi32, #tpu.memory_space<vmem_shared>>
        %dma_wait3A_169 = arith.constant 0 : i32
        %dma_wait3A_170 = tpu.memref_slice %arg12[%arg1, %dma_wait3A_169] : memref<16x2048xi32, #tpu.memory_space<vmem_shared>> -> memref<1x2048xi32, #tpu.memory_space<vmem_shared>>
        %dma_wait3A_171 = tpu.memref_squeeze %dma_wait3A_170 : memref<1x2048xi32, #tpu.memory_space<vmem_shared>> -> memref<2048xi32, #tpu.memory_space<vmem_shared>>
        tpu.wait_dma2 semaphore(%run_scoped3A : memref<!tpu.dma_semaphore, #tpu.memory_space<semaphore_mem>>) src(%arg8 : memref<2048xi32, #tpu.memory_space<vmem>>) dst(%dma_wait3A_171 : memref<2048xi32, #tpu.memory_space<vmem_shared>>)
        tpu.yield
      }) : () -> ()
    } else {
    }
    %barrier3A_150 = arith.constant 0 : index
    tpu.barrier barrier_id(%barrier3A_150)
    %eq3A = arith.constant 0 : i32
    %eq3A_151 = arith.cmpi eq, %arg1, %eq3A : i32
    %convert_element_type3A_152 = arith.extui %eq3A_151 : i1 to i32
    %cond3A_153 = arith.constant 0 : i32
    %cond3A_154 = arith.cmpi ne, %convert_element_type3A_152, %cond3A_153 : i32
    scf.if %cond3A_154 {
      "tpu.region"() ({
        %run_scoped3A = tpu.sem_alloc : memref<!tpu.dma_semaphore, #tpu.memory_space<semaphore_mem>>
        %dma_start3A_155 = arith.constant 0 : i32
        %dma_start3A_156 = tpu.memref_slice %arg5[%arg0, %dma_start3A_155] : memref<2x2048xi32, #tpu.memory_space<hbm>> -> memref<1x2048xi32, #tpu.memory_space<hbm>>
        %dma_start3A_157 = tpu.memref_squeeze %dma_start3A_156 : memref<1x2048xi32, #tpu.memory_space<hbm>> -> memref<2048xi32, #tpu.memory_space<hbm>>
        %dma_start3A_158 = arith.constant 0 : i32
        %dma_start3A_159 = tpu.memref_slice %arg5[%arg0, %dma_start3A_158] : memref<2x2048xi32, #tpu.memory_space<hbm>> -> memref<1x2048xi32, #tpu.memory_space<hbm>>
        %dma_start3A_160 = tpu.memref_squeeze %dma_start3A_159 : memref<1x2048xi32, #tpu.memory_space<hbm>> -> memref<2048xi32, #tpu.memory_space<hbm>>
        tpu.enqueue_dma source(%arg8 : memref<2048xi32, #tpu.memory_space<vmem>>) target(%dma_start3A_160 : memref<2048xi32, #tpu.memory_space<hbm>>) target_semaphore(%run_scoped3A : memref<!tpu.dma_semaphore, #tpu.memory_space<semaphore_mem>>)
        %dma_wait3A_161 = arith.constant 0 : i32
        %dma_wait3A_162 = tpu.memref_slice %arg5[%arg0, %dma_wait3A_161] : memref<2x2048xi32, #tpu.memory_space<hbm>> -> memref<1x2048xi32, #tpu.memory_space<hbm>>
        %dma_wait3A_163 = tpu.memref_squeeze %dma_wait3A_162 : memref<1x2048xi32, #tpu.memory_space<hbm>> -> memref<2048xi32, #tpu.memory_space<hbm>>
        %dma_wait3A_164 = arith.constant 0 : i32
        %dma_wait3A_165 = tpu.memref_slice %arg5[%arg0, %dma_wait3A_164] : memref<2x2048xi32, #tpu.memory_space<hbm>> -> memref<1x2048xi32, #tpu.memory_space<hbm>>
        %dma_wait3A_166 = tpu.memref_squeeze %dma_wait3A_165 : memref<1x2048xi32, #tpu.memory_space<hbm>> -> memref<2048xi32, #tpu.memory_space<hbm>>
        tpu.wait_dma2 semaphore(%run_scoped3A : memref<!tpu.dma_semaphore, #tpu.memory_space<semaphore_mem>>) src(%arg8 : memref<2048xi32, #tpu.memory_space<vmem>>) dst(%dma_wait3A_166 : memref<2048xi32, #tpu.memory_space<hbm>>)
        tpu.yield
      }) : () -> ()
    } else {
    }
    return
  }
}

module attributes {stable_mosaic.version = 14 : i64} {
  func.func @_mask_kernel(%arg0: memref<128x32768xf32, #tpu.memory_space<vmem>>, %arg1: memref<2x1024xi32, #tpu.memory_space<vmem>>, %arg2: memref<2x2048xi32, #tpu.memory_space<vmem>>, %arg3: memref<2x2048xi32, #tpu.memory_space<vmem>>, %arg4: memref<128x32768xf32, #tpu.memory_space<vmem>>) attributes {dimension_semantics = [], scalar_prefetch = 0 : i64, scratch_operands = 0 : i64, tpu.core_type = #tpu.core_type<tc>} {
    %get3A = arith.constant 0 : index
    %get3A_0 = arith.constant 0 : index
    %get3A_1 = vector.load %arg1[%get3A, %get3A_0] : memref<2x1024xi32, #tpu.memory_space<vmem>>, vector<2x1024xi32>
    %reduce_sum3A = arith.constant dense<0> : vector<1024xi32>
    %reduce_sum3A_2 = vector.multi_reduction <add>, %get3A_1, %reduce_sum3A [0] : vector<2x1024xi32> to vector<1024xi32>
    %broadcast_in_dim3A = vector.shape_cast %reduce_sum3A_2 : vector<1024xi32> to vector<1x1024xi32>
    %iota3A = tpu.iota {dimensions = array<i32: 1>} : vector<1x1024xi32>
    %broadcast_in_dim3A_3 = arith.constant 0 : i32
    %broadcast_in_dim3A_4 = vector.broadcast %broadcast_in_dim3A_3 : i32 to vector<1x1024xi32>
    %add3A = arith.constant 0 : i32
    %add3A_5 = arith.constant 512 : i32
    %add3A_6 = arith.addi %add3A, %add3A_5 : i32
    %ge3A = vector.broadcast %add3A_6 : i32 to vector<1x1024xi32>
    %ge3A_7 = arith.cmpi sge, %iota3A, %ge3A : vector<1x1024xi32>
    %select_n3A = arith.select %ge3A_7, %broadcast_in_dim3A, %broadcast_in_dim3A_4 : vector<1x1024xi1>, vector<1x1024xi32>
    %reduce_sum3A_8 = vector.shape_cast %select_n3A : vector<1x1024xi32> to vector<1x1x1024xi32>
    %reduce_sum3A_9 = arith.constant dense<0> : vector<1xi32>
    %reduce_sum3A_10 = vector.multi_reduction <add>, %reduce_sum3A_8, %reduce_sum3A_9 [1, 2] : vector<1x1x1024xi32> to vector<1xi32>
    %reduce_sum3A_11 = vector.shape_cast %reduce_sum3A_10 : vector<1xi32> to vector<1x1x1xi32>
    %reduce_sum3A_12 = vector.extract %reduce_sum3A_11[0, 0, 0] : i32 from vector<1x1x1xi32>
    %ge3A_13 = arith.constant 10000 : i32
    %ge3A_14 = arith.cmpi sge, %reduce_sum3A_12, %ge3A_13 : i32
    %jit3A = arith.constant 0 : i32
    %select_n3A_15 = arith.select %ge3A_14, %add3A_6, %jit3A : i32
    %add3A_16 = arith.constant 256 : i32
    %add3A_17 = arith.addi %select_n3A_15, %add3A_16 : i32
    %ge3A_18 = vector.broadcast %add3A_17 : i32 to vector<1x1024xi32>
    %ge3A_19 = arith.cmpi sge, %iota3A, %ge3A_18 : vector<1x1024xi32>
    %select_n3A_20 = arith.select %ge3A_19, %broadcast_in_dim3A, %broadcast_in_dim3A_4 : vector<1x1024xi1>, vector<1x1024xi32>
    %reduce_sum3A_21 = vector.shape_cast %select_n3A_20 : vector<1x1024xi32> to vector<1x1x1024xi32>
    %reduce_sum3A_22 = arith.constant dense<0> : vector<1xi32>
    %reduce_sum3A_23 = vector.multi_reduction <add>, %reduce_sum3A_21, %reduce_sum3A_22 [1, 2] : vector<1x1x1024xi32> to vector<1xi32>
    %reduce_sum3A_24 = vector.shape_cast %reduce_sum3A_23 : vector<1xi32> to vector<1x1x1xi32>
    %reduce_sum3A_25 = vector.extract %reduce_sum3A_24[0, 0, 0] : i32 from vector<1x1x1xi32>
    %ge3A_26 = arith.constant 10000 : i32
    %ge3A_27 = arith.cmpi sge, %reduce_sum3A_25, %ge3A_26 : i32
    %select_n3A_28 = arith.select %ge3A_27, %add3A_17, %select_n3A_15 : i32
    %add3A_29 = arith.constant 128 : i32
    %add3A_30 = arith.addi %select_n3A_28, %add3A_29 : i32
    %ge3A_31 = vector.broadcast %add3A_30 : i32 to vector<1x1024xi32>
    %ge3A_32 = arith.cmpi sge, %iota3A, %ge3A_31 : vector<1x1024xi32>
    %select_n3A_33 = arith.select %ge3A_32, %broadcast_in_dim3A, %broadcast_in_dim3A_4 : vector<1x1024xi1>, vector<1x1024xi32>
    %reduce_sum3A_34 = vector.shape_cast %select_n3A_33 : vector<1x1024xi32> to vector<1x1x1024xi32>
    %reduce_sum3A_35 = arith.constant dense<0> : vector<1xi32>
    %reduce_sum3A_36 = vector.multi_reduction <add>, %reduce_sum3A_34, %reduce_sum3A_35 [1, 2] : vector<1x1x1024xi32> to vector<1xi32>
    %reduce_sum3A_37 = vector.shape_cast %reduce_sum3A_36 : vector<1xi32> to vector<1x1x1xi32>
    %reduce_sum3A_38 = vector.extract %reduce_sum3A_37[0, 0, 0] : i32 from vector<1x1x1xi32>
    %ge3A_39 = arith.constant 10000 : i32
    %ge3A_40 = arith.cmpi sge, %reduce_sum3A_38, %ge3A_39 : i32
    %select_n3A_41 = arith.select %ge3A_40, %add3A_30, %select_n3A_28 : i32
    %add3A_42 = arith.constant 64 : i32
    %add3A_43 = arith.addi %select_n3A_41, %add3A_42 : i32
    %ge3A_44 = vector.broadcast %add3A_43 : i32 to vector<1x1024xi32>
    %ge3A_45 = arith.cmpi sge, %iota3A, %ge3A_44 : vector<1x1024xi32>
    %select_n3A_46 = arith.select %ge3A_45, %broadcast_in_dim3A, %broadcast_in_dim3A_4 : vector<1x1024xi1>, vector<1x1024xi32>
    %reduce_sum3A_47 = vector.shape_cast %select_n3A_46 : vector<1x1024xi32> to vector<1x1x1024xi32>
    %reduce_sum3A_48 = arith.constant dense<0> : vector<1xi32>
    %reduce_sum3A_49 = vector.multi_reduction <add>, %reduce_sum3A_47, %reduce_sum3A_48 [1, 2] : vector<1x1x1024xi32> to vector<1xi32>
    %reduce_sum3A_50 = vector.shape_cast %reduce_sum3A_49 : vector<1xi32> to vector<1x1x1xi32>
    %reduce_sum3A_51 = vector.extract %reduce_sum3A_50[0, 0, 0] : i32 from vector<1x1x1xi32>
    %ge3A_52 = arith.constant 10000 : i32
    %ge3A_53 = arith.cmpi sge, %reduce_sum3A_51, %ge3A_52 : i32
    %select_n3A_54 = arith.select %ge3A_53, %add3A_43, %select_n3A_41 : i32
    %add3A_55 = arith.constant 32 : i32
    %add3A_56 = arith.addi %select_n3A_54, %add3A_55 : i32
    %ge3A_57 = vector.broadcast %add3A_56 : i32 to vector<1x1024xi32>
    %ge3A_58 = arith.cmpi sge, %iota3A, %ge3A_57 : vector<1x1024xi32>
    %select_n3A_59 = arith.select %ge3A_58, %broadcast_in_dim3A, %broadcast_in_dim3A_4 : vector<1x1024xi1>, vector<1x1024xi32>
    %reduce_sum3A_60 = vector.shape_cast %select_n3A_59 : vector<1x1024xi32> to vector<1x1x1024xi32>
    %reduce_sum3A_61 = arith.constant dense<0> : vector<1xi32>
    %reduce_sum3A_62 = vector.multi_reduction <add>, %reduce_sum3A_60, %reduce_sum3A_61 [1, 2] : vector<1x1x1024xi32> to vector<1xi32>
    %reduce_sum3A_63 = vector.shape_cast %reduce_sum3A_62 : vector<1xi32> to vector<1x1x1xi32>
    %reduce_sum3A_64 = vector.extract %reduce_sum3A_63[0, 0, 0] : i32 from vector<1x1x1xi32>
    %ge3A_65 = arith.constant 10000 : i32
    %ge3A_66 = arith.cmpi sge, %reduce_sum3A_64, %ge3A_65 : i32
    %select_n3A_67 = arith.select %ge3A_66, %add3A_56, %select_n3A_54 : i32
    %add3A_68 = arith.constant 16 : i32
    %add3A_69 = arith.addi %select_n3A_67, %add3A_68 : i32
    %ge3A_70 = vector.broadcast %add3A_69 : i32 to vector<1x1024xi32>
    %ge3A_71 = arith.cmpi sge, %iota3A, %ge3A_70 : vector<1x1024xi32>
    %select_n3A_72 = arith.select %ge3A_71, %broadcast_in_dim3A, %broadcast_in_dim3A_4 : vector<1x1024xi1>, vector<1x1024xi32>
    %reduce_sum3A_73 = vector.shape_cast %select_n3A_72 : vector<1x1024xi32> to vector<1x1x1024xi32>
    %reduce_sum3A_74 = arith.constant dense<0> : vector<1xi32>
    %reduce_sum3A_75 = vector.multi_reduction <add>, %reduce_sum3A_73, %reduce_sum3A_74 [1, 2] : vector<1x1x1024xi32> to vector<1xi32>
    %reduce_sum3A_76 = vector.shape_cast %reduce_sum3A_75 : vector<1xi32> to vector<1x1x1xi32>
    %reduce_sum3A_77 = vector.extract %reduce_sum3A_76[0, 0, 0] : i32 from vector<1x1x1xi32>
    %ge3A_78 = arith.constant 10000 : i32
    %ge3A_79 = arith.cmpi sge, %reduce_sum3A_77, %ge3A_78 : i32
    %select_n3A_80 = arith.select %ge3A_79, %add3A_69, %select_n3A_67 : i32
    %add3A_81 = arith.constant 8 : i32
    %add3A_82 = arith.addi %select_n3A_80, %add3A_81 : i32
    %ge3A_83 = vector.broadcast %add3A_82 : i32 to vector<1x1024xi32>
    %ge3A_84 = arith.cmpi sge, %iota3A, %ge3A_83 : vector<1x1024xi32>
    %select_n3A_85 = arith.select %ge3A_84, %broadcast_in_dim3A, %broadcast_in_dim3A_4 : vector<1x1024xi1>, vector<1x1024xi32>
    %reduce_sum3A_86 = vector.shape_cast %select_n3A_85 : vector<1x1024xi32> to vector<1x1x1024xi32>
    %reduce_sum3A_87 = arith.constant dense<0> : vector<1xi32>
    %reduce_sum3A_88 = vector.multi_reduction <add>, %reduce_sum3A_86, %reduce_sum3A_87 [1, 2] : vector<1x1x1024xi32> to vector<1xi32>
    %reduce_sum3A_89 = vector.shape_cast %reduce_sum3A_88 : vector<1xi32> to vector<1x1x1xi32>
    %reduce_sum3A_90 = vector.extract %reduce_sum3A_89[0, 0, 0] : i32 from vector<1x1x1xi32>
    %ge3A_91 = arith.constant 10000 : i32
    %ge3A_92 = arith.cmpi sge, %reduce_sum3A_90, %ge3A_91 : i32
    %select_n3A_93 = arith.select %ge3A_92, %add3A_82, %select_n3A_80 : i32
    %add3A_94 = arith.constant 4 : i32
    %add3A_95 = arith.addi %select_n3A_93, %add3A_94 : i32
    %ge3A_96 = vector.broadcast %add3A_95 : i32 to vector<1x1024xi32>
    %ge3A_97 = arith.cmpi sge, %iota3A, %ge3A_96 : vector<1x1024xi32>
    %select_n3A_98 = arith.select %ge3A_97, %broadcast_in_dim3A, %broadcast_in_dim3A_4 : vector<1x1024xi1>, vector<1x1024xi32>
    %reduce_sum3A_99 = vector.shape_cast %select_n3A_98 : vector<1x1024xi32> to vector<1x1x1024xi32>
    %reduce_sum3A_100 = arith.constant dense<0> : vector<1xi32>
    %reduce_sum3A_101 = vector.multi_reduction <add>, %reduce_sum3A_99, %reduce_sum3A_100 [1, 2] : vector<1x1x1024xi32> to vector<1xi32>
    %reduce_sum3A_102 = vector.shape_cast %reduce_sum3A_101 : vector<1xi32> to vector<1x1x1xi32>
    %reduce_sum3A_103 = vector.extract %reduce_sum3A_102[0, 0, 0] : i32 from vector<1x1x1xi32>
    %ge3A_104 = arith.constant 10000 : i32
    %ge3A_105 = arith.cmpi sge, %reduce_sum3A_103, %ge3A_104 : i32
    %select_n3A_106 = arith.select %ge3A_105, %add3A_95, %select_n3A_93 : i32
    %add3A_107 = arith.constant 2 : i32
    %add3A_108 = arith.addi %select_n3A_106, %add3A_107 : i32
    %ge3A_109 = vector.broadcast %add3A_108 : i32 to vector<1x1024xi32>
    %ge3A_110 = arith.cmpi sge, %iota3A, %ge3A_109 : vector<1x1024xi32>
    %select_n3A_111 = arith.select %ge3A_110, %broadcast_in_dim3A, %broadcast_in_dim3A_4 : vector<1x1024xi1>, vector<1x1024xi32>
    %reduce_sum3A_112 = vector.shape_cast %select_n3A_111 : vector<1x1024xi32> to vector<1x1x1024xi32>
    %reduce_sum3A_113 = arith.constant dense<0> : vector<1xi32>
    %reduce_sum3A_114 = vector.multi_reduction <add>, %reduce_sum3A_112, %reduce_sum3A_113 [1, 2] : vector<1x1x1024xi32> to vector<1xi32>
    %reduce_sum3A_115 = vector.shape_cast %reduce_sum3A_114 : vector<1xi32> to vector<1x1x1xi32>
    %reduce_sum3A_116 = vector.extract %reduce_sum3A_115[0, 0, 0] : i32 from vector<1x1x1xi32>
    %ge3A_117 = arith.constant 10000 : i32
    %ge3A_118 = arith.cmpi sge, %reduce_sum3A_116, %ge3A_117 : i32
    %select_n3A_119 = arith.select %ge3A_118, %add3A_108, %select_n3A_106 : i32
    %add3A_120 = arith.constant 1 : i32
    %add3A_121 = arith.addi %select_n3A_119, %add3A_120 : i32
    %ge3A_122 = vector.broadcast %add3A_121 : i32 to vector<1x1024xi32>
    %ge3A_123 = arith.cmpi sge, %iota3A, %ge3A_122 : vector<1x1024xi32>
    %select_n3A_124 = arith.select %ge3A_123, %broadcast_in_dim3A, %broadcast_in_dim3A_4 : vector<1x1024xi1>, vector<1x1024xi32>
    %reduce_sum3A_125 = vector.shape_cast %select_n3A_124 : vector<1x1024xi32> to vector<1x1x1024xi32>
    %reduce_sum3A_126 = arith.constant dense<0> : vector<1xi32>
    %reduce_sum3A_127 = vector.multi_reduction <add>, %reduce_sum3A_125, %reduce_sum3A_126 [1, 2] : vector<1x1x1024xi32> to vector<1xi32>
    %reduce_sum3A_128 = vector.shape_cast %reduce_sum3A_127 : vector<1xi32> to vector<1x1x1xi32>
    %reduce_sum3A_129 = vector.extract %reduce_sum3A_128[0, 0, 0] : i32 from vector<1x1x1xi32>
    %ge3A_130 = arith.constant 10000 : i32
    %ge3A_131 = arith.cmpi sge, %reduce_sum3A_129, %ge3A_130 : i32
    %select_n3A_132 = arith.select %ge3A_131, %add3A_121, %select_n3A_119 : i32
    %add3A_133 = arith.constant 1 : i32
    %add3A_134 = arith.addi %select_n3A_132, %add3A_133 : i32
    %ge3A_135 = vector.broadcast %add3A_134 : i32 to vector<1x1024xi32>
    %ge3A_136 = arith.cmpi sge, %iota3A, %ge3A_135 : vector<1x1024xi32>
    %select_n3A_137 = arith.select %ge3A_136, %broadcast_in_dim3A, %broadcast_in_dim3A_4 : vector<1x1024xi1>, vector<1x1024xi32>
    %reduce_sum3A_138 = vector.shape_cast %select_n3A_137 : vector<1x1024xi32> to vector<1x1x1024xi32>
    %reduce_sum3A_139 = arith.constant dense<0> : vector<1xi32>
    %reduce_sum3A_140 = vector.multi_reduction <add>, %reduce_sum3A_138, %reduce_sum3A_139 [1, 2] : vector<1x1x1024xi32> to vector<1xi32>
    %reduce_sum3A_141 = vector.shape_cast %reduce_sum3A_140 : vector<1xi32> to vector<1x1x1xi32>
    %reduce_sum3A_142 = vector.extract %reduce_sum3A_141[0, 0, 0] : i32 from vector<1x1x1xi32>
    %sub3A = arith.constant 10000 : i32
    %sub3A_143 = arith.subi %sub3A, %reduce_sum3A_142 : i32
    %get3A_144 = arith.constant 0 : index
    %get3A_145 = arith.constant 0 : index
    %get3A_146 = vector.load %arg2[%get3A_144, %get3A_145] : memref<2x2048xi32, #tpu.memory_space<vmem>>, vector<2x2048xi32>
    %reduce_sum3A_147 = arith.constant dense<0> : vector<2048xi32>
    %reduce_sum3A_148 = vector.multi_reduction <add>, %get3A_146, %reduce_sum3A_147 [0] : vector<2x2048xi32> to vector<2048xi32>
    %broadcast_in_dim3A_149 = vector.shape_cast %reduce_sum3A_148 : vector<2048xi32> to vector<1x2048xi32>
    %iota3A_150 = tpu.iota {dimensions = array<i32: 1>} : vector<1x2048xi32>
    %broadcast_in_dim3A_151 = arith.constant 0 : i32
    %broadcast_in_dim3A_152 = vector.broadcast %broadcast_in_dim3A_151 : i32 to vector<1x2048xi32>
    %add3A_153 = arith.constant 0 : i32
    %add3A_154 = arith.constant 1024 : i32
    %add3A_155 = arith.addi %add3A_153, %add3A_154 : i32
    %ge3A_156 = vector.broadcast %add3A_155 : i32 to vector<1x2048xi32>
    %ge3A_157 = arith.cmpi sge, %iota3A_150, %ge3A_156 : vector<1x2048xi32>
    %select_n3A_158 = arith.select %ge3A_157, %broadcast_in_dim3A_149, %broadcast_in_dim3A_152 : vector<1x2048xi1>, vector<1x2048xi32>
    %reduce_sum3A_159 = vector.shape_cast %select_n3A_158 : vector<1x2048xi32> to vector<1x1x2048xi32>
    %reduce_sum3A_160 = arith.constant dense<0> : vector<1xi32>
    %reduce_sum3A_161 = vector.multi_reduction <add>, %reduce_sum3A_159, %reduce_sum3A_160 [1, 2] : vector<1x1x2048xi32> to vector<1xi32>
    %reduce_sum3A_162 = vector.shape_cast %reduce_sum3A_161 : vector<1xi32> to vector<1x1x1xi32>
    %reduce_sum3A_163 = vector.extract %reduce_sum3A_162[0, 0, 0] : i32 from vector<1x1x1xi32>
    %ge3A_164 = arith.cmpi sge, %reduce_sum3A_163, %sub3A_143 : i32
    %jit3A_165 = arith.constant 0 : i32
    %select_n3A_166 = arith.select %ge3A_164, %add3A_155, %jit3A_165 : i32
    %add3A_167 = arith.constant 512 : i32
    %add3A_168 = arith.addi %select_n3A_166, %add3A_167 : i32
    %ge3A_169 = vector.broadcast %add3A_168 : i32 to vector<1x2048xi32>
    %ge3A_170 = arith.cmpi sge, %iota3A_150, %ge3A_169 : vector<1x2048xi32>
    %select_n3A_171 = arith.select %ge3A_170, %broadcast_in_dim3A_149, %broadcast_in_dim3A_152 : vector<1x2048xi1>, vector<1x2048xi32>
    %reduce_sum3A_172 = vector.shape_cast %select_n3A_171 : vector<1x2048xi32> to vector<1x1x2048xi32>
    %reduce_sum3A_173 = arith.constant dense<0> : vector<1xi32>
    %reduce_sum3A_174 = vector.multi_reduction <add>, %reduce_sum3A_172, %reduce_sum3A_173 [1, 2] : vector<1x1x2048xi32> to vector<1xi32>
    %reduce_sum3A_175 = vector.shape_cast %reduce_sum3A_174 : vector<1xi32> to vector<1x1x1xi32>
    %reduce_sum3A_176 = vector.extract %reduce_sum3A_175[0, 0, 0] : i32 from vector<1x1x1xi32>
    %ge3A_177 = arith.cmpi sge, %reduce_sum3A_176, %sub3A_143 : i32
    %select_n3A_178 = arith.select %ge3A_177, %add3A_168, %select_n3A_166 : i32
    %add3A_179 = arith.constant 256 : i32
    %add3A_180 = arith.addi %select_n3A_178, %add3A_179 : i32
    %ge3A_181 = vector.broadcast %add3A_180 : i32 to vector<1x2048xi32>
    %ge3A_182 = arith.cmpi sge, %iota3A_150, %ge3A_181 : vector<1x2048xi32>
    %select_n3A_183 = arith.select %ge3A_182, %broadcast_in_dim3A_149, %broadcast_in_dim3A_152 : vector<1x2048xi1>, vector<1x2048xi32>
    %reduce_sum3A_184 = vector.shape_cast %select_n3A_183 : vector<1x2048xi32> to vector<1x1x2048xi32>
    %reduce_sum3A_185 = arith.constant dense<0> : vector<1xi32>
    %reduce_sum3A_186 = vector.multi_reduction <add>, %reduce_sum3A_184, %reduce_sum3A_185 [1, 2] : vector<1x1x2048xi32> to vector<1xi32>
    %reduce_sum3A_187 = vector.shape_cast %reduce_sum3A_186 : vector<1xi32> to vector<1x1x1xi32>
    %reduce_sum3A_188 = vector.extract %reduce_sum3A_187[0, 0, 0] : i32 from vector<1x1x1xi32>
    %ge3A_189 = arith.cmpi sge, %reduce_sum3A_188, %sub3A_143 : i32
    %select_n3A_190 = arith.select %ge3A_189, %add3A_180, %select_n3A_178 : i32
    %add3A_191 = arith.constant 128 : i32
    %add3A_192 = arith.addi %select_n3A_190, %add3A_191 : i32
    %ge3A_193 = vector.broadcast %add3A_192 : i32 to vector<1x2048xi32>
    %ge3A_194 = arith.cmpi sge, %iota3A_150, %ge3A_193 : vector<1x2048xi32>
    %select_n3A_195 = arith.select %ge3A_194, %broadcast_in_dim3A_149, %broadcast_in_dim3A_152 : vector<1x2048xi1>, vector<1x2048xi32>
    %reduce_sum3A_196 = vector.shape_cast %select_n3A_195 : vector<1x2048xi32> to vector<1x1x2048xi32>
    %reduce_sum3A_197 = arith.constant dense<0> : vector<1xi32>
    %reduce_sum3A_198 = vector.multi_reduction <add>, %reduce_sum3A_196, %reduce_sum3A_197 [1, 2] : vector<1x1x2048xi32> to vector<1xi32>
    %reduce_sum3A_199 = vector.shape_cast %reduce_sum3A_198 : vector<1xi32> to vector<1x1x1xi32>
    %reduce_sum3A_200 = vector.extract %reduce_sum3A_199[0, 0, 0] : i32 from vector<1x1x1xi32>
    %ge3A_201 = arith.cmpi sge, %reduce_sum3A_200, %sub3A_143 : i32
    %select_n3A_202 = arith.select %ge3A_201, %add3A_192, %select_n3A_190 : i32
    %add3A_203 = arith.constant 64 : i32
    %add3A_204 = arith.addi %select_n3A_202, %add3A_203 : i32
    %ge3A_205 = vector.broadcast %add3A_204 : i32 to vector<1x2048xi32>
    %ge3A_206 = arith.cmpi sge, %iota3A_150, %ge3A_205 : vector<1x2048xi32>
    %select_n3A_207 = arith.select %ge3A_206, %broadcast_in_dim3A_149, %broadcast_in_dim3A_152 : vector<1x2048xi1>, vector<1x2048xi32>
    %reduce_sum3A_208 = vector.shape_cast %select_n3A_207 : vector<1x2048xi32> to vector<1x1x2048xi32>
    %reduce_sum3A_209 = arith.constant dense<0> : vector<1xi32>
    %reduce_sum3A_210 = vector.multi_reduction <add>, %reduce_sum3A_208, %reduce_sum3A_209 [1, 2] : vector<1x1x2048xi32> to vector<1xi32>
    %reduce_sum3A_211 = vector.shape_cast %reduce_sum3A_210 : vector<1xi32> to vector<1x1x1xi32>
    %reduce_sum3A_212 = vector.extract %reduce_sum3A_211[0, 0, 0] : i32 from vector<1x1x1xi32>
    %ge3A_213 = arith.cmpi sge, %reduce_sum3A_212, %sub3A_143 : i32
    %select_n3A_214 = arith.select %ge3A_213, %add3A_204, %select_n3A_202 : i32
    %add3A_215 = arith.constant 32 : i32
    %add3A_216 = arith.addi %select_n3A_214, %add3A_215 : i32
    %ge3A_217 = vector.broadcast %add3A_216 : i32 to vector<1x2048xi32>
    %ge3A_218 = arith.cmpi sge, %iota3A_150, %ge3A_217 : vector<1x2048xi32>
    %select_n3A_219 = arith.select %ge3A_218, %broadcast_in_dim3A_149, %broadcast_in_dim3A_152 : vector<1x2048xi1>, vector<1x2048xi32>
    %reduce_sum3A_220 = vector.shape_cast %select_n3A_219 : vector<1x2048xi32> to vector<1x1x2048xi32>
    %reduce_sum3A_221 = arith.constant dense<0> : vector<1xi32>
    %reduce_sum3A_222 = vector.multi_reduction <add>, %reduce_sum3A_220, %reduce_sum3A_221 [1, 2] : vector<1x1x2048xi32> to vector<1xi32>
    %reduce_sum3A_223 = vector.shape_cast %reduce_sum3A_222 : vector<1xi32> to vector<1x1x1xi32>
    %reduce_sum3A_224 = vector.extract %reduce_sum3A_223[0, 0, 0] : i32 from vector<1x1x1xi32>
    %ge3A_225 = arith.cmpi sge, %reduce_sum3A_224, %sub3A_143 : i32
    %select_n3A_226 = arith.select %ge3A_225, %add3A_216, %select_n3A_214 : i32
    %add3A_227 = arith.constant 16 : i32
    %add3A_228 = arith.addi %select_n3A_226, %add3A_227 : i32
    %ge3A_229 = vector.broadcast %add3A_228 : i32 to vector<1x2048xi32>
    %ge3A_230 = arith.cmpi sge, %iota3A_150, %ge3A_229 : vector<1x2048xi32>
    %select_n3A_231 = arith.select %ge3A_230, %broadcast_in_dim3A_149, %broadcast_in_dim3A_152 : vector<1x2048xi1>, vector<1x2048xi32>
    %reduce_sum3A_232 = vector.shape_cast %select_n3A_231 : vector<1x2048xi32> to vector<1x1x2048xi32>
    %reduce_sum3A_233 = arith.constant dense<0> : vector<1xi32>
    %reduce_sum3A_234 = vector.multi_reduction <add>, %reduce_sum3A_232, %reduce_sum3A_233 [1, 2] : vector<1x1x2048xi32> to vector<1xi32>
    %reduce_sum3A_235 = vector.shape_cast %reduce_sum3A_234 : vector<1xi32> to vector<1x1x1xi32>
    %reduce_sum3A_236 = vector.extract %reduce_sum3A_235[0, 0, 0] : i32 from vector<1x1x1xi32>
    %ge3A_237 = arith.cmpi sge, %reduce_sum3A_236, %sub3A_143 : i32
    %select_n3A_238 = arith.select %ge3A_237, %add3A_228, %select_n3A_226 : i32
    %add3A_239 = arith.constant 8 : i32
    %add3A_240 = arith.addi %select_n3A_238, %add3A_239 : i32
    %ge3A_241 = vector.broadcast %add3A_240 : i32 to vector<1x2048xi32>
    %ge3A_242 = arith.cmpi sge, %iota3A_150, %ge3A_241 : vector<1x2048xi32>
    %select_n3A_243 = arith.select %ge3A_242, %broadcast_in_dim3A_149, %broadcast_in_dim3A_152 : vector<1x2048xi1>, vector<1x2048xi32>
    %reduce_sum3A_244 = vector.shape_cast %select_n3A_243 : vector<1x2048xi32> to vector<1x1x2048xi32>
    %reduce_sum3A_245 = arith.constant dense<0> : vector<1xi32>
    %reduce_sum3A_246 = vector.multi_reduction <add>, %reduce_sum3A_244, %reduce_sum3A_245 [1, 2] : vector<1x1x2048xi32> to vector<1xi32>
    %reduce_sum3A_247 = vector.shape_cast %reduce_sum3A_246 : vector<1xi32> to vector<1x1x1xi32>
    %reduce_sum3A_248 = vector.extract %reduce_sum3A_247[0, 0, 0] : i32 from vector<1x1x1xi32>
    %ge3A_249 = arith.cmpi sge, %reduce_sum3A_248, %sub3A_143 : i32
    %select_n3A_250 = arith.select %ge3A_249, %add3A_240, %select_n3A_238 : i32
    %add3A_251 = arith.constant 4 : i32
    %add3A_252 = arith.addi %select_n3A_250, %add3A_251 : i32
    %ge3A_253 = vector.broadcast %add3A_252 : i32 to vector<1x2048xi32>
    %ge3A_254 = arith.cmpi sge, %iota3A_150, %ge3A_253 : vector<1x2048xi32>
    %select_n3A_255 = arith.select %ge3A_254, %broadcast_in_dim3A_149, %broadcast_in_dim3A_152 : vector<1x2048xi1>, vector<1x2048xi32>
    %reduce_sum3A_256 = vector.shape_cast %select_n3A_255 : vector<1x2048xi32> to vector<1x1x2048xi32>
    %reduce_sum3A_257 = arith.constant dense<0> : vector<1xi32>
    %reduce_sum3A_258 = vector.multi_reduction <add>, %reduce_sum3A_256, %reduce_sum3A_257 [1, 2] : vector<1x1x2048xi32> to vector<1xi32>
    %reduce_sum3A_259 = vector.shape_cast %reduce_sum3A_258 : vector<1xi32> to vector<1x1x1xi32>
    %reduce_sum3A_260 = vector.extract %reduce_sum3A_259[0, 0, 0] : i32 from vector<1x1x1xi32>
    %ge3A_261 = arith.cmpi sge, %reduce_sum3A_260, %sub3A_143 : i32
    %select_n3A_262 = arith.select %ge3A_261, %add3A_252, %select_n3A_250 : i32
    %add3A_263 = arith.constant 2 : i32
    %add3A_264 = arith.addi %select_n3A_262, %add3A_263 : i32
    %ge3A_265 = vector.broadcast %add3A_264 : i32 to vector<1x2048xi32>
    %ge3A_266 = arith.cmpi sge, %iota3A_150, %ge3A_265 : vector<1x2048xi32>
    %select_n3A_267 = arith.select %ge3A_266, %broadcast_in_dim3A_149, %broadcast_in_dim3A_152 : vector<1x2048xi1>, vector<1x2048xi32>
    %reduce_sum3A_268 = vector.shape_cast %select_n3A_267 : vector<1x2048xi32> to vector<1x1x2048xi32>
    %reduce_sum3A_269 = arith.constant dense<0> : vector<1xi32>
    %reduce_sum3A_270 = vector.multi_reduction <add>, %reduce_sum3A_268, %reduce_sum3A_269 [1, 2] : vector<1x1x2048xi32> to vector<1xi32>
    %reduce_sum3A_271 = vector.shape_cast %reduce_sum3A_270 : vector<1xi32> to vector<1x1x1xi32>
    %reduce_sum3A_272 = vector.extract %reduce_sum3A_271[0, 0, 0] : i32 from vector<1x1x1xi32>
    %ge3A_273 = arith.cmpi sge, %reduce_sum3A_272, %sub3A_143 : i32
    %select_n3A_274 = arith.select %ge3A_273, %add3A_264, %select_n3A_262 : i32
    %add3A_275 = arith.constant 1 : i32
    %add3A_276 = arith.addi %select_n3A_274, %add3A_275 : i32
    %ge3A_277 = vector.broadcast %add3A_276 : i32 to vector<1x2048xi32>
    %ge3A_278 = arith.cmpi sge, %iota3A_150, %ge3A_277 : vector<1x2048xi32>
    %select_n3A_279 = arith.select %ge3A_278, %broadcast_in_dim3A_149, %broadcast_in_dim3A_152 : vector<1x2048xi1>, vector<1x2048xi32>
    %reduce_sum3A_280 = vector.shape_cast %select_n3A_279 : vector<1x2048xi32> to vector<1x1x2048xi32>
    %reduce_sum3A_281 = arith.constant dense<0> : vector<1xi32>
    %reduce_sum3A_282 = vector.multi_reduction <add>, %reduce_sum3A_280, %reduce_sum3A_281 [1, 2] : vector<1x1x2048xi32> to vector<1xi32>
    %reduce_sum3A_283 = vector.shape_cast %reduce_sum3A_282 : vector<1xi32> to vector<1x1x1xi32>
    %reduce_sum3A_284 = vector.extract %reduce_sum3A_283[0, 0, 0] : i32 from vector<1x1x1xi32>
    %ge3A_285 = arith.cmpi sge, %reduce_sum3A_284, %sub3A_143 : i32
    %select_n3A_286 = arith.select %ge3A_285, %add3A_276, %select_n3A_274 : i32
    %add3A_287 = arith.constant 1 : i32
    %add3A_288 = arith.addi %select_n3A_286, %add3A_287 : i32
    %ge3A_289 = vector.broadcast %add3A_288 : i32 to vector<1x2048xi32>
    %ge3A_290 = arith.cmpi sge, %iota3A_150, %ge3A_289 : vector<1x2048xi32>
    %select_n3A_291 = arith.select %ge3A_290, %broadcast_in_dim3A_149, %broadcast_in_dim3A_152 : vector<1x2048xi1>, vector<1x2048xi32>
    %reduce_sum3A_292 = vector.shape_cast %select_n3A_291 : vector<1x2048xi32> to vector<1x1x2048xi32>
    %reduce_sum3A_293 = arith.constant dense<0> : vector<1xi32>
    %reduce_sum3A_294 = vector.multi_reduction <add>, %reduce_sum3A_292, %reduce_sum3A_293 [1, 2] : vector<1x1x2048xi32> to vector<1xi32>
    %reduce_sum3A_295 = vector.shape_cast %reduce_sum3A_294 : vector<1xi32> to vector<1x1x1xi32>
    %reduce_sum3A_296 = vector.extract %reduce_sum3A_295[0, 0, 0] : i32 from vector<1x1x1xi32>
    %sub3A_297 = arith.subi %sub3A_143, %reduce_sum3A_296 : i32
    %get3A_298 = arith.constant 0 : index
    %get3A_299 = arith.constant 0 : index
    %get3A_300 = vector.load %arg3[%get3A_298, %get3A_299] : memref<2x2048xi32, #tpu.memory_space<vmem>>, vector<2x2048xi32>
    %reduce_sum3A_301 = arith.constant dense<0> : vector<2048xi32>
    %reduce_sum3A_302 = vector.multi_reduction <add>, %get3A_300, %reduce_sum3A_301 [0] : vector<2x2048xi32> to vector<2048xi32>
    %broadcast_in_dim3A_303 = vector.shape_cast %reduce_sum3A_302 : vector<2048xi32> to vector<1x2048xi32>
    %iota3A_304 = tpu.iota {dimensions = array<i32: 1>} : vector<1x2048xi32>
    %broadcast_in_dim3A_305 = arith.constant 0 : i32
    %broadcast_in_dim3A_306 = vector.broadcast %broadcast_in_dim3A_305 : i32 to vector<1x2048xi32>
    %add3A_307 = arith.constant 0 : i32
    %add3A_308 = arith.constant 1024 : i32
    %add3A_309 = arith.addi %add3A_307, %add3A_308 : i32
    %ge3A_310 = vector.broadcast %add3A_309 : i32 to vector<1x2048xi32>
    %ge3A_311 = arith.cmpi sge, %iota3A_304, %ge3A_310 : vector<1x2048xi32>
    %select_n3A_312 = arith.select %ge3A_311, %broadcast_in_dim3A_303, %broadcast_in_dim3A_306 : vector<1x2048xi1>, vector<1x2048xi32>
    %reduce_sum3A_313 = vector.shape_cast %select_n3A_312 : vector<1x2048xi32> to vector<1x1x2048xi32>
    %reduce_sum3A_314 = arith.constant dense<0> : vector<1xi32>
    %reduce_sum3A_315 = vector.multi_reduction <add>, %reduce_sum3A_313, %reduce_sum3A_314 [1, 2] : vector<1x1x2048xi32> to vector<1xi32>
    %reduce_sum3A_316 = vector.shape_cast %reduce_sum3A_315 : vector<1xi32> to vector<1x1x1xi32>
    %reduce_sum3A_317 = vector.extract %reduce_sum3A_316[0, 0, 0] : i32 from vector<1x1x1xi32>
    %ge3A_318 = arith.cmpi sge, %reduce_sum3A_317, %sub3A_297 : i32
    %jit3A_319 = arith.constant 0 : i32
    %select_n3A_320 = arith.select %ge3A_318, %add3A_309, %jit3A_319 : i32
    %add3A_321 = arith.constant 512 : i32
    %add3A_322 = arith.addi %select_n3A_320, %add3A_321 : i32
    %ge3A_323 = vector.broadcast %add3A_322 : i32 to vector<1x2048xi32>
    %ge3A_324 = arith.cmpi sge, %iota3A_304, %ge3A_323 : vector<1x2048xi32>
    %select_n3A_325 = arith.select %ge3A_324, %broadcast_in_dim3A_303, %broadcast_in_dim3A_306 : vector<1x2048xi1>, vector<1x2048xi32>
    %reduce_sum3A_326 = vector.shape_cast %select_n3A_325 : vector<1x2048xi32> to vector<1x1x2048xi32>
    %reduce_sum3A_327 = arith.constant dense<0> : vector<1xi32>
    %reduce_sum3A_328 = vector.multi_reduction <add>, %reduce_sum3A_326, %reduce_sum3A_327 [1, 2] : vector<1x1x2048xi32> to vector<1xi32>
    %reduce_sum3A_329 = vector.shape_cast %reduce_sum3A_328 : vector<1xi32> to vector<1x1x1xi32>
    %reduce_sum3A_330 = vector.extract %reduce_sum3A_329[0, 0, 0] : i32 from vector<1x1x1xi32>
    %ge3A_331 = arith.cmpi sge, %reduce_sum3A_330, %sub3A_297 : i32
    %select_n3A_332 = arith.select %ge3A_331, %add3A_322, %select_n3A_320 : i32
    %add3A_333 = arith.constant 256 : i32
    %add3A_334 = arith.addi %select_n3A_332, %add3A_333 : i32
    %ge3A_335 = vector.broadcast %add3A_334 : i32 to vector<1x2048xi32>
    %ge3A_336 = arith.cmpi sge, %iota3A_304, %ge3A_335 : vector<1x2048xi32>
    %select_n3A_337 = arith.select %ge3A_336, %broadcast_in_dim3A_303, %broadcast_in_dim3A_306 : vector<1x2048xi1>, vector<1x2048xi32>
    %reduce_sum3A_338 = vector.shape_cast %select_n3A_337 : vector<1x2048xi32> to vector<1x1x2048xi32>
    %reduce_sum3A_339 = arith.constant dense<0> : vector<1xi32>
    %reduce_sum3A_340 = vector.multi_reduction <add>, %reduce_sum3A_338, %reduce_sum3A_339 [1, 2] : vector<1x1x2048xi32> to vector<1xi32>
    %reduce_sum3A_341 = vector.shape_cast %reduce_sum3A_340 : vector<1xi32> to vector<1x1x1xi32>
    %reduce_sum3A_342 = vector.extract %reduce_sum3A_341[0, 0, 0] : i32 from vector<1x1x1xi32>
    %ge3A_343 = arith.cmpi sge, %reduce_sum3A_342, %sub3A_297 : i32
    %select_n3A_344 = arith.select %ge3A_343, %add3A_334, %select_n3A_332 : i32
    %add3A_345 = arith.constant 128 : i32
    %add3A_346 = arith.addi %select_n3A_344, %add3A_345 : i32
    %ge3A_347 = vector.broadcast %add3A_346 : i32 to vector<1x2048xi32>
    %ge3A_348 = arith.cmpi sge, %iota3A_304, %ge3A_347 : vector<1x2048xi32>
    %select_n3A_349 = arith.select %ge3A_348, %broadcast_in_dim3A_303, %broadcast_in_dim3A_306 : vector<1x2048xi1>, vector<1x2048xi32>
    %reduce_sum3A_350 = vector.shape_cast %select_n3A_349 : vector<1x2048xi32> to vector<1x1x2048xi32>
    %reduce_sum3A_351 = arith.constant dense<0> : vector<1xi32>
    %reduce_sum3A_352 = vector.multi_reduction <add>, %reduce_sum3A_350, %reduce_sum3A_351 [1, 2] : vector<1x1x2048xi32> to vector<1xi32>
    %reduce_sum3A_353 = vector.shape_cast %reduce_sum3A_352 : vector<1xi32> to vector<1x1x1xi32>
    %reduce_sum3A_354 = vector.extract %reduce_sum3A_353[0, 0, 0] : i32 from vector<1x1x1xi32>
    %ge3A_355 = arith.cmpi sge, %reduce_sum3A_354, %sub3A_297 : i32
    %select_n3A_356 = arith.select %ge3A_355, %add3A_346, %select_n3A_344 : i32
    %add3A_357 = arith.constant 64 : i32
    %add3A_358 = arith.addi %select_n3A_356, %add3A_357 : i32
    %ge3A_359 = vector.broadcast %add3A_358 : i32 to vector<1x2048xi32>
    %ge3A_360 = arith.cmpi sge, %iota3A_304, %ge3A_359 : vector<1x2048xi32>
    %select_n3A_361 = arith.select %ge3A_360, %broadcast_in_dim3A_303, %broadcast_in_dim3A_306 : vector<1x2048xi1>, vector<1x2048xi32>
    %reduce_sum3A_362 = vector.shape_cast %select_n3A_361 : vector<1x2048xi32> to vector<1x1x2048xi32>
    %reduce_sum3A_363 = arith.constant dense<0> : vector<1xi32>
    %reduce_sum3A_364 = vector.multi_reduction <add>, %reduce_sum3A_362, %reduce_sum3A_363 [1, 2] : vector<1x1x2048xi32> to vector<1xi32>
    %reduce_sum3A_365 = vector.shape_cast %reduce_sum3A_364 : vector<1xi32> to vector<1x1x1xi32>
    %reduce_sum3A_366 = vector.extract %reduce_sum3A_365[0, 0, 0] : i32 from vector<1x1x1xi32>
    %ge3A_367 = arith.cmpi sge, %reduce_sum3A_366, %sub3A_297 : i32
    %select_n3A_368 = arith.select %ge3A_367, %add3A_358, %select_n3A_356 : i32
    %add3A_369 = arith.constant 32 : i32
    %add3A_370 = arith.addi %select_n3A_368, %add3A_369 : i32
    %ge3A_371 = vector.broadcast %add3A_370 : i32 to vector<1x2048xi32>
    %ge3A_372 = arith.cmpi sge, %iota3A_304, %ge3A_371 : vector<1x2048xi32>
    %select_n3A_373 = arith.select %ge3A_372, %broadcast_in_dim3A_303, %broadcast_in_dim3A_306 : vector<1x2048xi1>, vector<1x2048xi32>
    %reduce_sum3A_374 = vector.shape_cast %select_n3A_373 : vector<1x2048xi32> to vector<1x1x2048xi32>
    %reduce_sum3A_375 = arith.constant dense<0> : vector<1xi32>
    %reduce_sum3A_376 = vector.multi_reduction <add>, %reduce_sum3A_374, %reduce_sum3A_375 [1, 2] : vector<1x1x2048xi32> to vector<1xi32>
    %reduce_sum3A_377 = vector.shape_cast %reduce_sum3A_376 : vector<1xi32> to vector<1x1x1xi32>
    %reduce_sum3A_378 = vector.extract %reduce_sum3A_377[0, 0, 0] : i32 from vector<1x1x1xi32>
    %ge3A_379 = arith.cmpi sge, %reduce_sum3A_378, %sub3A_297 : i32
    %select_n3A_380 = arith.select %ge3A_379, %add3A_370, %select_n3A_368 : i32
    %add3A_381 = arith.constant 16 : i32
    %add3A_382 = arith.addi %select_n3A_380, %add3A_381 : i32
    %ge3A_383 = vector.broadcast %add3A_382 : i32 to vector<1x2048xi32>
    %ge3A_384 = arith.cmpi sge, %iota3A_304, %ge3A_383 : vector<1x2048xi32>
    %select_n3A_385 = arith.select %ge3A_384, %broadcast_in_dim3A_303, %broadcast_in_dim3A_306 : vector<1x2048xi1>, vector<1x2048xi32>
    %reduce_sum3A_386 = vector.shape_cast %select_n3A_385 : vector<1x2048xi32> to vector<1x1x2048xi32>
    %reduce_sum3A_387 = arith.constant dense<0> : vector<1xi32>
    %reduce_sum3A_388 = vector.multi_reduction <add>, %reduce_sum3A_386, %reduce_sum3A_387 [1, 2] : vector<1x1x2048xi32> to vector<1xi32>
    %reduce_sum3A_389 = vector.shape_cast %reduce_sum3A_388 : vector<1xi32> to vector<1x1x1xi32>
    %reduce_sum3A_390 = vector.extract %reduce_sum3A_389[0, 0, 0] : i32 from vector<1x1x1xi32>
    %ge3A_391 = arith.cmpi sge, %reduce_sum3A_390, %sub3A_297 : i32
    %select_n3A_392 = arith.select %ge3A_391, %add3A_382, %select_n3A_380 : i32
    %add3A_393 = arith.constant 8 : i32
    %add3A_394 = arith.addi %select_n3A_392, %add3A_393 : i32
    %ge3A_395 = vector.broadcast %add3A_394 : i32 to vector<1x2048xi32>
    %ge3A_396 = arith.cmpi sge, %iota3A_304, %ge3A_395 : vector<1x2048xi32>
    %select_n3A_397 = arith.select %ge3A_396, %broadcast_in_dim3A_303, %broadcast_in_dim3A_306 : vector<1x2048xi1>, vector<1x2048xi32>
    %reduce_sum3A_398 = vector.shape_cast %select_n3A_397 : vector<1x2048xi32> to vector<1x1x2048xi32>
    %reduce_sum3A_399 = arith.constant dense<0> : vector<1xi32>
    %reduce_sum3A_400 = vector.multi_reduction <add>, %reduce_sum3A_398, %reduce_sum3A_399 [1, 2] : vector<1x1x2048xi32> to vector<1xi32>
    %reduce_sum3A_401 = vector.shape_cast %reduce_sum3A_400 : vector<1xi32> to vector<1x1x1xi32>
    %reduce_sum3A_402 = vector.extract %reduce_sum3A_401[0, 0, 0] : i32 from vector<1x1x1xi32>
    %ge3A_403 = arith.cmpi sge, %reduce_sum3A_402, %sub3A_297 : i32
    %select_n3A_404 = arith.select %ge3A_403, %add3A_394, %select_n3A_392 : i32
    %add3A_405 = arith.constant 4 : i32
    %add3A_406 = arith.addi %select_n3A_404, %add3A_405 : i32
    %ge3A_407 = vector.broadcast %add3A_406 : i32 to vector<1x2048xi32>
    %ge3A_408 = arith.cmpi sge, %iota3A_304, %ge3A_407 : vector<1x2048xi32>
    %select_n3A_409 = arith.select %ge3A_408, %broadcast_in_dim3A_303, %broadcast_in_dim3A_306 : vector<1x2048xi1>, vector<1x2048xi32>
    %reduce_sum3A_410 = vector.shape_cast %select_n3A_409 : vector<1x2048xi32> to vector<1x1x2048xi32>
    %reduce_sum3A_411 = arith.constant dense<0> : vector<1xi32>
    %reduce_sum3A_412 = vector.multi_reduction <add>, %reduce_sum3A_410, %reduce_sum3A_411 [1, 2] : vector<1x1x2048xi32> to vector<1xi32>
    %reduce_sum3A_413 = vector.shape_cast %reduce_sum3A_412 : vector<1xi32> to vector<1x1x1xi32>
    %reduce_sum3A_414 = vector.extract %reduce_sum3A_413[0, 0, 0] : i32 from vector<1x1x1xi32>
    %ge3A_415 = arith.cmpi sge, %reduce_sum3A_414, %sub3A_297 : i32
    %select_n3A_416 = arith.select %ge3A_415, %add3A_406, %select_n3A_404 : i32
    %add3A_417 = arith.constant 2 : i32
    %add3A_418 = arith.addi %select_n3A_416, %add3A_417 : i32
    %ge3A_419 = vector.broadcast %add3A_418 : i32 to vector<1x2048xi32>
    %ge3A_420 = arith.cmpi sge, %iota3A_304, %ge3A_419 : vector<1x2048xi32>
    %select_n3A_421 = arith.select %ge3A_420, %broadcast_in_dim3A_303, %broadcast_in_dim3A_306 : vector<1x2048xi1>, vector<1x2048xi32>
    %reduce_sum3A_422 = vector.shape_cast %select_n3A_421 : vector<1x2048xi32> to vector<1x1x2048xi32>
    %reduce_sum3A_423 = arith.constant dense<0> : vector<1xi32>
    %reduce_sum3A_424 = vector.multi_reduction <add>, %reduce_sum3A_422, %reduce_sum3A_423 [1, 2] : vector<1x1x2048xi32> to vector<1xi32>
    %reduce_sum3A_425 = vector.shape_cast %reduce_sum3A_424 : vector<1xi32> to vector<1x1x1xi32>
    %reduce_sum3A_426 = vector.extract %reduce_sum3A_425[0, 0, 0] : i32 from vector<1x1x1xi32>
    %ge3A_427 = arith.cmpi sge, %reduce_sum3A_426, %sub3A_297 : i32
    %select_n3A_428 = arith.select %ge3A_427, %add3A_418, %select_n3A_416 : i32
    %add3A_429 = arith.constant 1 : i32
    %add3A_430 = arith.addi %select_n3A_428, %add3A_429 : i32
    %ge3A_431 = vector.broadcast %add3A_430 : i32 to vector<1x2048xi32>
    %ge3A_432 = arith.cmpi sge, %iota3A_304, %ge3A_431 : vector<1x2048xi32>
    %select_n3A_433 = arith.select %ge3A_432, %broadcast_in_dim3A_303, %broadcast_in_dim3A_306 : vector<1x2048xi1>, vector<1x2048xi32>
    %reduce_sum3A_434 = vector.shape_cast %select_n3A_433 : vector<1x2048xi32> to vector<1x1x2048xi32>
    %reduce_sum3A_435 = arith.constant dense<0> : vector<1xi32>
    %reduce_sum3A_436 = vector.multi_reduction <add>, %reduce_sum3A_434, %reduce_sum3A_435 [1, 2] : vector<1x1x2048xi32> to vector<1xi32>
    %reduce_sum3A_437 = vector.shape_cast %reduce_sum3A_436 : vector<1xi32> to vector<1x1x1xi32>
    %reduce_sum3A_438 = vector.extract %reduce_sum3A_437[0, 0, 0] : i32 from vector<1x1x1xi32>
    %ge3A_439 = arith.cmpi sge, %reduce_sum3A_438, %sub3A_297 : i32
    %select_n3A_440 = arith.select %ge3A_439, %add3A_430, %select_n3A_428 : i32
    %shift_left3A = arith.constant 22 : i32
    %shift_left3A_441 = arith.shli %select_n3A_132, %shift_left3A : i32
    %shift_left3A_442 = arith.constant 11 : i32
    %shift_left3A_443 = arith.shli %select_n3A_286, %shift_left3A_442 : i32
    %or3A = arith.ori %shift_left3A_441, %shift_left3A_443 : i32
    %or3A_444 = arith.ori %or3A, %select_n3A_440 : i32
    %ge3A_445 = arith.constant -2147483648 : i32
    %ge3A_446 = arith.cmpi uge, %or3A_444, %ge3A_445 : i32
    %xor3A = arith.constant -2147483648 : i32
    %xor3A_447 = arith.xori %or3A_444, %xor3A : i32
    %not3A = arith.constant -1 : i32
    %not3A_448 = arith.xori %or3A_444, %not3A : i32
    %select_n3A_449 = arith.select %ge3A_446, %xor3A_447, %not3A_448 : i32
    %bitcast_convert_type3A = arith.bitcast %select_n3A_449 : i32 to f32
    %get3A_450 = arith.constant 0 : index
    %get3A_451 = arith.constant 0 : index
    %get3A_452 = vector.load %arg0[%get3A_450, %get3A_451] : memref<128x32768xf32, #tpu.memory_space<vmem>>, vector<128x32768xf32>
    %ge3A_453 = vector.broadcast %bitcast_convert_type3A : f32 to vector<128x32768xf32>
    %ge3A_454 = arith.cmpf oge, %get3A_452, %ge3A_453 : vector<128x32768xf32>
    %convert_element_type3A = arith.extui %ge3A_454 : vector<128x32768xi1> to vector<128x32768xi32>
    %convert_element_type3A_455 = arith.sitofp %convert_element_type3A : vector<128x32768xi32> to vector<128x32768xf32>
    %swap3A = arith.constant 0 : index
    %swap3A_456 = arith.constant 0 : index
    %swap3A_457 = vector.load %arg4[%swap3A, %swap3A_456] : memref<128x32768xf32, #tpu.memory_space<vmem>>, vector<128x32768xf32>
    tpu.vector_store %arg4[%swap3A, %swap3A_456], %convert_element_type3A_455 {strides = array<i32>} : memref<128x32768xf32, #tpu.memory_space<vmem>>, vector<128x32768xf32>,
    return
  }
}

</mosaic_0001>

<sc_bundles>
// kernel: kernel.12.cloned.1.call-start
scs
__scs_entry_jumppad:
0x0: {  	(pc) =	sbr.rel $0x88, $3  }
0x1: {  	(tag) =	ssettag $0x0;
	lr =	simm.s32 $0x1  }
0x2: {  	[smem:$0x3FA0] =	sst lr;
	_ =	strace $0xD0000000  }
0x3: {  	_ = 	snop  }
0x4: {  	_ = 	snop  }
0x5: {  	_ = 	snop  }
0x6: {  	_ = 	snop  }
0x7: {  	_ = 	snop  }
__scs_overlays_trampoline_lowered:
0x8: {  	[smem:$0x3FAF] =	sst s0  }
0x9: {  	[smem:$0x3FB0] =	sst s1  }
0xa: {  	[smem:$0x3FB1] =	sst s2  }
0xb: {  	[smem:$0x3FB2] =	sst s3  }
0xc: {  	[smem:$0x3FB3] =	sst s4  }
0xd: {  	[smem:$0x3FB4] =	sst s5  }
0xe: {  	[smem:$0x3FB5] =	sst s6  }
0xf: {  	[smem:$0x3FB6] =	sst s7  }
0x10: {  	[smem:$0x3FB7] =	sst s8  }
0x11: {  	[smem:$0x3FB8] =	sst s9;
	s0 =	simm.s32 @!p0 $0x0  }
0x12: {  	s1 =	sld [smem:$0x3F9E];
	s0 =	simm.s32 @p0 $0x1  }
0x13: {  	[smem:$0x3FB9] =	sst s0;
	s0 =	simm.s32 @!p1 $0x0  }
0x14: {  	s2 =	sld [smem:$0x3F9D];
	s0 =	simm.s32 @p1 $0x1  }
0x15: {  	[smem:$0x3FBA] =	sst s0;
	s0 =	simm.s32 @!p2 $0x0  }
0x16: {  	s3 =	sld [smem:$0x3FDB];
	s0 =	simm.s32 @p2 $0x1  }
0x17: {  	s4 =	simm.s32 $0x1BF5;
	[smem:$0x3FBC] =	sst s0  }
0x18: {  	s0 =	sld [smem:$0x3F9F];
	_ =	swait.ge [sflag:s4], $0x0  }
0x19: {  	s7 =	sld [smem:$0x3FA0]  }
0x1a: {  	s8 =	sadd.s32 $0xFFFFE003, lr  }
0x1b: {  	s9 =	sadd.s32 $0xFFFFFEF7, lr;
	s5 =	simm.s32 $0xFFFFFFFF;
	p2 =	slt.u32 s8, $0xFFFFF086  }
0x1c: {  	p1 =	slt.u32 s9, $0xF7A;
	s5 =	simm.s32 @!p2 $0x0  }
0x1d: {  	s5 =	simm.s32 @p1 $0x1;
	p0 =	seq.s32 s7, s2  }
0x1e: {  	s7 =	smul.u32 @!p0 $0xF7A, s2;
	p2 =	seq.s32 @!p0 s5, $0x0  }
0x1f: {  	s9 =	smul.u32 $0xF7A, s1;
	s8 =	simm.s32 @!p0 $0x1BF5;
	p2 =	por !p2, p0  }
0x20: {  	[sflag:s8] =	ssyncset.s32 @!p0 $0xFFFFF086;
	s6 =	sadd.s32 @!p0 s3, s7;
	s7 =	simm.s32 @!p0 $0x108  }
0x21: {  	s3 =	sadd.s32 s3, s9;
	s6 =	sadd.s32 @!p0 $0x88, s6;
	s7 =	simm.s32 @p2 $0x1082  }
0x22: {  	[simem:s7], [sflag:s8] =	dma.local @!p0 [hbm:s6], $0xF7A  }
0x23: {  	s9 =	sor.u32 $0xD0000000, s2;
	s6 =	simm.s32 $0x108;
	_ =	swait.ge @!p0 [sflag:s8], $0x0  }
0x24: {  	s3 =	sadd.s32 $0x88, s3;
	s6 =	simm.s32 @!p1 $0x1082;
	[sflag:s4] =	ssyncset.s32 $0xFFFFF086  }
0x25: {  	[simem:s6], [sflag:s4] =	dma.local [hbm:s3], $0xF7A  }
0x26: {  	[smem:$0x3FA0] =	sst s1;
	(tag) =	ssettag s2;
	_ =	strace s9  }
0x27: {  	s1 =	sld [smem:$0x3FB0]  }
0x28: {  	s2 =	sld [smem:$0x3FB1]  }
0x29: {  	s4 =	sld [smem:$0x3FB3]  }
0x2a: {  	p0 =	seq.s32 s5, $0x0;
	s5 =	sld [smem:$0x3FB4]  }
0x2b: {  	s6 =	sld [smem:$0x3FB5]  }
0x2c: {  	s7 =	sld [smem:$0x3FB6]  }
0x2d: {  	s3 =	simm.s32 $0x108;
	s8 =	sld [smem:$0x3FB7]  }
0x2e: {  	s3 =	simm.s32 @!p0 $0x1082;
	s9 =	sld [smem:$0x3FB8]  }
0x2f: {  	lr =	sadd.s32 s0, s3;
	s0 =	sld [smem:$0x3FAF]  }
0x30: {  	s3 =	sld [smem:$0x3FB2]  }
0x31: {  	[smem:$0x3FBB] =	sst s10  }
0x32: {  	s10 =	sld [smem:$0x3FB9];
	_ =	sdelay $0x3  }
0x33: {  	p0 =	seq.s32 s10, $0x1;
	s10 =	sld [smem:$0x3FBB];
	_ =	sdelay $0x3  }
0x34: {  	[smem:$0x3FBB] =	sst s10  }
0x35: {  	s10 =	sld [smem:$0x3FBA];
	_ =	sdelay $0x3  }
0x36: {  	p1 =	seq.s32 s10, $0x1;
	s10 =	sld [smem:$0x3FBB];
	_ =	sdelay $0x3  }
0x37: {  	[smem:$0x3FBB] =	sst s10  }
0x38: {  	s10 =	sld [smem:$0x3FBC]  }
0x39: {  	_ = 	snop;
	(pc) =	sbr.ind lr, $3  }
0x3a: {  	_ = 	snop  }
0x3b: {  	_ = 	snop  }
0x3c: {  	p2 =	seq.s32 s10, $0x1;
	s10 =	sld [smem:$0x3FBB]  }
0x3d: {  	_ =	shalt  }
0x3e: {  	_ =	shalt  }
0x3f: {  	_ =	shalt  }
0x40: {  	_ =	shalt  }
0x41: {  	_ =	shalt  }
0x42: {  	_ =	shalt  }
0x43: {  	_ =	shalt  }
0x44: {  	_ =	shalt  }
0x45: {  	_ =	shalt  }
0x46: {  	_ =	shalt  }
0x47: {  	_ =	shalt  }
0x48: {  	_ =	shalt  }
0x49: {  	_ =	shalt  }
0x4a: {  	_ =	shalt  }
0x4b: {  	_ =	shalt  }
0x4c: {  	_ =	shalt  }
0x4d: {  	_ =	shalt  }
0x4e: {  	_ =	shalt  }
0x4f: {  	_ =	shalt  }
0x50: {  	_ =	shalt  }
0x51: {  	_ =	shalt  }
0x52: {  	_ =	shalt  }
0x53: {  	_ =	shalt  }
0x54: {  	_ =	shalt  }
0x55: {  	_ =	shalt  }
0x56: {  	_ =	shalt  }
0x57: {  	_ =	shalt  }
0x58: {  	_ =	shalt  }
0x59: {  	_ =	shalt  }
0x5a: {  	_ =	shalt  }
0x5b: {  	_ =	shalt  }
0x5c: {  	_ =	shalt  }
0x5d: {  	_ =	shalt  }
0x5e: {  	_ =	shalt  }
0x5f: {  	_ =	shalt  }
0x60: {  	_ =	shalt  }
0x61: {  	_ =	shalt  }
0x62: {  	_ =	shalt  }
0x63: {  	_ =	shalt  }
0x64: {  	_ =	shalt  }
0x65: {  	_ =	shalt  }
0x66: {  	_ =	shalt  }
0x67: {  	_ =	shalt  }
0x68: {  	_ =	shalt  }
0x69: {  	_ =	shalt  }
0x6a: {  	_ =	shalt  }
0x6b: {  	_ =	shalt  }
0x6c: {  	_ =	shalt  }
0x6d: {  	_ =	shalt  }
0x6e: {  	_ =	shalt  }
0x6f: {  	_ =	shalt  }
0x70: {  	_ =	shalt  }
0x71: {  	_ =	shalt  }
0x72: {  	_ =	shalt  }
0x73: {  	_ =	shalt  }
0x74: {  	_ =	shalt  }
0x75: {  	_ =	shalt  }
0x76: {  	_ =	shalt  }
0x77: {  	_ =	shalt  }
0x78: {  	_ =	shalt  }
0x79: {  	_ =	shalt  }
0x7a: {  	_ =	shalt  }
0x7b: {  	_ =	shalt  }
0x7c: {  	_ =	shalt  }
0x7d: {  	_ =	shalt  }
0x7e: {  	_ =	shalt  }
0x7f: {  	_ =	shalt  }
0x80: {  	_ =	shalt  }
0x81: {  	_ =	shalt  }
0x82: {  	_ =	shalt  }
0x83: {  	_ =	shalt  }
0x84: {  	_ =	shalt  }
0x85: {  	_ =	shalt  }
0x86: {  	_ =	shalt  }
0x87: {  	_ =	shalt  }
.Lfunc_end0:
.L_simem_size_0:
called_computation.2_lowered:
.L_overlay_start_0:
0x88: {  	s2 =	sld [smem:$0x3FD9]  }
0x89: {  	s3 =	sld [smem:$0x3FFE];
	_ =	sdelay $0x1  }
0x8a: {  	s1 =	srdreg.scid  }
0x8b: {  	s0 =	sand.u32 $0x1, s1  }
0x8c: {  	s17 =	sshll.u32 s0, $0xA;
	s2 =	sadd.s32 s3, s2  }
0x8d: {  	s2 =	sadd.s32 s2, s17  }
0x8e: {  	[smem:$0x3FC7] =	sst s2  }
0x8f: {  	_ = 	snop  }
0x90: {  	s2 =	sld [smem:$0x3FD0];
	(tm) =	ssettm $0x1  }
0x91: {  	s18 =	sld [smem:$0x3FFB];
	_ =	sdelay $0x3  }
0x92: {  	_ =	strace s18  }
0x93: {  	s3 =	sld [smem:$0x3FFC];
	_ =	sdelay $0x3  }
0x94: {  	_ =	strace s3  }
0x95: {  	s3 =	sld [smem:$0x3FFD];
	_ =	sdelay $0x3  }
0x96: {  	_ =	strace s3  }
0x97: {  	_ =	strace $0x8FFFFFFF  }
0x98: {  	s19 =	sld [smem:$0x3FDB];
	_ =	sdelay $0x1  }
0x99: {  	s4 =	simm.s32 $_scs_section_size  }
0x9a: {  	s5 =	simm.s32 $_size__tile_overlayer_lowered;
	s6 =	simm.s32 $_tile_overlayer_lowered  }
0x9b: {  	s22 =	simm.s32 $0x1BFF;
	s21 =	sshll.u32 s6, $0x1;
	s3 =	sadd.s32 s4, s19  }
0x9c: {  	s7 =	simm.s32 $0x0;
	s20 =	sshll.u32 s5, $0x1;
	s5 =	sadd.s32 s21, s3  }
0x9d: {  	[timem:s7], [sflag:s22] =	dma.local [hbm:s5], s20  }
0x9e: {  	_ =	swait.ge [sflag:s22], s20  }
0x9f: {  	s4 =	ssub.s32 $0x0, s20;
	[sflag:s22] =	ssyncset.done $0x0  }
0xa0: {  	[sflag:s22] =	ssyncadd.s32 s4;
	_ =	sdelay $0x1  }
0xa1: {  	s23 =	simm.s32 $0x1B8B  }
0xa2: {  	_ =	swait.ge [sflag:s23], $0x1  }
0xa3: {  	[sflag:s23] =	ssyncset.done $0x0  }
0xa4: {  	s25 =	simm.s32 $0x1B8E;
	s24 =	sld [smem:$0x3FFE];
	[sflag:s23] =	ssyncadd.s32 $0xFFFFFFFF  }
0xa5: {  	s26 =	simm.s32 $execute0_lowered;
	[smem:$0x3FD2] =	sst s25  }
0xa6: {  	s5 =	sshll.u32 s26, $0x1;
	_ =	strace $0x8000004C;
	[dreg:$0x1] =	wrdreg $0xFFFFFFFF  }
0xa7: {  	s28 =	simm.s32 $_size_execute0_lowered;
	s3 =	sadd.s32 s3, s5;
	[dreg:$0x0] =	wrdreg $0x0  }
0xa8: {  	s5 =	sshll.u32 s28, $0x1;
	[dreg:$0x2] =	wrdreg s3  }
0xa9: {  	[dreg:$0x3] =	wrdreg s5  }
0xaa: {  	[dreg:$0x4] =	wrdreg $0xC0  }
0xab: {  	_ =	task [dreg:s7], $0x5FFFF  }
0xac: {  	[dreg:$0x1] =	wrdreg $0xFFFFFFFF  }
0xad: {  	[dreg:$0x0] =	wrdreg $0x60  }
0xae: {  	[dreg:$0x2] =	wrdreg s2  }
0xaf: {  	[dreg:$0x3] =	wrdreg s24  }
0xb0: {  	[dreg:$0x4] =	wrdreg $0xA8000  }
0xb1: {  	[dreg:$0x5] =	wrdreg $0x9  }
0xb2: {  	_ =	task.clear_ibuf [dreg:s7], $0x6FFFF;
	_ =	strace $0x9000004C  }
0xb3: {  	s29 =	simm.s32 $0x9;
	_ =	strace $0x8000004E  }
0xb4: {  	_ =	swait.ge [sflag:s29], $0x1  }
0xb5: {  	[sflag:s29] =	ssyncadd.s32 $0xFFFFFFFF  }
0xb6: {  	_ =	strace $0x9000004E  }
0xb7: {  	_ =	sfence  }
0xb8: {  	s30 =	sld [smem:$0x0];
	_ =	sdelay $0x2  }
0xb9: {  	s31 =	sshll.u32 s1, $0xD;
	s1 =	sshrl.u32 s1, $0x2  }
0xba: {  	s3 =	sand.u32 $0x4000, s31;
	s1 =	sadd.s32 s1, s30  }
0xbb: {  	s0 =	sor.u32 s3, s0;
	s1 =	sshll.u32 s1, $0x11  }
0xbc: {  	s0 =	sor.u32 s1, s0  }
0xbd: {  	s0 =	sadd.s32 $0x8F2B, s0  }
0xbe: {  	[sflag:s0] =	ssyncadd.remote.s32 $0x1  }
0xbf: {  	_ =	sfence.sel $0xFFFF  }
0xc0: {  	[dreg:$0x0] =	wrdreg $0xFFFFFFFF;
	(pc) =	sbr.abs _section_cstart, $3  }
0xc1: {  	[dreg:$0x1] =	wrdreg $0xFFFFFFFF  }
0xc2: {  	_ =	task.clear_ibuf [dreg:s7], $0x2FFFF;
	_ =	strace $0x9FFFFFFF  }
0xc3: {  	(tm) =	ssettm $0x7FFFFFFF  }
tec
execute0_lowered:
.L_overlay_start_1:
0x0: {  	(tag) =	ssettag $0x1  }
0x1: {  	s0 =	rddreg [dreg:$0x0]  }
0x2: {  	s2 =	rddreg [dreg:$0x1]  }
0x3: {  	s3 =	rddreg [dreg:$0x2]  }
0x4: {  	s9 =	simm.s32 $0x0;
	s4 =	srdreg.scid;
	s16 =	stileid.u32  }
0x5: {  	[smem:$0x7FF] =	sst s9;
	s1 =	sadd.s32 $0x2600, s2;
	s15 =	sadd.s32 $0x2800, s2  }
0x6: {  	s4 =	sand.u32 $0x1, s4;
	s7 =	sshll.u32 s16, $0xE;
	s22 =	sshll.u32 s16, $0x7  }
0x7: {  	s24 =	sshll.u32 s16, $0xB;
	_ =	strace $0x8000004D;
	[dreg:$0x4] =	wrdreg s1  }
0x8: {  	s29 =	sadd.s32 $0x80, s3;
	p0 =	slt.u32 s16, $0x8;
	[dreg:$0x5] =	wrdreg s15  }
0x9: {  	s5 =	ssub.s32 $0x2, s4;
	s6 =	sshll.u32 s4, $0x12;
	s4 =	sshll.u32 s4, $0x4  }
0xa: {  	s25 =	sand.u32 $0x380, s22;
	[dreg:$0x12] =	wrdreg s29;
	s6 =	sor.u32 s7, s6  }
0xb: {  	s8 =	sshrl.u32 s5, $0x1;
	s2 =	sadd.s32 s4, s2;
	s7 =	sadd.s32 s0, s6  }
0xc: {  	s17 =	ssub.s32 s5, s8;
	s30 =	sadd.s32 $0x2A00, s2;
	[dreg:$0x6] =	wrdreg s7  }
0xd: {  	s5 =	sand.u32 $0x4000, s24;
	s0 =	sadd.s32 $0x800, s7;
	[dreg:$0x13] =	wrdreg s30  }
0xe: {  	s6 =	sadd.s32 s25, s3;
	s18 =	sadd.s32 $0x1000, s7;
	[dreg:$0x7] =	wrdreg s0  }
0xf: {  	s24 =	simm.s32 $0x1;
	s19 =	sadd.s32 $0x1800, s7;
	[dreg:$0x8] =	wrdreg s18  }
0x10: {  	s25 =	simm.s32 $0x1800;
	s20 =	sadd.s32 $0x2000, s7;
	[dreg:$0x9] =	wrdreg s19  }
0x11: {  	s21 =	sadd.s32 $0x2800, s7;
	s23 =	sadd.s32 $0x3000, s7;
	[dreg:$0xa] =	wrdreg s20  }
0x12: {  	s7 =	sadd.s32 $0x3800, s7;
	s5 =	sadd.s32 s5, s6;
	[dreg:$0xb] =	wrdreg s21  }
0x13: {  	s26 =	sadd.s32 $0x4000, s6;
	[dreg:$0xc] =	wrdreg s23;
	s0 =	sadd.s32 s22, s3  }
0x14: {  	[dreg:$0xd] =	wrdreg s7;
	s28 =	sadd.s32 $0x200, s0;
	s0 =	sadd.s32 $0x100, s0  }
0x15: {  	s31 =	smax.u32 s17, $0x1;
	[dreg:$0x11] =	wrdreg s0;
	s0 =	simm.s32 @!p0 $0x0  }
0x16: {  	[dreg:$0xe] =	wrdreg s5;
	s0 =	simm.s32 @p0 $0x1;
	p0 =	sgt.u32 s16, $0x3  }
0x17: {  	s6 =	simm.s32 $0x2800;
	[smem:$0x7FA] =	sst s0;
	s0 =	simm.s32 @!p0 $0x0  }
0x18: {  	[dreg:$0xf] =	wrdreg s26;
	s0 =	simm.s32 @p0 $0x1;
	p0 =	sgt.u32 s16, $0x1  }
.Ltmp0:
0x19: {  	[smem:$0x7FB] =	sst s0;
	s0 =	simm.s32 @!p0 $0x0;
	(pc) =	sbr.rel .LBB2_1-.Ltmp0, $4  }
0x1a: {  	v2 =	vlaneseq.u32;
	[dreg:$0x14] =	wrdreg s31;
	s0 =	simm.s32 @p0 $0x1;
	p0 =	seq.s32 s16, $0x0  }
0x1b: {  	v1 =	vmul.u32 $0xFFFFFFFF, v2;
	s7 =	simm.s32 $0x6800;
	[smem:$0x7FC] =	sst s0;
	s0 =	simm.s32 @!p0 $0x0  }
0x1c: {  	v0 =	vimm.s32 $0x0;
	s22 =	simm.s32 $0x3;
	[dreg:$0x10] =	wrdreg s28;
	s0 =	simm.s32 @p0 $0x1  }
0x1d: {  	v3 =	vimm.s32 $0x1;
	v2 =	vor.u32 $0x80000000, v2;
	v1 =	vadd.s32 $0xF, v1;
	s26 =	simm.s32 $0x2;
	[smem:$0x7FD] =	sst s0;
	s0 =	simm.s32 $0x0  }
.LBB2_24:
0x1e: {  	[bflag:$0x0] =	sbarrier.arrive $0xFFFF  }
.LBB2_25:
0x1f: {  	[bflag:$0x0] =	sbarrier.arrive $0xFFFF  }
.LBB2_26:
0x20: {  	[bflag:$0x0] =	sbarrier.arrive $0xFFFF  }
0x21: {  	[bflag:$0x0] =	sbarrier.arrive $0xFFFF  }
.LBB2_40:
0x22: {  	s0 =	sadd.s32 $0x1, s0;
	s1 =	rddreg [dreg:$0x14]  }
0x23: {  	p0 =	sne.s32 s0, s1  }
.Ltmp1:
0x24: {  	_ = 	snop;
	(pc) =	sbr.rel @!p0 .LBB2_41-.Ltmp1, $1  }
0x25: {  	_ =	sdelay $0x3  }
.LBB2_1:
0x26: {  	s1 =	rddreg [dreg:$0x6]  }
0x27: {  	[tilespmem:s6], [sflag:$0x1] =	stream.linear.gather [hbm4b:s1+s9], $0x4000, $0x38;
	[tilespmem:$0xB000] =	vst v63  }
0x28: {  	s31 =	rddreg [dreg:$0x7];
	s2 =	simm.s32 $0x40;
	s3 =	simm.s32 $0x0  }
0x29: {  	[tilespmem:s7], [sflag:$0x2] =	stream.linear.gather [hbm4b:s31+s9], $0x4000, $0x38;
	[tilespmem:$0xB000] =	vst v63  }
.LBB2_2:
0x2a: {  	p2 =	sne.s32 s2, $0x1FC0;
	[tilespmem:s3+$0x1800] =	vst v0;
	s3 =	smov.u32 s2;
	s2 =	sadd.s32 $0x40, s2  }
.Ltmp2:
0x2b: {  	(pc) =	sbr.rel @p2 .LBB2_2-.Ltmp2, $2  }
0x2c: {  	_ =	sdelay $0x2  }
0x2d: {  	s3 =	sshra.s32 s3, $0x2  }
0x2e: {  	[tilespmem:s3+$0x1800] =	vst v0;
	s30 =	simm.s32 $0x0;
	s1 =	rddreg [dreg:$0x4]  }
0x2f: {  	[tilespmem:s30], [sflag:$0x3] =	stream.linear.gather [hbm4b:s1+s30], $0x800, $0x38;
	[tilespmem:$0xB000] =	vst v63  }
0x30: {  	s17 =	simm.s32 $0x3F0;
	s2 =	simm.s32 $0x7E0;
	_ =	swait.ge [sflag:s22], $0x800  }
0x31: {  	s23 =	sand.u32 $0x70, s17;
	s2 =	sand.u32 $0x700, s2;
	[sflag:s22] =	ssyncset.done $0x0  }
0x32: {  	s2 =	sor.u32 s23, s2;
	[sflag:s22] =	ssyncadd.s32 $0xFFFFF800  }
0x33: {  	v4 =	vld [tilespmem:s2+$0x0]  }
0x34: {  	v5 =	vld [tilespmem:s2+$0x80];
	_ =	sdelay $0x4  }
0x35: {  	v4 =	vadd.s32 v4, v5  }
0x36: {  	v4 =	vperm.xlane v4, v1;
	_ =	sdelay $0x1  }
0x37: {  	(xrf0) =	vadd.scan.msk.s32 $0xffff, v4;
	_ =	sdelay $0x5  }
0x38: {  	v4, _, _ =	vpop (xrf0)  }
0x39: {  	v4 =	vperm.xlane v4, v1;
	_ =	sdelay $0x1  }
0x3a: {  	v4 =	vadd.s32 s30, v4  }
0x3b: {  	(v2sf) =	vpush v4, $0x0  }
0x3c: {  	s18 =	simm.s32 $0x3E0;
	s28 =	simm.s32 $0x7C0  }
0x3d: {  	s29 =	sand.u32 $0x70, s18;
	s2 =	sand.u32 $0x700, s28  }
0x3e: {  	s2 =	sor.u32 s29, s2  }
0x3f: {  	v6 =	vld [tilespmem:s2+$0x80]  }
0x40: {  	v5 =	vld [tilespmem:s2+$0x0]  }
0x41: {  	vm0 =	vgt.s32 v4, $0x270F  }
0x42: {  	v4 =	vxor.u32 $0x80000000, v4;
	v7 =	vnsel vm0, $0x7FFFFFFF, v2  }
0x43: {  	v4 =	vsel vm0, $0x80000000, v4;
	(xrf0) =	vmax.scan.msk.u32 $0xffff, v7  }
0x44: {  	(xrf0) =	vmax.scan.msk.u32 $0xffff, v4  }
0x45: {  	v5 =	vadd.s32 v5, v6  }
0x46: {  	v5 =	vperm.xlane v5, v1;
	_ =	sdelay $0x1  }
0x47: {  	(xrf0) =	vadd.scan.msk.s32 $0xffff, v5  }
0x48: {  	v4, _, _ =	vpop (xrf0)  }
0x49: {  	v5, _, _ =	vpop (xrf0);
	s2 =	spop (v2sf);
	(v2sf) =	vpush v4, $0xF  }
0x4a: {  	(v2sf) =	vpush v5, $0xF;
	_ =	sdelay $0x1  }
0x4b: {  	s3 =	simm.s32 $0x3D0;
	s4 =	simm.s32 $0x7A0  }
0x4c: {  	s5 =	sand.u32 $0x70, s3;
	s6 =	sand.u32 $0x700, s4;
	v6, _, _ =	vpop (xrf0)  }
0x4d: {  	s6 =	sor.u32 s5, s6;
	v6 =	vperm.xlane v6, v1  }
0x4e: {  	v4 =	vld [tilespmem:s6+$0x0]  }
0x4f: {  	v6 =	vadd.s32 s2, v6;
	v5 =	vld [tilespmem:s6+$0x80]  }
0x50: {  	vm15 =	vgt.s32 v6, $0x270F;
	(v2sf) =	vpush v6, $0x0  }
0x51: {  	s16 =	simm.s32 $0x3C0;
	v7 =	vxor.u32 $0x80000000, v6;
	v8 =	vnsel vm15, $0x7FFFFFFF, v2  }
0x52: {  	s15 =	simm.s32 $0x3B0;
	p4 =	por $0x1, $0x1;
	s31 =	simm.s32 $0x0;
	v7 =	vsel vm15, $0x80000000, v7;
	(xrf0) =	vmax.scan.msk.u32 $0xffff, v8  }
0x53: {  	s5 =	simm.s32 $0x3A0;
	s23 =	simm.s32 $0x0;
	s6 =	simm.s32 $0x0;
	(xrf0) =	vmax.scan.msk.u32 $0xffff, v7  }
.LBB2_4:
0x54: {  	p5 =	sne.s32 s5, $0x0;
	v4 =	vadd.s32 v4, v5  }
0x55: {  	v5 =	vperm.xlane v4, v1;
	_ =	sdelay $0x1  }
0x56: {  	(xrf0) =	vadd.scan.msk.s32 $0xffff, v5;
	s7 =	spop (v2sf)  }
0x57: {  	v4, _, _ =	vpop (xrf0);
	p2 =	seq.s32 s7, $0x8000000F;
	p3 =	slt.s32 s7, $0x0;
	s8 =	spop (v2sf)  }
0x58: {  	(v2sf) =	vpush v4, $0xF;
	v4, _, _ =	vpop (xrf0);
	s8 =	sxor.u32 $0x80000000, s8;
	p6 =	por !p4, !p3;
	s30 =	simm.s32 @p3 $0x1  }
0x59: {  	p4 =	seq.s32 s30, $0x0;
	(v2sf) =	vpush v4, $0xF;
	s8 =	smov.u32 @p2 s6;
	p2 =	por !p6, !p6  }
0x5a: {  	s7 =	sadd.s32 s17, s7;
	s6 =	smov.u32 s2;
	s23 =	smov.u32 @p2 s8  }
0x5b: {  	s4 =	sadd.s32 $0xFFFFFFE0, s4;
	s17 =	smov.u32 s18;
	s31 =	smov.u32 @p2 s7  }
0x5c: {  	s18 =	smov.u32 s3;
	s2 =	sand.u32 $0x70, s16;
	s7 =	sand.u32 $0x700, s4;
	v4, _, _ =	vpop (xrf0)  }
0x5d: {  	s3 =	smov.u32 s16;
	s16 =	smov.u32 s15;
	s7 =	sor.u32 s2, s7;
	v6 =	vperm.xlane v4, v1  }
0x5e: {  	s15 =	smov.u32 s5;
	v4 =	vld [tilespmem:s7+$0x0];
	s2 =	spop (v2sf)  }
.Ltmp3:
0x5f: {  	v5 =	vld [tilespmem:s7+$0x80];
	v6 =	vadd.s32 s2, v6;
	(pc) =	sbr.rel @p5 .LBB2_4-.Ltmp3, $4  }
0x60: {  	vm0 =	vgt.s32 v6, $0x270F;
	v7 =	vxor.u32 $0x80000000, v6;
	(v2sf) =	vpush v6, $0x0  }
0x61: {  	v6 =	vnsel vm0, $0x7FFFFFFF, v2;
	v7 =	vsel vm0, $0x80000000, v7  }
0x62: {  	(xrf0) =	vmax.scan.msk.u32 $0xffff, v6  }
0x63: {  	s5 =	sadd.s32 $0xFFFFFFF0, s5;
	(xrf0) =	vmax.scan.msk.u32 $0xffff, v7  }
0x64: {  	v4 =	vadd.s32 v4, v5  }
0x65: {  	v4 =	vperm.xlane v4, v1;
	_ =	sdelay $0x1  }
0x66: {  	(xrf0) =	vadd.scan.msk.s32 $0xffff, v4;
	_ =	sdelay $0x3  }
0x67: {  	v4, _, _ =	vpop (xrf0)  }
0x68: {  	s5 =	sadd.s32 $0xFFFFFFE0, s4;
	v5, _, _ =	vpop (xrf0)  }
0x69: {  	s7 =	sand.u32 $0x70, s16;
	s8 =	sand.u32 $0x700, s5;
	s4 =	spop (v2sf);
	v6, _, _ =	vpop (xrf0)  }
0x6a: {  	s7 =	sor.u32 s7, s8;
	s19 =	spop (v2sf);
	v6 =	vperm.xlane v6, v1  }
0x6b: {  	(v2sf) =	vpush v4, $0xF;
	v4 =	vld [tilespmem:s7+$0x0];
	s11 =	spop (v2sf)  }
0x6c: {  	(v2sf) =	vpush v5, $0xF;
	v5 =	vld [tilespmem:s7+$0x80];
	v6 =	vadd.s32 s11, v6  }
0x6d: {  	(v2sf) =	vpush v6, $0x0;
	_ =	sdelay $0x2  }
0x6e: {  	vm0 =	vgt.s32 v6, $0x270F  }
0x6f: {  	v4 =	vadd.s32 v4, v5;
	v6 =	vxor.u32 $0x80000000, v6;
	v7 =	vnsel vm0, $0x7FFFFFFF, v2  }
0x70: {  	v4 =	vperm.xlane v4, v1;
	v5 =	vsel vm0, $0x80000000, v6;
	(xrf0) =	vmax.scan.msk.u32 $0xffff, v7  }
0x71: {  	(xrf0) =	vmax.scan.msk.u32 $0xffff, v5  }
0x72: {  	(xrf0) =	vadd.scan.msk.s32 $0xffff, v4;
	_ =	sdelay $0x3  }
0x73: {  	v4, _, _ =	vpop (xrf0)  }
0x74: {  	s5 =	sadd.s32 $0xFFFFFFE0, s5;
	v5, _, _ =	vpop (xrf0)  }
0x75: {  	s14 =	sand.u32 $0x70, s15;
	s5 =	sand.u32 $0x700, s5;
	s7 =	spop (v2sf);
	v6, _, _ =	vpop (xrf0)  }
0x76: {  	s5 =	sor.u32 s14, s5;
	s29 =	spop (v2sf);
	v6 =	vperm.xlane v6, v1  }
0x77: {  	(v2sf) =	vpush v4, $0xF;
	v4 =	vld [tilespmem:s5+$0x0];
	s12 =	spop (v2sf)  }
0x78: {  	(v2sf) =	vpush v5, $0xF;
	v5 =	vld [tilespmem:s5+$0x80];
	v6 =	vadd.s32 s12, v6  }
0x79: {  	(v2sf) =	vpush v6, $0x0;
	_ =	sdelay $0x2  }
0x7a: {  	vm12 =	vgt.s32 v6, $0x270F  }
0x7b: {  	v4 =	vadd.s32 v4, v5;
	v6 =	vxor.u32 $0x80000000, v6;
	v7 =	vnsel vm12, $0x7FFFFFFF, v2  }
0x7c: {  	v4 =	vperm.xlane v4, v1;
	v5 =	vsel vm12, $0x80000000, v6;
	(xrf0) =	vmax.scan.msk.u32 $0xffff, v7  }
0x7d: {  	(xrf0) =	vmax.scan.msk.u32 $0xffff, v5  }
0x7e: {  	(xrf0) =	vadd.scan.msk.s32 $0xffff, v4;
	_ =	sdelay $0x3  }
0x7f: {  	v4, _, _ =	vpop (xrf0)  }
0x80: {  	v5, _, _ =	vpop (xrf0)  }
0x81: {  	s8 =	spop (v2sf);
	v6, _, _ =	vpop (xrf0)  }
0x82: {  	s28 =	spop (v2sf);
	v6 =	vperm.xlane v6, v1  }
0x83: {  	s5 =	spop (v2sf)  }
0x84: {  	v6 =	vadd.s32 s5, v6  }
0x85: {  	vm13 =	vgt.s32 v6, $0x270F  }
0x86: {  	v7 =	vxor.u32 $0x80000000, v6;
	v8 =	vnsel vm13, $0x7FFFFFFF, v2  }
0x87: {  	v7 =	vsel vm13, $0x80000000, v7;
	(xrf0) =	vmax.scan.msk.u32 $0xffff, v8  }
0x88: {  	(xrf0) =	vmax.scan.msk.u32 $0xffff, v7;
	_ =	sdelay $0x2  }
0x89: {  	(v2sf) =	vpush v4, $0xF  }
0x8a: {  	(v2sf) =	vpush v5, $0xF  }
0x8b: {  	(v2sf) =	vpush v6, $0x0;
	v4, _, _ =	vpop (xrf0)  }
0x8c: {  	(v2sf) =	vpush v4, $0xF;
	v4, _, _ =	vpop (xrf0)  }
0x8d: {  	(v2sf) =	vpush v4, $0xF;
	_ =	sdelay $0x8  }
0x8e: {  	s1 =	rddreg [dreg:$0x5];
	s21 =	simm.s32 $0x800;
	s14 =	simm.s32 $0x0  }
0x8f: {  	[tilespmem:s21], [sflag:$0x3] =	stream.linear.gather [hbm4b:s1+s14], $0x1000, $0x38;
	[tilespmem:$0xB000] =	vst v63  }
0x90: {  	s10 =	spop (v2sf)  }
0x91: {  	s13 =	spop (v2sf)  }
0x92: {  	s9 =	spop (v2sf)  }
0x93: {  	s9 =	spop (v2sf)  }
0x94: {  	s20 =	spop (v2sf)  }
0x95: {  	s21 =	simm.s32 $0x7F0;
	s1 =	simm.s32 $0xFE0;
	_ =	swait.ge [sflag:s22], $0x1000  }
0x96: {  	s21 =	sand.u32 $0x70, s21;
	s1 =	sand.u32 $0xF00, s1;
	[sflag:s22] =	ssyncset.done $0x0  }
0x97: {  	p2 =	slt.s32 s4, $0x0;
	s1 =	sor.u32 s21, s1;
	[sflag:s22] =	ssyncadd.s32 $0xFFFFF000  }
0x98: {  	s30 =	simm.s32 @p2 $0x1;
	v4 =	vld [tilespmem:s1+$0x800]  }
0x99: {  	p4 =	por !p4, !p2;
	p2 =	seq.s32 s30, $0x0;
	p5 =	slt.s32 s7, $0x0;
	v5 =	vld [tilespmem:s1+$0x880]  }
0x9a: {  	p3 =	seq.s32 s4, $0x8000000F;
	p2 =	por !p2, !p5;
	s30 =	simm.s32 @p5 $0x1  }
0x9b: {  	p4 =	por !p4, !p4;
	p1 =	seq.s32 s30, $0x0;
	p5 =	por !p2, !p2  }
0x9c: {  	p2 =	slt.s32 s8, $0x0;
	p6 =	seq.s32 s8, $0x8000000F;
	s1 =	sxor.u32 $0x80000000, s19  }
0x9d: {  	s30 =	simm.s32 @p2 $0x1;
	p0 =	slt.s32 s9, $0x0;
	s1 =	smov.u32 @p3 s6  }
0x9e: {  	p3 =	seq.s32 s7, $0x8000000F;
	s23 =	smov.u32 @p4 s1;
	s1 =	sxor.u32 $0x80000000, s29;
	v4 =	vadd.s32 v4, v5  }
0x9f: {  	s6 =	sxor.u32 $0x80000000, s20;
	s20 =	simm.s32 $0xFC0;
	s1 =	smov.u32 @p3 s2;
	v4 =	vperm.xlane v4, v1  }
0xa0: {  	s2 =	sxor.u32 $0x80000000, s28;
	p3 =	por !p1, !p2;
	p2 =	seq.s32 s30, $0x0  }
0xa1: {  	p1 =	slt.s32 s10, $0x0;
	s23 =	smov.u32 @p5 s1;
	s2 =	smov.u32 @p6 s11;
	(xrf0) =	vadd.scan.msk.s32 $0xffff, v4  }
0xa2: {  	p6 =	por !p3, !p3;
	p3 =	seq.s32 s10, $0x8000000F;
	s1 =	sxor.u32 $0x80000000, s13  }
0xa3: {  	p2 =	por !p2, !p1;
	s30 =	simm.s32 @p1 $0x1;
	s23 =	smov.u32 @p6 s2  }
0xa4: {  	p1 =	seq.s32 s30, $0x0;
	s1 =	smov.u32 @p3 s12;
	p3 =	por !p2, !p2  }
0xa5: {  	p2 =	seq.s32 s9, $0x8000000F;
	s2 =	simm.s32 $0x7E0;
	p0 =	por !p1, !p0  }
0xa6: {  	s23 =	smov.u32 @p3 s1;
	s21 =	sand.u32 $0x70, s2;
	s1 =	sand.u32 $0xF00, s20  }
0xa7: {  	s6 =	smov.u32 @p2 s5;
	p2 =	por !p0, !p0;
	s1 =	sor.u32 s21, s1;
	v4, _, _ =	vpop (xrf0)  }
0xa8: {  	s23 =	smov.u32 @p2 s6;
	v6 =	vld [tilespmem:s1+$0x800];
	v5 =	vperm.xlane v4, v1  }
0xa9: {  	v7 =	vld [tilespmem:s1+$0x880];
	s6 =	ssub.s32 $0x2710, s23  }
0xaa: {  	v4 =	vmov s6;
	v5 =	vadd.s32 s14, v5  }
0xab: {  	vm14 =	vlt.s32 v5, v4;
	(v2sf) =	vpush v5, $0x0  }
0xac: {  	v5 =	vsel vm14, $0x7FFFFFFF, v2  }
0xad: {  	(xrf0) =	vmax.scan.msk.u32 $0xffff, v5  }
0xae: {  	v5 =	vadd.s32 v6, v7  }
0xaf: {  	v5 =	vperm.xlane v5, v1;
	_ =	sdelay $0x2  }
0xb0: {  	(xrf0) =	vadd.scan.msk.s32 $0xffff, v5  }
0xb1: {  	v5, _, _ =	vpop (xrf0)  }
0xb2: {  	(v2sf) =	vpush v5, $0xF;
	_ =	sdelay $0x3  }
0xb3: {  	s11 =	simm.s32 $0xFA0;
	s6 =	simm.s32 $0x7D0;
	v5, _, _ =	vpop (xrf0)  }
0xb4: {  	s28 =	sand.u32 $0xF00, s11;
	s23 =	sand.u32 $0x70, s6;
	v5 =	vperm.xlane v5, v1  }
0xb5: {  	s1 =	sor.u32 s23, s28;
	s29 =	spop (v2sf)  }
0xb6: {  	v6 =	vld [tilespmem:s1+$0x800];
	v5 =	vadd.s32 s29, v5  }
0xb7: {  	v7 =	vld [tilespmem:s1+$0x880];
	vm15 =	vlt.s32 v5, v4  }
0xb8: {  	v63 =	vsel vm15, $0x7FFFFFFF, v2  }
0xb9: {  	s1 =	sadd.s32 s17, s4;
	(v2sf) =	vpush v5, $0x0;
	(xrf0) =	vmax.scan.msk.u32 $0xffff, v63  }
0xba: {  	s31 =	smov.u32 @p4 s1;
	s1 =	sadd.s32 s18, s7  }
0xbb: {  	s31 =	smov.u32 @p5 s1;
	s1 =	sadd.s32 s3, s8  }
0xbc: {  	s31 =	smov.u32 @p6 s1;
	s1 =	sadd.s32 s16, s10;
	v6 =	vadd.s32 v6, v7  }
0xbd: {  	s5 =	simm.s32 $0x7C0;
	s3 =	simm.s32 $0x0;
	s31 =	smov.u32 @p3 s1;
	v6 =	vperm.xlane v6, v1  }
0xbe: {  	s1 =	sadd.s32 s15, s9;
	p3 =	por $0x1, $0x1;
	s30 =	spop (v2sf)  }
0xbf: {  	s31 =	smov.u32 @p2 s1;
	(xrf0) =	vadd.scan.msk.s32 $0xffff, v6;
	p4 =	slt.s32 s30, $0x0;
	v5, _, _ =	vpop (xrf0);
	s4 =	sadd.s32 $0x7F0, s30  }
.LBB2_6:
0xc0: {  	s1 =	smov.u32 s14  }
0xc1: {  	s3 =	simm.s32 @p4 $0x1;
	s7 =	sadd.s32 $0xFFFFFFF0, s5;
	s1 =	smov.u32 @p4 s4  }
0xc2: {  	(v2sf) =	vpush v5, $0xF;
	s4 =	smov.u32 s2;
	s2 =	smov.u32 s6;
	s6 =	smov.u32 s5  }
0xc3: {  	p2 =	sne.s32 s5, $0x0;
	s14 =	smov.u32 @p3 s1;
	_ =	sdelay $0x1  }
0xc4: {  	s11 =	sadd.s32 $0xFFFFFFE0, s11  }
0xc5: {  	s5 =	sand.u32 $0xF00, s11;
	s1 =	sand.u32 $0x70, s6;
	v5, _, _ =	vpop (xrf0)  }
0xc6: {  	s1 =	sor.u32 s1, s5;
	v5 =	vperm.xlane v5, v1  }
0xc7: {  	v6 =	vld [tilespmem:s1+$0x800];
	s5 =	spop (v2sf)  }
0xc8: {  	v7 =	vld [tilespmem:s1+$0x880];
	v5 =	vadd.s32 s5, v5  }
0xc9: {  	vm0 =	vlt.s32 v5, v4;
	(v2sf) =	vpush v5, $0x0  }
0xca: {  	v5 =	vsel vm0, $0x7FFFFFFF, v2  }
0xcb: {  	(xrf0) =	vmax.scan.msk.u32 $0xffff, v5;
	_ =	sdelay $0x1  }
.Ltmp4:
0xcc: {  	v5 =	vadd.s32 v6, v7;
	(pc) =	sbr.rel @p2 .LBB2_6-.Ltmp4, $3  }
0xcd: {  	v6 =	vperm.xlane v5, v1;
	_ =	sdelay $0x1  }
0xce: {  	p3 =	seq.s32 s3, $0x0;
	(xrf0) =	vadd.scan.msk.s32 $0xffff, v6;
	s1 =	spop (v2sf)  }
0xcf: {  	s5 =	smov.u32 s7;
	v5, _, _ =	vpop (xrf0);
	p4 =	slt.s32 s1, $0x0;
	s4 =	sadd.s32 s4, s1  }
0xd0: {  	_ =	sdelay $0x3  }
0xd1: {  	v6, _, _ =	vpop (xrf0)  }
0xd2: {  	v6 =	vperm.xlane v6, v1  }
0xd3: {  	s1 =	spop (v2sf)  }
0xd4: {  	v6 =	vadd.s32 s1, v6  }
0xd5: {  	vm0 =	vlt.s32 v6, v4  }
0xd6: {  	v4 =	vsel vm0, $0x7FFFFFFF, v2  }
0xd7: {  	(xrf0) =	vmax.scan.msk.u32 $0xffff, v4;
	_ =	sdelay $0x3  }
0xd8: {  	(v2sf) =	vpush v5, $0xF;
	_ =	sdelay $0x1  }
0xd9: {  	(v2sf) =	vpush v6, $0x0;
	v4, _, _ =	vpop (xrf0)  }
0xda: {  	(v2sf) =	vpush v4, $0xF;
	_ =	sdelay $0x9  }
0xdb: {  	s1 =	smov.u32 s14  }
0xdc: {  	s1 =	smov.u32 @p4 s4  }
0xdd: {  	s3 =	simm.s32 @p4 $0x1;
	s14 =	smov.u32 @p3 s1;
	s23 =	spop (v2sf)  }
0xde: {  	p0 =	slt.s32 s23, $0x0;
	s1 =	sadd.s32 s2, s23;
	s2 =	smov.u32 s14  }
0xdf: {  	p1 =	seq.s32 s3, $0x0;
	s2 =	smov.u32 @p0 s1;
	s28 =	spop (v2sf)  }
0xe0: {  	s29 =	simm.s32 $0x2820;
	s14 =	smov.u32 @p1 s2;
	s1 =	spop (v2sf)  }
0xe1: {  	s3 =	simm.s32 @p0 $0x1;
	s2 =	smov.u32 s14;
	_ =	swait.ge [sflag:s24], $0x4000  }
0xe2: {  	p0 =	slt.s32 s1, $0x0;
	s1 =	sadd.s32 s6, s1;
	[sflag:s24] =	ssyncset.done $0x0  }
0xe3: {  	p1 =	seq.s32 s3, $0x0;
	s2 =	smov.u32 @p0 s1;
	[sflag:s24] =	ssyncadd.s32 $0xFFFFC000  }
0xe4: {  	s14 =	smov.u32 @p1 s2;
	v8 =	vld [tilespmem:s29+$0x10]  }
0xe5: {  	s30 =	sshll.u32 s31, $0x16;
	s31 =	sshll.u32 s14, $0xB  }
0xe6: {  	s2 =	sor.u32 s30, s31  }
0xe7: {  	s2 =	sshra.s32 s2, $0xB  }
0xe8: {  	v6 =	vld [tilespmem:s29+$0xFFFFFFF0];
	s2 =	sxor.u32 $0xFFF00000, s2  }
0xe9: {  	v5 =	vld [tilespmem:s29+$0x0];
	v4 =	vmov s2;
	v7 =	vshra.s32 v8, $0xB  }
0xea: {  	vm0 =	veq.s32 v7, v4;
	v7 =	vld [tilespmem:s29+$0xFFFFFFE0];
	_ =	sdelay $0x2  }
0xeb: {  	s9 =	simm.s32 $0x0;
	v9 =	vshra.s32 v6, $0xB;
	v6 =	vand.u32 $0x7FF, v6  }
0xec: {  	s7 =	simm.s32 $0x6800;
	s3 =	simm.s32 $0x2860;
	s2 =	simm.s32 $0x0;
	v8 =	vand.u32 $0x7FF, v8;
	vm1 =	veq.s32 v9, v4;
	v9 =	vshra.s32 v5, $0xB  }
.LBB2_8:
0xed: {  	v10 =	vld [tilespmem:s3+$0x10];
	s2 =	sadd.s32 $0x40, s2;
	v11 =	vshra.s32 v7, $0xB;
	v12 =	vand.u32 $0x7FF, v7;
	vm2 =	veq.s32 v9, v4  }
0xee: {  	v9 =	vld [tilespmem:s3+$0xFFFFFFF0];
	p2 =	slt.u32 s2, $0x3FC0;
	vm3 =	veq.s32 v11, v4;
	v11 =	vand.u32 $0x7FF, v5  }
0xef: {  	v5 =	vld [tilespmem:s3+$0x0]  }
.Ltmp5:
0xf0: {  	v7 =	vld [tilespmem:s3+$0xFFFFFFE0];
	(pc) =	sbr.rel @p2 .LBB2_8-.Ltmp5, $4  }
0xf1: {  	[tilespmem:v8+s25+$0x0] =	vst.idx.add.s32.msk vm0, v3  }
0xf2: {  	v8 =	vshra.s32 v10, $0xB;
	[tilespmem:v6+s25+$0x0] =	vst.idx.add.s32.msk vm1, v3  }
0xf3: {  	v13 =	vshra.s32 v9, $0xB;
	v6 =	vand.u32 $0x7FF, v9;
	vm0 =	veq.s32 v8, v4;
	[tilespmem:v11+s25+$0x0] =	vst.idx.add.s32.msk vm2, v3  }
0xf4: {  	s3 =	sadd.s32 $0x40, s3;
	v8 =	vand.u32 $0x7FF, v10;
	vm1 =	veq.s32 v13, v4;
	v9 =	vshra.s32 v5, $0xB;
	[tilespmem:v12+s25+$0x0] =	vst.idx.add.s32.msk vm3, v3  }
0xf5: {  	_ = 	snop  }
0xf6: {  	v10 =	vshra.s32 v7, $0xB;
	vm2 =	veq.s32 v9, v4  }
0xf7: {  	v5 =	vand.u32 $0x7FF, v5;
	vm3 =	veq.s32 v10, v4  }
0xf8: {  	v7 =	vand.u32 $0x7FF, v7;
	_ =	sdelay $0x1  }
0xf9: {  	[tilespmem:v8+s25+$0x0] =	vst.idx.add.s32.msk vm0, v3  }
0xfa: {  	[tilespmem:v6+s25+$0x0] =	vst.idx.add.s32.msk vm1, v3  }
0xfb: {  	[tilespmem:v5+s25+$0x0] =	vst.idx.add.s32.msk vm2, v3  }
0xfc: {  	[tilespmem:v7+s25+$0x0] =	vst.idx.add.s32.msk vm3, v3  }
0xfd: {  	s6 =	simm.s32 $0x2800;
	s1 =	rddreg [dreg:$0x8]  }
0xfe: {  	[tilespmem:s6], [sflag:$0x1] =	stream.linear.gather [hbm4b:s1+s9], $0x4000, $0x38;
	[tilespmem:$0xB000] =	vst v63  }
0xff: {  	_ =	swait.ge [sflag:s26], $0x4000  }
0x100: {  	[sflag:s26] =	ssyncset.done $0x0  }
0x101: {  	s31 =	simm.s32 $0x6820;
	[sflag:s26] =	ssyncadd.s32 $0xFFFFC000  }
0x102: {  	v8 =	vld [tilespmem:s31+$0x10];
	_ =	sdelay $0x3  }
0x103: {  	v6 =	vld [tilespmem:s31+$0xFFFFFFF0]  }
0x104: {  	v5 =	vld [tilespmem:s31+$0x0];
	v7 =	vshra.s32 v8, $0xB  }
0x105: {  	vm0 =	veq.s32 v7, v4;
	v7 =	vld [tilespmem:s31+$0xFFFFFFE0];
	_ =	sdelay $0x2  }
0x106: {  	s2 =	simm.s32 $0x0;
	v9 =	vshra.s32 v6, $0xB;
	v6 =	vand.u32 $0x7FF, v6  }
0x107: {  	s3 =	simm.s32 $0x6860;
	s8 =	simm.s32 $0x80;
	s10 =	simm.s32 $0x400;
	v8 =	vand.u32 $0x7FF, v8;
	vm1 =	veq.s32 v9, v4;
	v9 =	vshra.s32 v5, $0xB  }
.LBB2_10:
0x108: {  	v10 =	vld [tilespmem:s3+$0x10];
	s2 =	sadd.s32 $0x40, s2;
	v11 =	vshra.s32 v7, $0xB;
	v12 =	vand.u32 $0x7FF, v7;
	vm2 =	veq.s32 v9, v4  }
0x109: {  	v9 =	vld [tilespmem:s3+$0xFFFFFFF0];
	p2 =	slt.u32 s2, $0x3FC0;
	vm3 =	veq.s32 v11, v4;
	v11 =	vand.u32 $0x7FF, v5  }
0x10a: {  	v5 =	vld [tilespmem:s3+$0x0]  }
.Ltmp6:
0x10b: {  	v7 =	vld [tilespmem:s3+$0xFFFFFFE0];
	(pc) =	sbr.rel @p2 .LBB2_10-.Ltmp6, $4  }
0x10c: {  	[tilespmem:v8+s25+$0x0] =	vst.idx.add.s32.msk vm0, v3  }
0x10d: {  	v8 =	vshra.s32 v10, $0xB;
	[tilespmem:v6+s25+$0x0] =	vst.idx.add.s32.msk vm1, v3  }
0x10e: {  	v13 =	vshra.s32 v9, $0xB;
	v6 =	vand.u32 $0x7FF, v9;
	vm0 =	veq.s32 v8, v4;
	[tilespmem:v11+s25+$0x0] =	vst.idx.add.s32.msk vm2, v3  }
0x10f: {  	s3 =	sadd.s32 $0x40, s3;
	v8 =	vand.u32 $0x7FF, v10;
	vm1 =	veq.s32 v13, v4;
	v9 =	vshra.s32 v5, $0xB;
	[tilespmem:v12+s25+$0x0] =	vst.idx.add.s32.msk vm3, v3  }
0x110: {  	_ = 	snop  }
0x111: {  	v10 =	vshra.s32 v7, $0xB;
	vm2 =	veq.s32 v9, v4  }
0x112: {  	v5 =	vand.u32 $0x7FF, v5;
	vm3 =	veq.s32 v10, v4  }
0x113: {  	v7 =	vand.u32 $0x7FF, v7;
	_ =	sdelay $0x1  }
0x114: {  	[tilespmem:v8+s25+$0x0] =	vst.idx.add.s32.msk vm0, v3  }
0x115: {  	[tilespmem:v6+s25+$0x0] =	vst.idx.add.s32.msk vm1, v3  }
0x116: {  	[tilespmem:v5+s25+$0x0] =	vst.idx.add.s32.msk vm2, v3  }
0x117: {  	[tilespmem:v7+s25+$0x0] =	vst.idx.add.s32.msk vm3, v3  }
0x118: {  	s1 =	rddreg [dreg:$0x9]  }
0x119: {  	[tilespmem:s7], [sflag:$0x2] =	stream.linear.gather [hbm4b:s1+s9], $0x4000, $0x38;
	[tilespmem:$0xB000] =	vst v63  }
0x11a: {  	_ =	swait.ge [sflag:s24], $0x4000  }
0x11b: {  	[sflag:s24] =	ssyncset.done $0x0  }
0x11c: {  	s31 =	simm.s32 $0x2820;
	[sflag:s24] =	ssyncadd.s32 $0xFFFFC000  }
0x11d: {  	v8 =	vld [tilespmem:s31+$0x10];
	_ =	sdelay $0x3  }
0x11e: {  	v6 =	vld [tilespmem:s31+$0xFFFFFFF0]  }
0x11f: {  	v5 =	vld [tilespmem:s31+$0x0];
	v7 =	vshra.s32 v8, $0xB  }
0x120: {  	vm0 =	veq.s32 v7, v4;
	v7 =	vld [tilespmem:s31+$0xFFFFFFE0];
	_ =	sdelay $0x2  }
0x121: {  	v9 =	vshra.s32 v6, $0xB;
	v6 =	vand.u32 $0x7FF, v6  }
0x122: {  	s2 =	simm.s32 $0x0;
	s3 =	simm.s32 $0x2860;
	v8 =	vand.u32 $0x7FF, v8;
	vm1 =	veq.s32 v9, v4;
	v9 =	vshra.s32 v5, $0xB  }
.LBB2_12:
0x123: {  	v10 =	vld [tilespmem:s3+$0x10];
	s2 =	sadd.s32 $0x40, s2;
	v11 =	vshra.s32 v7, $0xB;
	v12 =	vand.u32 $0x7FF, v7;
	vm2 =	veq.s32 v9, v4  }
0x124: {  	v9 =	vld [tilespmem:s3+$0xFFFFFFF0];
	p2 =	slt.u32 s2, $0x3FC0;
	vm3 =	veq.s32 v11, v4;
	v11 =	vand.u32 $0x7FF, v5  }
0x125: {  	v5 =	vld [tilespmem:s3+$0x0]  }
.Ltmp7:
0x126: {  	v7 =	vld [tilespmem:s3+$0xFFFFFFE0];
	(pc) =	sbr.rel @p2 .LBB2_12-.Ltmp7, $4  }
0x127: {  	[tilespmem:v8+s25+$0x0] =	vst.idx.add.s32.msk vm0, v3  }
0x128: {  	v8 =	vshra.s32 v10, $0xB;
	[tilespmem:v6+s25+$0x0] =	vst.idx.add.s32.msk vm1, v3  }
0x129: {  	v13 =	vshra.s32 v9, $0xB;
	v6 =	vand.u32 $0x7FF, v9;
	vm0 =	veq.s32 v8, v4;
	[tilespmem:v11+s25+$0x0] =	vst.idx.add.s32.msk vm2, v3  }
0x12a: {  	s3 =	sadd.s32 $0x40, s3;
	v8 =	vand.u32 $0x7FF, v10;
	vm1 =	veq.s32 v13, v4;
	v9 =	vshra.s32 v5, $0xB;
	[tilespmem:v12+s25+$0x0] =	vst.idx.add.s32.msk vm3, v3  }
0x12b: {  	_ = 	snop  }
0x12c: {  	v10 =	vshra.s32 v7, $0xB;
	vm2 =	veq.s32 v9, v4  }
0x12d: {  	v5 =	vand.u32 $0x7FF, v5;
	vm3 =	veq.s32 v10, v4  }
0x12e: {  	v7 =	vand.u32 $0x7FF, v7;
	_ =	sdelay $0x1  }
0x12f: {  	[tilespmem:v8+s25+$0x0] =	vst.idx.add.s32.msk vm0, v3  }
0x130: {  	[tilespmem:v6+s25+$0x0] =	vst.idx.add.s32.msk vm1, v3  }
0x131: {  	[tilespmem:v5+s25+$0x0] =	vst.idx.add.s32.msk vm2, v3  }
0x132: {  	[tilespmem:v7+s25+$0x0] =	vst.idx.add.s32.msk vm3, v3  }
0x133: {  	s1 =	rddreg [dreg:$0xa]  }
0x134: {  	[tilespmem:s6], [sflag:$0x1] =	stream.linear.gather [hbm4b:s1+s9], $0x4000, $0x38;
	[tilespmem:$0xB000] =	vst v63  }
0x135: {  	_ =	swait.ge [sflag:s26], $0x4000  }
0x136: {  	[sflag:s26] =	ssyncset.done $0x0  }
0x137: {  	s31 =	simm.s32 $0x6820;
	[sflag:s26] =	ssyncadd.s32 $0xFFFFC000  }
0x138: {  	v8 =	vld [tilespmem:s31+$0x10];
	_ =	sdelay $0x3  }
0x139: {  	v6 =	vld [tilespmem:s31+$0xFFFFFFF0]  }
0x13a: {  	v5 =	vld [tilespmem:s31+$0x0];
	v7 =	vshra.s32 v8, $0xB  }
0x13b: {  	vm0 =	veq.s32 v7, v4;
	v7 =	vld [tilespmem:s31+$0xFFFFFFE0];
	_ =	sdelay $0x2  }
0x13c: {  	v9 =	vshra.s32 v6, $0xB;
	v6 =	vand.u32 $0x7FF, v6  }
0x13d: {  	s2 =	simm.s32 $0x0;
	s3 =	simm.s32 $0x6860;
	v8 =	vand.u32 $0x7FF, v8;
	vm1 =	veq.s32 v9, v4;
	v9 =	vshra.s32 v5, $0xB  }
.LBB2_14:
0x13e: {  	v10 =	vld [tilespmem:s3+$0x10];
	s2 =	sadd.s32 $0x40, s2;
	v11 =	vshra.s32 v7, $0xB;
	v12 =	vand.u32 $0x7FF, v7;
	vm2 =	veq.s32 v9, v4  }
0x13f: {  	v9 =	vld [tilespmem:s3+$0xFFFFFFF0];
	p2 =	slt.u32 s2, $0x3FC0;
	vm3 =	veq.s32 v11, v4;
	v11 =	vand.u32 $0x7FF, v5  }
0x140: {  	v5 =	vld [tilespmem:s3+$0x0]  }
.Ltmp8:
0x141: {  	v7 =	vld [tilespmem:s3+$0xFFFFFFE0];
	(pc) =	sbr.rel @p2 .LBB2_14-.Ltmp8, $4  }
0x142: {  	[tilespmem:v8+s25+$0x0] =	vst.idx.add.s32.msk vm0, v3  }
0x143: {  	v8 =	vshra.s32 v10, $0xB;
	[tilespmem:v6+s25+$0x0] =	vst.idx.add.s32.msk vm1, v3  }
0x144: {  	v13 =	vshra.s32 v9, $0xB;
	v6 =	vand.u32 $0x7FF, v9;
	vm0 =	veq.s32 v8, v4;
	[tilespmem:v11+s25+$0x0] =	vst.idx.add.s32.msk vm2, v3  }
0x145: {  	s3 =	sadd.s32 $0x40, s3;
	v8 =	vand.u32 $0x7FF, v10;
	vm1 =	veq.s32 v13, v4;
	v9 =	vshra.s32 v5, $0xB;
	[tilespmem:v12+s25+$0x0] =	vst.idx.add.s32.msk vm3, v3  }
0x146: {  	_ = 	snop  }
0x147: {  	v10 =	vshra.s32 v7, $0xB;
	vm2 =	veq.s32 v9, v4  }
0x148: {  	v5 =	vand.u32 $0x7FF, v5;
	vm3 =	veq.s32 v10, v4  }
0x149: {  	v7 =	vand.u32 $0x7FF, v7;
	_ =	sdelay $0x1  }
0x14a: {  	[tilespmem:v8+s25+$0x0] =	vst.idx.add.s32.msk vm0, v3  }
0x14b: {  	[tilespmem:v6+s25+$0x0] =	vst.idx.add.s32.msk vm1, v3  }
0x14c: {  	[tilespmem:v5+s25+$0x0] =	vst.idx.add.s32.msk vm2, v3  }
0x14d: {  	[tilespmem:v7+s25+$0x0] =	vst.idx.add.s32.msk vm3, v3  }
0x14e: {  	s1 =	rddreg [dreg:$0xb]  }
0x14f: {  	[tilespmem:s7], [sflag:$0x2] =	stream.linear.gather [hbm4b:s1+s9], $0x4000, $0x38;
	[tilespmem:$0xB000] =	vst v63  }
0x150: {  	_ =	swait.ge [sflag:s24], $0x4000  }
0x151: {  	[sflag:s24] =	ssyncset.done $0x0  }
0x152: {  	s31 =	simm.s32 $0x2820;
	[sflag:s24] =	ssyncadd.s32 $0xFFFFC000  }
0x153: {  	v8 =	vld [tilespmem:s31+$0x10];
	_ =	sdelay $0x3  }
0x154: {  	v6 =	vld [tilespmem:s31+$0xFFFFFFF0]  }
0x155: {  	v5 =	vld [tilespmem:s31+$0x0];
	v7 =	vshra.s32 v8, $0xB  }
0x156: {  	vm0 =	veq.s32 v7, v4;
	v7 =	vld [tilespmem:s31+$0xFFFFFFE0];
	_ =	sdelay $0x2  }
0x157: {  	v9 =	vshra.s32 v6, $0xB;
	v6 =	vand.u32 $0x7FF, v6  }
0x158: {  	s2 =	simm.s32 $0x0;
	s3 =	simm.s32 $0x2860;
	v8 =	vand.u32 $0x7FF, v8;
	vm1 =	veq.s32 v9, v4;
	v9 =	vshra.s32 v5, $0xB  }
.LBB2_16:
0x159: {  	v10 =	vld [tilespmem:s3+$0x10];
	s2 =	sadd.s32 $0x40, s2;
	v11 =	vshra.s32 v7, $0xB;
	v12 =	vand.u32 $0x7FF, v7;
	vm2 =	veq.s32 v9, v4  }
0x15a: {  	v9 =	vld [tilespmem:s3+$0xFFFFFFF0];
	p2 =	slt.u32 s2, $0x3FC0;
	vm3 =	veq.s32 v11, v4;
	v11 =	vand.u32 $0x7FF, v5  }
0x15b: {  	v5 =	vld [tilespmem:s3+$0x0]  }
.Ltmp9:
0x15c: {  	v7 =	vld [tilespmem:s3+$0xFFFFFFE0];
	(pc) =	sbr.rel @p2 .LBB2_16-.Ltmp9, $4  }
0x15d: {  	[tilespmem:v8+s25+$0x0] =	vst.idx.add.s32.msk vm0, v3  }
0x15e: {  	v8 =	vshra.s32 v10, $0xB;
	[tilespmem:v6+s25+$0x0] =	vst.idx.add.s32.msk vm1, v3  }
0x15f: {  	v13 =	vshra.s32 v9, $0xB;
	v6 =	vand.u32 $0x7FF, v9;
	vm0 =	veq.s32 v8, v4;
	[tilespmem:v11+s25+$0x0] =	vst.idx.add.s32.msk vm2, v3  }
0x160: {  	s3 =	sadd.s32 $0x40, s3;
	v8 =	vand.u32 $0x7FF, v10;
	vm1 =	veq.s32 v13, v4;
	v9 =	vshra.s32 v5, $0xB;
	[tilespmem:v12+s25+$0x0] =	vst.idx.add.s32.msk vm3, v3  }
0x161: {  	_ = 	snop  }
0x162: {  	v10 =	vshra.s32 v7, $0xB;
	vm2 =	veq.s32 v9, v4  }
0x163: {  	v5 =	vand.u32 $0x7FF, v5;
	vm3 =	veq.s32 v10, v4  }
0x164: {  	v7 =	vand.u32 $0x7FF, v7;
	_ =	sdelay $0x1  }
0x165: {  	[tilespmem:v8+s25+$0x0] =	vst.idx.add.s32.msk vm0, v3  }
0x166: {  	[tilespmem:v6+s25+$0x0] =	vst.idx.add.s32.msk vm1, v3  }
0x167: {  	[tilespmem:v5+s25+$0x0] =	vst.idx.add.s32.msk vm2, v3  }
0x168: {  	[tilespmem:v7+s25+$0x0] =	vst.idx.add.s32.msk vm3, v3  }
0x169: {  	s1 =	rddreg [dreg:$0xc]  }
0x16a: {  	[tilespmem:s6], [sflag:$0x1] =	stream.linear.gather [hbm4b:s1+s9], $0x4000, $0x38;
	[tilespmem:$0xB000] =	vst v63  }
0x16b: {  	_ =	swait.ge [sflag:s26], $0x4000  }
0x16c: {  	[sflag:s26] =	ssyncset.done $0x0  }
0x16d: {  	s31 =	simm.s32 $0x6820;
	[sflag:s26] =	ssyncadd.s32 $0xFFFFC000  }
0x16e: {  	v8 =	vld [tilespmem:s31+$0x10];
	_ =	sdelay $0x3  }
0x16f: {  	v6 =	vld [tilespmem:s31+$0xFFFFFFF0]  }
0x170: {  	v5 =	vld [tilespmem:s31+$0x0];
	v7 =	vshra.s32 v8, $0xB  }
0x171: {  	vm0 =	veq.s32 v7, v4;
	v7 =	vld [tilespmem:s31+$0xFFFFFFE0];
	_ =	sdelay $0x2  }
0x172: {  	v9 =	vshra.s32 v6, $0xB;
	v6 =	vand.u32 $0x7FF, v6  }
0x173: {  	s2 =	simm.s32 $0x0;
	s3 =	simm.s32 $0x6860;
	v8 =	vand.u32 $0x7FF, v8;
	vm1 =	veq.s32 v9, v4;
	v9 =	vshra.s32 v5, $0xB  }
.LBB2_18:
0x174: {  	v10 =	vld [tilespmem:s3+$0x10];
	s2 =	sadd.s32 $0x40, s2;
	v11 =	vshra.s32 v7, $0xB;
	v12 =	vand.u32 $0x7FF, v7;
	vm2 =	veq.s32 v9, v4  }
0x175: {  	v9 =	vld [tilespmem:s3+$0xFFFFFFF0];
	p2 =	slt.u32 s2, $0x3FC0;
	vm3 =	veq.s32 v11, v4;
	v11 =	vand.u32 $0x7FF, v5  }
0x176: {  	v5 =	vld [tilespmem:s3+$0x0]  }
.Ltmp10:
0x177: {  	v7 =	vld [tilespmem:s3+$0xFFFFFFE0];
	(pc) =	sbr.rel @p2 .LBB2_18-.Ltmp10, $4  }
0x178: {  	[tilespmem:v8+s25+$0x0] =	vst.idx.add.s32.msk vm0, v3  }
0x179: {  	v8 =	vshra.s32 v10, $0xB;
	[tilespmem:v6+s25+$0x0] =	vst.idx.add.s32.msk vm1, v3  }
0x17a: {  	v13 =	vshra.s32 v9, $0xB;
	v6 =	vand.u32 $0x7FF, v9;
	vm0 =	veq.s32 v8, v4;
	[tilespmem:v11+s25+$0x0] =	vst.idx.add.s32.msk vm2, v3  }
0x17b: {  	s3 =	sadd.s32 $0x40, s3;
	v8 =	vand.u32 $0x7FF, v10;
	vm1 =	veq.s32 v13, v4;
	v9 =	vshra.s32 v5, $0xB;
	[tilespmem:v12+s25+$0x0] =	vst.idx.add.s32.msk vm3, v3  }
0x17c: {  	_ = 	snop  }
0x17d: {  	v10 =	vshra.s32 v7, $0xB;
	vm2 =	veq.s32 v9, v4  }
0x17e: {  	v5 =	vand.u32 $0x7FF, v5;
	vm3 =	veq.s32 v10, v4  }
0x17f: {  	v7 =	vand.u32 $0x7FF, v7;
	_ =	sdelay $0x1  }
0x180: {  	[tilespmem:v8+s25+$0x0] =	vst.idx.add.s32.msk vm0, v3  }
0x181: {  	[tilespmem:v6+s25+$0x0] =	vst.idx.add.s32.msk vm1, v3  }
0x182: {  	[tilespmem:v5+s25+$0x0] =	vst.idx.add.s32.msk vm2, v3  }
0x183: {  	[tilespmem:v7+s25+$0x0] =	vst.idx.add.s32.msk vm3, v3  }
0x184: {  	s1 =	rddreg [dreg:$0xd]  }
0x185: {  	[tilespmem:s7], [sflag:$0x2] =	stream.linear.gather [hbm4b:s1+s9], $0x4000, $0x38;
	[tilespmem:$0xB000] =	vst v63  }
0x186: {  	_ =	swait.ge [sflag:s24], $0x4000  }
0x187: {  	[sflag:s24] =	ssyncset.done $0x0  }
0x188: {  	s31 =	simm.s32 $0x2820;
	[sflag:s24] =	ssyncadd.s32 $0xFFFFC000  }
0x189: {  	v8 =	vld [tilespmem:s31+$0x10];
	_ =	sdelay $0x3  }
0x18a: {  	v6 =	vld [tilespmem:s31+$0xFFFFFFF0]  }
0x18b: {  	v5 =	vld [tilespmem:s31+$0x0];
	v7 =	vshra.s32 v8, $0xB  }
0x18c: {  	vm0 =	veq.s32 v7, v4;
	v7 =	vld [tilespmem:s31+$0xFFFFFFE0];
	_ =	sdelay $0x2  }
0x18d: {  	v9 =	vshra.s32 v6, $0xB;
	v6 =	vand.u32 $0x7FF, v6  }
0x18e: {  	s2 =	simm.s32 $0x0;
	s3 =	simm.s32 $0x2860;
	v8 =	vand.u32 $0x7FF, v8;
	vm1 =	veq.s32 v9, v4;
	v9 =	vshra.s32 v5, $0xB  }
.LBB2_20:
0x18f: {  	v10 =	vld [tilespmem:s3+$0x10];
	s2 =	sadd.s32 $0x40, s2;
	v11 =	vshra.s32 v7, $0xB;
	v12 =	vand.u32 $0x7FF, v7;
	vm2 =	veq.s32 v9, v4  }
0x190: {  	v9 =	vld [tilespmem:s3+$0xFFFFFFF0];
	p2 =	slt.u32 s2, $0x3FC0;
	vm3 =	veq.s32 v11, v4;
	v11 =	vand.u32 $0x7FF, v5  }
0x191: {  	v5 =	vld [tilespmem:s3+$0x0]  }
.Ltmp11:
0x192: {  	v7 =	vld [tilespmem:s3+$0xFFFFFFE0];
	(pc) =	sbr.rel @p2 .LBB2_20-.Ltmp11, $4  }
0x193: {  	[tilespmem:v8+s25+$0x0] =	vst.idx.add.s32.msk vm0, v3  }
0x194: {  	v8 =	vshra.s32 v10, $0xB;
	[tilespmem:v6+s25+$0x0] =	vst.idx.add.s32.msk vm1, v3  }
0x195: {  	v13 =	vshra.s32 v9, $0xB;
	v6 =	vand.u32 $0x7FF, v9;
	vm0 =	veq.s32 v8, v4;
	[tilespmem:v11+s25+$0x0] =	vst.idx.add.s32.msk vm2, v3  }
0x196: {  	s3 =	sadd.s32 $0x40, s3;
	v8 =	vand.u32 $0x7FF, v10;
	vm1 =	veq.s32 v13, v4;
	v9 =	vshra.s32 v5, $0xB;
	[tilespmem:v12+s25+$0x0] =	vst.idx.add.s32.msk vm3, v3  }
0x197: {  	_ = 	snop  }
0x198: {  	v10 =	vshra.s32 v7, $0xB;
	vm2 =	veq.s32 v9, v4  }
0x199: {  	v5 =	vand.u32 $0x7FF, v5;
	vm3 =	veq.s32 v10, v4  }
0x19a: {  	v7 =	vand.u32 $0x7FF, v7;
	_ =	sdelay $0x1  }
0x19b: {  	[tilespmem:v8+s25+$0x0] =	vst.idx.add.s32.msk vm0, v3  }
0x19c: {  	[tilespmem:v6+s25+$0x0] =	vst.idx.add.s32.msk vm1, v3  }
0x19d: {  	[tilespmem:v5+s25+$0x0] =	vst.idx.add.s32.msk vm2, v3  }
0x19e: {  	[tilespmem:v7+s25+$0x0] =	vst.idx.add.s32.msk vm3, v3  }
0x19f: {  	_ =	swait.ge [sflag:s26], $0x4000  }
0x1a0: {  	[sflag:s26] =	ssyncset.done $0x0  }
0x1a1: {  	s1 =	simm.s32 $0x6820;
	[sflag:s26] =	ssyncadd.s32 $0xFFFFC000  }
0x1a2: {  	v8 =	vld [tilespmem:s1+$0x10];
	_ =	sdelay $0x3  }
0x1a3: {  	v6 =	vld [tilespmem:s1+$0xFFFFFFF0]  }
0x1a4: {  	v5 =	vld [tilespmem:s1+$0x0];
	v7 =	vshra.s32 v8, $0xB  }
0x1a5: {  	vm0 =	veq.s32 v7, v4;
	v7 =	vld [tilespmem:s1+$0xFFFFFFE0];
	_ =	sdelay $0x2  }
0x1a6: {  	v9 =	vshra.s32 v6, $0xB;
	v6 =	vand.u32 $0x7FF, v6  }
0x1a7: {  	s2 =	simm.s32 $0x0;
	s3 =	simm.s32 $0x6860;
	v8 =	vand.u32 $0x7FF, v8;
	vm1 =	veq.s32 v9, v4;
	v9 =	vshra.s32 v5, $0xB  }
.LBB2_22:
0x1a8: {  	v10 =	vld [tilespmem:s3+$0x10];
	s2 =	sadd.s32 $0x40, s2;
	v11 =	vshra.s32 v7, $0xB;
	v12 =	vand.u32 $0x7FF, v7;
	vm2 =	veq.s32 v9, v4  }
0x1a9: {  	v9 =	vld [tilespmem:s3+$0xFFFFFFF0];
	p2 =	slt.u32 s2, $0x3FC0;
	vm3 =	veq.s32 v11, v4;
	v11 =	vand.u32 $0x7FF, v5  }
0x1aa: {  	v5 =	vld [tilespmem:s3+$0x0]  }
.Ltmp12:
0x1ab: {  	v7 =	vld [tilespmem:s3+$0xFFFFFFE0];
	(pc) =	sbr.rel @p2 .LBB2_22-.Ltmp12, $4  }
0x1ac: {  	[tilespmem:v8+s25+$0x0] =	vst.idx.add.s32.msk vm0, v3  }
0x1ad: {  	v8 =	vshra.s32 v10, $0xB;
	[tilespmem:v6+s25+$0x0] =	vst.idx.add.s32.msk vm1, v3  }
0x1ae: {  	v13 =	vshra.s32 v9, $0xB;
	v6 =	vand.u32 $0x7FF, v9;
	vm0 =	veq.s32 v8, v4;
	[tilespmem:v11+s25+$0x0] =	vst.idx.add.s32.msk vm2, v3  }
0x1af: {  	s3 =	sadd.s32 $0x40, s3;
	v8 =	vand.u32 $0x7FF, v10;
	vm1 =	veq.s32 v13, v4;
	v9 =	vshra.s32 v5, $0xB;
	[tilespmem:v12+s25+$0x0] =	vst.idx.add.s32.msk vm3, v3  }
0x1b0: {  	_ = 	snop  }
0x1b1: {  	v10 =	vshra.s32 v7, $0xB;
	vm2 =	veq.s32 v9, v4  }
0x1b2: {  	vm3 =	veq.s32 v10, v4;
	v4 =	vand.u32 $0x7FF, v5  }
0x1b3: {  	v5 =	vand.u32 $0x7FF, v7;
	_ =	sdelay $0x1  }
0x1b4: {  	[tilespmem:v8+s25+$0x0] =	vst.idx.add.s32.msk vm0, v3  }
0x1b5: {  	[tilespmem:v6+s25+$0x0] =	vst.idx.add.s32.msk vm1, v3  }
0x1b6: {  	[tilespmem:v4+s25+$0x0] =	vst.idx.add.s32.msk vm2, v3  }
0x1b7: {  	[tilespmem:v5+s25+$0x0] =	vst.idx.add.s32.msk vm3, v3  }
0x1b8: {  	s1 =	rddreg [dreg:$0xe]  }
0x1b9: {  	[spmem:s1] =	stream.strided.scatter [tilespmem:s25], [sflag:$0x3], $0x800, s10, s8, $0x38;
	[tilespmem:$0xB000] =	vst v63  }
0x1ba: {  	_ =	swait.ge [sflag:s22], $0x800  }
0x1bb: {  	[sflag:s22] =	ssyncset.done $0x0  }
0x1bc: {  	[sflag:s22] =	ssyncadd.s32 $0xFFFFF800  }
0x1bd: {  	[bflag:$0x0] =	sbarrier.arrive $0xFFFF  }
0x1be: {  	s31 =	sld [smem:$0x7FA];
	_ =	sdelay $0x2  }
0x1bf: {  	p0 =	seq.s32 s31, $0x1  }
.Ltmp13:
0x1c0: {  	_ = 	snop;
	(pc) =	sbr.rel @!p0 .LBB2_24-.Ltmp13, $1  }
0x1c1: {  	_ =	sdelay $0x3  }
0x1c2: {  	s1 =	rddreg [dreg:$0xf];
	s2 =	simm.s32 $0x2000  }
0x1c3: {  	[tilespmem:s2], [sflag:$0x3] =	stream.strided.gather [spmem:s1], $0x800, s10, s8, $0x38;
	[tilespmem:$0xB000] =	vst v63  }
0x1c4: {  	_ =	swait.ge [sflag:s22], $0x800  }
0x1c5: {  	[sflag:s22] =	ssyncset.done $0x0  }
0x1c6: {  	s2 =	simm.s32 $0x1820;
	[sflag:s22] =	ssyncadd.s32 $0xFFFFF800  }
0x1c7: {  	s3 =	simm.s32 $0x2020;
	v9 =	vld [tilespmem:s2+$0x10]  }
0x1c8: {  	v10 =	vld [tilespmem:s3+$0x10]  }
0x1c9: {  	v6 =	vld [tilespmem:s3+$0xFFFFFFE0]  }
0x1ca: {  	v4 =	vld [tilespmem:s2+$0xFFFFFFF0]  }
0x1cb: {  	v7 =	vld [tilespmem:s3+$0xFFFFFFF0]  }
0x1cc: {  	v5 =	vld [tilespmem:s2+$0x0]  }
0x1cd: {  	v8 =	vld [tilespmem:s3+$0x0];
	v10 =	vadd.s32 v9, v10  }
0x1ce: {  	s4 =	simm.s32 $0x0;
	s5 =	simm.s32 $0x1860;
	v9 =	vld [tilespmem:s2+$0xFFFFFFE0];
	[tilespmem:s2+$0x10] =	vst v10  }
.LBB2_28:
0x1cf: {  	v10 =	vld [tilespmem:s5+$0x10];
	s3 =	sadd.s32 $0x40, s3  }
0x1d0: {  	s4 =	sadd.s32 $0x40, s4;
	v11 =	vld [tilespmem:s3+$0x10];
	v4 =	vadd.s32 v4, v7  }
0x1d1: {  	p2 =	slt.u32 s4, $0x7C0;
	v12 =	vld [tilespmem:s3+$0xFFFFFFE0];
	[tilespmem:s2+$0xFFFFFFF0] =	vst v4  }
.Ltmp14:
0x1d2: {  	v4 =	vld [tilespmem:s5+$0xFFFFFFF0];
	v5 =	vadd.s32 v5, v8;
	(pc) =	sbr.rel @p2 .LBB2_28-.Ltmp14, $4  }
0x1d3: {  	v7 =	vld [tilespmem:s3+$0xFFFFFFF0];
	v6 =	vadd.s32 v9, v6;
	[tilespmem:s2+$0x0] =	vst v5  }
0x1d4: {  	v5 =	vld [tilespmem:s5+$0x0];
	[tilespmem:s2+$0xFFFFFFE0] =	vst v6;
	s2 =	smov.u32 s5  }
0x1d5: {  	v8 =	vld [tilespmem:s3+$0x0];
	v10 =	vadd.s32 v10, v11  }
0x1d6: {  	s5 =	sadd.s32 $0x40, s5;
	v9 =	vld [tilespmem:s2+$0xFFFFFFE0];
	[tilespmem:s2+$0x10] =	vst v10;
	v6 =	vmov v12  }
0x1d7: {  	_ =	sdelay $0x1  }
0x1d8: {  	v4 =	vadd.s32 v4, v7  }
0x1d9: {  	[tilespmem:s2+$0xFFFFFFF0] =	vst v4;
	v4 =	vadd.s32 v5, v8  }
0x1da: {  	v5 =	vadd.s32 v9, v6;
	[tilespmem:s2+$0x0] =	vst v4  }
0x1db: {  	[tilespmem:s2+$0xFFFFFFE0] =	vst v5  }
0x1dc: {  	s1 =	rddreg [dreg:$0xe]  }
0x1dd: {  	[spmem:s1] =	stream.strided.scatter [tilespmem:s25], [sflag:$0x3], $0x800, s10, s8, $0x38;
	[tilespmem:$0xB000] =	vst v63  }
0x1de: {  	_ =	swait.ge [sflag:s22], $0x800  }
0x1df: {  	[sflag:s22] =	ssyncset.done $0x0  }
0x1e0: {  	[sflag:s22] =	ssyncadd.s32 $0xFFFFF800  }
0x1e1: {  	[bflag:$0x0] =	sbarrier.arrive $0xFFFF  }
0x1e2: {  	s31 =	sld [smem:$0x7FB];
	_ =	sdelay $0x2  }
0x1e3: {  	p0 =	seq.s32 s31, $0x1  }
.Ltmp15:
0x1e4: {  	_ = 	snop;
	(pc) =	sbr.rel @p0 .LBB2_25-.Ltmp15, $1  }
0x1e5: {  	_ =	sdelay $0x3  }
0x1e6: {  	s1 =	rddreg [dreg:$0x10];
	s2 =	simm.s32 $0x2000  }
0x1e7: {  	[tilespmem:s2], [sflag:$0x3] =	stream.strided.gather [spmem:s1], $0x800, s10, s8, $0x38;
	[tilespmem:$0xB000] =	vst v63  }
0x1e8: {  	_ =	swait.ge [sflag:s22], $0x800  }
0x1e9: {  	[sflag:s22] =	ssyncset.done $0x0  }
0x1ea: {  	s2 =	simm.s32 $0x1820;
	[sflag:s22] =	ssyncadd.s32 $0xFFFFF800  }
0x1eb: {  	s3 =	simm.s32 $0x2020;
	v9 =	vld [tilespmem:s2+$0x10]  }
0x1ec: {  	v10 =	vld [tilespmem:s3+$0x10]  }
0x1ed: {  	v6 =	vld [tilespmem:s3+$0xFFFFFFE0]  }
0x1ee: {  	v4 =	vld [tilespmem:s2+$0xFFFFFFF0]  }
0x1ef: {  	v7 =	vld [tilespmem:s3+$0xFFFFFFF0]  }
0x1f0: {  	v5 =	vld [tilespmem:s2+$0x0]  }
0x1f1: {  	v8 =	vld [tilespmem:s3+$0x0];
	v10 =	vadd.s32 v9, v10  }
0x1f2: {  	s4 =	simm.s32 $0x0;
	s5 =	simm.s32 $0x1860;
	v9 =	vld [tilespmem:s2+$0xFFFFFFE0];
	[tilespmem:s2+$0x10] =	vst v10  }
.LBB2_31:
0x1f3: {  	v10 =	vld [tilespmem:s5+$0x10];
	s3 =	sadd.s32 $0x40, s3  }
0x1f4: {  	s4 =	sadd.s32 $0x40, s4;
	v11 =	vld [tilespmem:s3+$0x10];
	v4 =	vadd.s32 v4, v7  }
0x1f5: {  	p2 =	slt.u32 s4, $0x7C0;
	v12 =	vld [tilespmem:s3+$0xFFFFFFE0];
	[tilespmem:s2+$0xFFFFFFF0] =	vst v4  }
.Ltmp16:
0x1f6: {  	v4 =	vld [tilespmem:s5+$0xFFFFFFF0];
	v5 =	vadd.s32 v5, v8;
	(pc) =	sbr.rel @p2 .LBB2_31-.Ltmp16, $4  }
0x1f7: {  	v7 =	vld [tilespmem:s3+$0xFFFFFFF0];
	v6 =	vadd.s32 v9, v6;
	[tilespmem:s2+$0x0] =	vst v5  }
0x1f8: {  	v5 =	vld [tilespmem:s5+$0x0];
	[tilespmem:s2+$0xFFFFFFE0] =	vst v6;
	s2 =	smov.u32 s5  }
0x1f9: {  	v8 =	vld [tilespmem:s3+$0x0];
	v10 =	vadd.s32 v10, v11  }
0x1fa: {  	s5 =	sadd.s32 $0x40, s5;
	v9 =	vld [tilespmem:s2+$0xFFFFFFE0];
	[tilespmem:s2+$0x10] =	vst v10;
	v6 =	vmov v12  }
0x1fb: {  	_ =	sdelay $0x1  }
0x1fc: {  	v4 =	vadd.s32 v4, v7  }
0x1fd: {  	[tilespmem:s2+$0xFFFFFFF0] =	vst v4;
	v4 =	vadd.s32 v5, v8  }
0x1fe: {  	v5 =	vadd.s32 v9, v6;
	[tilespmem:s2+$0x0] =	vst v4  }
0x1ff: {  	[tilespmem:s2+$0xFFFFFFE0] =	vst v5  }
0x200: {  	s1 =	rddreg [dreg:$0xe]  }
0x201: {  	[spmem:s1] =	stream.strided.scatter [tilespmem:s25], [sflag:$0x3], $0x800, s10, s8, $0x38;
	[tilespmem:$0xB000] =	vst v63  }
0x202: {  	_ =	swait.ge [sflag:s22], $0x800  }
0x203: {  	[sflag:s22] =	ssyncset.done $0x0  }
0x204: {  	[sflag:s22] =	ssyncadd.s32 $0xFFFFF800  }
0x205: {  	[bflag:$0x0] =	sbarrier.arrive $0xFFFF  }
0x206: {  	s31 =	sld [smem:$0x7FC];
	_ =	sdelay $0x2  }
0x207: {  	p0 =	seq.s32 s31, $0x1  }
.Ltmp17:
0x208: {  	_ = 	snop;
	(pc) =	sbr.rel @p0 .LBB2_26-.Ltmp17, $1  }
0x209: {  	_ =	sdelay $0x3  }
0x20a: {  	s1 =	rddreg [dreg:$0x11];
	s2 =	simm.s32 $0x2000  }
0x20b: {  	[tilespmem:s2], [sflag:$0x3] =	stream.strided.gather [spmem:s1], $0x800, s10, s8, $0x38;
	[tilespmem:$0xB000] =	vst v63  }
0x20c: {  	_ =	swait.ge [sflag:s22], $0x800  }
0x20d: {  	[sflag:s22] =	ssyncset.done $0x0  }
0x20e: {  	s2 =	simm.s32 $0x1820;
	[sflag:s22] =	ssyncadd.s32 $0xFFFFF800  }
0x20f: {  	s3 =	simm.s32 $0x2020;
	v9 =	vld [tilespmem:s2+$0x10]  }
0x210: {  	v10 =	vld [tilespmem:s3+$0x10]  }
0x211: {  	v6 =	vld [tilespmem:s3+$0xFFFFFFE0]  }
0x212: {  	v4 =	vld [tilespmem:s2+$0xFFFFFFF0]  }
0x213: {  	v7 =	vld [tilespmem:s3+$0xFFFFFFF0]  }
0x214: {  	v5 =	vld [tilespmem:s2+$0x0]  }
0x215: {  	v8 =	vld [tilespmem:s3+$0x0];
	v10 =	vadd.s32 v9, v10  }
0x216: {  	s4 =	simm.s32 $0x0;
	s5 =	simm.s32 $0x1860;
	v9 =	vld [tilespmem:s2+$0xFFFFFFE0];
	[tilespmem:s2+$0x10] =	vst v10  }
.LBB2_34:
0x217: {  	v10 =	vld [tilespmem:s5+$0x10];
	s3 =	sadd.s32 $0x40, s3  }
0x218: {  	s4 =	sadd.s32 $0x40, s4;
	v11 =	vld [tilespmem:s3+$0x10];
	v4 =	vadd.s32 v4, v7  }
0x219: {  	p2 =	slt.u32 s4, $0x7C0;
	v12 =	vld [tilespmem:s3+$0xFFFFFFE0];
	[tilespmem:s2+$0xFFFFFFF0] =	vst v4  }
.Ltmp18:
0x21a: {  	v4 =	vld [tilespmem:s5+$0xFFFFFFF0];
	v5 =	vadd.s32 v5, v8;
	(pc) =	sbr.rel @p2 .LBB2_34-.Ltmp18, $4  }
0x21b: {  	v7 =	vld [tilespmem:s3+$0xFFFFFFF0];
	v6 =	vadd.s32 v9, v6;
	[tilespmem:s2+$0x0] =	vst v5  }
0x21c: {  	v5 =	vld [tilespmem:s5+$0x0];
	[tilespmem:s2+$0xFFFFFFE0] =	vst v6;
	s2 =	smov.u32 s5  }
0x21d: {  	v8 =	vld [tilespmem:s3+$0x0];
	v10 =	vadd.s32 v10, v11  }
0x21e: {  	s5 =	sadd.s32 $0x40, s5;
	v9 =	vld [tilespmem:s2+$0xFFFFFFE0];
	[tilespmem:s2+$0x10] =	vst v10;
	v6 =	vmov v12  }
0x21f: {  	_ =	sdelay $0x1  }
0x220: {  	v4 =	vadd.s32 v4, v7  }
0x221: {  	[tilespmem:s2+$0xFFFFFFF0] =	vst v4;
	v4 =	vadd.s32 v5, v8  }
0x222: {  	v5 =	vadd.s32 v9, v6;
	[tilespmem:s2+$0x0] =	vst v4  }
0x223: {  	[tilespmem:s2+$0xFFFFFFE0] =	vst v5  }
0x224: {  	s1 =	rddreg [dreg:$0xe]  }
0x225: {  	[spmem:s1] =	stream.strided.scatter [tilespmem:s25], [sflag:$0x3], $0x800, s10, s8, $0x38;
	[tilespmem:$0xB000] =	vst v63  }
0x226: {  	_ =	swait.ge [sflag:s22], $0x800  }
0x227: {  	[sflag:s22] =	ssyncset.done $0x0  }
0x228: {  	[sflag:s22] =	ssyncadd.s32 $0xFFFFF800  }
0x229: {  	[bflag:$0x0] =	sbarrier.arrive $0xFFFF  }
0x22a: {  	s31 =	sld [smem:$0x7FD];
	_ =	sdelay $0x2  }
0x22b: {  	p0 =	seq.s32 s31, $0x1  }
.Ltmp19:
0x22c: {  	_ = 	snop;
	(pc) =	sbr.rel @p0 .LBB2_37-.Ltmp19, $1  }
0x22d: {  	_ =	sdelay $0x3  }
.Ltmp20:
0x22e: {  	(pc) =	sbr.rel .LBB2_40-.Ltmp20, $2  }
0x22f: {  	_ =	sdelay $0x1  }
0x230: {  	[bflag:$0x0] =	sbarrier.arrive $0xFFFF;
	_ =	sdelay $0x1  }
.LBB2_37:
0x231: {  	s1 =	rddreg [dreg:$0x12];
	s2 =	simm.s32 $0x2000  }
0x232: {  	[tilespmem:s2], [sflag:$0x3] =	stream.strided.gather [spmem:s1], $0x800, s10, s8, $0x38;
	[tilespmem:$0xB000] =	vst v63  }
0x233: {  	_ =	swait.ge [sflag:s22], $0x800  }
0x234: {  	[sflag:s22] =	ssyncset.done $0x0  }
0x235: {  	s2 =	simm.s32 $0x1820;
	[sflag:s22] =	ssyncadd.s32 $0xFFFFF800  }
0x236: {  	s3 =	simm.s32 $0x2020;
	v9 =	vld [tilespmem:s2+$0x10]  }
0x237: {  	v10 =	vld [tilespmem:s3+$0x10]  }
0x238: {  	v6 =	vld [tilespmem:s3+$0xFFFFFFE0]  }
0x239: {  	v4 =	vld [tilespmem:s2+$0xFFFFFFF0]  }
0x23a: {  	v7 =	vld [tilespmem:s3+$0xFFFFFFF0]  }
0x23b: {  	v5 =	vld [tilespmem:s2+$0x0]  }
0x23c: {  	v8 =	vld [tilespmem:s3+$0x0];
	v10 =	vadd.s32 v9, v10  }
0x23d: {  	s4 =	simm.s32 $0x0;
	s5 =	simm.s32 $0x1860;
	v9 =	vld [tilespmem:s2+$0xFFFFFFE0];
	[tilespmem:s2+$0x10] =	vst v10  }
.LBB2_38:
0x23e: {  	v10 =	vld [tilespmem:s5+$0x10];
	s3 =	sadd.s32 $0x40, s3  }
0x23f: {  	s4 =	sadd.s32 $0x40, s4;
	v11 =	vld [tilespmem:s3+$0x10];
	v4 =	vadd.s32 v4, v7  }
0x240: {  	p2 =	slt.u32 s4, $0x7C0;
	v12 =	vld [tilespmem:s3+$0xFFFFFFE0];
	[tilespmem:s2+$0xFFFFFFF0] =	vst v4  }
.Ltmp21:
0x241: {  	v4 =	vld [tilespmem:s5+$0xFFFFFFF0];
	v5 =	vadd.s32 v5, v8;
	(pc) =	sbr.rel @p2 .LBB2_38-.Ltmp21, $4  }
0x242: {  	v7 =	vld [tilespmem:s3+$0xFFFFFFF0];
	v6 =	vadd.s32 v9, v6;
	[tilespmem:s2+$0x0] =	vst v5  }
0x243: {  	v5 =	vld [tilespmem:s5+$0x0];
	[tilespmem:s2+$0xFFFFFFE0] =	vst v6;
	s2 =	smov.u32 s5  }
0x244: {  	v8 =	vld [tilespmem:s3+$0x0];
	v10 =	vadd.s32 v10, v11  }
0x245: {  	s5 =	sadd.s32 $0x40, s5;
	v9 =	vld [tilespmem:s2+$0xFFFFFFE0];
	[tilespmem:s2+$0x10] =	vst v10;
	v6 =	vmov v12  }
0x246: {  	_ =	sdelay $0x1  }
0x247: {  	v4 =	vadd.s32 v4, v7  }
0x248: {  	[tilespmem:s2+$0xFFFFFFF0] =	vst v4;
	v4 =	vadd.s32 v5, v8  }
0x249: {  	v5 =	vadd.s32 v9, v6;
	[tilespmem:s2+$0x0] =	vst v4  }
0x24a: {  	[tilespmem:s2+$0xFFFFFFE0] =	vst v5  }
0x24b: {  	s1 =	rddreg [dreg:$0xe]  }
0x24c: {  	[spmem:s1] =	stream.strided.scatter [tilespmem:s25], [sflag:$0x3], $0x800, s10, s8, $0x38;
	[tilespmem:$0xB000] =	vst v63  }
0x24d: {  	_ =	swait.ge [sflag:s22], $0x800  }
0x24e: {  	[sflag:s22] =	ssyncset.done $0x0  }
0x24f: {  	[sflag:s22] =	ssyncadd.s32 $0xFFFFF800  }
0x250: {  	[bflag:$0x0] =	sbarrier.arrive $0xFFFF  }
.Ltmp22:
0x251: {  	s31 =	simm.s32 $0x100;
	s30 =	rddreg [dreg:$0x13];
	(pc) =	sbr.rel .LBB2_40-.Ltmp22, $4  }
0x252: {  	[hbm4b:s30+s8] =	stream.strided.scatter [tilespmem:s25], [sflag:$0x3], $0x800, s31, s8, $0x38;
	[tilespmem:$0xB000] =	vst v63  }
0x253: {  	_ =	swait.ge [sflag:s22], $0x800  }
0x254: {  	[sflag:s22] =	ssyncset.done $0x0  }
0x255: {  	[sflag:s22] =	ssyncadd.s32 $0xFFFFF800  }
.LBB2_41:
0x256: {  	_ =	sfence.sel $0x180000  }
0x257: {  	[bflag:$0x0] =	sbarrier.arrive $0xFFFF  }
0x258: {  	_ =	strace $0x9000004D  }
0x259: {  	s0 =	stileid.u32;
	[bflag:$0x2] =	sbarrier.arrive $0xFFFF  }
0x25a: {  	p0 =	sne.s32 s0, $0x0;
	s0 =	rddreg [dreg:$0x3]  }
0x25b: {  	s0 =	sadd.s32 @!p0 $0x100000, s0  }
0x25c: {  	[sflag:s0] =	ssyncadd.tile.s32 @!p0 $0x1;
	_ =	shalt  }
.Lfunc_end2:
_tile_overlayer_lowered:
.L_overlay_start_2:
0x25d: {  	(tag) =	ssettag $0x2  }
0x25e: {  	s0 =	rddreg [dreg:$0x0];
	s2 =	stileid.u32  }
0x25f: {  	s1 =	rddreg [dreg:$0x1];
	p0 =	sne.s32 s2, $0x0  }
0x260: {  	s3 =	rddreg [dreg:$0x2];
	[bflag:$0x3] =	sbarrier.arrive $0xFFFF;
	s2 =	simm.s32 @!p0 $0x1C03  }
0x261: {  	[timem:s3], [sflag:s2] =	dma.local @!p0 [hbm:s0], s1  }
0x262: {  	s0 =	simm.s32 @!p0 $0x3  }
0x263: {  	_ =	swait.ge @!p0 [sflag:s0], s1  }
0x264: {  	s1 =	ssub.s32 @!p0 $0x0, s1;
	[sflag:s0] =	ssyncset.done @!p0 $0x0  }
0x265: {  	[sflag:s0] =	ssyncadd.s32 @!p0 s1  }
0x266: {  	[bflag:$0x3] =	sbarrier.arrive $0xFFFF  }
0x267: {  	_ =	shalt  }

// kernel: kernel.6.cloned.1.call-start
scs
__scs_entry_jumppad:
0x0: {  	(pc) =	sbr.rel $0x88, $3  }
0x1: {  	(tag) =	ssettag $0x0;
	lr =	simm.s32 $0x1  }
0x2: {  	[smem:$0x3FA0] =	sst lr;
	_ =	strace $0xD0000000  }
0x3: {  	_ = 	snop  }
0x4: {  	_ = 	snop  }
0x5: {  	_ = 	snop  }
0x6: {  	_ = 	snop  }
0x7: {  	_ = 	snop  }
__scs_overlays_trampoline_lowered:
0x8: {  	[smem:$0x3FAF] =	sst s0  }
0x9: {  	[smem:$0x3FB0] =	sst s1  }
0xa: {  	[smem:$0x3FB1] =	sst s2  }
0xb: {  	[smem:$0x3FB2] =	sst s3  }
0xc: {  	[smem:$0x3FB3] =	sst s4  }
0xd: {  	[smem:$0x3FB4] =	sst s5  }
0xe: {  	[smem:$0x3FB5] =	sst s6  }
0xf: {  	[smem:$0x3FB6] =	sst s7  }
0x10: {  	[smem:$0x3FB7] =	sst s8  }
0x11: {  	[smem:$0x3FB8] =	sst s9;
	s0 =	simm.s32 @!p0 $0x0  }
0x12: {  	s1 =	sld [smem:$0x3F9E];
	s0 =	simm.s32 @p0 $0x1  }
0x13: {  	[smem:$0x3FB9] =	sst s0;
	s0 =	simm.s32 @!p1 $0x0  }
0x14: {  	s2 =	sld [smem:$0x3F9D];
	s0 =	simm.s32 @p1 $0x1  }
0x15: {  	[smem:$0x3FBA] =	sst s0;
	s0 =	simm.s32 @!p2 $0x0  }
0x16: {  	s3 =	sld [smem:$0x3FDB];
	s0 =	simm.s32 @p2 $0x1  }
0x17: {  	s4 =	simm.s32 $0x1BF5;
	[smem:$0x3FBC] =	sst s0  }
0x18: {  	s0 =	sld [smem:$0x3F9F];
	_ =	swait.ge [sflag:s4], $0x0  }
0x19: {  	s7 =	sld [smem:$0x3FA0]  }
0x1a: {  	s8 =	sadd.s32 $0xFFFFE003, lr  }
0x1b: {  	s9 =	sadd.s32 $0xFFFFFEF7, lr;
	s5 =	simm.s32 $0xFFFFFFFF;
	p2 =	slt.u32 s8, $0xFFFFF086  }
0x1c: {  	p1 =	slt.u32 s9, $0xF7A;
	s5 =	simm.s32 @!p2 $0x0  }
0x1d: {  	s5 =	simm.s32 @p1 $0x1;
	p0 =	seq.s32 s7, s2  }
0x1e: {  	s7 =	smul.u32 @!p0 $0xF7A, s2;
	p2 =	seq.s32 @!p0 s5, $0x0  }
0x1f: {  	s9 =	smul.u32 $0xF7A, s1;
	s8 =	simm.s32 @!p0 $0x1BF5;
	p2 =	por !p2, p0  }
0x20: {  	[sflag:s8] =	ssyncset.s32 @!p0 $0xFFFFF086;
	s6 =	sadd.s32 @!p0 s3, s7;
	s7 =	simm.s32 @!p0 $0x108  }
0x21: {  	s3 =	sadd.s32 s3, s9;
	s6 =	sadd.s32 @!p0 $0x88, s6;
	s7 =	simm.s32 @p2 $0x1082  }
0x22: {  	[simem:s7], [sflag:s8] =	dma.local @!p0 [hbm:s6], $0xF7A  }
0x23: {  	s9 =	sor.u32 $0xD0000000, s2;
	s6 =	simm.s32 $0x108;
	_ =	swait.ge @!p0 [sflag:s8], $0x0  }
0x24: {  	s3 =	sadd.s32 $0x88, s3;
	s6 =	simm.s32 @!p1 $0x1082;
	[sflag:s4] =	ssyncset.s32 $0xFFFFF086  }
0x25: {  	[simem:s6], [sflag:s4] =	dma.local [hbm:s3], $0xF7A  }
0x26: {  	[smem:$0x3FA0] =	sst s1;
	(tag) =	ssettag s2;
	_ =	strace s9  }
0x27: {  	s1 =	sld [smem:$0x3FB0]  }
0x28: {  	s2 =	sld [smem:$0x3FB1]  }
0x29: {  	s4 =	sld [smem:$0x3FB3]  }
0x2a: {  	p0 =	seq.s32 s5, $0x0;
	s5 =	sld [smem:$0x3FB4]  }
0x2b: {  	s6 =	sld [smem:$0x3FB5]  }
0x2c: {  	s7 =	sld [smem:$0x3FB6]  }
0x2d: {  	s3 =	simm.s32 $0x108;
	s8 =	sld [smem:$0x3FB7]  }
0x2e: {  	s3 =	simm.s32 @!p0 $0x1082;
	s9 =	sld [smem:$0x3FB8]  }
0x2f: {  	lr =	sadd.s32 s0, s3;
	s0 =	sld [smem:$0x3FAF]  }
0x30: {  	s3 =	sld [smem:$0x3FB2]  }
0x31: {  	[smem:$0x3FBB] =	sst s10  }
0x32: {  	s10 =	sld [smem:$0x3FB9];
	_ =	sdelay $0x3  }
0x33: {  	p0 =	seq.s32 s10, $0x1;
	s10 =	sld [smem:$0x3FBB];
	_ =	sdelay $0x3  }
0x34: {  	[smem:$0x3FBB] =	sst s10  }
0x35: {  	s10 =	sld [smem:$0x3FBA];
	_ =	sdelay $0x3  }
0x36: {  	p1 =	seq.s32 s10, $0x1;
	s10 =	sld [smem:$0x3FBB];
	_ =	sdelay $0x3  }
0x37: {  	[smem:$0x3FBB] =	sst s10  }
0x38: {  	s10 =	sld [smem:$0x3FBC]  }
0x39: {  	_ = 	snop;
	(pc) =	sbr.ind lr, $3  }
0x3a: {  	_ = 	snop  }
0x3b: {  	_ = 	snop  }
0x3c: {  	p2 =	seq.s32 s10, $0x1;
	s10 =	sld [smem:$0x3FBB]  }
0x3d: {  	_ =	shalt  }
0x3e: {  	_ =	shalt  }
0x3f: {  	_ =	shalt  }
0x40: {  	_ =	shalt  }
0x41: {  	_ =	shalt  }
0x42: {  	_ =	shalt  }
0x43: {  	_ =	shalt  }
0x44: {  	_ =	shalt  }
0x45: {  	_ =	shalt  }
0x46: {  	_ =	shalt  }
0x47: {  	_ =	shalt  }
0x48: {  	_ =	shalt  }
0x49: {  	_ =	shalt  }
0x4a: {  	_ =	shalt  }
0x4b: {  	_ =	shalt  }
0x4c: {  	_ =	shalt  }
0x4d: {  	_ =	shalt  }
0x4e: {  	_ =	shalt  }
0x4f: {  	_ =	shalt  }
0x50: {  	_ =	shalt  }
0x51: {  	_ =	shalt  }
0x52: {  	_ =	shalt  }
0x53: {  	_ =	shalt  }
0x54: {  	_ =	shalt  }
0x55: {  	_ =	shalt  }
0x56: {  	_ =	shalt  }
0x57: {  	_ =	shalt  }
0x58: {  	_ =	shalt  }
0x59: {  	_ =	shalt  }
0x5a: {  	_ =	shalt  }
0x5b: {  	_ =	shalt  }
0x5c: {  	_ =	shalt  }
0x5d: {  	_ =	shalt  }
0x5e: {  	_ =	shalt  }
0x5f: {  	_ =	shalt  }
0x60: {  	_ =	shalt  }
0x61: {  	_ =	shalt  }
0x62: {  	_ =	shalt  }
0x63: {  	_ =	shalt  }
0x64: {  	_ =	shalt  }
0x65: {  	_ =	shalt  }
0x66: {  	_ =	shalt  }
0x67: {  	_ =	shalt  }
0x68: {  	_ =	shalt  }
0x69: {  	_ =	shalt  }
0x6a: {  	_ =	shalt  }
0x6b: {  	_ =	shalt  }
0x6c: {  	_ =	shalt  }
0x6d: {  	_ =	shalt  }
0x6e: {  	_ =	shalt  }
0x6f: {  	_ =	shalt  }
0x70: {  	_ =	shalt  }
0x71: {  	_ =	shalt  }
0x72: {  	_ =	shalt  }
0x73: {  	_ =	shalt  }
0x74: {  	_ =	shalt  }
0x75: {  	_ =	shalt  }
0x76: {  	_ =	shalt  }
0x77: {  	_ =	shalt  }
0x78: {  	_ =	shalt  }
0x79: {  	_ =	shalt  }
0x7a: {  	_ =	shalt  }
0x7b: {  	_ =	shalt  }
0x7c: {  	_ =	shalt  }
0x7d: {  	_ =	shalt  }
0x7e: {  	_ =	shalt  }
0x7f: {  	_ =	shalt  }
0x80: {  	_ =	shalt  }
0x81: {  	_ =	shalt  }
0x82: {  	_ =	shalt  }
0x83: {  	_ =	shalt  }
0x84: {  	_ =	shalt  }
0x85: {  	_ =	shalt  }
0x86: {  	_ =	shalt  }
0x87: {  	_ =	shalt  }
.Lfunc_end0:
.L_simem_size_0:
called_computation_lowered:
.L_overlay_start_0:
0x88: {  	s2 =	sld [smem:$0x3FD9]  }
0x89: {  	s3 =	sld [smem:$0x3FFE];
	_ =	sdelay $0x1  }
0x8a: {  	s1 =	srdreg.scid  }
0x8b: {  	s0 =	sand.u32 $0x1, s1  }
0x8c: {  	s17 =	sshll.u32 s0, $0xA;
	s2 =	sadd.s32 s3, s2  }
0x8d: {  	s2 =	sadd.s32 s2, s17  }
0x8e: {  	[smem:$0x3FC7] =	sst s2  }
0x8f: {  	_ = 	snop  }
0x90: {  	s2 =	sld [smem:$0x3FC9]  }
0x91: {  	s18 =	sld [smem:$0x3FD0];
	(tm) =	ssettm $0x1  }
0x92: {  	s4 =	sld [smem:$0x3FFB];
	_ =	sdelay $0x3  }
0x93: {  	_ =	strace s4  }
0x94: {  	s4 =	sld [smem:$0x3FFC];
	_ =	sdelay $0x3  }
0x95: {  	_ =	strace s4  }
0x96: {  	s4 =	sld [smem:$0x3FFD];
	_ =	sdelay $0x3  }
0x97: {  	_ =	strace s4  }
0x98: {  	_ =	strace $0x8FFFFFFF  }
0x99: {  	s19 =	sld [smem:$0x3FDB];
	_ =	sdelay $0x1  }
0x9a: {  	s5 =	simm.s32 $_scs_section_size  }
0x9b: {  	s6 =	simm.s32 $_size__tile_overlayer_lowered;
	s7 =	simm.s32 $_tile_overlayer_lowered  }
0x9c: {  	s22 =	simm.s32 $0x1BFF;
	s21 =	sshll.u32 s7, $0x1;
	s4 =	sadd.s32 s5, s19  }
0x9d: {  	s8 =	simm.s32 $0x0;
	s20 =	sshll.u32 s6, $0x1;
	s6 =	sadd.s32 s21, s4  }
0x9e: {  	[timem:s8], [sflag:s22] =	dma.local [hbm:s6], s20  }
0x9f: {  	_ =	swait.ge [sflag:s22], s20  }
0xa0: {  	s5 =	ssub.s32 $0x0, s20;
	[sflag:s22] =	ssyncset.done $0x0  }
0xa1: {  	[sflag:s22] =	ssyncadd.s32 s5;
	_ =	sdelay $0x1  }
0xa2: {  	s23 =	simm.s32 $0x1B8B  }
0xa3: {  	_ =	swait.ge [sflag:s23], $0x1  }
0xa4: {  	[sflag:s23] =	ssyncset.done $0x0  }
0xa5: {  	s25 =	simm.s32 $0x1B8E;
	s24 =	sld [smem:$0x3FFE];
	[sflag:s23] =	ssyncadd.s32 $0xFFFFFFFF  }
0xa6: {  	s26 =	simm.s32 $execute0_lowered;
	[smem:$0x3FD2] =	sst s25  }
0xa7: {  	s6 =	sshll.u32 s26, $0x1;
	_ =	strace $0x80000046;
	[dreg:$0x1] =	wrdreg $0xFFFFFFFF  }
0xa8: {  	s28 =	simm.s32 $_size_execute0_lowered;
	s4 =	sadd.s32 s4, s6;
	[dreg:$0x0] =	wrdreg $0x0  }
0xa9: {  	s6 =	sshll.u32 s28, $0x1;
	[dreg:$0x2] =	wrdreg s4  }
0xaa: {  	[dreg:$0x3] =	wrdreg s6  }
0xab: {  	[dreg:$0x4] =	wrdreg $0xC0  }
0xac: {  	_ =	task [dreg:s8], $0x5FFFF  }
0xad: {  	[dreg:$0x1] =	wrdreg $0xFFFFFFFF  }
0xae: {  	[dreg:$0x0] =	wrdreg $0x60  }
0xaf: {  	[dreg:$0x2] =	wrdreg s2  }
0xb0: {  	[dreg:$0x3] =	wrdreg s24  }
0xb1: {  	[dreg:$0x4] =	wrdreg s18  }
0xb2: {  	[dreg:$0x5] =	wrdreg $0x88000  }
0xb3: {  	[dreg:$0x6] =	wrdreg $0x9  }
0xb4: {  	_ =	task.clear_ibuf [dreg:s8], $0x7FFFF;
	_ =	strace $0x90000046  }
0xb5: {  	s29 =	simm.s32 $0x9;
	_ =	strace $0x80000048  }
0xb6: {  	_ =	swait.ge [sflag:s29], $0x1  }
0xb7: {  	[sflag:s29] =	ssyncadd.s32 $0xFFFFFFFF  }
0xb8: {  	_ =	strace $0x90000048  }
0xb9: {  	_ =	sfence  }
0xba: {  	s30 =	sld [smem:$0x0];
	_ =	sdelay $0x2  }
0xbb: {  	s31 =	sshll.u32 s1, $0xD;
	s1 =	sshrl.u32 s1, $0x2  }
0xbc: {  	s3 =	sand.u32 $0x4000, s31;
	s1 =	sadd.s32 s1, s30  }
0xbd: {  	s0 =	sor.u32 s3, s0;
	s1 =	sshll.u32 s1, $0x11  }
0xbe: {  	s0 =	sor.u32 s1, s0  }
0xbf: {  	s0 =	sadd.s32 $0x8F2B, s0  }
0xc0: {  	[sflag:s0] =	ssyncadd.remote.s32 $0x1  }
0xc1: {  	_ =	sfence.sel $0xFFFF  }
0xc2: {  	[dreg:$0x0] =	wrdreg $0xFFFFFFFF;
	(pc) =	sbr.abs _section_cstart, $3  }
0xc3: {  	[dreg:$0x1] =	wrdreg $0xFFFFFFFF  }
0xc4: {  	_ =	task.clear_ibuf [dreg:s8], $0x2FFFF;
	_ =	strace $0x9FFFFFFF  }
0xc5: {  	(tm) =	ssettm $0x7FFFFFFF  }
tec
execute0_lowered:
.L_overlay_start_1:
0x0: {  	(tag) =	ssettag $0x1  }
0x1: {  	s0 =	rddreg [dreg:$0x0]  }
0x2: {  	s1 =	rddreg [dreg:$0x1]  }
0x3: {  	s2 =	srdreg.scid;
	s4 =	rddreg [dreg:$0x2]  }
0x4: {  	s5 =	rddreg [dreg:$0x3];
	s20 =	stileid.u32  }
0x5: {  	s28 =	simm.s32 $0x1;
	s29 =	simm.s32 $0x8C00;
	s30 =	simm.s32 $0x2  }
0x6: {  	s31 =	simm.s32 $0xCC00;
	s3 =	sand.u32 $0x1, s2;
	s2 =	simm.s32 $0x0  }
0x7: {  	s16 =	sshll.u32 s20, $0x9;
	s22 =	sshll.u32 s20, $0x7;
	s18 =	sshll.u32 s20, $0xA  }
0x8: {  	s25 =	sadd.s32 $0x80, s5;
	p0 =	slt.u32 s20, $0x8;
	p1 =	sgt.u32 s20, $0x3  }
0x9: {  	p2 =	sgt.u32 s20, $0x1;
	p3 =	seq.s32 s20, $0x0;
	s6 =	sshll.u32 s3, $0x4  }
0xa: {  	[smem:$0x7FF] =	sst s2;
	s3 =	ssub.s32 $0x2, s3;
	s18 =	sand.u32 $0x2000, s18  }
0xb: {  	s7 =	sor.u32 s20, s6;
	_ =	strace $0x80000047;
	s1 =	sadd.s32 s6, s1  }
0xc: {  	s21 =	sshrl.u32 s3, $0x1;
	[dreg:$0x9] =	wrdreg s25;
	s25 =	simm.s32 $0x800  }
0xd: {  	s20 =	simm.s32 $0x4;
	s8 =	sshll.u32 s7, $0x11;
	s7 =	sshll.u32 s7, $0xE  }
0xe: {  	s17 =	ssub.s32 s3, s21;
	s26 =	sadd.s32 $0x2600, s1;
	s21 =	simm.s32 $0x5  }
0xf: {  	s1 =	simm.s32 $0x0;
	s8 =	sor.u32 s16, s8;
	s4 =	sadd.s32 s4, s7  }
0x10: {  	s16 =	sshrl.u32 s16, $0x2;
	[dreg:$0xa] =	wrdreg s26;
	s26 =	simm.s32 $0x4800  }
0x11: {  	s19 =	sand.u32 $0x3C0200, s8;
	s7 =	sadd.s32 $0x800, s4;
	s8 =	sadd.s32 $0x1000, s4  }
0x12: {  	s10 =	sadd.s32 $0x1800, s4;
	s11 =	sadd.s32 $0x2000, s4;
	s13 =	sadd.s32 $0x2800, s4  }
0x13: {  	s14 =	sadd.s32 $0x3000, s4;
	s6 =	sshrl.u32 s19, $0x3;
	s19 =	sadd.s32 s16, s5  }
0x14: {  	s15 =	sadd.s32 $0x3800, s4;
	s3 =	sadd.s32 s0, s6;
	s23 =	sadd.s32 $0x200, s19  }
0x15: {  	s24 =	sadd.s32 $0x100, s19;
	s0 =	sadd.s32 $0x4000, s3;
	s6 =	sadd.s32 $0x10, s3  }
.Ltmp0:
0x16: {  	s9 =	sadd.s32 $0x20, s3;
	[dreg:$0x7] =	wrdreg s23;
	(pc) =	sbr.rel .LBB2_1-.Ltmp0, $4  }
0x17: {  	s12 =	sadd.s32 $0x30, s3;
	[dreg:$0x5] =	wrdreg s0;
	s0 =	sand.u32 $0x380, s22  }
0x18: {  	[dreg:$0x8] =	wrdreg s24;
	s23 =	simm.s32 $0x80;
	s0 =	sadd.s32 s0, s5  }
0x19: {  	s24 =	simm.s32 $0x400;
	s16 =	sadd.s32 s18, s0;
	s0 =	sadd.s32 $0x2000, s0  }
0x1a: {  	v0 =	vimm.s32 $0x0;
	v1 =	vimm.s32 $0x1;
	s22 =	smax.u32 s17, $0x1;
	[dreg:$0x6] =	wrdreg s0;
	s0 =	simm.s32 $0x3  }
.LBB2_20:
0x1b: {  	[bflag:$0x0] =	sbarrier.arrive $0xFFFF  }
.LBB2_21:
0x1c: {  	[bflag:$0x0] =	sbarrier.arrive $0xFFFF  }
.LBB2_22:
0x1d: {  	[bflag:$0x0] =	sbarrier.arrive $0xFFFF  }
0x1e: {  	[bflag:$0x0] =	sbarrier.arrive $0xFFFF  }
.LBB2_36:
0x1f: {  	s1 =	sadd.s32 $0x1, s1  }
0x20: {  	p4 =	sne.s32 s1, s22  }
.Ltmp1:
0x21: {  	_ = 	snop;
	(pc) =	sbr.rel @!p4 .LBB2_37-.Ltmp1, $1  }
0x22: {  	_ =	sdelay $0x3  }
.LBB2_1:
0x23: {  	[tilespmem:s25], [sflag:$0x1] =	stream.strided.gather [hbm4b:s3+s23], $0x4000, s24, s23, $0x38;
	[tilespmem:$0x10C00] =	vst v63  }
0x24: {  	s5 =	rddreg [dreg:$0x5]  }
0x25: {  	[tilespmem:s26], [sflag:$0x2] =	stream.strided.gather [hbm4b:s5+s23], $0x4000, s24, s23, $0x38;
	[tilespmem:$0x10C00] =	vst v63  }
0x26: {  	s17 =	simm.s32 $0x0;
	s5 =	simm.s32 $0x40  }
.LBB2_2:
0x27: {  	p4 =	sne.s32 s5, $0xFC0;
	[tilespmem:s17+$0x0] =	vst v0;
	s17 =	smov.u32 s5;
	s5 =	sadd.s32 $0x40, s5  }
.Ltmp2:
0x28: {  	(pc) =	sbr.rel @p4 .LBB2_2-.Ltmp2, $2  }
0x29: {  	_ =	sdelay $0x2  }
0x2a: {  	s17 =	sshra.s32 s17, $0x2  }
0x2b: {  	[tilespmem:s17+$0x0] =	vst v0  }
0x2c: {  	_ =	swait.ge [sflag:s28], $0x4000  }
0x2d: {  	[sflag:s28] =	ssyncset.done $0x0  }
0x2e: {  	s5 =	simm.s32 $0x820;
	[sflag:s28] =	ssyncadd.s32 $0xFFFFC000  }
0x2f: {  	v2 =	vld [tilespmem:s5+$0xFFFFFFF0];
	_ =	sdelay $0x2  }
0x30: {  	v3 =	vld [tilespmem:s5+$0x0]  }
0x31: {  	v8 =	vld [tilespmem:s5+$0xFFFFFFE0]  }
0x32: {  	v9 =	vld [tilespmem:s5+$0x10];
	v4 =	vshra.s32 v2, $0x1F  }
0x33: {  	v4 =	vand.u32 $0x7FFFFFFF, v4  }
0x34: {  	s18 =	simm.s32 $0x860;
	v4 =	vxor.u32 v2, v4  }
0x35: {  	v6 =	vld [tilespmem:s18+$0xFFFFFFF0];
	v7 =	vshra.s32 v3, $0x1F;
	v2 =	vshrl.u32 v4, $0x16  }
0x36: {  	v10 =	vshra.s32 v8, $0x1F;
	v5 =	vxor.u32 $0x200, v2;
	v2 =	vand.u32 $0x7FFFFFFF, v7  }
0x37: {  	v10 =	vand.u32 $0x7FFFFFFF, v10;
	v2 =	vxor.u32 v3, v2;
	v3 =	vshra.s32 v9, $0x1F  }
0x38: {  	s19 =	simm.s32 $0x8C20;
	v12 =	vxor.u32 v8, v10;
	v7 =	vld [tilespmem:s18+$0x0];
	v8 =	vshrl.u32 v2, $0x16;
	v10 =	vand.u32 $0x7FFFFFFF, v3  }
0x39: {  	v13 =	vshrl.u32 v12, $0x16;
	[tilespmem:s19+$0xFFFFFFE0] =	vst v12;
	v3 =	vld [tilespmem:s18+$0xFFFFFFE0];
	v10 =	vxor.u32 v9, v10;
	v8 =	vxor.u32 $0x200, v8  }
0x3a: {  	s17 =	simm.s32 $0x40;
	s5 =	simm.s32 $0x8A0;
	v11 =	vshra.s32 v6, $0x1F;
	[tilespmem:s19+$0x0] =	vst v2;
	v2 =	vld [tilespmem:s18+$0x10];
	s18 =	simm.s32 $0x8C20;
	v9 =	vxor.u32 $0x200, v13;
	v12 =	vshrl.u32 v10, $0x16  }
.LBB2_4:
0x3b: {  	v13 =	vld [tilespmem:s5+$0xFFFFFFF0];
	s17 =	sadd.s32 $0x40, s17;
	v11 =	vand.u32 $0x7FFFFFFF, v11;
	[tilespmem:s19+$0xFFFFFFF0] =	vst v4;
	v12 =	vxor.u32 $0x200, v12;
	s18 =	sadd.s32 $0x40, s18  }
0x3c: {  	p4 =	slt.u32 s17, $0x3FC0;
	v4 =	vxor.u32 v6, v11;
	[tilespmem:v5+s2+$0x0] =	vst.idx.add.s32.msk $0xffff, v1  }
0x3d: {  	v6 =	vshra.s32 v7, $0x1F;
	v14 =	vld [tilespmem:s5+$0x0];
	v5 =	vshrl.u32 v4, $0x16;
	[tilespmem:s19+$0x10] =	vst v10;
	s19 =	smov.u32 s18  }
.Ltmp3:
0x3e: {  	v15 =	vand.u32 $0x7FFFFFFF, v6;
	v10 =	vshra.s32 v3, $0x1F;
	v5 =	vxor.u32 $0x200, v5;
	[tilespmem:v8+s2+$0x0] =	vst.idx.add.s32.msk $0xffff, v1;
	(pc) =	sbr.rel @p4 .LBB2_4-.Ltmp3, $4  }
0x3f: {  	v7 =	vxor.u32 v7, v15;
	v8 =	vand.u32 $0x7FFFFFFF, v10;
	v11 =	vshra.s32 v2, $0x1F;
	[tilespmem:v9+s2+$0x0] =	vst.idx.add.s32.msk $0xffff, v1  }
0x40: {  	v9 =	vxor.u32 v3, v8;
	v8 =	vshrl.u32 v7, $0x16;
	v10 =	vand.u32 $0x7FFFFFFF, v11;
	[tilespmem:v12+s2+$0x0] =	vst.idx.add.s32.msk $0xffff, v1;
	v6 =	vmovc v13  }
0x41: {  	v3 =	vld [tilespmem:s5+$0xFFFFFFE0];
	v12 =	vshrl.u32 v9, $0x16;
	[tilespmem:s18+$0x0] =	vst v7;
	v8 =	vxor.u32 $0x200, v8;
	v10 =	vxor.u32 v2, v10  }
0x42: {  	v11 =	vshra.s32 v6, $0x1F;
	v2 =	vld [tilespmem:s5+$0x10];
	s5 =	sadd.s32 $0x40, s5;
	[tilespmem:s18+$0xFFFFFFE0] =	vst v9;
	v9 =	vxor.u32 $0x200, v12;
	v12 =	vshrl.u32 v10, $0x16;
	v7 =	vmovc v14  }
0x43: {  	_ =	sdelay $0x1  }
0x44: {  	v11 =	vand.u32 $0x7FFFFFFF, v11;
	[tilespmem:s19+$0xFFFFFFF0] =	vst v4  }
0x45: {  	v4 =	vxor.u32 $0x200, v12;
	[tilespmem:s19+$0x10] =	vst v10;
	v6 =	vxor.u32 v6, v11  }
0x46: {  	[tilespmem:v5+s2+$0x0] =	vst.idx.add.s32.msk $0xffff, v1;
	v11 =	vshra.s32 v7, $0x1F;
	v5 =	vshrl.u32 v6, $0x16  }
0x47: {  	[tilespmem:v8+s2+$0x0] =	vst.idx.add.s32.msk $0xffff, v1;
	v11 =	vand.u32 $0x7FFFFFFF, v11;
	v10 =	vshra.s32 v3, $0x1F;
	v5 =	vxor.u32 $0x200, v5  }
0x48: {  	[tilespmem:v9+s2+$0x0] =	vst.idx.add.s32.msk $0xffff, v1;
	s5 =	sadd.s32 $0x40, s18;
	v7 =	vxor.u32 v7, v11;
	v8 =	vand.u32 $0x7FFFFFFF, v10;
	v10 =	vshra.s32 v2, $0x1F  }
0x49: {  	[tilespmem:s5+$0x0] =	vst v7;
	v3 =	vxor.u32 v3, v8;
	v8 =	vshrl.u32 v7, $0x16;
	v9 =	vand.u32 $0x7FFFFFFF, v10  }
0x4a: {  	[tilespmem:v4+s2+$0x0] =	vst.idx.add.s32.msk $0xffff, v1;
	v4 =	vshrl.u32 v3, $0x16;
	v7 =	vxor.u32 $0x200, v8;
	v2 =	vxor.u32 v2, v9  }
0x4b: {  	[tilespmem:s5+$0xFFFFFFE0] =	vst v3;
	v3 =	vxor.u32 $0x200, v4;
	v4 =	vshrl.u32 v2, $0x16  }
0x4c: {  	[tilespmem:s5+$0xFFFFFFF0] =	vst v6;
	v4 =	vxor.u32 $0x200, v4  }
0x4d: {  	[tilespmem:s5+$0x10] =	vst v2  }
0x4e: {  	[tilespmem:v5+s2+$0x0] =	vst.idx.add.s32.msk $0xffff, v1  }
0x4f: {  	[tilespmem:v7+s2+$0x0] =	vst.idx.add.s32.msk $0xffff, v1  }
0x50: {  	[tilespmem:v3+s2+$0x0] =	vst.idx.add.s32.msk $0xffff, v1  }
0x51: {  	[tilespmem:v4+s2+$0x0] =	vst.idx.add.s32.msk $0xffff, v1  }
0x52: {  	[hbm4b:s4+s2] =	stream.linear.scatter [tilespmem:s29], [sflag:$0x3], $0x4000, $0x38;
	[tilespmem:$0x10C00] =	vst v63  }
0x53: {  	_ = 	snop  }
0x54: {  	[tilespmem:s25], [sflag:$0x1] =	stream.strided.gather [hbm4b:s6+s23], $0x4000, s24, s23, $0x38;
	[tilespmem:$0x10C00] =	vst v63  }
0x55: {  	_ =	swait.ge [sflag:s30], $0x4000  }
0x56: {  	[sflag:s30] =	ssyncset.done $0x0  }
0x57: {  	s17 =	simm.s32 $0x4820;
	[sflag:s30] =	ssyncadd.s32 $0xFFFFC000  }
0x58: {  	v2 =	vld [tilespmem:s17+$0xFFFFFFF0];
	_ =	sdelay $0x2  }
0x59: {  	v3 =	vld [tilespmem:s17+$0x0]  }
0x5a: {  	v8 =	vld [tilespmem:s17+$0xFFFFFFE0]  }
0x5b: {  	v9 =	vld [tilespmem:s17+$0x10];
	v4 =	vshra.s32 v2, $0x1F  }
0x5c: {  	v4 =	vand.u32 $0x7FFFFFFF, v4  }
0x5d: {  	s18 =	simm.s32 $0x4860;
	v4 =	vxor.u32 v2, v4  }
0x5e: {  	v6 =	vld [tilespmem:s18+$0xFFFFFFF0];
	v7 =	vshra.s32 v3, $0x1F;
	v2 =	vshrl.u32 v4, $0x16  }
0x5f: {  	v10 =	vshra.s32 v8, $0x1F;
	v5 =	vxor.u32 $0x200, v2;
	v2 =	vand.u32 $0x7FFFFFFF, v7  }
0x60: {  	v10 =	vand.u32 $0x7FFFFFFF, v10;
	v2 =	vxor.u32 v3, v2;
	v3 =	vshra.s32 v9, $0x1F  }
0x61: {  	s19 =	simm.s32 $0xCC20;
	v12 =	vxor.u32 v8, v10;
	v7 =	vld [tilespmem:s18+$0x0];
	v8 =	vshrl.u32 v2, $0x16;
	v10 =	vand.u32 $0x7FFFFFFF, v3  }
0x62: {  	v13 =	vshrl.u32 v12, $0x16;
	[tilespmem:s19+$0xFFFFFFE0] =	vst v12;
	v3 =	vld [tilespmem:s18+$0xFFFFFFE0];
	v10 =	vxor.u32 v9, v10;
	v8 =	vxor.u32 $0x200, v8  }
0x63: {  	s5 =	simm.s32 $0x48A0;
	s17 =	simm.s32 $0x40;
	v11 =	vshra.s32 v6, $0x1F;
	[tilespmem:s19+$0x0] =	vst v2;
	v2 =	vld [tilespmem:s18+$0x10];
	s18 =	simm.s32 $0xCC20;
	v9 =	vxor.u32 $0x200, v13;
	v12 =	vshrl.u32 v10, $0x16  }
.LBB2_6:
0x64: {  	v13 =	vld [tilespmem:s5+$0xFFFFFFF0];
	s17 =	sadd.s32 $0x40, s17;
	v11 =	vand.u32 $0x7FFFFFFF, v11;
	[tilespmem:s19+$0xFFFFFFF0] =	vst v4;
	v12 =	vxor.u32 $0x200, v12;
	s18 =	sadd.s32 $0x40, s18  }
0x65: {  	p4 =	slt.u32 s17, $0x3FC0;
	v4 =	vxor.u32 v6, v11;
	[tilespmem:v5+s2+$0x0] =	vst.idx.add.s32.msk $0xffff, v1  }
0x66: {  	v6 =	vshra.s32 v7, $0x1F;
	v14 =	vld [tilespmem:s5+$0x0];
	v5 =	vshrl.u32 v4, $0x16;
	[tilespmem:s19+$0x10] =	vst v10;
	s19 =	smov.u32 s18  }
.Ltmp4:
0x67: {  	v15 =	vand.u32 $0x7FFFFFFF, v6;
	v10 =	vshra.s32 v3, $0x1F;
	v5 =	vxor.u32 $0x200, v5;
	[tilespmem:v8+s2+$0x0] =	vst.idx.add.s32.msk $0xffff, v1;
	(pc) =	sbr.rel @p4 .LBB2_6-.Ltmp4, $4  }
0x68: {  	v7 =	vxor.u32 v7, v15;
	v8 =	vand.u32 $0x7FFFFFFF, v10;
	v11 =	vshra.s32 v2, $0x1F;
	[tilespmem:v9+s2+$0x0] =	vst.idx.add.s32.msk $0xffff, v1  }
0x69: {  	v9 =	vxor.u32 v3, v8;
	v8 =	vshrl.u32 v7, $0x16;
	v10 =	vand.u32 $0x7FFFFFFF, v11;
	[tilespmem:v12+s2+$0x0] =	vst.idx.add.s32.msk $0xffff, v1;
	v6 =	vmovc v13  }
0x6a: {  	v3 =	vld [tilespmem:s5+$0xFFFFFFE0];
	v12 =	vshrl.u32 v9, $0x16;
	[tilespmem:s18+$0x0] =	vst v7;
	v8 =	vxor.u32 $0x200, v8;
	v10 =	vxor.u32 v2, v10  }
0x6b: {  	v11 =	vshra.s32 v6, $0x1F;
	v2 =	vld [tilespmem:s5+$0x10];
	s5 =	sadd.s32 $0x40, s5;
	[tilespmem:s18+$0xFFFFFFE0] =	vst v9;
	v9 =	vxor.u32 $0x200, v12;
	v12 =	vshrl.u32 v10, $0x16;
	v7 =	vmovc v14  }
0x6c: {  	_ =	sdelay $0x1  }
0x6d: {  	v11 =	vand.u32 $0x7FFFFFFF, v11;
	[tilespmem:s19+$0xFFFFFFF0] =	vst v4  }
0x6e: {  	v4 =	vxor.u32 $0x200, v12;
	[tilespmem:s19+$0x10] =	vst v10;
	v6 =	vxor.u32 v6, v11  }
0x6f: {  	[tilespmem:v5+s2+$0x0] =	vst.idx.add.s32.msk $0xffff, v1;
	v11 =	vshra.s32 v7, $0x1F;
	v5 =	vshrl.u32 v6, $0x16  }
0x70: {  	[tilespmem:v8+s2+$0x0] =	vst.idx.add.s32.msk $0xffff, v1;
	v11 =	vand.u32 $0x7FFFFFFF, v11;
	v10 =	vshra.s32 v3, $0x1F;
	v5 =	vxor.u32 $0x200, v5  }
0x71: {  	[tilespmem:v9+s2+$0x0] =	vst.idx.add.s32.msk $0xffff, v1;
	s5 =	sadd.s32 $0x40, s18;
	v7 =	vxor.u32 v7, v11;
	v8 =	vand.u32 $0x7FFFFFFF, v10;
	v10 =	vshra.s32 v2, $0x1F  }
0x72: {  	[tilespmem:s5+$0x0] =	vst v7;
	v3 =	vxor.u32 v3, v8;
	v8 =	vshrl.u32 v7, $0x16;
	v9 =	vand.u32 $0x7FFFFFFF, v10  }
0x73: {  	[tilespmem:v4+s2+$0x0] =	vst.idx.add.s32.msk $0xffff, v1;
	v4 =	vshrl.u32 v3, $0x16;
	v7 =	vxor.u32 $0x200, v8;
	v2 =	vxor.u32 v2, v9  }
0x74: {  	[tilespmem:s5+$0xFFFFFFE0] =	vst v3;
	v3 =	vxor.u32 $0x200, v4;
	v4 =	vshrl.u32 v2, $0x16  }
0x75: {  	[tilespmem:s5+$0xFFFFFFF0] =	vst v6;
	v4 =	vxor.u32 $0x200, v4  }
0x76: {  	[tilespmem:s5+$0x10] =	vst v2  }
0x77: {  	[tilespmem:v5+s2+$0x0] =	vst.idx.add.s32.msk $0xffff, v1  }
0x78: {  	[tilespmem:v7+s2+$0x0] =	vst.idx.add.s32.msk $0xffff, v1  }
0x79: {  	[tilespmem:v3+s2+$0x0] =	vst.idx.add.s32.msk $0xffff, v1  }
0x7a: {  	[tilespmem:v4+s2+$0x0] =	vst.idx.add.s32.msk $0xffff, v1  }
0x7b: {  	[hbm4b:s7+s2] =	stream.linear.scatter [tilespmem:s31], [sflag:$0x4], $0x4000, $0x38;
	[tilespmem:$0x10C00] =	vst v63  }
0x7c: {  	s19 =	sadd.s32 $0x4000, s6  }
0x7d: {  	[tilespmem:s26], [sflag:$0x2] =	stream.strided.gather [hbm4b:s19+s23], $0x4000, s24, s23, $0x38;
	[tilespmem:$0x10C00] =	vst v63  }
0x7e: {  	_ =	swait.ge [sflag:s28], $0x4000  }
0x7f: {  	[sflag:s28] =	ssyncset.done $0x0  }
0x80: {  	[sflag:s28] =	ssyncadd.s32 $0xFFFFC000  }
0x81: {  	_ =	swait.ge [sflag:s0], $0x4000  }
0x82: {  	[sflag:s0] =	ssyncset.done $0x0  }
0x83: {  	s17 =	simm.s32 $0x820;
	[sflag:s0] =	ssyncadd.s32 $0xFFFFC000  }
0x84: {  	v2 =	vld [tilespmem:s17+$0xFFFFFFF0];
	_ =	sdelay $0x2  }
0x85: {  	v3 =	vld [tilespmem:s17+$0x0]  }
0x86: {  	v8 =	vld [tilespmem:s17+$0xFFFFFFE0]  }
0x87: {  	v9 =	vld [tilespmem:s17+$0x10];
	v4 =	vshra.s32 v2, $0x1F  }
0x88: {  	v4 =	vand.u32 $0x7FFFFFFF, v4  }
0x89: {  	s18 =	simm.s32 $0x860;
	v4 =	vxor.u32 v2, v4  }
0x8a: {  	v6 =	vld [tilespmem:s18+$0xFFFFFFF0];
	v7 =	vshra.s32 v3, $0x1F;
	v2 =	vshrl.u32 v4, $0x16  }
0x8b: {  	v10 =	vshra.s32 v8, $0x1F;
	v5 =	vxor.u32 $0x200, v2;
	v2 =	vand.u32 $0x7FFFFFFF, v7  }
0x8c: {  	v10 =	vand.u32 $0x7FFFFFFF, v10;
	v2 =	vxor.u32 v3, v2;
	v3 =	vshra.s32 v9, $0x1F  }
0x8d: {  	s19 =	simm.s32 $0x8C20;
	v12 =	vxor.u32 v8, v10;
	v7 =	vld [tilespmem:s18+$0x0];
	v8 =	vshrl.u32 v2, $0x16;
	v10 =	vand.u32 $0x7FFFFFFF, v3  }
0x8e: {  	v13 =	vshrl.u32 v12, $0x16;
	[tilespmem:s19+$0xFFFFFFE0] =	vst v12;
	v3 =	vld [tilespmem:s18+$0xFFFFFFE0];
	v10 =	vxor.u32 v9, v10;
	v8 =	vxor.u32 $0x200, v8  }
0x8f: {  	s5 =	simm.s32 $0x8A0;
	s17 =	simm.s32 $0x40;
	v11 =	vshra.s32 v6, $0x1F;
	[tilespmem:s19+$0x0] =	vst v2;
	v2 =	vld [tilespmem:s18+$0x10];
	s18 =	simm.s32 $0x8C20;
	v9 =	vxor.u32 $0x200, v13;
	v12 =	vshrl.u32 v10, $0x16  }
.LBB2_8:
0x90: {  	v13 =	vld [tilespmem:s5+$0xFFFFFFF0];
	s17 =	sadd.s32 $0x40, s17;
	v11 =	vand.u32 $0x7FFFFFFF, v11;
	[tilespmem:s19+$0xFFFFFFF0] =	vst v4;
	v12 =	vxor.u32 $0x200, v12;
	s18 =	sadd.s32 $0x40, s18  }
0x91: {  	p4 =	slt.u32 s17, $0x3FC0;
	v4 =	vxor.u32 v6, v11;
	[tilespmem:v5+s2+$0x0] =	vst.idx.add.s32.msk $0xffff, v1  }
0x92: {  	v6 =	vshra.s32 v7, $0x1F;
	v14 =	vld [tilespmem:s5+$0x0];
	v5 =	vshrl.u32 v4, $0x16;
	[tilespmem:s19+$0x10] =	vst v10;
	s19 =	smov.u32 s18  }
.Ltmp5:
0x93: {  	v15 =	vand.u32 $0x7FFFFFFF, v6;
	v10 =	vshra.s32 v3, $0x1F;
	v5 =	vxor.u32 $0x200, v5;
	[tilespmem:v8+s2+$0x0] =	vst.idx.add.s32.msk $0xffff, v1;
	(pc) =	sbr.rel @p4 .LBB2_8-.Ltmp5, $4  }
0x94: {  	v7 =	vxor.u32 v7, v15;
	v8 =	vand.u32 $0x7FFFFFFF, v10;
	v11 =	vshra.s32 v2, $0x1F;
	[tilespmem:v9+s2+$0x0] =	vst.idx.add.s32.msk $0xffff, v1  }
0x95: {  	v9 =	vxor.u32 v3, v8;
	v8 =	vshrl.u32 v7, $0x16;
	v10 =	vand.u32 $0x7FFFFFFF, v11;
	[tilespmem:v12+s2+$0x0] =	vst.idx.add.s32.msk $0xffff, v1;
	v6 =	vmovc v13  }
0x96: {  	v3 =	vld [tilespmem:s5+$0xFFFFFFE0];
	v12 =	vshrl.u32 v9, $0x16;
	[tilespmem:s18+$0x0] =	vst v7;
	v8 =	vxor.u32 $0x200, v8;
	v10 =	vxor.u32 v2, v10  }
0x97: {  	v11 =	vshra.s32 v6, $0x1F;
	v2 =	vld [tilespmem:s5+$0x10];
	s5 =	sadd.s32 $0x40, s5;
	[tilespmem:s18+$0xFFFFFFE0] =	vst v9;
	v9 =	vxor.u32 $0x200, v12;
	v12 =	vshrl.u32 v10, $0x16;
	v7 =	vmovc v14  }
0x98: {  	_ =	sdelay $0x1  }
0x99: {  	v11 =	vand.u32 $0x7FFFFFFF, v11;
	[tilespmem:s19+$0xFFFFFFF0] =	vst v4  }
0x9a: {  	v4 =	vxor.u32 $0x200, v12;
	[tilespmem:s19+$0x10] =	vst v10;
	v6 =	vxor.u32 v6, v11  }
0x9b: {  	[tilespmem:v5+s2+$0x0] =	vst.idx.add.s32.msk $0xffff, v1;
	v11 =	vshra.s32 v7, $0x1F;
	v5 =	vshrl.u32 v6, $0x16  }
0x9c: {  	[tilespmem:v8+s2+$0x0] =	vst.idx.add.s32.msk $0xffff, v1;
	v11 =	vand.u32 $0x7FFFFFFF, v11;
	v10 =	vshra.s32 v3, $0x1F;
	v5 =	vxor.u32 $0x200, v5  }
0x9d: {  	[tilespmem:v9+s2+$0x0] =	vst.idx.add.s32.msk $0xffff, v1;
	s5 =	sadd.s32 $0x40, s18;
	v7 =	vxor.u32 v7, v11;
	v8 =	vand.u32 $0x7FFFFFFF, v10;
	v10 =	vshra.s32 v2, $0x1F  }
0x9e: {  	[tilespmem:s5+$0x0] =	vst v7;
	v3 =	vxor.u32 v3, v8;
	v8 =	vshrl.u32 v7, $0x16;
	v9 =	vand.u32 $0x7FFFFFFF, v10  }
0x9f: {  	[tilespmem:v4+s2+$0x0] =	vst.idx.add.s32.msk $0xffff, v1;
	v4 =	vshrl.u32 v3, $0x16;
	v7 =	vxor.u32 $0x200, v8;
	v2 =	vxor.u32 v2, v9  }
0xa0: {  	[tilespmem:s5+$0xFFFFFFE0] =	vst v3;
	v3 =	vxor.u32 $0x200, v4;
	v4 =	vshrl.u32 v2, $0x16  }
0xa1: {  	[tilespmem:s5+$0xFFFFFFF0] =	vst v6;
	v4 =	vxor.u32 $0x200, v4  }
0xa2: {  	[tilespmem:s5+$0x10] =	vst v2  }
0xa3: {  	[tilespmem:v5+s2+$0x0] =	vst.idx.add.s32.msk $0xffff, v1  }
0xa4: {  	[tilespmem:v7+s2+$0x0] =	vst.idx.add.s32.msk $0xffff, v1  }
0xa5: {  	[tilespmem:v3+s2+$0x0] =	vst.idx.add.s32.msk $0xffff, v1  }
0xa6: {  	[tilespmem:v4+s2+$0x0] =	vst.idx.add.s32.msk $0xffff, v1  }
0xa7: {  	[hbm4b:s8+s2] =	stream.linear.scatter [tilespmem:s29], [sflag:$0x3], $0x4000, $0x38;
	[tilespmem:$0x10C00] =	vst v63  }
0xa8: {  	_ = 	snop  }
0xa9: {  	[tilespmem:s25], [sflag:$0x1] =	stream.strided.gather [hbm4b:s9+s23], $0x4000, s24, s23, $0x38;
	[tilespmem:$0x10C00] =	vst v63  }
0xaa: {  	_ =	swait.ge [sflag:s30], $0x4000  }
0xab: {  	[sflag:s30] =	ssyncset.done $0x0  }
0xac: {  	[sflag:s30] =	ssyncadd.s32 $0xFFFFC000  }
0xad: {  	_ =	swait.ge [sflag:s20], $0x4000  }
0xae: {  	[sflag:s20] =	ssyncset.done $0x0  }
0xaf: {  	s17 =	simm.s32 $0x4820;
	[sflag:s20] =	ssyncadd.s32 $0xFFFFC000  }
0xb0: {  	v2 =	vld [tilespmem:s17+$0xFFFFFFF0];
	_ =	sdelay $0x2  }
0xb1: {  	v3 =	vld [tilespmem:s17+$0x0]  }
0xb2: {  	v8 =	vld [tilespmem:s17+$0xFFFFFFE0]  }
0xb3: {  	v9 =	vld [tilespmem:s17+$0x10];
	v4 =	vshra.s32 v2, $0x1F  }
0xb4: {  	v4 =	vand.u32 $0x7FFFFFFF, v4  }
0xb5: {  	s18 =	simm.s32 $0x4860;
	v4 =	vxor.u32 v2, v4  }
0xb6: {  	v6 =	vld [tilespmem:s18+$0xFFFFFFF0];
	v7 =	vshra.s32 v3, $0x1F;
	v2 =	vshrl.u32 v4, $0x16  }
0xb7: {  	v10 =	vshra.s32 v8, $0x1F;
	v5 =	vxor.u32 $0x200, v2;
	v2 =	vand.u32 $0x7FFFFFFF, v7  }
0xb8: {  	v10 =	vand.u32 $0x7FFFFFFF, v10;
	v2 =	vxor.u32 v3, v2;
	v3 =	vshra.s32 v9, $0x1F  }
0xb9: {  	s19 =	simm.s32 $0xCC20;
	v12 =	vxor.u32 v8, v10;
	v7 =	vld [tilespmem:s18+$0x0];
	v8 =	vshrl.u32 v2, $0x16;
	v10 =	vand.u32 $0x7FFFFFFF, v3  }
0xba: {  	v13 =	vshrl.u32 v12, $0x16;
	[tilespmem:s19+$0xFFFFFFE0] =	vst v12;
	v3 =	vld [tilespmem:s18+$0xFFFFFFE0];
	v10 =	vxor.u32 v9, v10;
	v8 =	vxor.u32 $0x200, v8  }
0xbb: {  	s5 =	simm.s32 $0x48A0;
	s17 =	simm.s32 $0x40;
	v11 =	vshra.s32 v6, $0x1F;
	[tilespmem:s19+$0x0] =	vst v2;
	v2 =	vld [tilespmem:s18+$0x10];
	s18 =	simm.s32 $0xCC20;
	v9 =	vxor.u32 $0x200, v13;
	v12 =	vshrl.u32 v10, $0x16  }
.LBB2_10:
0xbc: {  	v13 =	vld [tilespmem:s5+$0xFFFFFFF0];
	s17 =	sadd.s32 $0x40, s17;
	v11 =	vand.u32 $0x7FFFFFFF, v11;
	[tilespmem:s19+$0xFFFFFFF0] =	vst v4;
	v12 =	vxor.u32 $0x200, v12;
	s18 =	sadd.s32 $0x40, s18  }
0xbd: {  	p4 =	slt.u32 s17, $0x3FC0;
	v4 =	vxor.u32 v6, v11;
	[tilespmem:v5+s2+$0x0] =	vst.idx.add.s32.msk $0xffff, v1  }
0xbe: {  	v6 =	vshra.s32 v7, $0x1F;
	v14 =	vld [tilespmem:s5+$0x0];
	v5 =	vshrl.u32 v4, $0x16;
	[tilespmem:s19+$0x10] =	vst v10;
	s19 =	smov.u32 s18  }
.Ltmp6:
0xbf: {  	v15 =	vand.u32 $0x7FFFFFFF, v6;
	v10 =	vshra.s32 v3, $0x1F;
	v5 =	vxor.u32 $0x200, v5;
	[tilespmem:v8+s2+$0x0] =	vst.idx.add.s32.msk $0xffff, v1;
	(pc) =	sbr.rel @p4 .LBB2_10-.Ltmp6, $4  }
0xc0: {  	v7 =	vxor.u32 v7, v15;
	v8 =	vand.u32 $0x7FFFFFFF, v10;
	v11 =	vshra.s32 v2, $0x1F;
	[tilespmem:v9+s2+$0x0] =	vst.idx.add.s32.msk $0xffff, v1  }
0xc1: {  	v9 =	vxor.u32 v3, v8;
	v8 =	vshrl.u32 v7, $0x16;
	v10 =	vand.u32 $0x7FFFFFFF, v11;
	[tilespmem:v12+s2+$0x0] =	vst.idx.add.s32.msk $0xffff, v1;
	v6 =	vmovc v13  }
0xc2: {  	v3 =	vld [tilespmem:s5+$0xFFFFFFE0];
	v12 =	vshrl.u32 v9, $0x16;
	[tilespmem:s18+$0x0] =	vst v7;
	v8 =	vxor.u32 $0x200, v8;
	v10 =	vxor.u32 v2, v10  }
0xc3: {  	v11 =	vshra.s32 v6, $0x1F;
	v2 =	vld [tilespmem:s5+$0x10];
	s5 =	sadd.s32 $0x40, s5;
	[tilespmem:s18+$0xFFFFFFE0] =	vst v9;
	v9 =	vxor.u32 $0x200, v12;
	v12 =	vshrl.u32 v10, $0x16;
	v7 =	vmovc v14  }
0xc4: {  	_ =	sdelay $0x1  }
0xc5: {  	v11 =	vand.u32 $0x7FFFFFFF, v11;
	[tilespmem:s19+$0xFFFFFFF0] =	vst v4  }
0xc6: {  	v4 =	vxor.u32 $0x200, v12;
	[tilespmem:s19+$0x10] =	vst v10;
	v6 =	vxor.u32 v6, v11  }
0xc7: {  	[tilespmem:v5+s2+$0x0] =	vst.idx.add.s32.msk $0xffff, v1;
	v11 =	vshra.s32 v7, $0x1F;
	v5 =	vshrl.u32 v6, $0x16  }
0xc8: {  	[tilespmem:v8+s2+$0x0] =	vst.idx.add.s32.msk $0xffff, v1;
	v11 =	vand.u32 $0x7FFFFFFF, v11;
	v10 =	vshra.s32 v3, $0x1F;
	v5 =	vxor.u32 $0x200, v5  }
0xc9: {  	[tilespmem:v9+s2+$0x0] =	vst.idx.add.s32.msk $0xffff, v1;
	s5 =	sadd.s32 $0x40, s18;
	v7 =	vxor.u32 v7, v11;
	v8 =	vand.u32 $0x7FFFFFFF, v10;
	v10 =	vshra.s32 v2, $0x1F  }
0xca: {  	[tilespmem:s5+$0x0] =	vst v7;
	v3 =	vxor.u32 v3, v8;
	v8 =	vshrl.u32 v7, $0x16;
	v9 =	vand.u32 $0x7FFFFFFF, v10  }
0xcb: {  	[tilespmem:v4+s2+$0x0] =	vst.idx.add.s32.msk $0xffff, v1;
	v4 =	vshrl.u32 v3, $0x16;
	v7 =	vxor.u32 $0x200, v8;
	v2 =	vxor.u32 v2, v9  }
0xcc: {  	[tilespmem:s5+$0xFFFFFFE0] =	vst v3;
	v3 =	vxor.u32 $0x200, v4;
	v4 =	vshrl.u32 v2, $0x16  }
0xcd: {  	[tilespmem:s5+$0xFFFFFFF0] =	vst v6;
	v4 =	vxor.u32 $0x200, v4  }
0xce: {  	[tilespmem:s5+$0x10] =	vst v2  }
0xcf: {  	[tilespmem:v5+s2+$0x0] =	vst.idx.add.s32.msk $0xffff, v1  }
0xd0: {  	[tilespmem:v7+s2+$0x0] =	vst.idx.add.s32.msk $0xffff, v1  }
0xd1: {  	[tilespmem:v3+s2+$0x0] =	vst.idx.add.s32.msk $0xffff, v1  }
0xd2: {  	[tilespmem:v4+s2+$0x0] =	vst.idx.add.s32.msk $0xffff, v1  }
0xd3: {  	[hbm4b:s10+s2] =	stream.linear.scatter [tilespmem:s31], [sflag:$0x4], $0x4000, $0x38;
	[tilespmem:$0x10C00] =	vst v63  }
0xd4: {  	s19 =	sadd.s32 $0x4000, s9  }
0xd5: {  	[tilespmem:s26], [sflag:$0x2] =	stream.strided.gather [hbm4b:s19+s23], $0x4000, s24, s23, $0x38;
	[tilespmem:$0x10C00] =	vst v63  }
0xd6: {  	_ =	swait.ge [sflag:s28], $0x4000  }
0xd7: {  	[sflag:s28] =	ssyncset.done $0x0  }
0xd8: {  	[sflag:s28] =	ssyncadd.s32 $0xFFFFC000  }
0xd9: {  	_ =	swait.ge [sflag:s0], $0x4000  }
0xda: {  	[sflag:s0] =	ssyncset.done $0x0  }
0xdb: {  	s17 =	simm.s32 $0x820;
	[sflag:s0] =	ssyncadd.s32 $0xFFFFC000  }
0xdc: {  	v2 =	vld [tilespmem:s17+$0xFFFFFFF0];
	_ =	sdelay $0x2  }
0xdd: {  	v3 =	vld [tilespmem:s17+$0x0]  }
0xde: {  	v8 =	vld [tilespmem:s17+$0xFFFFFFE0]  }
0xdf: {  	v9 =	vld [tilespmem:s17+$0x10];
	v4 =	vshra.s32 v2, $0x1F  }
0xe0: {  	v4 =	vand.u32 $0x7FFFFFFF, v4  }
0xe1: {  	s18 =	simm.s32 $0x860;
	v4 =	vxor.u32 v2, v4  }
0xe2: {  	v6 =	vld [tilespmem:s18+$0xFFFFFFF0];
	v7 =	vshra.s32 v3, $0x1F;
	v2 =	vshrl.u32 v4, $0x16  }
0xe3: {  	v10 =	vshra.s32 v8, $0x1F;
	v5 =	vxor.u32 $0x200, v2;
	v2 =	vand.u32 $0x7FFFFFFF, v7  }
0xe4: {  	v10 =	vand.u32 $0x7FFFFFFF, v10;
	v2 =	vxor.u32 v3, v2;
	v3 =	vshra.s32 v9, $0x1F  }
0xe5: {  	s19 =	simm.s32 $0x8C20;
	v12 =	vxor.u32 v8, v10;
	v7 =	vld [tilespmem:s18+$0x0];
	v8 =	vshrl.u32 v2, $0x16;
	v10 =	vand.u32 $0x7FFFFFFF, v3  }
0xe6: {  	v13 =	vshrl.u32 v12, $0x16;
	[tilespmem:s19+$0xFFFFFFE0] =	vst v12;
	v3 =	vld [tilespmem:s18+$0xFFFFFFE0];
	v10 =	vxor.u32 v9, v10;
	v8 =	vxor.u32 $0x200, v8  }
0xe7: {  	s5 =	simm.s32 $0x8A0;
	s17 =	simm.s32 $0x40;
	v11 =	vshra.s32 v6, $0x1F;
	[tilespmem:s19+$0x0] =	vst v2;
	v2 =	vld [tilespmem:s18+$0x10];
	s18 =	simm.s32 $0x8C20;
	v9 =	vxor.u32 $0x200, v13;
	v12 =	vshrl.u32 v10, $0x16  }
.LBB2_12:
0xe8: {  	v13 =	vld [tilespmem:s5+$0xFFFFFFF0];
	s17 =	sadd.s32 $0x40, s17;
	v11 =	vand.u32 $0x7FFFFFFF, v11;
	[tilespmem:s19+$0xFFFFFFF0] =	vst v4;
	v12 =	vxor.u32 $0x200, v12;
	s18 =	sadd.s32 $0x40, s18  }
0xe9: {  	p4 =	slt.u32 s17, $0x3FC0;
	v4 =	vxor.u32 v6, v11;
	[tilespmem:v5+s2+$0x0] =	vst.idx.add.s32.msk $0xffff, v1  }
0xea: {  	v6 =	vshra.s32 v7, $0x1F;
	v14 =	vld [tilespmem:s5+$0x0];
	v5 =	vshrl.u32 v4, $0x16;
	[tilespmem:s19+$0x10] =	vst v10;
	s19 =	smov.u32 s18  }
.Ltmp7:
0xeb: {  	v15 =	vand.u32 $0x7FFFFFFF, v6;
	v10 =	vshra.s32 v3, $0x1F;
	v5 =	vxor.u32 $0x200, v5;
	[tilespmem:v8+s2+$0x0] =	vst.idx.add.s32.msk $0xffff, v1;
	(pc) =	sbr.rel @p4 .LBB2_12-.Ltmp7, $4  }
0xec: {  	v7 =	vxor.u32 v7, v15;
	v8 =	vand.u32 $0x7FFFFFFF, v10;
	v11 =	vshra.s32 v2, $0x1F;
	[tilespmem:v9+s2+$0x0] =	vst.idx.add.s32.msk $0xffff, v1  }
0xed: {  	v9 =	vxor.u32 v3, v8;
	v8 =	vshrl.u32 v7, $0x16;
	v10 =	vand.u32 $0x7FFFFFFF, v11;
	[tilespmem:v12+s2+$0x0] =	vst.idx.add.s32.msk $0xffff, v1;
	v6 =	vmovc v13  }
0xee: {  	v3 =	vld [tilespmem:s5+$0xFFFFFFE0];
	v12 =	vshrl.u32 v9, $0x16;
	[tilespmem:s18+$0x0] =	vst v7;
	v8 =	vxor.u32 $0x200, v8;
	v10 =	vxor.u32 v2, v10  }
0xef: {  	v11 =	vshra.s32 v6, $0x1F;
	v2 =	vld [tilespmem:s5+$0x10];
	s5 =	sadd.s32 $0x40, s5;
	[tilespmem:s18+$0xFFFFFFE0] =	vst v9;
	v9 =	vxor.u32 $0x200, v12;
	v12 =	vshrl.u32 v10, $0x16;
	v7 =	vmovc v14  }
0xf0: {  	_ =	sdelay $0x1  }
0xf1: {  	v11 =	vand.u32 $0x7FFFFFFF, v11;
	[tilespmem:s19+$0xFFFFFFF0] =	vst v4  }
0xf2: {  	v4 =	vxor.u32 $0x200, v12;
	[tilespmem:s19+$0x10] =	vst v10;
	v6 =	vxor.u32 v6, v11  }
0xf3: {  	[tilespmem:v5+s2+$0x0] =	vst.idx.add.s32.msk $0xffff, v1;
	v11 =	vshra.s32 v7, $0x1F;
	v5 =	vshrl.u32 v6, $0x16  }
0xf4: {  	[tilespmem:v8+s2+$0x0] =	vst.idx.add.s32.msk $0xffff, v1;
	v11 =	vand.u32 $0x7FFFFFFF, v11;
	v10 =	vshra.s32 v3, $0x1F;
	v5 =	vxor.u32 $0x200, v5  }
0xf5: {  	[tilespmem:v9+s2+$0x0] =	vst.idx.add.s32.msk $0xffff, v1;
	s5 =	sadd.s32 $0x40, s18;
	v7 =	vxor.u32 v7, v11;
	v8 =	vand.u32 $0x7FFFFFFF, v10;
	v10 =	vshra.s32 v2, $0x1F  }
0xf6: {  	[tilespmem:s5+$0x0] =	vst v7;
	v3 =	vxor.u32 v3, v8;
	v8 =	vshrl.u32 v7, $0x16;
	v9 =	vand.u32 $0x7FFFFFFF, v10  }
0xf7: {  	[tilespmem:v4+s2+$0x0] =	vst.idx.add.s32.msk $0xffff, v1;
	v4 =	vshrl.u32 v3, $0x16;
	v7 =	vxor.u32 $0x200, v8;
	v2 =	vxor.u32 v2, v9  }
0xf8: {  	[tilespmem:s5+$0xFFFFFFE0] =	vst v3;
	v3 =	vxor.u32 $0x200, v4;
	v4 =	vshrl.u32 v2, $0x16  }
0xf9: {  	[tilespmem:s5+$0xFFFFFFF0] =	vst v6;
	v4 =	vxor.u32 $0x200, v4  }
0xfa: {  	[tilespmem:s5+$0x10] =	vst v2  }
0xfb: {  	[tilespmem:v5+s2+$0x0] =	vst.idx.add.s32.msk $0xffff, v1  }
0xfc: {  	[tilespmem:v7+s2+$0x0] =	vst.idx.add.s32.msk $0xffff, v1  }
0xfd: {  	[tilespmem:v3+s2+$0x0] =	vst.idx.add.s32.msk $0xffff, v1  }
0xfe: {  	[tilespmem:v4+s2+$0x0] =	vst.idx.add.s32.msk $0xffff, v1  }
0xff: {  	[hbm4b:s11+s2] =	stream.linear.scatter [tilespmem:s29], [sflag:$0x3], $0x4000, $0x38;
	[tilespmem:$0x10C00] =	vst v63  }
0x100: {  	_ = 	snop  }
0x101: {  	[tilespmem:s25], [sflag:$0x1] =	stream.strided.gather [hbm4b:s12+s23], $0x4000, s24, s23, $0x38;
	[tilespmem:$0x10C00] =	vst v63  }
0x102: {  	_ =	swait.ge [sflag:s30], $0x4000  }
0x103: {  	[sflag:s30] =	ssyncset.done $0x0  }
0x104: {  	[sflag:s30] =	ssyncadd.s32 $0xFFFFC000  }
0x105: {  	_ =	swait.ge [sflag:s20], $0x4000  }
0x106: {  	[sflag:s20] =	ssyncset.done $0x0  }
0x107: {  	s17 =	simm.s32 $0x4820;
	[sflag:s20] =	ssyncadd.s32 $0xFFFFC000  }
0x108: {  	v2 =	vld [tilespmem:s17+$0xFFFFFFF0];
	_ =	sdelay $0x2  }
0x109: {  	v3 =	vld [tilespmem:s17+$0x0]  }
0x10a: {  	v8 =	vld [tilespmem:s17+$0xFFFFFFE0]  }
0x10b: {  	v9 =	vld [tilespmem:s17+$0x10];
	v4 =	vshra.s32 v2, $0x1F  }
0x10c: {  	v4 =	vand.u32 $0x7FFFFFFF, v4  }
0x10d: {  	s18 =	simm.s32 $0x4860;
	v4 =	vxor.u32 v2, v4  }
0x10e: {  	v6 =	vld [tilespmem:s18+$0xFFFFFFF0];
	v7 =	vshra.s32 v3, $0x1F;
	v2 =	vshrl.u32 v4, $0x16  }
0x10f: {  	v10 =	vshra.s32 v8, $0x1F;
	v5 =	vxor.u32 $0x200, v2;
	v2 =	vand.u32 $0x7FFFFFFF, v7  }
0x110: {  	v10 =	vand.u32 $0x7FFFFFFF, v10;
	v2 =	vxor.u32 v3, v2;
	v3 =	vshra.s32 v9, $0x1F  }
0x111: {  	s19 =	simm.s32 $0xCC20;
	v12 =	vxor.u32 v8, v10;
	v7 =	vld [tilespmem:s18+$0x0];
	v8 =	vshrl.u32 v2, $0x16;
	v10 =	vand.u32 $0x7FFFFFFF, v3  }
0x112: {  	v13 =	vshrl.u32 v12, $0x16;
	[tilespmem:s19+$0xFFFFFFE0] =	vst v12;
	v3 =	vld [tilespmem:s18+$0xFFFFFFE0];
	v10 =	vxor.u32 v9, v10;
	v8 =	vxor.u32 $0x200, v8  }
0x113: {  	s5 =	simm.s32 $0x48A0;
	s17 =	simm.s32 $0x40;
	v11 =	vshra.s32 v6, $0x1F;
	[tilespmem:s19+$0x0] =	vst v2;
	v2 =	vld [tilespmem:s18+$0x10];
	s18 =	simm.s32 $0xCC20;
	v9 =	vxor.u32 $0x200, v13;
	v12 =	vshrl.u32 v10, $0x16  }
.LBB2_14:
0x114: {  	v13 =	vld [tilespmem:s5+$0xFFFFFFF0];
	s17 =	sadd.s32 $0x40, s17;
	v11 =	vand.u32 $0x7FFFFFFF, v11;
	[tilespmem:s19+$0xFFFFFFF0] =	vst v4;
	v12 =	vxor.u32 $0x200, v12;
	s18 =	sadd.s32 $0x40, s18  }
0x115: {  	p4 =	slt.u32 s17, $0x3FC0;
	v4 =	vxor.u32 v6, v11;
	[tilespmem:v5+s2+$0x0] =	vst.idx.add.s32.msk $0xffff, v1  }
0x116: {  	v6 =	vshra.s32 v7, $0x1F;
	v14 =	vld [tilespmem:s5+$0x0];
	v5 =	vshrl.u32 v4, $0x16;
	[tilespmem:s19+$0x10] =	vst v10;
	s19 =	smov.u32 s18  }
.Ltmp8:
0x117: {  	v15 =	vand.u32 $0x7FFFFFFF, v6;
	v10 =	vshra.s32 v3, $0x1F;
	v5 =	vxor.u32 $0x200, v5;
	[tilespmem:v8+s2+$0x0] =	vst.idx.add.s32.msk $0xffff, v1;
	(pc) =	sbr.rel @p4 .LBB2_14-.Ltmp8, $4  }
0x118: {  	v7 =	vxor.u32 v7, v15;
	v8 =	vand.u32 $0x7FFFFFFF, v10;
	v11 =	vshra.s32 v2, $0x1F;
	[tilespmem:v9+s2+$0x0] =	vst.idx.add.s32.msk $0xffff, v1  }
0x119: {  	v9 =	vxor.u32 v3, v8;
	v8 =	vshrl.u32 v7, $0x16;
	v10 =	vand.u32 $0x7FFFFFFF, v11;
	[tilespmem:v12+s2+$0x0] =	vst.idx.add.s32.msk $0xffff, v1;
	v6 =	vmovc v13  }
0x11a: {  	v3 =	vld [tilespmem:s5+$0xFFFFFFE0];
	v12 =	vshrl.u32 v9, $0x16;
	[tilespmem:s18+$0x0] =	vst v7;
	v8 =	vxor.u32 $0x200, v8;
	v10 =	vxor.u32 v2, v10  }
0x11b: {  	v11 =	vshra.s32 v6, $0x1F;
	v2 =	vld [tilespmem:s5+$0x10];
	s5 =	sadd.s32 $0x40, s5;
	[tilespmem:s18+$0xFFFFFFE0] =	vst v9;
	v9 =	vxor.u32 $0x200, v12;
	v12 =	vshrl.u32 v10, $0x16;
	v7 =	vmovc v14  }
0x11c: {  	_ =	sdelay $0x1  }
0x11d: {  	v11 =	vand.u32 $0x7FFFFFFF, v11;
	[tilespmem:s19+$0xFFFFFFF0] =	vst v4  }
0x11e: {  	v4 =	vxor.u32 $0x200, v12;
	[tilespmem:s19+$0x10] =	vst v10;
	v6 =	vxor.u32 v6, v11  }
0x11f: {  	[tilespmem:v5+s2+$0x0] =	vst.idx.add.s32.msk $0xffff, v1;
	v11 =	vshra.s32 v7, $0x1F;
	v5 =	vshrl.u32 v6, $0x16  }
0x120: {  	[tilespmem:v8+s2+$0x0] =	vst.idx.add.s32.msk $0xffff, v1;
	v11 =	vand.u32 $0x7FFFFFFF, v11;
	v10 =	vshra.s32 v3, $0x1F;
	v5 =	vxor.u32 $0x200, v5  }
0x121: {  	[tilespmem:v9+s2+$0x0] =	vst.idx.add.s32.msk $0xffff, v1;
	s5 =	sadd.s32 $0x40, s18;
	v7 =	vxor.u32 v7, v11;
	v8 =	vand.u32 $0x7FFFFFFF, v10;
	v10 =	vshra.s32 v2, $0x1F  }
0x122: {  	[tilespmem:s5+$0x0] =	vst v7;
	v3 =	vxor.u32 v3, v8;
	v8 =	vshrl.u32 v7, $0x16;
	v9 =	vand.u32 $0x7FFFFFFF, v10  }
0x123: {  	[tilespmem:v4+s2+$0x0] =	vst.idx.add.s32.msk $0xffff, v1;
	v4 =	vshrl.u32 v3, $0x16;
	v7 =	vxor.u32 $0x200, v8;
	v2 =	vxor.u32 v2, v9  }
0x124: {  	[tilespmem:s5+$0xFFFFFFE0] =	vst v3;
	v3 =	vxor.u32 $0x200, v4;
	v4 =	vshrl.u32 v2, $0x16  }
0x125: {  	[tilespmem:s5+$0xFFFFFFF0] =	vst v6;
	v4 =	vxor.u32 $0x200, v4  }
0x126: {  	[tilespmem:s5+$0x10] =	vst v2  }
0x127: {  	[tilespmem:v5+s2+$0x0] =	vst.idx.add.s32.msk $0xffff, v1  }
0x128: {  	[tilespmem:v7+s2+$0x0] =	vst.idx.add.s32.msk $0xffff, v1  }
0x129: {  	[tilespmem:v3+s2+$0x0] =	vst.idx.add.s32.msk $0xffff, v1  }
0x12a: {  	[tilespmem:v4+s2+$0x0] =	vst.idx.add.s32.msk $0xffff, v1  }
0x12b: {  	[hbm4b:s13+s2] =	stream.linear.scatter [tilespmem:s31], [sflag:$0x4], $0x4000, $0x38;
	[tilespmem:$0x10C00] =	vst v63  }
0x12c: {  	s19 =	sadd.s32 $0x4000, s12  }
0x12d: {  	[tilespmem:s26], [sflag:$0x2] =	stream.strided.gather [hbm4b:s19+s23], $0x4000, s24, s23, $0x38;
	[tilespmem:$0x10C00] =	vst v63  }
0x12e: {  	_ =	swait.ge [sflag:s28], $0x4000  }
0x12f: {  	[sflag:s28] =	ssyncset.done $0x0  }
0x130: {  	[sflag:s28] =	ssyncadd.s32 $0xFFFFC000  }
0x131: {  	_ =	swait.ge [sflag:s0], $0x4000  }
0x132: {  	[sflag:s0] =	ssyncset.done $0x0  }
0x133: {  	s17 =	simm.s32 $0x820;
	[sflag:s0] =	ssyncadd.s32 $0xFFFFC000  }
0x134: {  	v2 =	vld [tilespmem:s17+$0xFFFFFFF0];
	_ =	sdelay $0x2  }
0x135: {  	v3 =	vld [tilespmem:s17+$0x0]  }
0x136: {  	v8 =	vld [tilespmem:s17+$0xFFFFFFE0]  }
0x137: {  	v9 =	vld [tilespmem:s17+$0x10];
	v4 =	vshra.s32 v2, $0x1F  }
0x138: {  	v4 =	vand.u32 $0x7FFFFFFF, v4  }
0x139: {  	s18 =	simm.s32 $0x860;
	v4 =	vxor.u32 v2, v4  }
0x13a: {  	v6 =	vld [tilespmem:s18+$0xFFFFFFF0];
	v7 =	vshra.s32 v3, $0x1F;
	v2 =	vshrl.u32 v4, $0x16  }
0x13b: {  	v10 =	vshra.s32 v8, $0x1F;
	v5 =	vxor.u32 $0x200, v2;
	v2 =	vand.u32 $0x7FFFFFFF, v7  }
0x13c: {  	v10 =	vand.u32 $0x7FFFFFFF, v10;
	v2 =	vxor.u32 v3, v2;
	v3 =	vshra.s32 v9, $0x1F  }
0x13d: {  	s19 =	simm.s32 $0x8C20;
	v12 =	vxor.u32 v8, v10;
	v7 =	vld [tilespmem:s18+$0x0];
	v8 =	vshrl.u32 v2, $0x16;
	v10 =	vand.u32 $0x7FFFFFFF, v3  }
0x13e: {  	v13 =	vshrl.u32 v12, $0x16;
	[tilespmem:s19+$0xFFFFFFE0] =	vst v12;
	v3 =	vld [tilespmem:s18+$0xFFFFFFE0];
	v10 =	vxor.u32 v9, v10;
	v8 =	vxor.u32 $0x200, v8  }
0x13f: {  	s5 =	simm.s32 $0x8A0;
	s17 =	simm.s32 $0x40;
	v11 =	vshra.s32 v6, $0x1F;
	[tilespmem:s19+$0x0] =	vst v2;
	v2 =	vld [tilespmem:s18+$0x10];
	s18 =	simm.s32 $0x8C20;
	v9 =	vxor.u32 $0x200, v13;
	v12 =	vshrl.u32 v10, $0x16  }
.LBB2_16:
0x140: {  	v13 =	vld [tilespmem:s5+$0xFFFFFFF0];
	s17 =	sadd.s32 $0x40, s17;
	v11 =	vand.u32 $0x7FFFFFFF, v11;
	[tilespmem:s19+$0xFFFFFFF0] =	vst v4;
	v12 =	vxor.u32 $0x200, v12;
	s18 =	sadd.s32 $0x40, s18  }
0x141: {  	p4 =	slt.u32 s17, $0x3FC0;
	v4 =	vxor.u32 v6, v11;
	[tilespmem:v5+s2+$0x0] =	vst.idx.add.s32.msk $0xffff, v1  }
0x142: {  	v6 =	vshra.s32 v7, $0x1F;
	v14 =	vld [tilespmem:s5+$0x0];
	v5 =	vshrl.u32 v4, $0x16;
	[tilespmem:s19+$0x10] =	vst v10;
	s19 =	smov.u32 s18  }
.Ltmp9:
0x143: {  	v15 =	vand.u32 $0x7FFFFFFF, v6;
	v10 =	vshra.s32 v3, $0x1F;
	v5 =	vxor.u32 $0x200, v5;
	[tilespmem:v8+s2+$0x0] =	vst.idx.add.s32.msk $0xffff, v1;
	(pc) =	sbr.rel @p4 .LBB2_16-.Ltmp9, $4  }
0x144: {  	v7 =	vxor.u32 v7, v15;
	v8 =	vand.u32 $0x7FFFFFFF, v10;
	v11 =	vshra.s32 v2, $0x1F;
	[tilespmem:v9+s2+$0x0] =	vst.idx.add.s32.msk $0xffff, v1  }
0x145: {  	v9 =	vxor.u32 v3, v8;
	v8 =	vshrl.u32 v7, $0x16;
	v10 =	vand.u32 $0x7FFFFFFF, v11;
	[tilespmem:v12+s2+$0x0] =	vst.idx.add.s32.msk $0xffff, v1;
	v6 =	vmovc v13  }
0x146: {  	v3 =	vld [tilespmem:s5+$0xFFFFFFE0];
	v12 =	vshrl.u32 v9, $0x16;
	[tilespmem:s18+$0x0] =	vst v7;
	v8 =	vxor.u32 $0x200, v8;
	v10 =	vxor.u32 v2, v10  }
0x147: {  	v11 =	vshra.s32 v6, $0x1F;
	v2 =	vld [tilespmem:s5+$0x10];
	s5 =	sadd.s32 $0x40, s5;
	[tilespmem:s18+$0xFFFFFFE0] =	vst v9;
	v9 =	vxor.u32 $0x200, v12;
	v12 =	vshrl.u32 v10, $0x16;
	v7 =	vmovc v14  }
0x148: {  	_ =	sdelay $0x1  }
0x149: {  	v11 =	vand.u32 $0x7FFFFFFF, v11;
	[tilespmem:s19+$0xFFFFFFF0] =	vst v4  }
0x14a: {  	v4 =	vxor.u32 $0x200, v12;
	[tilespmem:s19+$0x10] =	vst v10;
	v6 =	vxor.u32 v6, v11  }
0x14b: {  	[tilespmem:v5+s2+$0x0] =	vst.idx.add.s32.msk $0xffff, v1;
	v11 =	vshra.s32 v7, $0x1F;
	v5 =	vshrl.u32 v6, $0x16  }
0x14c: {  	[tilespmem:v8+s2+$0x0] =	vst.idx.add.s32.msk $0xffff, v1;
	v11 =	vand.u32 $0x7FFFFFFF, v11;
	v10 =	vshra.s32 v3, $0x1F;
	v5 =	vxor.u32 $0x200, v5  }
0x14d: {  	[tilespmem:v9+s2+$0x0] =	vst.idx.add.s32.msk $0xffff, v1;
	s5 =	sadd.s32 $0x40, s18;
	v7 =	vxor.u32 v7, v11;
	v8 =	vand.u32 $0x7FFFFFFF, v10;
	v10 =	vshra.s32 v2, $0x1F  }
0x14e: {  	[tilespmem:s5+$0x0] =	vst v7;
	v3 =	vxor.u32 v3, v8;
	v8 =	vshrl.u32 v7, $0x16;
	v9 =	vand.u32 $0x7FFFFFFF, v10  }
0x14f: {  	[tilespmem:v4+s2+$0x0] =	vst.idx.add.s32.msk $0xffff, v1;
	v4 =	vshrl.u32 v3, $0x16;
	v7 =	vxor.u32 $0x200, v8;
	v2 =	vxor.u32 v2, v9  }
0x150: {  	[tilespmem:s5+$0xFFFFFFE0] =	vst v3;
	v3 =	vxor.u32 $0x200, v4;
	v4 =	vshrl.u32 v2, $0x16  }
0x151: {  	[tilespmem:s5+$0xFFFFFFF0] =	vst v6;
	v4 =	vxor.u32 $0x200, v4  }
0x152: {  	[tilespmem:s5+$0x10] =	vst v2  }
0x153: {  	[tilespmem:v5+s2+$0x0] =	vst.idx.add.s32.msk $0xffff, v1  }
0x154: {  	[tilespmem:v7+s2+$0x0] =	vst.idx.add.s32.msk $0xffff, v1  }
0x155: {  	[tilespmem:v3+s2+$0x0] =	vst.idx.add.s32.msk $0xffff, v1  }
0x156: {  	[tilespmem:v4+s2+$0x0] =	vst.idx.add.s32.msk $0xffff, v1  }
0x157: {  	[hbm4b:s14+s2] =	stream.linear.scatter [tilespmem:s29], [sflag:$0x3], $0x4000, $0x38;
	[tilespmem:$0x10C00] =	vst v63  }
0x158: {  	_ =	swait.ge [sflag:s30], $0x4000  }
0x159: {  	[sflag:s30] =	ssyncset.done $0x0  }
0x15a: {  	[sflag:s30] =	ssyncadd.s32 $0xFFFFC000  }
0x15b: {  	_ =	swait.ge [sflag:s20], $0x4000  }
0x15c: {  	[sflag:s20] =	ssyncset.done $0x0  }
0x15d: {  	s17 =	simm.s32 $0x4820;
	[sflag:s20] =	ssyncadd.s32 $0xFFFFC000  }
0x15e: {  	v2 =	vld [tilespmem:s17+$0xFFFFFFF0];
	_ =	sdelay $0x2  }
0x15f: {  	v3 =	vld [tilespmem:s17+$0x0]  }
0x160: {  	v8 =	vld [tilespmem:s17+$0xFFFFFFE0]  }
0x161: {  	v9 =	vld [tilespmem:s17+$0x10];
	v4 =	vshra.s32 v2, $0x1F  }
0x162: {  	v4 =	vand.u32 $0x7FFFFFFF, v4  }
0x163: {  	s18 =	simm.s32 $0x4860;
	v4 =	vxor.u32 v2, v4  }
0x164: {  	v6 =	vld [tilespmem:s18+$0xFFFFFFF0];
	v7 =	vshra.s32 v3, $0x1F;
	v2 =	vshrl.u32 v4, $0x16  }
0x165: {  	v10 =	vshra.s32 v8, $0x1F;
	v5 =	vxor.u32 $0x200, v2;
	v2 =	vand.u32 $0x7FFFFFFF, v7  }
0x166: {  	v10 =	vand.u32 $0x7FFFFFFF, v10;
	v2 =	vxor.u32 v3, v2;
	v3 =	vshra.s32 v9, $0x1F  }
0x167: {  	s19 =	simm.s32 $0xCC20;
	v12 =	vxor.u32 v8, v10;
	v7 =	vld [tilespmem:s18+$0x0];
	v8 =	vshrl.u32 v2, $0x16;
	v10 =	vand.u32 $0x7FFFFFFF, v3  }
0x168: {  	v13 =	vshrl.u32 v12, $0x16;
	[tilespmem:s19+$0xFFFFFFE0] =	vst v12;
	v3 =	vld [tilespmem:s18+$0xFFFFFFE0];
	v10 =	vxor.u32 v9, v10;
	v8 =	vxor.u32 $0x200, v8  }
0x169: {  	s5 =	simm.s32 $0x48A0;
	s17 =	simm.s32 $0x40;
	v11 =	vshra.s32 v6, $0x1F;
	[tilespmem:s19+$0x0] =	vst v2;
	v2 =	vld [tilespmem:s18+$0x10];
	s18 =	simm.s32 $0xCC20;
	v9 =	vxor.u32 $0x200, v13;
	v12 =	vshrl.u32 v10, $0x16  }
.LBB2_18:
0x16a: {  	v13 =	vld [tilespmem:s5+$0xFFFFFFF0];
	s17 =	sadd.s32 $0x40, s17;
	v11 =	vand.u32 $0x7FFFFFFF, v11;
	[tilespmem:s19+$0xFFFFFFF0] =	vst v4;
	v12 =	vxor.u32 $0x200, v12;
	s18 =	sadd.s32 $0x40, s18  }
0x16b: {  	p4 =	slt.u32 s17, $0x3FC0;
	v4 =	vxor.u32 v6, v11;
	[tilespmem:v5+s2+$0x0] =	vst.idx.add.s32.msk $0xffff, v1  }
0x16c: {  	v6 =	vshra.s32 v7, $0x1F;
	v14 =	vld [tilespmem:s5+$0x0];
	v5 =	vshrl.u32 v4, $0x16;
	[tilespmem:s19+$0x10] =	vst v10;
	s19 =	smov.u32 s18  }
.Ltmp10:
0x16d: {  	v15 =	vand.u32 $0x7FFFFFFF, v6;
	v10 =	vshra.s32 v3, $0x1F;
	v5 =	vxor.u32 $0x200, v5;
	[tilespmem:v8+s2+$0x0] =	vst.idx.add.s32.msk $0xffff, v1;
	(pc) =	sbr.rel @p4 .LBB2_18-.Ltmp10, $4  }
0x16e: {  	v7 =	vxor.u32 v7, v15;
	v8 =	vand.u32 $0x7FFFFFFF, v10;
	v11 =	vshra.s32 v2, $0x1F;
	[tilespmem:v9+s2+$0x0] =	vst.idx.add.s32.msk $0xffff, v1  }
0x16f: {  	v9 =	vxor.u32 v3, v8;
	v8 =	vshrl.u32 v7, $0x16;
	v10 =	vand.u32 $0x7FFFFFFF, v11;
	[tilespmem:v12+s2+$0x0] =	vst.idx.add.s32.msk $0xffff, v1;
	v6 =	vmovc v13  }
0x170: {  	v3 =	vld [tilespmem:s5+$0xFFFFFFE0];
	v12 =	vshrl.u32 v9, $0x16;
	[tilespmem:s18+$0x0] =	vst v7;
	v8 =	vxor.u32 $0x200, v8;
	v10 =	vxor.u32 v2, v10  }
0x171: {  	v11 =	vshra.s32 v6, $0x1F;
	v2 =	vld [tilespmem:s5+$0x10];
	s5 =	sadd.s32 $0x40, s5;
	[tilespmem:s18+$0xFFFFFFE0] =	vst v9;
	v9 =	vxor.u32 $0x200, v12;
	v12 =	vshrl.u32 v10, $0x16;
	v7 =	vmovc v14  }
0x172: {  	_ =	sdelay $0x1  }
0x173: {  	[tilespmem:s19+$0xFFFFFFF0] =	vst v4  }
0x174: {  	v11 =	vand.u32 $0x7FFFFFFF, v11;
	v54 =	vshra.s32 v7, $0x1F;
	[tilespmem:s19+$0x10] =	vst v10  }
0x175: {  	v52 =	vxor.u32 $0x200, v12;
	[tilespmem:v8+s2+$0x0] =	vst.idx.add.s32.msk $0xffff, v1;
	v6 =	vxor.u32 v6, v11;
	v11 =	vand.u32 $0x7FFFFFFF, v54  }
0x176: {  	[tilespmem:v9+s2+$0x0] =	vst.idx.add.s32.msk $0xffff, v1;
	v53 =	vshrl.u32 v6, $0x16;
	v57 =	vxor.u32 v7, v11;
	v55 =	vshra.s32 v3, $0x1F  }
0x177: {  	s5 =	sadd.s32 $0x40, s18;
	[tilespmem:v5+s2+$0x0] =	vst.idx.add.s32.msk $0xffff, v1;
	v5 =	vxor.u32 $0x200, v53;
	v56 =	vand.u32 $0x7FFFFFFF, v55;
	v58 =	vshra.s32 v2, $0x1F  }
0x178: {  	[tilespmem:s5+$0xFFFFFFF0] =	vst v6;
	v59 =	vshrl.u32 v57, $0x16;
	v3 =	vxor.u32 v3, v56;
	v60 =	vand.u32 $0x7FFFFFFF, v58  }
0x179: {  	[tilespmem:s5+$0x0] =	vst v57;
	v62 =	vxor.u32 $0x200, v59;
	v61 =	vshrl.u32 v3, $0x16;
	v2 =	vxor.u32 v2, v60  }
0x17a: {  	[tilespmem:s5+$0xFFFFFFE0] =	vst v3;
	v3 =	vxor.u32 $0x200, v61;
	v63 =	vshrl.u32 v2, $0x16  }
0x17b: {  	[tilespmem:v52+s2+$0x0] =	vst.idx.add.s32.msk $0xffff, v1;
	v4 =	vxor.u32 $0x200, v63  }
0x17c: {  	[tilespmem:s5+$0x10] =	vst v2  }
0x17d: {  	[tilespmem:v5+s2+$0x0] =	vst.idx.add.s32.msk $0xffff, v1  }
0x17e: {  	[tilespmem:v62+s2+$0x0] =	vst.idx.add.s32.msk $0xffff, v1  }
0x17f: {  	[tilespmem:v3+s2+$0x0] =	vst.idx.add.s32.msk $0xffff, v1  }
0x180: {  	[tilespmem:v4+s2+$0x0] =	vst.idx.add.s32.msk $0xffff, v1  }
0x181: {  	[hbm4b:s15+s2] =	stream.linear.scatter [tilespmem:s31], [sflag:$0x4], $0x4000, $0x38;
	[tilespmem:$0x10C00] =	vst v63  }
0x182: {  	_ =	swait.ge [sflag:s0], $0x4000  }
0x183: {  	[sflag:s0] =	ssyncset.done $0x0  }
0x184: {  	[sflag:s0] =	ssyncadd.s32 $0xFFFFC000  }
0x185: {  	_ =	swait.ge [sflag:s20], $0x4000  }
0x186: {  	[sflag:s20] =	ssyncset.done $0x0  }
0x187: {  	[sflag:s20] =	ssyncadd.s32 $0xFFFFC000  }
0x188: {  	[spmem:s16] =	stream.strided.scatter [tilespmem:s2], [sflag:$0x5], $0x400, s24, s23, $0x38;
	[tilespmem:$0x10C00] =	vst v63  }
.Ltmp11:
0x189: {  	_ =	swait.ge [sflag:s21], $0x400;
	(pc) =	sbr.rel @!p0 .LBB2_20-.Ltmp11, $3  }
0x18a: {  	[sflag:s21] =	ssyncset.done $0x0  }
0x18b: {  	[sflag:s21] =	ssyncadd.s32 $0xFFFFFC00  }
0x18c: {  	[bflag:$0x0] =	sbarrier.arrive $0xFFFF;
	_ =	sdelay $0x1  }
0x18d: {  	s5 =	rddreg [dreg:$0x6]  }
0x18e: {  	[tilespmem:s24], [sflag:$0x5] =	stream.strided.gather [spmem:s5], $0x400, s24, s23, $0x38;
	[tilespmem:$0x10C00] =	vst v63  }
0x18f: {  	_ =	swait.ge [sflag:s21], $0x400  }
0x190: {  	[sflag:s21] =	ssyncset.done $0x0  }
0x191: {  	s5 =	simm.s32 $0x20;
	[sflag:s21] =	ssyncadd.s32 $0xFFFFFC00  }
0x192: {  	s17 =	simm.s32 $0x420;
	v7 =	vld [tilespmem:s5+$0x10]  }
0x193: {  	v8 =	vld [tilespmem:s17+$0x10]  }
0x194: {  	v4 =	vld [tilespmem:s17+$0xFFFFFFE0]  }
0x195: {  	v2 =	vld [tilespmem:s5+$0xFFFFFFF0]  }
0x196: {  	v5 =	vld [tilespmem:s17+$0xFFFFFFF0]  }
0x197: {  	v3 =	vld [tilespmem:s5+$0x0]  }
0x198: {  	v6 =	vld [tilespmem:s17+$0x0];
	v8 =	vadd.s32 v7, v8  }
0x199: {  	s18 =	simm.s32 $0x0;
	s19 =	simm.s32 $0x60;
	v7 =	vld [tilespmem:s5+$0xFFFFFFE0];
	[tilespmem:s5+$0x10] =	vst v8  }
.LBB2_24:
0x19a: {  	v8 =	vld [tilespmem:s19+$0x10];
	s17 =	sadd.s32 $0x40, s17  }
0x19b: {  	s18 =	sadd.s32 $0x40, s18;
	v9 =	vld [tilespmem:s17+$0x10];
	v2 =	vadd.s32 v2, v5  }
0x19c: {  	p4 =	slt.u32 s18, $0x3C0;
	v10 =	vld [tilespmem:s17+$0xFFFFFFE0];
	[tilespmem:s5+$0xFFFFFFF0] =	vst v2  }
.Ltmp12:
0x19d: {  	v2 =	vld [tilespmem:s19+$0xFFFFFFF0];
	v3 =	vadd.s32 v3, v6;
	(pc) =	sbr.rel @p4 .LBB2_24-.Ltmp12, $4  }
0x19e: {  	v5 =	vld [tilespmem:s17+$0xFFFFFFF0];
	v4 =	vadd.s32 v7, v4;
	[tilespmem:s5+$0x0] =	vst v3  }
0x19f: {  	v3 =	vld [tilespmem:s19+$0x0];
	[tilespmem:s5+$0xFFFFFFE0] =	vst v4;
	s5 =	smov.u32 s19  }
0x1a0: {  	v6 =	vld [tilespmem:s17+$0x0];
	v8 =	vadd.s32 v8, v9  }
0x1a1: {  	s19 =	sadd.s32 $0x40, s19;
	v7 =	vld [tilespmem:s5+$0xFFFFFFE0];
	[tilespmem:s5+$0x10] =	vst v8;
	v4 =	vmov v10  }
0x1a2: {  	_ =	sdelay $0x1  }
0x1a3: {  	v2 =	vadd.s32 v2, v5  }
0x1a4: {  	[tilespmem:s5+$0xFFFFFFF0] =	vst v2;
	v2 =	vadd.s32 v3, v6  }
0x1a5: {  	v3 =	vadd.s32 v7, v4;
	[tilespmem:s5+$0x0] =	vst v2  }
0x1a6: {  	[tilespmem:s5+$0xFFFFFFE0] =	vst v3  }
0x1a7: {  	[spmem:s16] =	stream.strided.scatter [tilespmem:s2], [sflag:$0x5], $0x400, s24, s23, $0x38;
	[tilespmem:$0x10C00] =	vst v63  }
.Ltmp13:
0x1a8: {  	_ =	swait.ge [sflag:s21], $0x400;
	(pc) =	sbr.rel @p1 .LBB2_21-.Ltmp13, $3  }
0x1a9: {  	[sflag:s21] =	ssyncset.done $0x0  }
0x1aa: {  	[sflag:s21] =	ssyncadd.s32 $0xFFFFFC00  }
0x1ab: {  	[bflag:$0x0] =	sbarrier.arrive $0xFFFF;
	_ =	sdelay $0x1  }
0x1ac: {  	s5 =	rddreg [dreg:$0x7]  }
0x1ad: {  	[tilespmem:s24], [sflag:$0x5] =	stream.strided.gather [spmem:s5], $0x400, s24, s23, $0x38;
	[tilespmem:$0x10C00] =	vst v63  }
0x1ae: {  	_ =	swait.ge [sflag:s21], $0x400  }
0x1af: {  	[sflag:s21] =	ssyncset.done $0x0  }
0x1b0: {  	s5 =	simm.s32 $0x20;
	[sflag:s21] =	ssyncadd.s32 $0xFFFFFC00  }
0x1b1: {  	s17 =	simm.s32 $0x420;
	v7 =	vld [tilespmem:s5+$0x10]  }
0x1b2: {  	v8 =	vld [tilespmem:s17+$0x10]  }
0x1b3: {  	v4 =	vld [tilespmem:s17+$0xFFFFFFE0]  }
0x1b4: {  	v2 =	vld [tilespmem:s5+$0xFFFFFFF0]  }
0x1b5: {  	v5 =	vld [tilespmem:s17+$0xFFFFFFF0]  }
0x1b6: {  	v3 =	vld [tilespmem:s5+$0x0]  }
0x1b7: {  	v6 =	vld [tilespmem:s17+$0x0];
	v8 =	vadd.s32 v7, v8  }
0x1b8: {  	s18 =	simm.s32 $0x0;
	s19 =	simm.s32 $0x60;
	v7 =	vld [tilespmem:s5+$0xFFFFFFE0];
	[tilespmem:s5+$0x10] =	vst v8  }
.LBB2_27:
0x1b9: {  	v8 =	vld [tilespmem:s19+$0x10];
	s17 =	sadd.s32 $0x40, s17  }
0x1ba: {  	s18 =	sadd.s32 $0x40, s18;
	v9 =	vld [tilespmem:s17+$0x10];
	v2 =	vadd.s32 v2, v5  }
0x1bb: {  	p4 =	slt.u32 s18, $0x3C0;
	v10 =	vld [tilespmem:s17+$0xFFFFFFE0];
	[tilespmem:s5+$0xFFFFFFF0] =	vst v2  }
.Ltmp14:
0x1bc: {  	v2 =	vld [tilespmem:s19+$0xFFFFFFF0];
	v3 =	vadd.s32 v3, v6;
	(pc) =	sbr.rel @p4 .LBB2_27-.Ltmp14, $4  }
0x1bd: {  	v5 =	vld [tilespmem:s17+$0xFFFFFFF0];
	v4 =	vadd.s32 v7, v4;
	[tilespmem:s5+$0x0] =	vst v3  }
0x1be: {  	v3 =	vld [tilespmem:s19+$0x0];
	[tilespmem:s5+$0xFFFFFFE0] =	vst v4;
	s5 =	smov.u32 s19  }
0x1bf: {  	v6 =	vld [tilespmem:s17+$0x0];
	v8 =	vadd.s32 v8, v9  }
0x1c0: {  	s19 =	sadd.s32 $0x40, s19;
	v7 =	vld [tilespmem:s5+$0xFFFFFFE0];
	[tilespmem:s5+$0x10] =	vst v8;
	v4 =	vmov v10  }
0x1c1: {  	_ =	sdelay $0x1  }
0x1c2: {  	v2 =	vadd.s32 v2, v5  }
0x1c3: {  	[tilespmem:s5+$0xFFFFFFF0] =	vst v2;
	v2 =	vadd.s32 v3, v6  }
0x1c4: {  	v3 =	vadd.s32 v7, v4;
	[tilespmem:s5+$0x0] =	vst v2  }
0x1c5: {  	[tilespmem:s5+$0xFFFFFFE0] =	vst v3  }
0x1c6: {  	[spmem:s16] =	stream.strided.scatter [tilespmem:s2], [sflag:$0x5], $0x400, s24, s23, $0x38;
	[tilespmem:$0x10C00] =	vst v63  }
.Ltmp15:
0x1c7: {  	_ =	swait.ge [sflag:s21], $0x400;
	(pc) =	sbr.rel @p2 .LBB2_22-.Ltmp15, $3  }
0x1c8: {  	[sflag:s21] =	ssyncset.done $0x0  }
0x1c9: {  	[sflag:s21] =	ssyncadd.s32 $0xFFFFFC00  }
0x1ca: {  	[bflag:$0x0] =	sbarrier.arrive $0xFFFF;
	_ =	sdelay $0x1  }
0x1cb: {  	s5 =	rddreg [dreg:$0x8]  }
0x1cc: {  	[tilespmem:s24], [sflag:$0x5] =	stream.strided.gather [spmem:s5], $0x400, s24, s23, $0x38;
	[tilespmem:$0x10C00] =	vst v63  }
0x1cd: {  	_ =	swait.ge [sflag:s21], $0x400  }
0x1ce: {  	[sflag:s21] =	ssyncset.done $0x0  }
0x1cf: {  	s5 =	simm.s32 $0x20;
	[sflag:s21] =	ssyncadd.s32 $0xFFFFFC00  }
0x1d0: {  	s17 =	simm.s32 $0x420;
	v7 =	vld [tilespmem:s5+$0x10]  }
0x1d1: {  	v8 =	vld [tilespmem:s17+$0x10]  }
0x1d2: {  	v4 =	vld [tilespmem:s17+$0xFFFFFFE0]  }
0x1d3: {  	v2 =	vld [tilespmem:s5+$0xFFFFFFF0]  }
0x1d4: {  	v5 =	vld [tilespmem:s17+$0xFFFFFFF0]  }
0x1d5: {  	v3 =	vld [tilespmem:s5+$0x0]  }
0x1d6: {  	v6 =	vld [tilespmem:s17+$0x0];
	v8 =	vadd.s32 v7, v8  }
0x1d7: {  	s18 =	simm.s32 $0x0;
	s19 =	simm.s32 $0x60;
	v7 =	vld [tilespmem:s5+$0xFFFFFFE0];
	[tilespmem:s5+$0x10] =	vst v8  }
.LBB2_30:
0x1d8: {  	v8 =	vld [tilespmem:s19+$0x10];
	s17 =	sadd.s32 $0x40, s17  }
0x1d9: {  	s18 =	sadd.s32 $0x40, s18;
	v9 =	vld [tilespmem:s17+$0x10];
	v2 =	vadd.s32 v2, v5  }
0x1da: {  	p4 =	slt.u32 s18, $0x3C0;
	v10 =	vld [tilespmem:s17+$0xFFFFFFE0];
	[tilespmem:s5+$0xFFFFFFF0] =	vst v2  }
.Ltmp16:
0x1db: {  	v2 =	vld [tilespmem:s19+$0xFFFFFFF0];
	v3 =	vadd.s32 v3, v6;
	(pc) =	sbr.rel @p4 .LBB2_30-.Ltmp16, $4  }
0x1dc: {  	v5 =	vld [tilespmem:s17+$0xFFFFFFF0];
	v4 =	vadd.s32 v7, v4;
	[tilespmem:s5+$0x0] =	vst v3  }
0x1dd: {  	v3 =	vld [tilespmem:s19+$0x0];
	[tilespmem:s5+$0xFFFFFFE0] =	vst v4;
	s5 =	smov.u32 s19  }
0x1de: {  	v6 =	vld [tilespmem:s17+$0x0];
	v8 =	vadd.s32 v8, v9  }
0x1df: {  	s19 =	sadd.s32 $0x40, s19;
	v7 =	vld [tilespmem:s5+$0xFFFFFFE0];
	[tilespmem:s5+$0x10] =	vst v8;
	v4 =	vmov v10  }
0x1e0: {  	_ =	sdelay $0x1  }
0x1e1: {  	v2 =	vadd.s32 v2, v5  }
0x1e2: {  	[tilespmem:s5+$0xFFFFFFF0] =	vst v2;
	v2 =	vadd.s32 v3, v6  }
0x1e3: {  	v3 =	vadd.s32 v7, v4;
	[tilespmem:s5+$0x0] =	vst v2  }
0x1e4: {  	[tilespmem:s5+$0xFFFFFFE0] =	vst v3  }
0x1e5: {  	[spmem:s16] =	stream.strided.scatter [tilespmem:s2], [sflag:$0x5], $0x400, s24, s23, $0x38;
	[tilespmem:$0x10C00] =	vst v63  }
.Ltmp17:
0x1e6: {  	_ =	swait.ge [sflag:s21], $0x400;
	(pc) =	sbr.rel @p3 .LBB2_33-.Ltmp17, $3  }
0x1e7: {  	[sflag:s21] =	ssyncset.done $0x0  }
0x1e8: {  	[sflag:s21] =	ssyncadd.s32 $0xFFFFFC00  }
0x1e9: {  	[bflag:$0x0] =	sbarrier.arrive $0xFFFF;
	_ =	sdelay $0x1  }
.Ltmp18:
0x1ea: {  	(pc) =	sbr.rel .LBB2_36-.Ltmp18, $2  }
0x1eb: {  	_ =	sdelay $0x1  }
0x1ec: {  	[bflag:$0x0] =	sbarrier.arrive $0xFFFF;
	_ =	sdelay $0x1  }
.LBB2_33:
0x1ed: {  	s5 =	rddreg [dreg:$0x9]  }
0x1ee: {  	[tilespmem:s24], [sflag:$0x5] =	stream.strided.gather [spmem:s5], $0x400, s24, s23, $0x38;
	[tilespmem:$0x10C00] =	vst v63  }
0x1ef: {  	_ =	swait.ge [sflag:s21], $0x400  }
0x1f0: {  	[sflag:s21] =	ssyncset.done $0x0  }
0x1f1: {  	s5 =	simm.s32 $0x20;
	[sflag:s21] =	ssyncadd.s32 $0xFFFFFC00  }
0x1f2: {  	s17 =	simm.s32 $0x420;
	v7 =	vld [tilespmem:s5+$0x10]  }
0x1f3: {  	v8 =	vld [tilespmem:s17+$0x10]  }
0x1f4: {  	v4 =	vld [tilespmem:s17+$0xFFFFFFE0]  }
0x1f5: {  	v2 =	vld [tilespmem:s5+$0xFFFFFFF0]  }
0x1f6: {  	v5 =	vld [tilespmem:s17+$0xFFFFFFF0]  }
0x1f7: {  	v3 =	vld [tilespmem:s5+$0x0]  }
0x1f8: {  	v6 =	vld [tilespmem:s17+$0x0];
	v8 =	vadd.s32 v7, v8  }
0x1f9: {  	s18 =	simm.s32 $0x0;
	s19 =	simm.s32 $0x60;
	v7 =	vld [tilespmem:s5+$0xFFFFFFE0];
	[tilespmem:s5+$0x10] =	vst v8  }
.LBB2_34:
0x1fa: {  	v8 =	vld [tilespmem:s19+$0x10];
	s17 =	sadd.s32 $0x40, s17  }
0x1fb: {  	s18 =	sadd.s32 $0x40, s18;
	v9 =	vld [tilespmem:s17+$0x10];
	v2 =	vadd.s32 v2, v5  }
0x1fc: {  	p4 =	slt.u32 s18, $0x3C0;
	v10 =	vld [tilespmem:s17+$0xFFFFFFE0];
	[tilespmem:s5+$0xFFFFFFF0] =	vst v2  }
.Ltmp19:
0x1fd: {  	v2 =	vld [tilespmem:s19+$0xFFFFFFF0];
	v3 =	vadd.s32 v3, v6;
	(pc) =	sbr.rel @p4 .LBB2_34-.Ltmp19, $4  }
0x1fe: {  	v5 =	vld [tilespmem:s17+$0xFFFFFFF0];
	v4 =	vadd.s32 v7, v4;
	[tilespmem:s5+$0x0] =	vst v3  }
0x1ff: {  	v3 =	vld [tilespmem:s19+$0x0];
	[tilespmem:s5+$0xFFFFFFE0] =	vst v4;
	s5 =	smov.u32 s19  }
0x200: {  	v6 =	vld [tilespmem:s17+$0x0];
	v8 =	vadd.s32 v8, v9  }
0x201: {  	s19 =	sadd.s32 $0x40, s19;
	v7 =	vld [tilespmem:s5+$0xFFFFFFE0];
	[tilespmem:s5+$0x10] =	vst v8;
	v4 =	vmov v10  }
0x202: {  	_ =	sdelay $0x1  }
0x203: {  	v2 =	vadd.s32 v2, v5  }
0x204: {  	[tilespmem:s5+$0xFFFFFFF0] =	vst v2;
	v2 =	vadd.s32 v3, v6  }
0x205: {  	v3 =	vadd.s32 v7, v4;
	[tilespmem:s5+$0x0] =	vst v2  }
0x206: {  	[tilespmem:s5+$0xFFFFFFE0] =	vst v3  }
0x207: {  	[spmem:s16] =	stream.strided.scatter [tilespmem:s2], [sflag:$0x5], $0x400, s24, s23, $0x38;
	[tilespmem:$0x10C00] =	vst v63  }
0x208: {  	_ =	swait.ge [sflag:s21], $0x400  }
0x209: {  	[sflag:s21] =	ssyncset.done $0x0  }
0x20a: {  	[sflag:s21] =	ssyncadd.s32 $0xFFFFFC00  }
0x20b: {  	[bflag:$0x0] =	sbarrier.arrive $0xFFFF  }
.Ltmp20:
0x20c: {  	s17 =	simm.s32 $0x100;
	s19 =	rddreg [dreg:$0xa];
	(pc) =	sbr.rel .LBB2_36-.Ltmp20, $4  }
0x20d: {  	[hbm4b:s19+s23] =	stream.strided.scatter [tilespmem:s2], [sflag:$0x5], $0x400, s17, s23, $0x38;
	[tilespmem:$0x10C00] =	vst v63  }
0x20e: {  	_ =	swait.ge [sflag:s21], $0x400  }
0x20f: {  	[sflag:s21] =	ssyncset.done $0x0  }
0x210: {  	[sflag:s21] =	ssyncadd.s32 $0xFFFFFC00  }
.LBB2_37:
0x211: {  	_ =	sfence.sel $0x180000  }
0x212: {  	[bflag:$0x0] =	sbarrier.arrive $0xFFFF  }
0x213: {  	_ =	strace $0x90000047  }
0x214: {  	s0 =	stileid.u32;
	[bflag:$0x2] =	sbarrier.arrive $0xFFFF  }
0x215: {  	p0 =	sne.s32 s0, $0x0;
	s0 =	rddreg [dreg:$0x4]  }
0x216: {  	s0 =	sadd.s32 @!p0 $0x100000, s0  }
0x217: {  	[sflag:s0] =	ssyncadd.tile.s32 @!p0 $0x1;
	_ =	shalt  }
.Lfunc_end2:
_tile_overlayer_lowered:
.L_overlay_start_2:
0x218: {  	(tag) =	ssettag $0x2  }
0x219: {  	s0 =	rddreg [dreg:$0x0];
	s2 =	stileid.u32  }
0x21a: {  	s1 =	rddreg [dreg:$0x1];
	p0 =	sne.s32 s2, $0x0  }
0x21b: {  	s3 =	rddreg [dreg:$0x2];
	[bflag:$0x3] =	sbarrier.arrive $0xFFFF;
	s2 =	simm.s32 @!p0 $0x1C05  }
0x21c: {  	[timem:s3], [sflag:s2] =	dma.local @!p0 [hbm:s0], s1  }
0x21d: {  	s0 =	simm.s32 @!p0 $0x5  }
0x21e: {  	_ =	swait.ge @!p0 [sflag:s0], s1  }
0x21f: {  	s1 =	ssub.s32 @!p0 $0x0, s1;
	[sflag:s0] =	ssyncset.done @!p0 $0x0  }
0x220: {  	[sflag:s0] =	ssyncadd.s32 @!p0 s1  }
0x221: {  	[bflag:$0x3] =	sbarrier.arrive $0xFFFF  }
0x222: {  	_ =	shalt  }

// kernel: kernel.9.cloned.1.call-start
scs
__scs_entry_jumppad:
0x0: {  	(pc) =	sbr.rel $0x88, $3  }
0x1: {  	(tag) =	ssettag $0x0;
	lr =	simm.s32 $0x1  }
0x2: {  	[smem:$0x3FA0] =	sst lr;
	_ =	strace $0xD0000000  }
0x3: {  	_ = 	snop  }
0x4: {  	_ = 	snop  }
0x5: {  	_ = 	snop  }
0x6: {  	_ = 	snop  }
0x7: {  	_ = 	snop  }
__scs_overlays_trampoline_lowered:
0x8: {  	[smem:$0x3FAF] =	sst s0  }
0x9: {  	[smem:$0x3FB0] =	sst s1  }
0xa: {  	[smem:$0x3FB1] =	sst s2  }
0xb: {  	[smem:$0x3FB2] =	sst s3  }
0xc: {  	[smem:$0x3FB3] =	sst s4  }
0xd: {  	[smem:$0x3FB4] =	sst s5  }
0xe: {  	[smem:$0x3FB5] =	sst s6  }
0xf: {  	[smem:$0x3FB6] =	sst s7  }
0x10: {  	[smem:$0x3FB7] =	sst s8  }
0x11: {  	[smem:$0x3FB8] =	sst s9;
	s0 =	simm.s32 @!p0 $0x0  }
0x12: {  	s1 =	sld [smem:$0x3F9E];
	s0 =	simm.s32 @p0 $0x1  }
0x13: {  	[smem:$0x3FB9] =	sst s0;
	s0 =	simm.s32 @!p1 $0x0  }
0x14: {  	s2 =	sld [smem:$0x3F9D];
	s0 =	simm.s32 @p1 $0x1  }
0x15: {  	[smem:$0x3FBA] =	sst s0;
	s0 =	simm.s32 @!p2 $0x0  }
0x16: {  	s3 =	sld [smem:$0x3FDB];
	s0 =	simm.s32 @p2 $0x1  }
0x17: {  	s4 =	simm.s32 $0x1BF5;
	[smem:$0x3FBC] =	sst s0  }
0x18: {  	s0 =	sld [smem:$0x3F9F];
	_ =	swait.ge [sflag:s4], $0x0  }
0x19: {  	s7 =	sld [smem:$0x3FA0]  }
0x1a: {  	s8 =	sadd.s32 $0xFFFFE003, lr  }
0x1b: {  	s9 =	sadd.s32 $0xFFFFFEF7, lr;
	s5 =	simm.s32 $0xFFFFFFFF;
	p2 =	slt.u32 s8, $0xFFFFF086  }
0x1c: {  	p1 =	slt.u32 s9, $0xF7A;
	s5 =	simm.s32 @!p2 $0x0  }
0x1d: {  	s5 =	simm.s32 @p1 $0x1;
	p0 =	seq.s32 s7, s2  }
0x1e: {  	s7 =	smul.u32 @!p0 $0xF7A, s2;
	p2 =	seq.s32 @!p0 s5, $0x0  }
0x1f: {  	s9 =	smul.u32 $0xF7A, s1;
	s8 =	simm.s32 @!p0 $0x1BF5;
	p2 =	por !p2, p0  }
0x20: {  	[sflag:s8] =	ssyncset.s32 @!p0 $0xFFFFF086;
	s6 =	sadd.s32 @!p0 s3, s7;
	s7 =	simm.s32 @!p0 $0x108  }
0x21: {  	s3 =	sadd.s32 s3, s9;
	s6 =	sadd.s32 @!p0 $0x88, s6;
	s7 =	simm.s32 @p2 $0x1082  }
0x22: {  	[simem:s7], [sflag:s8] =	dma.local @!p0 [hbm:s6], $0xF7A  }
0x23: {  	s9 =	sor.u32 $0xD0000000, s2;
	s6 =	simm.s32 $0x108;
	_ =	swait.ge @!p0 [sflag:s8], $0x0  }
0x24: {  	s3 =	sadd.s32 $0x88, s3;
	s6 =	simm.s32 @!p1 $0x1082;
	[sflag:s4] =	ssyncset.s32 $0xFFFFF086  }
0x25: {  	[simem:s6], [sflag:s4] =	dma.local [hbm:s3], $0xF7A  }
0x26: {  	[smem:$0x3FA0] =	sst s1;
	(tag) =	ssettag s2;
	_ =	strace s9  }
0x27: {  	s1 =	sld [smem:$0x3FB0]  }
0x28: {  	s2 =	sld [smem:$0x3FB1]  }
0x29: {  	s4 =	sld [smem:$0x3FB3]  }
0x2a: {  	p0 =	seq.s32 s5, $0x0;
	s5 =	sld [smem:$0x3FB4]  }
0x2b: {  	s6 =	sld [smem:$0x3FB5]  }
0x2c: {  	s7 =	sld [smem:$0x3FB6]  }
0x2d: {  	s3 =	simm.s32 $0x108;
	s8 =	sld [smem:$0x3FB7]  }
0x2e: {  	s3 =	simm.s32 @!p0 $0x1082;
	s9 =	sld [smem:$0x3FB8]  }
0x2f: {  	lr =	sadd.s32 s0, s3;
	s0 =	sld [smem:$0x3FAF]  }
0x30: {  	s3 =	sld [smem:$0x3FB2]  }
0x31: {  	[smem:$0x3FBB] =	sst s10  }
0x32: {  	s10 =	sld [smem:$0x3FB9];
	_ =	sdelay $0x3  }
0x33: {  	p0 =	seq.s32 s10, $0x1;
	s10 =	sld [smem:$0x3FBB];
	_ =	sdelay $0x3  }
0x34: {  	[smem:$0x3FBB] =	sst s10  }
0x35: {  	s10 =	sld [smem:$0x3FBA];
	_ =	sdelay $0x3  }
0x36: {  	p1 =	seq.s32 s10, $0x1;
	s10 =	sld [smem:$0x3FBB];
	_ =	sdelay $0x3  }
0x37: {  	[smem:$0x3FBB] =	sst s10  }
0x38: {  	s10 =	sld [smem:$0x3FBC]  }
0x39: {  	_ = 	snop;
	(pc) =	sbr.ind lr, $3  }
0x3a: {  	_ = 	snop  }
0x3b: {  	_ = 	snop  }
0x3c: {  	p2 =	seq.s32 s10, $0x1;
	s10 =	sld [smem:$0x3FBB]  }
0x3d: {  	_ =	shalt  }
0x3e: {  	_ =	shalt  }
0x3f: {  	_ =	shalt  }
0x40: {  	_ =	shalt  }
0x41: {  	_ =	shalt  }
0x42: {  	_ =	shalt  }
0x43: {  	_ =	shalt  }
0x44: {  	_ =	shalt  }
0x45: {  	_ =	shalt  }
0x46: {  	_ =	shalt  }
0x47: {  	_ =	shalt  }
0x48: {  	_ =	shalt  }
0x49: {  	_ =	shalt  }
0x4a: {  	_ =	shalt  }
0x4b: {  	_ =	shalt  }
0x4c: {  	_ =	shalt  }
0x4d: {  	_ =	shalt  }
0x4e: {  	_ =	shalt  }
0x4f: {  	_ =	shalt  }
0x50: {  	_ =	shalt  }
0x51: {  	_ =	shalt  }
0x52: {  	_ =	shalt  }
0x53: {  	_ =	shalt  }
0x54: {  	_ =	shalt  }
0x55: {  	_ =	shalt  }
0x56: {  	_ =	shalt  }
0x57: {  	_ =	shalt  }
0x58: {  	_ =	shalt  }
0x59: {  	_ =	shalt  }
0x5a: {  	_ =	shalt  }
0x5b: {  	_ =	shalt  }
0x5c: {  	_ =	shalt  }
0x5d: {  	_ =	shalt  }
0x5e: {  	_ =	shalt  }
0x5f: {  	_ =	shalt  }
0x60: {  	_ =	shalt  }
0x61: {  	_ =	shalt  }
0x62: {  	_ =	shalt  }
0x63: {  	_ =	shalt  }
0x64: {  	_ =	shalt  }
0x65: {  	_ =	shalt  }
0x66: {  	_ =	shalt  }
0x67: {  	_ =	shalt  }
0x68: {  	_ =	shalt  }
0x69: {  	_ =	shalt  }
0x6a: {  	_ =	shalt  }
0x6b: {  	_ =	shalt  }
0x6c: {  	_ =	shalt  }
0x6d: {  	_ =	shalt  }
0x6e: {  	_ =	shalt  }
0x6f: {  	_ =	shalt  }
0x70: {  	_ =	shalt  }
0x71: {  	_ =	shalt  }
0x72: {  	_ =	shalt  }
0x73: {  	_ =	shalt  }
0x74: {  	_ =	shalt  }
0x75: {  	_ =	shalt  }
0x76: {  	_ =	shalt  }
0x77: {  	_ =	shalt  }
0x78: {  	_ =	shalt  }
0x79: {  	_ =	shalt  }
0x7a: {  	_ =	shalt  }
0x7b: {  	_ =	shalt  }
0x7c: {  	_ =	shalt  }
0x7d: {  	_ =	shalt  }
0x7e: {  	_ =	shalt  }
0x7f: {  	_ =	shalt  }
0x80: {  	_ =	shalt  }
0x81: {  	_ =	shalt  }
0x82: {  	_ =	shalt  }
0x83: {  	_ =	shalt  }
0x84: {  	_ =	shalt  }
0x85: {  	_ =	shalt  }
0x86: {  	_ =	shalt  }
0x87: {  	_ =	shalt  }
.Lfunc_end0:
.L_simem_size_0:
called_computation.1_lowered:
.L_overlay_start_0:
0x88: {  	s2 =	sld [smem:$0x3FD9]  }
0x89: {  	s3 =	sld [smem:$0x3FFE];
	_ =	sdelay $0x1  }
0x8a: {  	s1 =	srdreg.scid  }
0x8b: {  	s0 =	sand.u32 $0x1, s1  }
0x8c: {  	s17 =	sshll.u32 s0, $0xA;
	s2 =	sadd.s32 s3, s2  }
0x8d: {  	s2 =	sadd.s32 s2, s17  }
0x8e: {  	[smem:$0x3FC7] =	sst s2  }
0x8f: {  	_ = 	snop  }
0x90: {  	s2 =	sld [smem:$0x3FD0];
	(tm) =	ssettm $0x1  }
0x91: {  	s18 =	sld [smem:$0x3FFB];
	_ =	sdelay $0x3  }
0x92: {  	_ =	strace s18  }
0x93: {  	s3 =	sld [smem:$0x3FFC];
	_ =	sdelay $0x3  }
0x94: {  	_ =	strace s3  }
0x95: {  	s3 =	sld [smem:$0x3FFD];
	_ =	sdelay $0x3  }
0x96: {  	_ =	strace s3  }
0x97: {  	_ =	strace $0x8FFFFFFF  }
0x98: {  	s19 =	sld [smem:$0x3FDB];
	_ =	sdelay $0x1  }
0x99: {  	s4 =	simm.s32 $_scs_section_size  }
0x9a: {  	s5 =	simm.s32 $_size__tile_overlayer_lowered;
	s6 =	simm.s32 $_tile_overlayer_lowered  }
0x9b: {  	s22 =	simm.s32 $0x1BFF;
	s21 =	sshll.u32 s6, $0x1;
	s3 =	sadd.s32 s4, s19  }
0x9c: {  	s7 =	simm.s32 $0x0;
	s20 =	sshll.u32 s5, $0x1;
	s5 =	sadd.s32 s21, s3  }
0x9d: {  	[timem:s7], [sflag:s22] =	dma.local [hbm:s5], s20  }
0x9e: {  	_ =	swait.ge [sflag:s22], s20  }
0x9f: {  	s4 =	ssub.s32 $0x0, s20;
	[sflag:s22] =	ssyncset.done $0x0  }
0xa0: {  	[sflag:s22] =	ssyncadd.s32 s4;
	_ =	sdelay $0x1  }
0xa1: {  	s23 =	simm.s32 $0x1B8B  }
0xa2: {  	_ =	swait.ge [sflag:s23], $0x1  }
0xa3: {  	[sflag:s23] =	ssyncset.done $0x0  }
0xa4: {  	s25 =	simm.s32 $0x1B8E;
	s24 =	sld [smem:$0x3FFE];
	[sflag:s23] =	ssyncadd.s32 $0xFFFFFFFF  }
0xa5: {  	s26 =	simm.s32 $execute0_lowered;
	[smem:$0x3FD2] =	sst s25  }
0xa6: {  	s5 =	sshll.u32 s26, $0x1;
	_ =	strace $0x80000049;
	[dreg:$0x1] =	wrdreg $0xFFFFFFFF  }
0xa7: {  	s28 =	simm.s32 $_size_execute0_lowered;
	s3 =	sadd.s32 s3, s5;
	[dreg:$0x0] =	wrdreg $0x0  }
0xa8: {  	s5 =	sshll.u32 s28, $0x1;
	[dreg:$0x2] =	wrdreg s3  }
0xa9: {  	[dreg:$0x3] =	wrdreg s5  }
0xaa: {  	[dreg:$0x4] =	wrdreg $0xC0  }
0xab: {  	_ =	task [dreg:s7], $0x5FFFF  }
0xac: {  	[dreg:$0x1] =	wrdreg $0xFFFFFFFF  }
0xad: {  	[dreg:$0x0] =	wrdreg $0x60  }
0xae: {  	[dreg:$0x2] =	wrdreg s2  }
0xaf: {  	[dreg:$0x3] =	wrdreg s24  }
0xb0: {  	[dreg:$0x4] =	wrdreg $0x98000  }
0xb1: {  	[dreg:$0x5] =	wrdreg $0x9  }
0xb2: {  	_ =	task.clear_ibuf [dreg:s7], $0x6FFFF;
	_ =	strace $0x90000049  }
0xb3: {  	s29 =	simm.s32 $0x9;
	_ =	strace $0x8000004B  }
0xb4: {  	_ =	swait.ge [sflag:s29], $0x1  }
0xb5: {  	[sflag:s29] =	ssyncadd.s32 $0xFFFFFFFF  }
0xb6: {  	_ =	strace $0x9000004B  }
0xb7: {  	_ =	sfence  }
0xb8: {  	s30 =	sld [smem:$0x0];
	_ =	sdelay $0x2  }
0xb9: {  	s31 =	sshll.u32 s1, $0xD;
	s1 =	sshrl.u32 s1, $0x2  }
0xba: {  	s3 =	sand.u32 $0x4000, s31;
	s1 =	sadd.s32 s1, s30  }
0xbb: {  	s0 =	sor.u32 s3, s0;
	s1 =	sshll.u32 s1, $0x11  }
0xbc: {  	s0 =	sor.u32 s1, s0  }
0xbd: {  	s0 =	sadd.s32 $0x8F2B, s0  }
0xbe: {  	[sflag:s0] =	ssyncadd.remote.s32 $0x1  }
0xbf: {  	_ =	sfence.sel $0xFFFF  }
0xc0: {  	[dreg:$0x0] =	wrdreg $0xFFFFFFFF;
	(pc) =	sbr.abs _section_cstart, $3  }
0xc1: {  	[dreg:$0x1] =	wrdreg $0xFFFFFFFF  }
0xc2: {  	_ =	task.clear_ibuf [dreg:s7], $0x2FFFF;
	_ =	strace $0x9FFFFFFF  }
0xc3: {  	(tm) =	ssettm $0x7FFFFFFF  }
tec
execute0_lowered:
.L_overlay_start_1:
0x0: {  	(tag) =	ssettag $0x1  }
0x1: {  	s0 =	rddreg [dreg:$0x0]  }
0x2: {  	s2 =	rddreg [dreg:$0x1]  }
0x3: {  	s15 =	rddreg [dreg:$0x2]  }
0x4: {  	s1 =	simm.s32 $0x0;
	s3 =	srdreg.scid;
	s26 =	stileid.u32  }
0x5: {  	s19 =	simm.s32 $0x1800;
	s20 =	simm.s32 $0x5800;
	s21 =	simm.s32 $0x3  }
0x6: {  	s22 =	simm.s32 $0x1;
	s30 =	simm.s32 $0x0;
	[smem:$0x7FF] =	sst s1  }
0x7: {  	s4 =	sand.u32 $0x1, s3;
	s3 =	sadd.s32 $0x2600, s2;
	s6 =	sshll.u32 s26, $0xE  }
0x8: {  	s13 =	sshll.u32 s26, $0x7;
	s11 =	sshll.u32 s26, $0xB;
	s31 =	sadd.s32 $0x80, s15  }
0x9: {  	p0 =	slt.u32 s26, $0x8;
	p1 =	sgt.u32 s26, $0x3;
	p2 =	sgt.u32 s26, $0x1  }
0xa: {  	p3 =	seq.s32 s26, $0x0;
	s26 =	simm.s32 $0x400;
	_ =	strace $0x8000004A  }
0xb: {  	s5 =	sshll.u32 s4, $0x12;
	s7 =	sshll.u32 s4, $0x4;
	s8 =	ssub.s32 $0x2, s4  }
0xc: {  	s12 =	sand.u32 $0x380, s13;
	s14 =	sand.u32 $0x4000, s11;
	s17 =	sadd.s32 s13, s15  }
0xd: {  	[dreg:$0x6] =	wrdreg s31;
	s23 =	sor.u32 s6, s5;
	s2 =	sadd.s32 s7, s2  }
0xe: {  	s24 =	sshrl.u32 s8, $0x1;
	s16 =	sadd.s32 s12, s15;
	s28 =	sadd.s32 $0x200, s17  }
0xf: {  	s29 =	sadd.s32 $0x100, s17;
	s4 =	sadd.s32 s0, s23;
	s25 =	ssub.s32 s8, s24  }
0x10: {  	s12 =	sadd.s32 s14, s16;
	s13 =	sadd.s32 $0x4000, s16;
	[dreg:$0x4] =	wrdreg s28  }
.Ltmp0:
0x11: {  	[dreg:$0x5] =	wrdreg s29;
	s2 =	sadd.s32 $0x2800, s2;
	(pc) =	sbr.rel .LBB2_1-.Ltmp0, $4  }
0x12: {  	v2 =	vlaneseq.u32;
	s23 =	simm.s32 $0x800;
	s24 =	simm.s32 $0x2;
	s5 =	sadd.s32 $0x800, s4  }
0x13: {  	v1 =	vmul.u32 $0xFFFFFFFF, v2;
	s6 =	sadd.s32 $0x1000, s4;
	s7 =	sadd.s32 $0x1800, s4;
	s8 =	sadd.s32 $0x2000, s4  }
0x14: {  	v0 =	vimm.s32 $0x0;
	s9 =	sadd.s32 $0x2800, s4;
	s10 =	sadd.s32 $0x3000, s4;
	s11 =	sadd.s32 $0x3800, s4  }
0x15: {  	v3 =	vimm.s32 $0x1;
	v2 =	vor.u32 $0x80000000, v2;
	v1 =	vadd.s32 $0xF, v1;
	[dreg:$0x7] =	wrdreg s2;
	s18 =	smax.u32 s25, $0x1;
	s25 =	simm.s32 $0x80  }
.LBB2_22:
0x16: {  	[bflag:$0x0] =	sbarrier.arrive $0xFFFF  }
.LBB2_23:
0x17: {  	[bflag:$0x0] =	sbarrier.arrive $0xFFFF  }
.LBB2_24:
0x18: {  	[bflag:$0x0] =	sbarrier.arrive $0xFFFF  }
0x19: {  	[bflag:$0x0] =	sbarrier.arrive $0xFFFF  }
.LBB2_38:
0x1a: {  	s30 =	sadd.s32 $0x1, s30  }
0x1b: {  	p4 =	sne.s32 s30, s18  }
.Ltmp1:
0x1c: {  	_ = 	snop;
	(pc) =	sbr.rel @!p4 .LBB2_39-.Ltmp1, $1  }
0x1d: {  	_ =	sdelay $0x3  }
.LBB2_1:
0x1e: {  	[tilespmem:s19], [sflag:$0x1] =	stream.linear.gather [hbm4b:s4+s1], $0x4000, $0x38;
	[tilespmem:$0xA000] =	vst v63  }
0x1f: {  	s0 =	simm.s32 $0x40;
	s2 =	simm.s32 $0x0  }
0x20: {  	[tilespmem:s20], [sflag:$0x2] =	stream.linear.gather [hbm4b:s5+s1], $0x4000, $0x38;
	[tilespmem:$0xA000] =	vst v63  }
.LBB2_2:
0x21: {  	p4 =	sne.s32 s0, $0x1FC0;
	[tilespmem:s2+$0x800] =	vst v0;
	s2 =	smov.u32 s0;
	s0 =	sadd.s32 $0x40, s0  }
.Ltmp2:
0x22: {  	(pc) =	sbr.rel @p4 .LBB2_2-.Ltmp2, $2  }
0x23: {  	_ =	sdelay $0x2  }
0x24: {  	s2 =	sshra.s32 s2, $0x2  }
0x25: {  	[tilespmem:s2+$0x800] =	vst v0;
	s14 =	simm.s32 $0x0  }
0x26: {  	[tilespmem:s14], [sflag:$0x3] =	stream.linear.gather [hbm4b:s3+s14], $0x800, $0x38;
	[tilespmem:$0xA000] =	vst v63  }
0x27: {  	s0 =	simm.s32 $0x3F0;
	s28 =	simm.s32 $0x7E0;
	_ =	swait.ge [sflag:s21], $0x800  }
0x28: {  	s0 =	sand.u32 $0x70, s0;
	s2 =	sand.u32 $0x700, s28;
	[sflag:s21] =	ssyncset.done $0x0  }
0x29: {  	s0 =	sor.u32 s0, s2;
	[sflag:s21] =	ssyncadd.s32 $0xFFFFF800  }
0x2a: {  	v4 =	vld [tilespmem:s0+$0x0]  }
0x2b: {  	v5 =	vld [tilespmem:s0+$0x80];
	_ =	sdelay $0x4  }
0x2c: {  	v4 =	vadd.s32 v4, v5  }
0x2d: {  	v4 =	vperm.xlane v4, v1;
	_ =	sdelay $0x1  }
0x2e: {  	(xrf0) =	vadd.scan.msk.s32 $0xffff, v4;
	_ =	sdelay $0x3  }
0x2f: {  	s31 =	simm.s32 $0x7C0;
	s0 =	simm.s32 $0x3E0  }
0x30: {  	s2 =	sand.u32 $0x700, s31;
	s15 =	sand.u32 $0x70, s0  }
0x31: {  	s2 =	sor.u32 s15, s2;
	v4, _, _ =	vpop (xrf0)  }
0x32: {  	v6 =	vld [tilespmem:s2+$0x80];
	v4 =	vperm.xlane v4, v1  }
0x33: {  	v5 =	vld [tilespmem:s2+$0x0]  }
0x34: {  	v4 =	vadd.s32 s14, v4  }
0x35: {  	vm0 =	vgt.s32 v4, $0x270F;
	(v2sf) =	vpush v4, $0x0  }
0x36: {  	v4 =	vnsel vm0, $0x7FFFFFFF, v2  }
0x37: {  	(xrf0) =	vmax.scan.msk.u32 $0xffff, v4  }
0x38: {  	v4 =	vadd.s32 v5, v6  }
0x39: {  	v4 =	vperm.xlane v4, v1;
	_ =	sdelay $0x2  }
0x3a: {  	(xrf0) =	vadd.scan.msk.s32 $0xffff, v4  }
0x3b: {  	v4, _, _ =	vpop (xrf0)  }
0x3c: {  	(v2sf) =	vpush v4, $0xF;
	_ =	sdelay $0x3  }
0x3d: {  	s29 =	simm.s32 $0x3D0;
	s17 =	simm.s32 $0x7A0;
	v4, _, _ =	vpop (xrf0)  }
0x3e: {  	s16 =	sand.u32 $0x700, s17;
	s15 =	sand.u32 $0x70, s29;
	v4 =	vperm.xlane v4, v1  }
0x3f: {  	s2 =	sor.u32 s15, s16;
	s28 =	spop (v2sf)  }
0x40: {  	v5 =	vld [tilespmem:s2+$0x0];
	v4 =	vadd.s32 s28, v4  }
0x41: {  	v6 =	vld [tilespmem:s2+$0x80];
	vm15 =	vgt.s32 v4, $0x270F  }
0x42: {  	v7 =	vnsel vm15, $0x7FFFFFFF, v2  }
0x43: {  	(v2sf) =	vpush v4, $0x0;
	(xrf0) =	vmax.scan.msk.u32 $0xffff, v7;
	_ =	sdelay $0x2  }
0x44: {  	v5 =	vadd.s32 v5, v6  }
0x45: {  	v5 =	vperm.xlane v5, v1  }
0x46: {  	p5 =	por $0x1, $0x1;
	s15 =	simm.s32 $0x3C0;
	s31 =	spop (v2sf)  }
0x47: {  	s16 =	simm.s32 $0x0;
	(xrf0) =	vadd.scan.msk.s32 $0xffff, v5;
	p6 =	slt.s32 s31, $0x0;
	v4, _, _ =	vpop (xrf0);
	s2 =	sadd.s32 $0x3F0, s31  }
.LBB2_4:
0x48: {  	s31 =	smov.u32 s14  }
0x49: {  	s16 =	simm.s32 @p6 $0x1;
	s28 =	sadd.s32 $0xFFFFFFF0, s15;
	s31 =	smov.u32 @p6 s2  }
0x4a: {  	(v2sf) =	vpush v4, $0xF;
	s2 =	smov.u32 s0;
	s0 =	smov.u32 s29;
	s29 =	smov.u32 s15  }
0x4b: {  	p4 =	sne.s32 s15, $0x0;
	s14 =	smov.u32 @p5 s31;
	_ =	sdelay $0x1  }
0x4c: {  	s17 =	sadd.s32 $0xFFFFFFE0, s17  }
0x4d: {  	s15 =	sand.u32 $0x70, s29;
	s31 =	sand.u32 $0x700, s17;
	v4, _, _ =	vpop (xrf0)  }
0x4e: {  	s15 =	sor.u32 s15, s31;
	v4 =	vperm.xlane v4, v1  }
0x4f: {  	v5 =	vld [tilespmem:s15+$0x0];
	s31 =	spop (v2sf)  }
0x50: {  	v6 =	vld [tilespmem:s15+$0x80];
	v4 =	vadd.s32 s31, v4  }
0x51: {  	vm0 =	vgt.s32 v4, $0x270F;
	(v2sf) =	vpush v4, $0x0  }
0x52: {  	v4 =	vnsel vm0, $0x7FFFFFFF, v2  }
0x53: {  	(xrf0) =	vmax.scan.msk.u32 $0xffff, v4;
	_ =	sdelay $0x1  }
.Ltmp3:
0x54: {  	v4 =	vadd.s32 v5, v6;
	(pc) =	sbr.rel @p4 .LBB2_4-.Ltmp3, $3  }
0x55: {  	v5 =	vperm.xlane v4, v1;
	_ =	sdelay $0x1  }
0x56: {  	p5 =	seq.s32 s16, $0x0;
	(xrf0) =	vadd.scan.msk.s32 $0xffff, v5;
	s15 =	spop (v2sf)  }
0x57: {  	v4, _, _ =	vpop (xrf0);
	p6 =	slt.s32 s15, $0x0;
	s2 =	sadd.s32 s2, s15;
	s15 =	smov.u32 s28  }
0x58: {  	_ =	sdelay $0x3  }
0x59: {  	v5, _, _ =	vpop (xrf0)  }
0x5a: {  	v5 =	vperm.xlane v5, v1  }
0x5b: {  	s15 =	spop (v2sf)  }
0x5c: {  	v5 =	vadd.s32 s15, v5  }
0x5d: {  	vm0 =	vgt.s32 v5, $0x270F  }
0x5e: {  	v6 =	vnsel vm0, $0x7FFFFFFF, v2  }
0x5f: {  	(xrf0) =	vmax.scan.msk.u32 $0xffff, v6;
	_ =	sdelay $0x4  }
0x60: {  	(v2sf) =	vpush v4, $0xF  }
0x61: {  	(v2sf) =	vpush v5, $0x0;
	v4, _, _ =	vpop (xrf0)  }
0x62: {  	(v2sf) =	vpush v4, $0xF;
	_ =	sdelay $0x9  }
0x63: {  	s15 =	smov.u32 s14  }
0x64: {  	s15 =	smov.u32 @p6 s2  }
0x65: {  	s14 =	smov.u32 @p5 s15  }
0x66: {  	s16 =	simm.s32 @p6 $0x1;
	s2 =	smov.u32 s14;
	s31 =	spop (v2sf)  }
0x67: {  	p4 =	slt.s32 s31, $0x0;
	s0 =	sadd.s32 s0, s31;
	s17 =	spop (v2sf)  }
0x68: {  	p5 =	seq.s32 s16, $0x0;
	s2 =	smov.u32 @p4 s0;
	s15 =	spop (v2sf)  }
0x69: {  	s28 =	simm.s32 $0x1820;
	s14 =	smov.u32 @p5 s2;
	_ =	swait.ge [sflag:s22], $0x4000  }
0x6a: {  	s16 =	simm.s32 @p4 $0x1;
	s2 =	smov.u32 s14;
	[sflag:s22] =	ssyncset.done $0x0  }
0x6b: {  	p4 =	slt.s32 s15, $0x0;
	s0 =	sadd.s32 s29, s15;
	[sflag:s22] =	ssyncadd.s32 $0xFFFFC000  }
0x6c: {  	p5 =	seq.s32 s16, $0x0;
	s2 =	smov.u32 @p4 s0;
	v5 =	vld [tilespmem:s28+$0x10]  }
0x6d: {  	s14 =	smov.u32 @p5 s2;
	v6 =	vld [tilespmem:s28+$0xFFFFFFE0]  }
0x6e: {  	s29 =	sshll.u32 s14, $0x16;
	v8 =	vld [tilespmem:s28+$0xFFFFFFF0]  }
0x6f: {  	v9 =	vld [tilespmem:s28+$0x0];
	s0 =	sshra.s32 s29, $0x16  }
0x70: {  	s31 =	simm.s32 $0x1860;
	s0 =	sxor.u32 $0xFFFFFE00, s0  }
0x71: {  	v11 =	vld [tilespmem:s31+$0x10];
	v4 =	vmov s0;
	v7 =	vshra.s32 v5, $0x16;
	v5 =	vshrl.u32 v5, $0xB  }
0x72: {  	vm2 =	veq.s32 v7, v4;
	v7 =	vshra.s32 v6, $0x16;
	v10 =	vand.u32 $0x7FF, v5  }
0x73: {  	v12 =	vld [tilespmem:s31+$0xFFFFFFF0];
	v5 =	vshrl.u32 v6, $0xB;
	v6 =	vshra.s32 v8, $0x16;
	vm3 =	veq.s32 v7, v4  }
0x74: {  	v7 =	vld [tilespmem:s31+$0x0];
	v13 =	vand.u32 $0x7FF, v5;
	v5 =	vshrl.u32 v8, $0xB;
	v8 =	vshra.s32 v9, $0x16  }
0x75: {  	vm1 =	veq.s32 v8, v4;
	v8 =	vld [tilespmem:s31+$0xFFFFFFE0]  }
0x76: {  	v14 =	vshrl.u32 v11, $0xB;
	v9 =	vshrl.u32 v9, $0xB;
	vm0 =	veq.s32 v6, v4  }
0x77: {  	v5 =	vand.u32 $0x7FF, v5;
	v6 =	vand.u32 $0x7FF, v9;
	v9 =	vshra.s32 v11, $0x16  }
0x78: {  	vm0 =	vmmov vm0;
	v11 =	vshrl.u32 v12, $0xB;
	[tilespmem:v10+s23+$0x0] =	vst.idx.add.s32.msk vm2, v3;
	v10 =	vshra.s32 v12, $0x16  }
0x79: {  	s16 =	simm.s32 $0x18A0;
	s0 =	simm.s32 $0x40;
	vm2 =	veq.s32 v9, v4;
	v12 =	vshra.s32 v7, $0x16;
	v9 =	vand.u32 $0x7FF, v14;
	[tilespmem:v13+s23+$0x0] =	vst.idx.add.s32.msk vm3, v3  }
.LBB2_6:
0x7a: {  	v14 =	vshrl.u32 v8, $0xB  }
0x7b: {  	v13 =	vld [tilespmem:s16+$0x10];
	s0 =	sadd.s32 $0x40, s0;
	v8 =	vshra.s32 v8, $0x16;
	v15 =	vshrl.u32 v7, $0xB;
	vm3 =	vmmov vm1  }
0x7c: {  	vm5 =	veq.s32 v10, v4;
	vm1 =	veq.s32 v12, v4;
	v16 =	vld [tilespmem:s16+$0xFFFFFFF0];
	p4 =	slt.u32 s0, $0x3FC0;
	vm4 =	veq.s32 v8, v4  }
0x7d: {  	v10 =	vand.u32 $0x7FF, v11;
	v14 =	vand.u32 $0x7FF, v14;
	v11 =	vand.u32 $0x7FF, v15;
	v7 =	vld [tilespmem:s16+$0x0]  }
.Ltmp4:
0x7e: {  	v8 =	vld [tilespmem:s16+$0xFFFFFFE0];
	(pc) =	sbr.rel @p4 .LBB2_6-.Ltmp4, $4  }
0x7f: {  	[tilespmem:v9+s23+$0x0] =	vst.idx.add.s32.msk vm2, v3  }
0x80: {  	v9 =	vshra.s32 v13, $0x16;
	[tilespmem:v5+s23+$0x0] =	vst.idx.add.s32.msk vm0, v3;
	v5 =	vmov v10;
	vm0 =	vmmov vm5  }
0x81: {  	v13 =	vshrl.u32 v13, $0xB;
	v10 =	vshra.s32 v16, $0x16;
	vm2 =	veq.s32 v9, v4;
	[tilespmem:v6+s23+$0x0] =	vst.idx.add.s32.msk vm3, v3;
	v6 =	vmovc v11  }
0x82: {  	s16 =	sadd.s32 $0x40, s16;
	v11 =	vshrl.u32 v16, $0xB;
	v9 =	vand.u32 $0x7FF, v13;
	v12 =	vshra.s32 v7, $0x16;
	[tilespmem:v14+s23+$0x0] =	vst.idx.add.s32.msk vm4, v3  }
0x83: {  	_ = 	snop  }
0x84: {  	v13 =	vshra.s32 v8, $0x16;
	vm1 =	vmmov vm1  }
0x85: {  	v8 =	vshrl.u32 v8, $0xB;
	vm4 =	veq.s32 v10, v4;
	vm3 =	veq.s32 v13, v4  }
0x86: {  	vm5 =	veq.s32 v12, v4;
	v8 =	vand.u32 $0x7FF, v8;
	vm4 =	vmmov vm4  }
0x87: {  	v7 =	vshrl.u32 v7, $0xB;
	v10 =	vand.u32 $0x7FF, v11;
	vm5 =	vmmov vm5  }
0x88: {  	[tilespmem:v9+s23+$0x0] =	vst.idx.add.s32.msk vm2, v3;
	v7 =	vand.u32 $0x7FF, v7  }
0x89: {  	[tilespmem:v5+s23+$0x0] =	vst.idx.add.s32.msk vm0, v3  }
0x8a: {  	[tilespmem:v6+s23+$0x0] =	vst.idx.add.s32.msk vm1, v3  }
0x8b: {  	[tilespmem:v8+s23+$0x0] =	vst.idx.add.s32.msk vm3, v3  }
0x8c: {  	[tilespmem:v10+s23+$0x0] =	vst.idx.add.s32.msk vm4, v3  }
0x8d: {  	[tilespmem:v7+s23+$0x0] =	vst.idx.add.s32.msk vm5, v3  }
0x8e: {  	[tilespmem:s19], [sflag:$0x1] =	stream.linear.gather [hbm4b:s6+s1], $0x4000, $0x38;
	[tilespmem:$0xA000] =	vst v63  }
0x8f: {  	_ =	swait.ge [sflag:s24], $0x4000  }
0x90: {  	[sflag:s24] =	ssyncset.done $0x0  }
0x91: {  	s0 =	simm.s32 $0x5820;
	[sflag:s24] =	ssyncadd.s32 $0xFFFFC000  }
0x92: {  	v5 =	vld [tilespmem:s0+$0x10]  }
0x93: {  	v6 =	vld [tilespmem:s0+$0xFFFFFFE0]  }
0x94: {  	v8 =	vld [tilespmem:s0+$0xFFFFFFF0]  }
0x95: {  	v9 =	vld [tilespmem:s0+$0x0]  }
0x96: {  	s31 =	simm.s32 $0x5860  }
0x97: {  	v11 =	vld [tilespmem:s31+$0x10];
	v7 =	vshra.s32 v5, $0x16;
	v5 =	vshrl.u32 v5, $0xB  }
0x98: {  	vm2 =	veq.s32 v7, v4;
	v7 =	vshra.s32 v6, $0x16;
	v10 =	vand.u32 $0x7FF, v5  }
0x99: {  	v12 =	vld [tilespmem:s31+$0xFFFFFFF0];
	v5 =	vshrl.u32 v6, $0xB;
	v6 =	vshra.s32 v8, $0x16;
	vm3 =	veq.s32 v7, v4  }
0x9a: {  	v7 =	vld [tilespmem:s31+$0x0];
	v13 =	vand.u32 $0x7FF, v5;
	v5 =	vshrl.u32 v8, $0xB;
	v8 =	vshra.s32 v9, $0x16  }
0x9b: {  	vm1 =	veq.s32 v8, v4;
	v8 =	vld [tilespmem:s31+$0xFFFFFFE0]  }
0x9c: {  	v14 =	vshrl.u32 v11, $0xB;
	v9 =	vshrl.u32 v9, $0xB;
	vm0 =	veq.s32 v6, v4  }
0x9d: {  	v5 =	vand.u32 $0x7FF, v5;
	v6 =	vand.u32 $0x7FF, v9;
	v9 =	vshra.s32 v11, $0x16  }
0x9e: {  	vm0 =	vmmov vm0;
	v11 =	vshrl.u32 v12, $0xB;
	[tilespmem:v10+s23+$0x0] =	vst.idx.add.s32.msk vm2, v3;
	v10 =	vshra.s32 v12, $0x16  }
0x9f: {  	s16 =	simm.s32 $0x58A0;
	s0 =	simm.s32 $0x40;
	vm2 =	veq.s32 v9, v4;
	v12 =	vshra.s32 v7, $0x16;
	v9 =	vand.u32 $0x7FF, v14;
	[tilespmem:v13+s23+$0x0] =	vst.idx.add.s32.msk vm3, v3  }
.LBB2_8:
0xa0: {  	v14 =	vshrl.u32 v8, $0xB  }
0xa1: {  	v13 =	vld [tilespmem:s16+$0x10];
	s0 =	sadd.s32 $0x40, s0;
	v8 =	vshra.s32 v8, $0x16;
	v15 =	vshrl.u32 v7, $0xB;
	vm3 =	vmmov vm1  }
0xa2: {  	vm5 =	veq.s32 v10, v4;
	vm1 =	veq.s32 v12, v4;
	v16 =	vld [tilespmem:s16+$0xFFFFFFF0];
	p4 =	slt.u32 s0, $0x3FC0;
	vm4 =	veq.s32 v8, v4  }
0xa3: {  	v10 =	vand.u32 $0x7FF, v11;
	v14 =	vand.u32 $0x7FF, v14;
	v11 =	vand.u32 $0x7FF, v15;
	v7 =	vld [tilespmem:s16+$0x0]  }
.Ltmp5:
0xa4: {  	v8 =	vld [tilespmem:s16+$0xFFFFFFE0];
	(pc) =	sbr.rel @p4 .LBB2_8-.Ltmp5, $4  }
0xa5: {  	[tilespmem:v9+s23+$0x0] =	vst.idx.add.s32.msk vm2, v3  }
0xa6: {  	v9 =	vshra.s32 v13, $0x16;
	[tilespmem:v5+s23+$0x0] =	vst.idx.add.s32.msk vm0, v3;
	v5 =	vmov v10;
	vm0 =	vmmov vm5  }
0xa7: {  	v13 =	vshrl.u32 v13, $0xB;
	v10 =	vshra.s32 v16, $0x16;
	vm2 =	veq.s32 v9, v4;
	[tilespmem:v6+s23+$0x0] =	vst.idx.add.s32.msk vm3, v3;
	v6 =	vmovc v11  }
0xa8: {  	s16 =	sadd.s32 $0x40, s16;
	v11 =	vshrl.u32 v16, $0xB;
	v9 =	vand.u32 $0x7FF, v13;
	v12 =	vshra.s32 v7, $0x16;
	[tilespmem:v14+s23+$0x0] =	vst.idx.add.s32.msk vm4, v3  }
0xa9: {  	_ = 	snop  }
0xaa: {  	v13 =	vshra.s32 v8, $0x16;
	vm1 =	vmmov vm1  }
0xab: {  	v8 =	vshrl.u32 v8, $0xB;
	vm4 =	veq.s32 v10, v4;
	vm3 =	veq.s32 v13, v4  }
0xac: {  	vm5 =	veq.s32 v12, v4;
	v8 =	vand.u32 $0x7FF, v8;
	vm4 =	vmmov vm4  }
0xad: {  	v7 =	vshrl.u32 v7, $0xB;
	v10 =	vand.u32 $0x7FF, v11;
	vm5 =	vmmov vm5  }
0xae: {  	[tilespmem:v9+s23+$0x0] =	vst.idx.add.s32.msk vm2, v3;
	v7 =	vand.u32 $0x7FF, v7  }
0xaf: {  	[tilespmem:v5+s23+$0x0] =	vst.idx.add.s32.msk vm0, v3  }
0xb0: {  	[tilespmem:v6+s23+$0x0] =	vst.idx.add.s32.msk vm1, v3  }
0xb1: {  	[tilespmem:v8+s23+$0x0] =	vst.idx.add.s32.msk vm3, v3  }
0xb2: {  	[tilespmem:v10+s23+$0x0] =	vst.idx.add.s32.msk vm4, v3  }
0xb3: {  	[tilespmem:v7+s23+$0x0] =	vst.idx.add.s32.msk vm5, v3  }
0xb4: {  	[tilespmem:s20], [sflag:$0x2] =	stream.linear.gather [hbm4b:s7+s1], $0x4000, $0x38;
	[tilespmem:$0xA000] =	vst v63  }
0xb5: {  	_ =	swait.ge [sflag:s22], $0x4000  }
0xb6: {  	[sflag:s22] =	ssyncset.done $0x0  }
0xb7: {  	s0 =	simm.s32 $0x1820;
	[sflag:s22] =	ssyncadd.s32 $0xFFFFC000  }
0xb8: {  	v5 =	vld [tilespmem:s0+$0x10]  }
0xb9: {  	v6 =	vld [tilespmem:s0+$0xFFFFFFE0]  }
0xba: {  	v8 =	vld [tilespmem:s0+$0xFFFFFFF0]  }
0xbb: {  	v9 =	vld [tilespmem:s0+$0x0]  }
0xbc: {  	s31 =	simm.s32 $0x1860  }
0xbd: {  	v11 =	vld [tilespmem:s31+$0x10];
	v7 =	vshra.s32 v5, $0x16;
	v5 =	vshrl.u32 v5, $0xB  }
0xbe: {  	vm2 =	veq.s32 v7, v4;
	v7 =	vshra.s32 v6, $0x16;
	v10 =	vand.u32 $0x7FF, v5  }
0xbf: {  	v12 =	vld [tilespmem:s31+$0xFFFFFFF0];
	v5 =	vshrl.u32 v6, $0xB;
	v6 =	vshra.s32 v8, $0x16;
	vm3 =	veq.s32 v7, v4  }
0xc0: {  	v7 =	vld [tilespmem:s31+$0x0];
	v13 =	vand.u32 $0x7FF, v5;
	v5 =	vshrl.u32 v8, $0xB;
	v8 =	vshra.s32 v9, $0x16  }
0xc1: {  	vm1 =	veq.s32 v8, v4;
	v8 =	vld [tilespmem:s31+$0xFFFFFFE0]  }
0xc2: {  	v14 =	vshrl.u32 v11, $0xB;
	v9 =	vshrl.u32 v9, $0xB;
	vm0 =	veq.s32 v6, v4  }
0xc3: {  	v5 =	vand.u32 $0x7FF, v5;
	v6 =	vand.u32 $0x7FF, v9;
	v9 =	vshra.s32 v11, $0x16  }
0xc4: {  	vm0 =	vmmov vm0;
	v11 =	vshrl.u32 v12, $0xB;
	[tilespmem:v10+s23+$0x0] =	vst.idx.add.s32.msk vm2, v3;
	v10 =	vshra.s32 v12, $0x16  }
0xc5: {  	s16 =	simm.s32 $0x18A0;
	s0 =	simm.s32 $0x40;
	vm2 =	veq.s32 v9, v4;
	v12 =	vshra.s32 v7, $0x16;
	v9 =	vand.u32 $0x7FF, v14;
	[tilespmem:v13+s23+$0x0] =	vst.idx.add.s32.msk vm3, v3  }
.LBB2_10:
0xc6: {  	v14 =	vshrl.u32 v8, $0xB  }
0xc7: {  	v13 =	vld [tilespmem:s16+$0x10];
	s0 =	sadd.s32 $0x40, s0;
	v8 =	vshra.s32 v8, $0x16;
	v15 =	vshrl.u32 v7, $0xB;
	vm3 =	vmmov vm1  }
0xc8: {  	vm5 =	veq.s32 v10, v4;
	vm1 =	veq.s32 v12, v4;
	v16 =	vld [tilespmem:s16+$0xFFFFFFF0];
	p4 =	slt.u32 s0, $0x3FC0;
	vm4 =	veq.s32 v8, v4  }
0xc9: {  	v10 =	vand.u32 $0x7FF, v11;
	v14 =	vand.u32 $0x7FF, v14;
	v11 =	vand.u32 $0x7FF, v15;
	v7 =	vld [tilespmem:s16+$0x0]  }
.Ltmp6:
0xca: {  	v8 =	vld [tilespmem:s16+$0xFFFFFFE0];
	(pc) =	sbr.rel @p4 .LBB2_10-.Ltmp6, $4  }
0xcb: {  	[tilespmem:v9+s23+$0x0] =	vst.idx.add.s32.msk vm2, v3  }
0xcc: {  	v9 =	vshra.s32 v13, $0x16;
	[tilespmem:v5+s23+$0x0] =	vst.idx.add.s32.msk vm0, v3;
	v5 =	vmov v10;
	vm0 =	vmmov vm5  }
0xcd: {  	v13 =	vshrl.u32 v13, $0xB;
	v10 =	vshra.s32 v16, $0x16;
	vm2 =	veq.s32 v9, v4;
	[tilespmem:v6+s23+$0x0] =	vst.idx.add.s32.msk vm3, v3;
	v6 =	vmovc v11  }
0xce: {  	s16 =	sadd.s32 $0x40, s16;
	v11 =	vshrl.u32 v16, $0xB;
	v9 =	vand.u32 $0x7FF, v13;
	v12 =	vshra.s32 v7, $0x16;
	[tilespmem:v14+s23+$0x0] =	vst.idx.add.s32.msk vm4, v3  }
0xcf: {  	_ = 	snop  }
0xd0: {  	v13 =	vshra.s32 v8, $0x16;
	vm1 =	vmmov vm1  }
0xd1: {  	v8 =	vshrl.u32 v8, $0xB;
	vm4 =	veq.s32 v10, v4;
	vm3 =	veq.s32 v13, v4  }
0xd2: {  	vm5 =	veq.s32 v12, v4;
	v8 =	vand.u32 $0x7FF, v8;
	vm4 =	vmmov vm4  }
0xd3: {  	v7 =	vshrl.u32 v7, $0xB;
	v10 =	vand.u32 $0x7FF, v11;
	vm5 =	vmmov vm5  }
0xd4: {  	[tilespmem:v9+s23+$0x0] =	vst.idx.add.s32.msk vm2, v3;
	v7 =	vand.u32 $0x7FF, v7  }
0xd5: {  	[tilespmem:v5+s23+$0x0] =	vst.idx.add.s32.msk vm0, v3  }
0xd6: {  	[tilespmem:v6+s23+$0x0] =	vst.idx.add.s32.msk vm1, v3  }
0xd7: {  	[tilespmem:v8+s23+$0x0] =	vst.idx.add.s32.msk vm3, v3  }
0xd8: {  	[tilespmem:v10+s23+$0x0] =	vst.idx.add.s32.msk vm4, v3  }
0xd9: {  	[tilespmem:v7+s23+$0x0] =	vst.idx.add.s32.msk vm5, v3  }
0xda: {  	[tilespmem:s19], [sflag:$0x1] =	stream.linear.gather [hbm4b:s8+s1], $0x4000, $0x38;
	[tilespmem:$0xA000] =	vst v63  }
0xdb: {  	_ =	swait.ge [sflag:s24], $0x4000  }
0xdc: {  	[sflag:s24] =	ssyncset.done $0x0  }
0xdd: {  	s0 =	simm.s32 $0x5820;
	[sflag:s24] =	ssyncadd.s32 $0xFFFFC000  }
0xde: {  	v5 =	vld [tilespmem:s0+$0x10]  }
0xdf: {  	v6 =	vld [tilespmem:s0+$0xFFFFFFE0]  }
0xe0: {  	v8 =	vld [tilespmem:s0+$0xFFFFFFF0]  }
0xe1: {  	v9 =	vld [tilespmem:s0+$0x0]  }
0xe2: {  	s31 =	simm.s32 $0x5860  }
0xe3: {  	v11 =	vld [tilespmem:s31+$0x10];
	v7 =	vshra.s32 v5, $0x16;
	v5 =	vshrl.u32 v5, $0xB  }
0xe4: {  	vm2 =	veq.s32 v7, v4;
	v7 =	vshra.s32 v6, $0x16;
	v10 =	vand.u32 $0x7FF, v5  }
0xe5: {  	v12 =	vld [tilespmem:s31+$0xFFFFFFF0];
	v5 =	vshrl.u32 v6, $0xB;
	v6 =	vshra.s32 v8, $0x16;
	vm3 =	veq.s32 v7, v4  }
0xe6: {  	v7 =	vld [tilespmem:s31+$0x0];
	v13 =	vand.u32 $0x7FF, v5;
	v5 =	vshrl.u32 v8, $0xB;
	v8 =	vshra.s32 v9, $0x16  }
0xe7: {  	vm1 =	veq.s32 v8, v4;
	v8 =	vld [tilespmem:s31+$0xFFFFFFE0]  }
0xe8: {  	v14 =	vshrl.u32 v11, $0xB;
	v9 =	vshrl.u32 v9, $0xB;
	vm0 =	veq.s32 v6, v4  }
0xe9: {  	v5 =	vand.u32 $0x7FF, v5;
	v6 =	vand.u32 $0x7FF, v9;
	v9 =	vshra.s32 v11, $0x16  }
0xea: {  	vm0 =	vmmov vm0;
	v11 =	vshrl.u32 v12, $0xB;
	[tilespmem:v10+s23+$0x0] =	vst.idx.add.s32.msk vm2, v3;
	v10 =	vshra.s32 v12, $0x16  }
0xeb: {  	s16 =	simm.s32 $0x58A0;
	s0 =	simm.s32 $0x40;
	vm2 =	veq.s32 v9, v4;
	v12 =	vshra.s32 v7, $0x16;
	v9 =	vand.u32 $0x7FF, v14;
	[tilespmem:v13+s23+$0x0] =	vst.idx.add.s32.msk vm3, v3  }
.LBB2_12:
0xec: {  	v14 =	vshrl.u32 v8, $0xB  }
0xed: {  	v13 =	vld [tilespmem:s16+$0x10];
	s0 =	sadd.s32 $0x40, s0;
	v8 =	vshra.s32 v8, $0x16;
	v15 =	vshrl.u32 v7, $0xB;
	vm3 =	vmmov vm1  }
0xee: {  	vm5 =	veq.s32 v10, v4;
	vm1 =	veq.s32 v12, v4;
	v16 =	vld [tilespmem:s16+$0xFFFFFFF0];
	p4 =	slt.u32 s0, $0x3FC0;
	vm4 =	veq.s32 v8, v4  }
0xef: {  	v10 =	vand.u32 $0x7FF, v11;
	v14 =	vand.u32 $0x7FF, v14;
	v11 =	vand.u32 $0x7FF, v15;
	v7 =	vld [tilespmem:s16+$0x0]  }
.Ltmp7:
0xf0: {  	v8 =	vld [tilespmem:s16+$0xFFFFFFE0];
	(pc) =	sbr.rel @p4 .LBB2_12-.Ltmp7, $4  }
0xf1: {  	[tilespmem:v9+s23+$0x0] =	vst.idx.add.s32.msk vm2, v3  }
0xf2: {  	v9 =	vshra.s32 v13, $0x16;
	[tilespmem:v5+s23+$0x0] =	vst.idx.add.s32.msk vm0, v3;
	v5 =	vmov v10;
	vm0 =	vmmov vm5  }
0xf3: {  	v13 =	vshrl.u32 v13, $0xB;
	v10 =	vshra.s32 v16, $0x16;
	vm2 =	veq.s32 v9, v4;
	[tilespmem:v6+s23+$0x0] =	vst.idx.add.s32.msk vm3, v3;
	v6 =	vmovc v11  }
0xf4: {  	s16 =	sadd.s32 $0x40, s16;
	v11 =	vshrl.u32 v16, $0xB;
	v9 =	vand.u32 $0x7FF, v13;
	v12 =	vshra.s32 v7, $0x16;
	[tilespmem:v14+s23+$0x0] =	vst.idx.add.s32.msk vm4, v3  }
0xf5: {  	_ = 	snop  }
0xf6: {  	v13 =	vshra.s32 v8, $0x16;
	vm1 =	vmmov vm1  }
0xf7: {  	v8 =	vshrl.u32 v8, $0xB;
	vm4 =	veq.s32 v10, v4;
	vm3 =	veq.s32 v13, v4  }
0xf8: {  	vm5 =	veq.s32 v12, v4;
	v8 =	vand.u32 $0x7FF, v8;
	vm4 =	vmmov vm4  }
0xf9: {  	v7 =	vshrl.u32 v7, $0xB;
	v10 =	vand.u32 $0x7FF, v11;
	vm5 =	vmmov vm5  }
0xfa: {  	[tilespmem:v9+s23+$0x0] =	vst.idx.add.s32.msk vm2, v3;
	v7 =	vand.u32 $0x7FF, v7  }
0xfb: {  	[tilespmem:v5+s23+$0x0] =	vst.idx.add.s32.msk vm0, v3  }
0xfc: {  	[tilespmem:v6+s23+$0x0] =	vst.idx.add.s32.msk vm1, v3  }
0xfd: {  	[tilespmem:v8+s23+$0x0] =	vst.idx.add.s32.msk vm3, v3  }
0xfe: {  	[tilespmem:v10+s23+$0x0] =	vst.idx.add.s32.msk vm4, v3  }
0xff: {  	[tilespmem:v7+s23+$0x0] =	vst.idx.add.s32.msk vm5, v3  }
0x100: {  	[tilespmem:s20], [sflag:$0x2] =	stream.linear.gather [hbm4b:s9+s1], $0x4000, $0x38;
	[tilespmem:$0xA000] =	vst v63  }
0x101: {  	_ =	swait.ge [sflag:s22], $0x4000  }
0x102: {  	[sflag:s22] =	ssyncset.done $0x0  }
0x103: {  	s0 =	simm.s32 $0x1820;
	[sflag:s22] =	ssyncadd.s32 $0xFFFFC000  }
0x104: {  	v5 =	vld [tilespmem:s0+$0x10]  }
0x105: {  	v6 =	vld [tilespmem:s0+$0xFFFFFFE0]  }
0x106: {  	v8 =	vld [tilespmem:s0+$0xFFFFFFF0]  }
0x107: {  	v9 =	vld [tilespmem:s0+$0x0]  }
0x108: {  	s31 =	simm.s32 $0x1860  }
0x109: {  	v11 =	vld [tilespmem:s31+$0x10];
	v7 =	vshra.s32 v5, $0x16;
	v5 =	vshrl.u32 v5, $0xB  }
0x10a: {  	vm2 =	veq.s32 v7, v4;
	v7 =	vshra.s32 v6, $0x16;
	v10 =	vand.u32 $0x7FF, v5  }
0x10b: {  	v12 =	vld [tilespmem:s31+$0xFFFFFFF0];
	v5 =	vshrl.u32 v6, $0xB;
	v6 =	vshra.s32 v8, $0x16;
	vm3 =	veq.s32 v7, v4  }
0x10c: {  	v7 =	vld [tilespmem:s31+$0x0];
	v13 =	vand.u32 $0x7FF, v5;
	v5 =	vshrl.u32 v8, $0xB;
	v8 =	vshra.s32 v9, $0x16  }
0x10d: {  	vm1 =	veq.s32 v8, v4;
	v8 =	vld [tilespmem:s31+$0xFFFFFFE0]  }
0x10e: {  	v14 =	vshrl.u32 v11, $0xB;
	v9 =	vshrl.u32 v9, $0xB;
	vm0 =	veq.s32 v6, v4  }
0x10f: {  	v5 =	vand.u32 $0x7FF, v5;
	v6 =	vand.u32 $0x7FF, v9;
	v9 =	vshra.s32 v11, $0x16  }
0x110: {  	vm0 =	vmmov vm0;
	v11 =	vshrl.u32 v12, $0xB;
	[tilespmem:v10+s23+$0x0] =	vst.idx.add.s32.msk vm2, v3;
	v10 =	vshra.s32 v12, $0x16  }
0x111: {  	s16 =	simm.s32 $0x18A0;
	s0 =	simm.s32 $0x40;
	vm2 =	veq.s32 v9, v4;
	v12 =	vshra.s32 v7, $0x16;
	v9 =	vand.u32 $0x7FF, v14;
	[tilespmem:v13+s23+$0x0] =	vst.idx.add.s32.msk vm3, v3  }
.LBB2_14:
0x112: {  	v14 =	vshrl.u32 v8, $0xB  }
0x113: {  	v13 =	vld [tilespmem:s16+$0x10];
	s0 =	sadd.s32 $0x40, s0;
	v8 =	vshra.s32 v8, $0x16;
	v15 =	vshrl.u32 v7, $0xB;
	vm3 =	vmmov vm1  }
0x114: {  	vm5 =	veq.s32 v10, v4;
	vm1 =	veq.s32 v12, v4;
	v16 =	vld [tilespmem:s16+$0xFFFFFFF0];
	p4 =	slt.u32 s0, $0x3FC0;
	vm4 =	veq.s32 v8, v4  }
0x115: {  	v10 =	vand.u32 $0x7FF, v11;
	v14 =	vand.u32 $0x7FF, v14;
	v11 =	vand.u32 $0x7FF, v15;
	v7 =	vld [tilespmem:s16+$0x0]  }
.Ltmp8:
0x116: {  	v8 =	vld [tilespmem:s16+$0xFFFFFFE0];
	(pc) =	sbr.rel @p4 .LBB2_14-.Ltmp8, $4  }
0x117: {  	[tilespmem:v9+s23+$0x0] =	vst.idx.add.s32.msk vm2, v3  }
0x118: {  	v9 =	vshra.s32 v13, $0x16;
	[tilespmem:v5+s23+$0x0] =	vst.idx.add.s32.msk vm0, v3;
	v5 =	vmov v10;
	vm0 =	vmmov vm5  }
0x119: {  	v13 =	vshrl.u32 v13, $0xB;
	v10 =	vshra.s32 v16, $0x16;
	vm2 =	veq.s32 v9, v4;
	[tilespmem:v6+s23+$0x0] =	vst.idx.add.s32.msk vm3, v3;
	v6 =	vmovc v11  }
0x11a: {  	s16 =	sadd.s32 $0x40, s16;
	v11 =	vshrl.u32 v16, $0xB;
	v9 =	vand.u32 $0x7FF, v13;
	v12 =	vshra.s32 v7, $0x16;
	[tilespmem:v14+s23+$0x0] =	vst.idx.add.s32.msk vm4, v3  }
0x11b: {  	_ = 	snop  }
0x11c: {  	v13 =	vshra.s32 v8, $0x16;
	vm1 =	vmmov vm1  }
0x11d: {  	v8 =	vshrl.u32 v8, $0xB;
	vm4 =	veq.s32 v10, v4;
	vm3 =	veq.s32 v13, v4  }
0x11e: {  	vm5 =	veq.s32 v12, v4;
	v8 =	vand.u32 $0x7FF, v8;
	vm4 =	vmmov vm4  }
0x11f: {  	v7 =	vshrl.u32 v7, $0xB;
	v10 =	vand.u32 $0x7FF, v11;
	vm5 =	vmmov vm5  }
0x120: {  	[tilespmem:v9+s23+$0x0] =	vst.idx.add.s32.msk vm2, v3;
	v7 =	vand.u32 $0x7FF, v7  }
0x121: {  	[tilespmem:v5+s23+$0x0] =	vst.idx.add.s32.msk vm0, v3  }
0x122: {  	[tilespmem:v6+s23+$0x0] =	vst.idx.add.s32.msk vm1, v3  }
0x123: {  	[tilespmem:v8+s23+$0x0] =	vst.idx.add.s32.msk vm3, v3  }
0x124: {  	[tilespmem:v10+s23+$0x0] =	vst.idx.add.s32.msk vm4, v3  }
0x125: {  	[tilespmem:v7+s23+$0x0] =	vst.idx.add.s32.msk vm5, v3  }
0x126: {  	[tilespmem:s19], [sflag:$0x1] =	stream.linear.gather [hbm4b:s10+s1], $0x4000, $0x38;
	[tilespmem:$0xA000] =	vst v63  }
0x127: {  	_ =	swait.ge [sflag:s24], $0x4000  }
0x128: {  	[sflag:s24] =	ssyncset.done $0x0  }
0x129: {  	s0 =	simm.s32 $0x5820;
	[sflag:s24] =	ssyncadd.s32 $0xFFFFC000  }
0x12a: {  	v5 =	vld [tilespmem:s0+$0x10]  }
0x12b: {  	v6 =	vld [tilespmem:s0+$0xFFFFFFE0]  }
0x12c: {  	v8 =	vld [tilespmem:s0+$0xFFFFFFF0]  }
0x12d: {  	v9 =	vld [tilespmem:s0+$0x0]  }
0x12e: {  	s31 =	simm.s32 $0x5860  }
0x12f: {  	v11 =	vld [tilespmem:s31+$0x10];
	v7 =	vshra.s32 v5, $0x16;
	v5 =	vshrl.u32 v5, $0xB  }
0x130: {  	vm2 =	veq.s32 v7, v4;
	v7 =	vshra.s32 v6, $0x16;
	v10 =	vand.u32 $0x7FF, v5  }
0x131: {  	v12 =	vld [tilespmem:s31+$0xFFFFFFF0];
	v5 =	vshrl.u32 v6, $0xB;
	v6 =	vshra.s32 v8, $0x16;
	vm3 =	veq.s32 v7, v4  }
0x132: {  	v7 =	vld [tilespmem:s31+$0x0];
	v13 =	vand.u32 $0x7FF, v5;
	v5 =	vshrl.u32 v8, $0xB;
	v8 =	vshra.s32 v9, $0x16  }
0x133: {  	vm1 =	veq.s32 v8, v4;
	v8 =	vld [tilespmem:s31+$0xFFFFFFE0]  }
0x134: {  	v14 =	vshrl.u32 v11, $0xB;
	v9 =	vshrl.u32 v9, $0xB;
	vm0 =	veq.s32 v6, v4  }
0x135: {  	v5 =	vand.u32 $0x7FF, v5;
	v6 =	vand.u32 $0x7FF, v9;
	v9 =	vshra.s32 v11, $0x16  }
0x136: {  	vm0 =	vmmov vm0;
	v11 =	vshrl.u32 v12, $0xB;
	[tilespmem:v10+s23+$0x0] =	vst.idx.add.s32.msk vm2, v3;
	v10 =	vshra.s32 v12, $0x16  }
0x137: {  	s16 =	simm.s32 $0x58A0;
	s0 =	simm.s32 $0x40;
	vm2 =	veq.s32 v9, v4;
	v12 =	vshra.s32 v7, $0x16;
	v9 =	vand.u32 $0x7FF, v14;
	[tilespmem:v13+s23+$0x0] =	vst.idx.add.s32.msk vm3, v3  }
.LBB2_16:
0x138: {  	v14 =	vshrl.u32 v8, $0xB  }
0x139: {  	v13 =	vld [tilespmem:s16+$0x10];
	s0 =	sadd.s32 $0x40, s0;
	v8 =	vshra.s32 v8, $0x16;
	v15 =	vshrl.u32 v7, $0xB;
	vm3 =	vmmov vm1  }
0x13a: {  	vm5 =	veq.s32 v10, v4;
	vm1 =	veq.s32 v12, v4;
	v16 =	vld [tilespmem:s16+$0xFFFFFFF0];
	p4 =	slt.u32 s0, $0x3FC0;
	vm4 =	veq.s32 v8, v4  }
0x13b: {  	v10 =	vand.u32 $0x7FF, v11;
	v14 =	vand.u32 $0x7FF, v14;
	v11 =	vand.u32 $0x7FF, v15;
	v7 =	vld [tilespmem:s16+$0x0]  }
.Ltmp9:
0x13c: {  	v8 =	vld [tilespmem:s16+$0xFFFFFFE0];
	(pc) =	sbr.rel @p4 .LBB2_16-.Ltmp9, $4  }
0x13d: {  	[tilespmem:v9+s23+$0x0] =	vst.idx.add.s32.msk vm2, v3  }
0x13e: {  	v9 =	vshra.s32 v13, $0x16;
	[tilespmem:v5+s23+$0x0] =	vst.idx.add.s32.msk vm0, v3;
	v5 =	vmov v10;
	vm0 =	vmmov vm5  }
0x13f: {  	v13 =	vshrl.u32 v13, $0xB;
	v10 =	vshra.s32 v16, $0x16;
	vm2 =	veq.s32 v9, v4;
	[tilespmem:v6+s23+$0x0] =	vst.idx.add.s32.msk vm3, v3;
	v6 =	vmovc v11  }
0x140: {  	s16 =	sadd.s32 $0x40, s16;
	v11 =	vshrl.u32 v16, $0xB;
	v9 =	vand.u32 $0x7FF, v13;
	v12 =	vshra.s32 v7, $0x16;
	[tilespmem:v14+s23+$0x0] =	vst.idx.add.s32.msk vm4, v3  }
0x141: {  	_ = 	snop  }
0x142: {  	v13 =	vshra.s32 v8, $0x16;
	vm1 =	vmmov vm1  }
0x143: {  	v8 =	vshrl.u32 v8, $0xB;
	vm4 =	veq.s32 v10, v4;
	vm3 =	veq.s32 v13, v4  }
0x144: {  	vm5 =	veq.s32 v12, v4;
	v8 =	vand.u32 $0x7FF, v8;
	vm4 =	vmmov vm4  }
0x145: {  	v7 =	vshrl.u32 v7, $0xB;
	v10 =	vand.u32 $0x7FF, v11;
	vm5 =	vmmov vm5  }
0x146: {  	[tilespmem:v9+s23+$0x0] =	vst.idx.add.s32.msk vm2, v3;
	v7 =	vand.u32 $0x7FF, v7  }
0x147: {  	[tilespmem:v5+s23+$0x0] =	vst.idx.add.s32.msk vm0, v3  }
0x148: {  	[tilespmem:v6+s23+$0x0] =	vst.idx.add.s32.msk vm1, v3  }
0x149: {  	[tilespmem:v8+s23+$0x0] =	vst.idx.add.s32.msk vm3, v3  }
0x14a: {  	[tilespmem:v10+s23+$0x0] =	vst.idx.add.s32.msk vm4, v3  }
0x14b: {  	[tilespmem:v7+s23+$0x0] =	vst.idx.add.s32.msk vm5, v3  }
0x14c: {  	[tilespmem:s20], [sflag:$0x2] =	stream.linear.gather [hbm4b:s11+s1], $0x4000, $0x38;
	[tilespmem:$0xA000] =	vst v63  }
0x14d: {  	_ =	swait.ge [sflag:s22], $0x4000  }
0x14e: {  	[sflag:s22] =	ssyncset.done $0x0  }
0x14f: {  	s0 =	simm.s32 $0x1820;
	[sflag:s22] =	ssyncadd.s32 $0xFFFFC000  }
0x150: {  	v5 =	vld [tilespmem:s0+$0x10]  }
0x151: {  	v6 =	vld [tilespmem:s0+$0xFFFFFFE0]  }
0x152: {  	v8 =	vld [tilespmem:s0+$0xFFFFFFF0]  }
0x153: {  	v9 =	vld [tilespmem:s0+$0x0]  }
0x154: {  	s31 =	simm.s32 $0x1860  }
0x155: {  	v11 =	vld [tilespmem:s31+$0x10];
	v7 =	vshra.s32 v5, $0x16;
	v5 =	vshrl.u32 v5, $0xB  }
0x156: {  	vm2 =	veq.s32 v7, v4;
	v7 =	vshra.s32 v6, $0x16;
	v10 =	vand.u32 $0x7FF, v5  }
0x157: {  	v12 =	vld [tilespmem:s31+$0xFFFFFFF0];
	v5 =	vshrl.u32 v6, $0xB;
	v6 =	vshra.s32 v8, $0x16;
	vm3 =	veq.s32 v7, v4  }
0x158: {  	v7 =	vld [tilespmem:s31+$0x0];
	v13 =	vand.u32 $0x7FF, v5;
	v5 =	vshrl.u32 v8, $0xB;
	v8 =	vshra.s32 v9, $0x16  }
0x159: {  	vm1 =	veq.s32 v8, v4;
	v8 =	vld [tilespmem:s31+$0xFFFFFFE0]  }
0x15a: {  	v14 =	vshrl.u32 v11, $0xB;
	v9 =	vshrl.u32 v9, $0xB;
	vm0 =	veq.s32 v6, v4  }
0x15b: {  	v5 =	vand.u32 $0x7FF, v5;
	v6 =	vand.u32 $0x7FF, v9;
	v9 =	vshra.s32 v11, $0x16  }
0x15c: {  	vm0 =	vmmov vm0;
	v11 =	vshrl.u32 v12, $0xB;
	[tilespmem:v10+s23+$0x0] =	vst.idx.add.s32.msk vm2, v3;
	v10 =	vshra.s32 v12, $0x16  }
0x15d: {  	s16 =	simm.s32 $0x18A0;
	s0 =	simm.s32 $0x40;
	vm2 =	veq.s32 v9, v4;
	v12 =	vshra.s32 v7, $0x16;
	v9 =	vand.u32 $0x7FF, v14;
	[tilespmem:v13+s23+$0x0] =	vst.idx.add.s32.msk vm3, v3  }
.LBB2_18:
0x15e: {  	v14 =	vshrl.u32 v8, $0xB  }
0x15f: {  	v13 =	vld [tilespmem:s16+$0x10];
	s0 =	sadd.s32 $0x40, s0;
	v8 =	vshra.s32 v8, $0x16;
	v15 =	vshrl.u32 v7, $0xB;
	vm3 =	vmmov vm1  }
0x160: {  	vm5 =	veq.s32 v10, v4;
	vm1 =	veq.s32 v12, v4;
	v16 =	vld [tilespmem:s16+$0xFFFFFFF0];
	p4 =	slt.u32 s0, $0x3FC0;
	vm4 =	veq.s32 v8, v4  }
0x161: {  	v10 =	vand.u32 $0x7FF, v11;
	v14 =	vand.u32 $0x7FF, v14;
	v11 =	vand.u32 $0x7FF, v15;
	v7 =	vld [tilespmem:s16+$0x0]  }
.Ltmp10:
0x162: {  	v8 =	vld [tilespmem:s16+$0xFFFFFFE0];
	(pc) =	sbr.rel @p4 .LBB2_18-.Ltmp10, $4  }
0x163: {  	[tilespmem:v9+s23+$0x0] =	vst.idx.add.s32.msk vm2, v3  }
0x164: {  	v9 =	vshra.s32 v13, $0x16;
	[tilespmem:v5+s23+$0x0] =	vst.idx.add.s32.msk vm0, v3;
	v5 =	vmov v10;
	vm0 =	vmmov vm5  }
0x165: {  	v13 =	vshrl.u32 v13, $0xB;
	v10 =	vshra.s32 v16, $0x16;
	vm2 =	veq.s32 v9, v4;
	[tilespmem:v6+s23+$0x0] =	vst.idx.add.s32.msk vm3, v3;
	v6 =	vmovc v11  }
0x166: {  	s16 =	sadd.s32 $0x40, s16;
	v11 =	vshrl.u32 v16, $0xB;
	v9 =	vand.u32 $0x7FF, v13;
	v12 =	vshra.s32 v7, $0x16;
	[tilespmem:v14+s23+$0x0] =	vst.idx.add.s32.msk vm4, v3  }
0x167: {  	_ = 	snop  }
0x168: {  	v13 =	vshra.s32 v8, $0x16;
	vm1 =	vmmov vm1  }
0x169: {  	v8 =	vshrl.u32 v8, $0xB;
	vm4 =	veq.s32 v10, v4;
	vm3 =	veq.s32 v13, v4  }
0x16a: {  	vm5 =	veq.s32 v12, v4;
	v8 =	vand.u32 $0x7FF, v8;
	vm4 =	vmmov vm4  }
0x16b: {  	v7 =	vshrl.u32 v7, $0xB;
	v10 =	vand.u32 $0x7FF, v11;
	vm5 =	vmmov vm5  }
0x16c: {  	[tilespmem:v9+s23+$0x0] =	vst.idx.add.s32.msk vm2, v3;
	v7 =	vand.u32 $0x7FF, v7  }
0x16d: {  	[tilespmem:v5+s23+$0x0] =	vst.idx.add.s32.msk vm0, v3  }
0x16e: {  	[tilespmem:v6+s23+$0x0] =	vst.idx.add.s32.msk vm1, v3  }
0x16f: {  	[tilespmem:v8+s23+$0x0] =	vst.idx.add.s32.msk vm3, v3  }
0x170: {  	[tilespmem:v10+s23+$0x0] =	vst.idx.add.s32.msk vm4, v3  }
0x171: {  	[tilespmem:v7+s23+$0x0] =	vst.idx.add.s32.msk vm5, v3  }
0x172: {  	_ =	swait.ge [sflag:s24], $0x4000  }
0x173: {  	[sflag:s24] =	ssyncset.done $0x0  }
0x174: {  	s0 =	simm.s32 $0x5820;
	[sflag:s24] =	ssyncadd.s32 $0xFFFFC000  }
0x175: {  	v5 =	vld [tilespmem:s0+$0x10]  }
0x176: {  	v6 =	vld [tilespmem:s0+$0xFFFFFFE0]  }
0x177: {  	v8 =	vld [tilespmem:s0+$0xFFFFFFF0]  }
0x178: {  	v9 =	vld [tilespmem:s0+$0x0]  }
0x179: {  	s31 =	simm.s32 $0x5860  }
0x17a: {  	v11 =	vld [tilespmem:s31+$0x10];
	v7 =	vshra.s32 v5, $0x16;
	v5 =	vshrl.u32 v5, $0xB  }
0x17b: {  	vm2 =	veq.s32 v7, v4;
	v7 =	vshra.s32 v6, $0x16;
	v10 =	vand.u32 $0x7FF, v5  }
0x17c: {  	v12 =	vld [tilespmem:s31+$0xFFFFFFF0];
	v5 =	vshrl.u32 v6, $0xB;
	v6 =	vshra.s32 v8, $0x16;
	vm3 =	veq.s32 v7, v4  }
0x17d: {  	v7 =	vld [tilespmem:s31+$0x0];
	v13 =	vand.u32 $0x7FF, v5;
	v5 =	vshrl.u32 v8, $0xB;
	v8 =	vshra.s32 v9, $0x16  }
0x17e: {  	vm1 =	veq.s32 v8, v4;
	v8 =	vld [tilespmem:s31+$0xFFFFFFE0]  }
0x17f: {  	v14 =	vshrl.u32 v11, $0xB;
	v9 =	vshrl.u32 v9, $0xB;
	vm0 =	veq.s32 v6, v4  }
0x180: {  	v5 =	vand.u32 $0x7FF, v5;
	v6 =	vand.u32 $0x7FF, v9;
	v9 =	vshra.s32 v11, $0x16  }
0x181: {  	vm0 =	vmmov vm0;
	v11 =	vshrl.u32 v12, $0xB;
	[tilespmem:v10+s23+$0x0] =	vst.idx.add.s32.msk vm2, v3;
	v10 =	vshra.s32 v12, $0x16  }
0x182: {  	s16 =	simm.s32 $0x58A0;
	s0 =	simm.s32 $0x40;
	vm2 =	veq.s32 v9, v4;
	v12 =	vshra.s32 v7, $0x16;
	v9 =	vand.u32 $0x7FF, v14;
	[tilespmem:v13+s23+$0x0] =	vst.idx.add.s32.msk vm3, v3  }
.LBB2_20:
0x183: {  	v14 =	vshrl.u32 v8, $0xB  }
0x184: {  	v13 =	vld [tilespmem:s16+$0x10];
	s0 =	sadd.s32 $0x40, s0;
	v8 =	vshra.s32 v8, $0x16;
	v15 =	vshrl.u32 v7, $0xB;
	vm3 =	vmmov vm1  }
0x185: {  	vm5 =	veq.s32 v10, v4;
	vm1 =	veq.s32 v12, v4;
	v16 =	vld [tilespmem:s16+$0xFFFFFFF0];
	p4 =	slt.u32 s0, $0x3FC0;
	vm4 =	veq.s32 v8, v4  }
0x186: {  	v10 =	vand.u32 $0x7FF, v11;
	v14 =	vand.u32 $0x7FF, v14;
	v11 =	vand.u32 $0x7FF, v15;
	v7 =	vld [tilespmem:s16+$0x0]  }
.Ltmp11:
0x187: {  	v8 =	vld [tilespmem:s16+$0xFFFFFFE0];
	(pc) =	sbr.rel @p4 .LBB2_20-.Ltmp11, $4  }
0x188: {  	[tilespmem:v9+s23+$0x0] =	vst.idx.add.s32.msk vm2, v3  }
0x189: {  	v9 =	vshra.s32 v13, $0x16;
	[tilespmem:v5+s23+$0x0] =	vst.idx.add.s32.msk vm0, v3;
	v5 =	vmov v10;
	vm0 =	vmmov vm5  }
0x18a: {  	v13 =	vshrl.u32 v13, $0xB;
	v10 =	vshra.s32 v16, $0x16;
	vm2 =	veq.s32 v9, v4;
	[tilespmem:v6+s23+$0x0] =	vst.idx.add.s32.msk vm3, v3;
	v6 =	vmovc v11  }
0x18b: {  	s16 =	sadd.s32 $0x40, s16;
	v11 =	vshrl.u32 v16, $0xB;
	v9 =	vand.u32 $0x7FF, v13;
	v12 =	vshra.s32 v7, $0x16;
	[tilespmem:v14+s23+$0x0] =	vst.idx.add.s32.msk vm4, v3  }
0x18c: {  	_ = 	snop  }
0x18d: {  	v13 =	vshra.s32 v8, $0x16;
	vm1 =	vmmov vm1  }
0x18e: {  	v62 =	vshrl.u32 v8, $0xB;
	vm4 =	veq.s32 v10, v4;
	vm3 =	veq.s32 v13, v4  }
0x18f: {  	vm5 =	veq.s32 v12, v4;
	v4 =	vand.u32 $0x7FF, v62;
	vm4 =	vmmov vm4  }
0x190: {  	v7 =	vshrl.u32 v7, $0xB;
	v63 =	vand.u32 $0x7FF, v11;
	vm5 =	vmmov vm5  }
0x191: {  	[tilespmem:v9+s23+$0x0] =	vst.idx.add.s32.msk vm2, v3;
	v7 =	vand.u32 $0x7FF, v7  }
0x192: {  	[tilespmem:v5+s23+$0x0] =	vst.idx.add.s32.msk vm0, v3  }
0x193: {  	[tilespmem:v6+s23+$0x0] =	vst.idx.add.s32.msk vm1, v3  }
0x194: {  	[tilespmem:v4+s23+$0x0] =	vst.idx.add.s32.msk vm3, v3  }
0x195: {  	[tilespmem:v63+s23+$0x0] =	vst.idx.add.s32.msk vm4, v3  }
0x196: {  	[tilespmem:v7+s23+$0x0] =	vst.idx.add.s32.msk vm5, v3  }
0x197: {  	[spmem:s12] =	stream.strided.scatter [tilespmem:s23], [sflag:$0x3], $0x800, s26, s25, $0x38;
	[tilespmem:$0xA000] =	vst v63  }
.Ltmp12:
0x198: {  	_ =	swait.ge [sflag:s21], $0x800;
	(pc) =	sbr.rel @!p0 .LBB2_22-.Ltmp12, $3  }
0x199: {  	[sflag:s21] =	ssyncset.done $0x0  }
0x19a: {  	[sflag:s21] =	ssyncadd.s32 $0xFFFFF800  }
0x19b: {  	[bflag:$0x0] =	sbarrier.arrive $0xFFFF;
	_ =	sdelay $0x1  }
0x19c: {  	s0 =	simm.s32 $0x1000  }
0x19d: {  	[tilespmem:s0], [sflag:$0x3] =	stream.strided.gather [spmem:s13], $0x800, s26, s25, $0x38;
	[tilespmem:$0xA000] =	vst v63  }
0x19e: {  	_ =	swait.ge [sflag:s21], $0x800  }
0x19f: {  	[sflag:s21] =	ssyncset.done $0x0  }
0x1a0: {  	s0 =	simm.s32 $0x820;
	[sflag:s21] =	ssyncadd.s32 $0xFFFFF800  }
0x1a1: {  	s16 =	simm.s32 $0x1020;
	v9 =	vld [tilespmem:s0+$0x10]  }
0x1a2: {  	v10 =	vld [tilespmem:s16+$0x10]  }
0x1a3: {  	v6 =	vld [tilespmem:s16+$0xFFFFFFE0]  }
0x1a4: {  	v4 =	vld [tilespmem:s0+$0xFFFFFFF0]  }
0x1a5: {  	v7 =	vld [tilespmem:s16+$0xFFFFFFF0]  }
0x1a6: {  	v5 =	vld [tilespmem:s0+$0x0]  }
0x1a7: {  	v8 =	vld [tilespmem:s16+$0x0];
	v10 =	vadd.s32 v9, v10  }
0x1a8: {  	s17 =	simm.s32 $0x0;
	s29 =	simm.s32 $0x860;
	v9 =	vld [tilespmem:s0+$0xFFFFFFE0];
	[tilespmem:s0+$0x10] =	vst v10  }
.LBB2_26:
0x1a9: {  	v10 =	vld [tilespmem:s29+$0x10];
	s16 =	sadd.s32 $0x40, s16  }
0x1aa: {  	s17 =	sadd.s32 $0x40, s17;
	v11 =	vld [tilespmem:s16+$0x10];
	v4 =	vadd.s32 v4, v7  }
0x1ab: {  	p4 =	slt.u32 s17, $0x7C0;
	v12 =	vld [tilespmem:s16+$0xFFFFFFE0];
	[tilespmem:s0+$0xFFFFFFF0] =	vst v4  }
.Ltmp13:
0x1ac: {  	v4 =	vld [tilespmem:s29+$0xFFFFFFF0];
	v5 =	vadd.s32 v5, v8;
	(pc) =	sbr.rel @p4 .LBB2_26-.Ltmp13, $4  }
0x1ad: {  	v7 =	vld [tilespmem:s16+$0xFFFFFFF0];
	v6 =	vadd.s32 v9, v6;
	[tilespmem:s0+$0x0] =	vst v5  }
0x1ae: {  	v5 =	vld [tilespmem:s29+$0x0];
	[tilespmem:s0+$0xFFFFFFE0] =	vst v6;
	s0 =	smov.u32 s29  }
0x1af: {  	v8 =	vld [tilespmem:s16+$0x0];
	v10 =	vadd.s32 v10, v11  }
0x1b0: {  	s29 =	sadd.s32 $0x40, s29;
	v9 =	vld [tilespmem:s0+$0xFFFFFFE0];
	[tilespmem:s0+$0x10] =	vst v10;
	v6 =	vmov v12  }
0x1b1: {  	_ =	sdelay $0x1  }
0x1b2: {  	v4 =	vadd.s32 v4, v7  }
0x1b3: {  	[tilespmem:s0+$0xFFFFFFF0] =	vst v4;
	v4 =	vadd.s32 v5, v8  }
0x1b4: {  	v5 =	vadd.s32 v9, v6;
	[tilespmem:s0+$0x0] =	vst v4  }
0x1b5: {  	[tilespmem:s0+$0xFFFFFFE0] =	vst v5  }
0x1b6: {  	[spmem:s12] =	stream.strided.scatter [tilespmem:s23], [sflag:$0x3], $0x800, s26, s25, $0x38;
	[tilespmem:$0xA000] =	vst v63  }
.Ltmp14:
0x1b7: {  	_ =	swait.ge [sflag:s21], $0x800;
	(pc) =	sbr.rel @p1 .LBB2_23-.Ltmp14, $3  }
0x1b8: {  	[sflag:s21] =	ssyncset.done $0x0  }
0x1b9: {  	[sflag:s21] =	ssyncadd.s32 $0xFFFFF800  }
0x1ba: {  	[bflag:$0x0] =	sbarrier.arrive $0xFFFF;
	_ =	sdelay $0x1  }
0x1bb: {  	s0 =	rddreg [dreg:$0x4];
	s2 =	simm.s32 $0x1000  }
0x1bc: {  	[tilespmem:s2], [sflag:$0x3] =	stream.strided.gather [spmem:s0], $0x800, s26, s25, $0x38;
	[tilespmem:$0xA000] =	vst v63  }
0x1bd: {  	_ =	swait.ge [sflag:s21], $0x800  }
0x1be: {  	[sflag:s21] =	ssyncset.done $0x0  }
0x1bf: {  	s0 =	simm.s32 $0x820;
	[sflag:s21] =	ssyncadd.s32 $0xFFFFF800  }
0x1c0: {  	s16 =	simm.s32 $0x1020;
	v9 =	vld [tilespmem:s0+$0x10]  }
0x1c1: {  	v10 =	vld [tilespmem:s16+$0x10]  }
0x1c2: {  	v6 =	vld [tilespmem:s16+$0xFFFFFFE0]  }
0x1c3: {  	v4 =	vld [tilespmem:s0+$0xFFFFFFF0]  }
0x1c4: {  	v7 =	vld [tilespmem:s16+$0xFFFFFFF0]  }
0x1c5: {  	v5 =	vld [tilespmem:s0+$0x0]  }
0x1c6: {  	v8 =	vld [tilespmem:s16+$0x0];
	v10 =	vadd.s32 v9, v10  }
0x1c7: {  	s17 =	simm.s32 $0x0;
	s29 =	simm.s32 $0x860;
	v9 =	vld [tilespmem:s0+$0xFFFFFFE0];
	[tilespmem:s0+$0x10] =	vst v10  }
.LBB2_29:
0x1c8: {  	v10 =	vld [tilespmem:s29+$0x10];
	s16 =	sadd.s32 $0x40, s16  }
0x1c9: {  	s17 =	sadd.s32 $0x40, s17;
	v11 =	vld [tilespmem:s16+$0x10];
	v4 =	vadd.s32 v4, v7  }
0x1ca: {  	p4 =	slt.u32 s17, $0x7C0;
	v12 =	vld [tilespmem:s16+$0xFFFFFFE0];
	[tilespmem:s0+$0xFFFFFFF0] =	vst v4  }
.Ltmp15:
0x1cb: {  	v4 =	vld [tilespmem:s29+$0xFFFFFFF0];
	v5 =	vadd.s32 v5, v8;
	(pc) =	sbr.rel @p4 .LBB2_29-.Ltmp15, $4  }
0x1cc: {  	v7 =	vld [tilespmem:s16+$0xFFFFFFF0];
	v6 =	vadd.s32 v9, v6;
	[tilespmem:s0+$0x0] =	vst v5  }
0x1cd: {  	v5 =	vld [tilespmem:s29+$0x0];
	[tilespmem:s0+$0xFFFFFFE0] =	vst v6;
	s0 =	smov.u32 s29  }
0x1ce: {  	v8 =	vld [tilespmem:s16+$0x0];
	v10 =	vadd.s32 v10, v11  }
0x1cf: {  	s29 =	sadd.s32 $0x40, s29;
	v9 =	vld [tilespmem:s0+$0xFFFFFFE0];
	[tilespmem:s0+$0x10] =	vst v10;
	v6 =	vmov v12  }
0x1d0: {  	_ =	sdelay $0x1  }
0x1d1: {  	v4 =	vadd.s32 v4, v7  }
0x1d2: {  	[tilespmem:s0+$0xFFFFFFF0] =	vst v4;
	v4 =	vadd.s32 v5, v8  }
0x1d3: {  	v5 =	vadd.s32 v9, v6;
	[tilespmem:s0+$0x0] =	vst v4  }
0x1d4: {  	[tilespmem:s0+$0xFFFFFFE0] =	vst v5  }
0x1d5: {  	[spmem:s12] =	stream.strided.scatter [tilespmem:s23], [sflag:$0x3], $0x800, s26, s25, $0x38;
	[tilespmem:$0xA000] =	vst v63  }
.Ltmp16:
0x1d6: {  	_ =	swait.ge [sflag:s21], $0x800;
	(pc) =	sbr.rel @p2 .LBB2_24-.Ltmp16, $3  }
0x1d7: {  	[sflag:s21] =	ssyncset.done $0x0  }
0x1d8: {  	[sflag:s21] =	ssyncadd.s32 $0xFFFFF800  }
0x1d9: {  	[bflag:$0x0] =	sbarrier.arrive $0xFFFF;
	_ =	sdelay $0x1  }
0x1da: {  	s0 =	rddreg [dreg:$0x5];
	s2 =	simm.s32 $0x1000  }
0x1db: {  	[tilespmem:s2], [sflag:$0x3] =	stream.strided.gather [spmem:s0], $0x800, s26, s25, $0x38;
	[tilespmem:$0xA000] =	vst v63  }
0x1dc: {  	_ =	swait.ge [sflag:s21], $0x800  }
0x1dd: {  	[sflag:s21] =	ssyncset.done $0x0  }
0x1de: {  	s0 =	simm.s32 $0x820;
	[sflag:s21] =	ssyncadd.s32 $0xFFFFF800  }
0x1df: {  	s16 =	simm.s32 $0x1020;
	v9 =	vld [tilespmem:s0+$0x10]  }
0x1e0: {  	v10 =	vld [tilespmem:s16+$0x10]  }
0x1e1: {  	v6 =	vld [tilespmem:s16+$0xFFFFFFE0]  }
0x1e2: {  	v4 =	vld [tilespmem:s0+$0xFFFFFFF0]  }
0x1e3: {  	v7 =	vld [tilespmem:s16+$0xFFFFFFF0]  }
0x1e4: {  	v5 =	vld [tilespmem:s0+$0x0]  }
0x1e5: {  	v8 =	vld [tilespmem:s16+$0x0];
	v10 =	vadd.s32 v9, v10  }
0x1e6: {  	s17 =	simm.s32 $0x0;
	s29 =	simm.s32 $0x860;
	v9 =	vld [tilespmem:s0+$0xFFFFFFE0];
	[tilespmem:s0+$0x10] =	vst v10  }
.LBB2_32:
0x1e7: {  	v10 =	vld [tilespmem:s29+$0x10];
	s16 =	sadd.s32 $0x40, s16  }
0x1e8: {  	s17 =	sadd.s32 $0x40, s17;
	v11 =	vld [tilespmem:s16+$0x10];
	v4 =	vadd.s32 v4, v7  }
0x1e9: {  	p4 =	slt.u32 s17, $0x7C0;
	v12 =	vld [tilespmem:s16+$0xFFFFFFE0];
	[tilespmem:s0+$0xFFFFFFF0] =	vst v4  }
.Ltmp17:
0x1ea: {  	v4 =	vld [tilespmem:s29+$0xFFFFFFF0];
	v5 =	vadd.s32 v5, v8;
	(pc) =	sbr.rel @p4 .LBB2_32-.Ltmp17, $4  }
0x1eb: {  	v7 =	vld [tilespmem:s16+$0xFFFFFFF0];
	v6 =	vadd.s32 v9, v6;
	[tilespmem:s0+$0x0] =	vst v5  }
0x1ec: {  	v5 =	vld [tilespmem:s29+$0x0];
	[tilespmem:s0+$0xFFFFFFE0] =	vst v6;
	s0 =	smov.u32 s29  }
0x1ed: {  	v8 =	vld [tilespmem:s16+$0x0];
	v10 =	vadd.s32 v10, v11  }
0x1ee: {  	s29 =	sadd.s32 $0x40, s29;
	v9 =	vld [tilespmem:s0+$0xFFFFFFE0];
	[tilespmem:s0+$0x10] =	vst v10;
	v6 =	vmov v12  }
0x1ef: {  	_ =	sdelay $0x1  }
0x1f0: {  	v4 =	vadd.s32 v4, v7  }
0x1f1: {  	[tilespmem:s0+$0xFFFFFFF0] =	vst v4;
	v4 =	vadd.s32 v5, v8  }
0x1f2: {  	v5 =	vadd.s32 v9, v6;
	[tilespmem:s0+$0x0] =	vst v4  }
0x1f3: {  	[tilespmem:s0+$0xFFFFFFE0] =	vst v5  }
0x1f4: {  	[spmem:s12] =	stream.strided.scatter [tilespmem:s23], [sflag:$0x3], $0x800, s26, s25, $0x38;
	[tilespmem:$0xA000] =	vst v63  }
.Ltmp18:
0x1f5: {  	_ =	swait.ge [sflag:s21], $0x800;
	(pc) =	sbr.rel @p3 .LBB2_35-.Ltmp18, $3  }
0x1f6: {  	[sflag:s21] =	ssyncset.done $0x0  }
0x1f7: {  	[sflag:s21] =	ssyncadd.s32 $0xFFFFF800  }
0x1f8: {  	[bflag:$0x0] =	sbarrier.arrive $0xFFFF;
	_ =	sdelay $0x1  }
.Ltmp19:
0x1f9: {  	(pc) =	sbr.rel .LBB2_38-.Ltmp19, $2  }
0x1fa: {  	_ =	sdelay $0x1  }
0x1fb: {  	[bflag:$0x0] =	sbarrier.arrive $0xFFFF;
	_ =	sdelay $0x1  }
.LBB2_35:
0x1fc: {  	s0 =	rddreg [dreg:$0x6];
	s2 =	simm.s32 $0x1000  }
0x1fd: {  	[tilespmem:s2], [sflag:$0x3] =	stream.strided.gather [spmem:s0], $0x800, s26, s25, $0x38;
	[tilespmem:$0xA000] =	vst v63  }
0x1fe: {  	_ =	swait.ge [sflag:s21], $0x800  }
0x1ff: {  	[sflag:s21] =	ssyncset.done $0x0  }
0x200: {  	s0 =	simm.s32 $0x820;
	[sflag:s21] =	ssyncadd.s32 $0xFFFFF800  }
0x201: {  	s16 =	simm.s32 $0x1020;
	v9 =	vld [tilespmem:s0+$0x10]  }
0x202: {  	v10 =	vld [tilespmem:s16+$0x10]  }
0x203: {  	v6 =	vld [tilespmem:s16+$0xFFFFFFE0]  }
0x204: {  	v4 =	vld [tilespmem:s0+$0xFFFFFFF0]  }
0x205: {  	v7 =	vld [tilespmem:s16+$0xFFFFFFF0]  }
0x206: {  	v5 =	vld [tilespmem:s0+$0x0]  }
0x207: {  	v8 =	vld [tilespmem:s16+$0x0];
	v10 =	vadd.s32 v9, v10  }
0x208: {  	s17 =	simm.s32 $0x0;
	s29 =	simm.s32 $0x860;
	v9 =	vld [tilespmem:s0+$0xFFFFFFE0];
	[tilespmem:s0+$0x10] =	vst v10  }
.LBB2_36:
0x209: {  	v10 =	vld [tilespmem:s29+$0x10];
	s16 =	sadd.s32 $0x40, s16  }
0x20a: {  	s17 =	sadd.s32 $0x40, s17;
	v11 =	vld [tilespmem:s16+$0x10];
	v4 =	vadd.s32 v4, v7  }
0x20b: {  	p4 =	slt.u32 s17, $0x7C0;
	v12 =	vld [tilespmem:s16+$0xFFFFFFE0];
	[tilespmem:s0+$0xFFFFFFF0] =	vst v4  }
.Ltmp20:
0x20c: {  	v4 =	vld [tilespmem:s29+$0xFFFFFFF0];
	v5 =	vadd.s32 v5, v8;
	(pc) =	sbr.rel @p4 .LBB2_36-.Ltmp20, $4  }
0x20d: {  	v7 =	vld [tilespmem:s16+$0xFFFFFFF0];
	v6 =	vadd.s32 v9, v6;
	[tilespmem:s0+$0x0] =	vst v5  }
0x20e: {  	v5 =	vld [tilespmem:s29+$0x0];
	[tilespmem:s0+$0xFFFFFFE0] =	vst v6;
	s0 =	smov.u32 s29  }
0x20f: {  	v8 =	vld [tilespmem:s16+$0x0];
	v10 =	vadd.s32 v10, v11  }
0x210: {  	s29 =	sadd.s32 $0x40, s29;
	v9 =	vld [tilespmem:s0+$0xFFFFFFE0];
	[tilespmem:s0+$0x10] =	vst v10;
	v6 =	vmov v12  }
0x211: {  	_ =	sdelay $0x1  }
0x212: {  	v4 =	vadd.s32 v4, v7  }
0x213: {  	[tilespmem:s0+$0xFFFFFFF0] =	vst v4;
	v4 =	vadd.s32 v5, v8  }
0x214: {  	v5 =	vadd.s32 v9, v6;
	[tilespmem:s0+$0x0] =	vst v4  }
0x215: {  	[tilespmem:s0+$0xFFFFFFE0] =	vst v5  }
0x216: {  	[spmem:s12] =	stream.strided.scatter [tilespmem:s23], [sflag:$0x3], $0x800, s26, s25, $0x38;
	[tilespmem:$0xA000] =	vst v63  }
0x217: {  	_ =	swait.ge [sflag:s21], $0x800  }
0x218: {  	[sflag:s21] =	ssyncset.done $0x0  }
0x219: {  	[sflag:s21] =	ssyncadd.s32 $0xFFFFF800  }
0x21a: {  	[bflag:$0x0] =	sbarrier.arrive $0xFFFF  }
.Ltmp21:
0x21b: {  	s2 =	simm.s32 $0x100;
	s31 =	rddreg [dreg:$0x7];
	(pc) =	sbr.rel .LBB2_38-.Ltmp21, $4  }
0x21c: {  	[hbm4b:s31+s25] =	stream.strided.scatter [tilespmem:s23], [sflag:$0x3], $0x800, s2, s25, $0x38;
	[tilespmem:$0xA000] =	vst v63  }
0x21d: {  	_ =	swait.ge [sflag:s21], $0x800  }
0x21e: {  	[sflag:s21] =	ssyncset.done $0x0  }
0x21f: {  	[sflag:s21] =	ssyncadd.s32 $0xFFFFF800  }
.LBB2_39:
0x220: {  	_ =	sfence.sel $0x180000  }
0x221: {  	[bflag:$0x0] =	sbarrier.arrive $0xFFFF  }
0x222: {  	_ =	strace $0x9000004A  }
0x223: {  	s0 =	stileid.u32;
	[bflag:$0x2] =	sbarrier.arrive $0xFFFF  }
0x224: {  	p0 =	sne.s32 s0, $0x0;
	s0 =	rddreg [dreg:$0x3]  }
0x225: {  	s0 =	sadd.s32 @!p0 $0x100000, s0  }
0x226: {  	[sflag:s0] =	ssyncadd.tile.s32 @!p0 $0x1;
	_ =	shalt  }
.Lfunc_end2:
_tile_overlayer_lowered:
.L_overlay_start_2:
0x227: {  	(tag) =	ssettag $0x2  }
0x228: {  	s0 =	rddreg [dreg:$0x0];
	s2 =	stileid.u32  }
0x229: {  	s1 =	rddreg [dreg:$0x1];
	p0 =	sne.s32 s2, $0x0  }
0x22a: {  	s3 =	rddreg [dreg:$0x2];
	[bflag:$0x3] =	sbarrier.arrive $0xFFFF;
	s2 =	simm.s32 @!p0 $0x1C03  }
0x22b: {  	[timem:s3], [sflag:s2] =	dma.local @!p0 [hbm:s0], s1  }
0x22c: {  	s0 =	simm.s32 @!p0 $0x3  }
0x22d: {  	_ =	swait.ge @!p0 [sflag:s0], s1  }
0x22e: {  	s1 =	ssub.s32 @!p0 $0x0, s1;
	[sflag:s0] =	ssyncset.done @!p0 $0x0  }
0x22f: {  	[sflag:s0] =	ssyncadd.s32 @!p0 s1  }
0x230: {  	[bflag:$0x3] =	sbarrier.arrive $0xFFFF  }
0x231: {  	_ =	shalt  }

</sc_bundles>
